<compile_context>
chip_gen: v7x
topology: tpu7x:2x2x1
jax: 0.10.2.dev20260603
libtpu: 0.0.44.dev20260713+nightly
codegen_flags: <defaults>
</compile_context>

<pallas_src>
import functools
import jax
import jax.numpy as jnp
from jax import lax
from jax.experimental import pallas as pl
from jax.experimental.pallas import tpu as pltpu
from jax.experimental.pallas import tpu_sc as plsc

NC = 2
NS = 16
NW = NC * NS
B = 4096
F = 26
D = 16
PB = B // NW
PF = PB * F
CH = 128
NCH = PF // CH
GRP = PB // 16

_mesh = plsc.VectorSubcoreMesh(core_axis_name="c", subcore_axis_name="s")


@functools.partial(
    pl.kernel,
    out_type=jax.ShapeDtypeStruct((B,), jnp.float32),
    mesh=_mesh,
    scratch_types=[
        pltpu.VMEM((PB, F), jnp.int32),
        pltpu.VMEM((PF,), jnp.int32),
        pltpu.VMEM((PF, D), jnp.float32),
        pltpu.VMEM((PF,), jnp.float32),
        pltpu.VMEM((PB,), jnp.float32),
        pltpu.SemaphoreType.DMA,
        pltpu.SemaphoreType.DMA,
    ],
    compiler_params=pltpu.CompilerParams(
        use_tc_tiling_on_sc=False, needs_layout_passes=False),
)
def _fm_kernel(feat_hbm, emb_hbm, coeff_hbm, out_hbm,
               idx_v, fidx_v, rows_v, cof_v, out_v, sem_e, sem_c):
    wid = lax.axis_index("s") * NC + lax.axis_index("c")

    pltpu.sync_copy(feat_hbm.at[pl.ds(wid * PB, PB), :], idx_v)

    @pl.loop(0, PF // 16)
    def _flat(k):
        p = k * 16 + lax.iota(jnp.int32, 16)
        row = p // F
        col = p - row * F
        fidx_v[pl.ds(k * 16, 16)] = plsc.load_gather(idx_v, [row, col])

    @pl.loop(0, NCH)
    def _fire(j):
        pltpu.async_copy(emb_hbm.at[fidx_v.at[pl.ds(j * CH, CH)]],
                         rows_v.at[pl.ds(j * CH, CH)], sem_e)
        pltpu.async_copy(coeff_hbm.at[fidx_v.at[pl.ds(j * CH, CH)]],
                         cof_v.at[pl.ds(j * CH, CH)], sem_c)

    pltpu.make_async_copy(emb_hbm.at[pl.ds(0, PF)], rows_v, sem_e).wait()
    pltpu.make_async_copy(coeff_hbm.at[pl.ds(0, PF)], cof_v, sem_c).wait()

    @pl.loop(0, GRP)
    def _grp(g):
        lane = lax.iota(jnp.int32, 16)
        mask_b = (lane >= 6).astype(jnp.float32)
        out_acc = jnp.zeros((16,), jnp.float32)
        for s in range(16):
            base = (g * 16 + s) * F
            v = rows_v[base]
            acc = v
            acc2 = v * v
            for f in range(1, F):
                v = rows_v[base + f]
                acc = acc + v
                acc2 = acc2 + v * v
            c_a = cof_v[pl.ds(base, 16)]
            c_b = cof_v[pl.ds(base + 10, 16)]
            t = 0.5 * (acc * acc - acc2) + c_a + c_b * mask_b
            tot = jnp.sum(t)
            out_acc = jnp.where(lane == s, tot, out_acc)
        out_v[pl.ds(g * 16, 16)] = out_acc

    pltpu.sync_copy(out_v, out_hbm.at[pl.ds(wid * PB, PB)])


@jax.jit
def kernel(features, feature_embedding, feature_coeff, bias):
    out = _fm_kernel(features.astype(jnp.int32), feature_embedding,
                     feature_coeff.reshape(-1))
    return out + bias

# --- scband reference (transcript-rebuilt; emitter-appended) ---
"""Pipeline reference for scband-factorization-machine-15272903705280 (READ-ONLY COPY).

The authoritative reference and input builder live on the scoring server;
editing this copy changes nothing except your own understanding.
"""

import jax, jax.numpy as jnp
import numpy as np

N_FEATURES = 1000000
EMBED_DIM = 16
BATCH = 4096
N_FIELDS = 26

def setup_inputs(seed: int = 0) -> dict:
    key = jax.random.key(seed)
    k1, k2, k3 = jax.random.split(key, 3)
    features = jax.random.randint(k1, (BATCH, N_FIELDS), 0, N_FEATURES, dtype=jnp.int64 if jax.config.read('jax_enable_x64') else jnp.int32)
    feature_embedding = jax.random.normal(k2, (N_FEATURES, EMBED_DIM), dtype=jnp.float32) * 0.01
    feature_coeff = jax.random.normal(k3, (N_FEATURES, 1), dtype=jnp.float32) * 0.01
    bias = jnp.zeros((1,), dtype=jnp.float32)
    return {"features": features, "feature_embedding": feature_embedding, "feature_coeff": feature_coeff, "bias": bias}

def reference(features, feature_embedding, feature_coeff, bias):
    # embedding lookup: (B, F, D)
    embedding = jnp.take(feature_embedding, features, axis=0)
    # coeff lookup: (B, F, 1)
    coeff = jnp.take(feature_coeff, features, axis=0)
    square_sum_embedding = embedding.sum(axis=1) ** 2            # (B, D)
    sum_square_embedding = (embedding ** 2).sum(axis=1)          # (B, D)
    interaction_part = 0.5 * (square_sum_embedding - sum_square_embedding).sum(axis=1)  # (B,)
    linear_part = coeff.sum(axis=1).reshape(-1)                  # (B,)
    output = interaction_part + linear_part + bias               # (B,)
    return output

if __name__ == "__main__":
    import jax
    _d = setup_inputs()
    print(jax.jit(kernel)(*tuple(_d.values())))

</pallas_src>

<mosaic_0001>
#map = affine_map<(d0, d1) -> (0, 0)>
#map1 = affine_map<(d0, d1) -> (0)>
module attributes {stable_mosaic.version = 14 : i64} {
  func.func @_fm_kernel(%arg0: i32, %arg1: i32, %arg2: memref<4096x26xi32, #tpu.memory_space<hbm>>, %arg3: memref<1000000x16xf32, #tpu.memory_space<hbm>>, %arg4: memref<1000000xf32, #tpu.memory_space<hbm>>, %arg5: memref<4096xf32, #tpu.memory_space<hbm>>, %arg6: memref<128x26xi32, #tpu.memory_space<vmem>>, %arg7: memref<3328xi32, #tpu.memory_space<vmem>>, %arg8: memref<3328x16xf32, #tpu.memory_space<vmem>>, %arg9: memref<3328xf32, #tpu.memory_space<vmem>>, %arg10: memref<128xf32, #tpu.memory_space<vmem>>, %arg11: memref<!tpu.dma_semaphore, #tpu.memory_space<semaphore_mem>>, %arg12: memref<!tpu.dma_semaphore, #tpu.memory_space<semaphore_mem>>) attributes {dimension_semantics = [#tpu.dimension_semantics<core_parallel>, #tpu.dimension_semantics<subcore_parallel>], iteration_bounds = array<i64: 2, 16>, scalar_prefetch = 0 : i64, scratch_operands = 7 : i64, tpu.core_type = #tpu.core_type<sc_vector_subcore>, window_params = [{transform_indices = #map}, {transform_indices = #map}, {transform_indices = #map1}, {transform_indices = #map1}]} {
    %mul3A = arith.constant 2 : i32
    %mul3A_0 = arith.muli %arg1, %mul3A : i32
    %add3A = arith.addi %mul3A_0, %arg0 : i32
    %mul3A_1 = arith.constant 128 : i32
    %mul3A_2 = arith.muli %add3A, %mul3A_1 : i32
    "tpu.region"() ({
      %run_scoped3A = tpu.sem_alloc : memref<!tpu.dma_semaphore, #tpu.memory_space<semaphore_mem>>
      %dma_start3A = arith.constant 0 : i32
      %dma_start3A_28 = tpu.memref_slice %arg2[%mul3A_2, %dma_start3A] : memref<4096x26xi32, #tpu.memory_space<hbm>> -> memref<128x26xi32, #tpu.memory_space<hbm>>
      %dma_start3A_29 = arith.constant 0 : i32
      %dma_start3A_30 = tpu.memref_slice %arg2[%mul3A_2, %dma_start3A_29] : memref<4096x26xi32, #tpu.memory_space<hbm>> -> memref<128x26xi32, #tpu.memory_space<hbm>>
      tpu.enqueue_dma source(%dma_start3A_30 : memref<128x26xi32, #tpu.memory_space<hbm>>) target(%arg6 : memref<128x26xi32, #tpu.memory_space<vmem>>) target_semaphore(%run_scoped3A : memref<!tpu.dma_semaphore, #tpu.memory_space<semaphore_mem>>)
      %dma_wait3A_31 = arith.constant 0 : i32
      %dma_wait3A_32 = tpu.memref_slice %arg2[%mul3A_2, %dma_wait3A_31] : memref<4096x26xi32, #tpu.memory_space<hbm>> -> memref<128x26xi32, #tpu.memory_space<hbm>>
      %dma_wait3A_33 = arith.constant 0 : i32
      %dma_wait3A_34 = tpu.memref_slice %arg2[%mul3A_2, %dma_wait3A_33] : memref<4096x26xi32, #tpu.memory_space<hbm>> -> memref<128x26xi32, #tpu.memory_space<hbm>>
      tpu.wait_dma2 semaphore(%run_scoped3A : memref<!tpu.dma_semaphore, #tpu.memory_space<semaphore_mem>>) src(%dma_wait3A_34 : memref<128x26xi32, #tpu.memory_space<hbm>>) dst(%arg6 : memref<128x26xi32, #tpu.memory_space<vmem>>)
      tpu.yield
    }) : () -> ()
    %scan3A = arith.constant 0 : i32
    %scan3A_3 = arith.constant 208 : i32
    %scan3A_4 = arith.addi %scan3A, %scan3A_3 : i32
    %scan3A_5 = arith.constant 1 : i32
    scf.for %scan3A_28 = %scan3A to %scan3A_4 step %scan3A_5  : i32 {
      %mul3A_29 = arith.constant 1 : i32
      %mul3A_30 = arith.muli %scan3A_28, %mul3A_29 : i32
      %add3A_31 = arith.constant 0 : i32
      %add3A_32 = arith.addi %add3A_31, %mul3A_30 : i32
      %mul3A_33 = arith.constant 16 : i32
      %mul3A_34 = arith.muli %add3A_32, %mul3A_33 : i32
      %iota3A = tpu.iota {dimensions = array<i32: 0>} : vector<16xi32>
      %add3A_35 = vector.broadcast %mul3A_34 : i32 to vector<16xi32>
      %add3A_36 = arith.addi %add3A_35, %iota3A : vector<16xi32>
      %jit3A = arith.constant 26 : i32
      %div3A = vector.broadcast %jit3A : i32 to vector<16xi32>
      %div3A_37 = arith.divsi %add3A_36, %div3A : vector<16xi32>
      %sign3A = arith.constant 0 : i32
      %sign3A_38 = vector.broadcast %sign3A : i32 to vector<16xi32>
      %sign3A_39 = arith.cmpi sgt, %add3A_36, %sign3A_38 : vector<16xi32>
      %sign3A_40 = arith.extui %sign3A_39 : vector<16xi1> to vector<16xi32>
      %sign3A_41 = arith.constant 0 : i32
      %sign3A_42 = vector.broadcast %sign3A_41 : i32 to vector<16xi32>
      %sign3A_43 = arith.cmpi slt, %add3A_36, %sign3A_42 : vector<16xi32>
      %sign3A_44 = arith.extui %sign3A_43 : vector<16xi1> to vector<16xi32>
      %sign3A_45 = arith.subi %sign3A_40, %sign3A_44 : vector<16xi32>
      %sign3A_46 = arith.constant 0 : i32
      %sign3A_47 = arith.cmpi sgt, %jit3A, %sign3A_46 : i32
      %sign3A_48 = arith.extui %sign3A_47 : i1 to i32
      %sign3A_49 = arith.constant 0 : i32
      %sign3A_50 = arith.cmpi slt, %jit3A, %sign3A_49 : i32
      %sign3A_51 = arith.extui %sign3A_50 : i1 to i32
      %sign3A_52 = arith.subi %sign3A_48, %sign3A_51 : i32
      %ne3A = vector.broadcast %sign3A_52 : i32 to vector<16xi32>
      %ne3A_53 = arith.cmpi ne, %sign3A_45, %ne3A : vector<16xi32>
      %rem3A = vector.broadcast %jit3A : i32 to vector<16xi32>
      %rem3A_54 = arith.remsi %add3A_36, %rem3A : vector<16xi32>
      %ne3A_55 = arith.constant 0 : i32
      %ne3A_56 = vector.broadcast %ne3A_55 : i32 to vector<16xi32>
      %ne3A_57 = arith.cmpi ne, %rem3A_54, %ne3A_56 : vector<16xi32>
      %and3A = arith.andi %ne3A_53, %ne3A_57 : vector<16xi1>
      %sub3A = arith.constant 1 : i32
      %sub3A_58 = vector.broadcast %sub3A : i32 to vector<16xi32>
      %sub3A_59 = arith.subi %div3A_37, %sub3A_58 : vector<16xi32>
      %select_n3A = arith.select %and3A, %sub3A_59, %div3A_37 : vector<16xi1>, vector<16xi32>
      %mul3A_60 = arith.constant 26 : i32
      %mul3A_61 = vector.broadcast %mul3A_60 : i32 to vector<16xi32>
      %mul3A_62 = arith.muli %select_n3A, %mul3A_61 : vector<16xi32>
      %sub3A_63 = arith.subi %add3A_36, %mul3A_62 : vector<16xi32>
      %gather3A = tpu.vector_load_idx %arg6[%select_n3A, %sub3A_63] : memref<128x26xi32, #tpu.memory_space<vmem>>[vector<16xi32>, vector<16xi32>], vector<16xi32>,
      %mul3A_64 = arith.constant 16 : i32
      %mul3A_65 = arith.muli %add3A_32, %mul3A_64 : i32
      %swap3A = arith.index_cast %mul3A_65 : i32 to index
      %swap3A_66 = tpu.vector_load %arg7[%swap3A] {strides = array<i32>} : memref<3328xi32, #tpu.memory_space<vmem>>, vector<16xi32>,
      tpu.vector_store %arg7[%swap3A], %gather3A {strides = array<i32>} : memref<3328xi32, #tpu.memory_space<vmem>>, vector<16xi32>,
    }
    %scan3A_6 = arith.constant 208 : i32
    %scan3A_7 = arith.constant 0 : i32
    %scan3A_8 = arith.constant 26 : i32
    %scan3A_9 = arith.addi %scan3A_7, %scan3A_8 : i32
    %scan3A_10 = arith.constant 1 : i32
    scf.for %scan3A_28 = %scan3A_7 to %scan3A_9 step %scan3A_10  : i32 {
      %mul3A_29 = arith.constant 1 : i32
      %mul3A_30 = arith.muli %scan3A_28, %mul3A_29 : i32
      %add3A_31 = arith.constant 0 : i32
      %add3A_32 = arith.addi %add3A_31, %mul3A_30 : i32
      %mul3A_33 = arith.constant 128 : i32
      %mul3A_34 = arith.muli %add3A_32, %mul3A_33 : i32
      %mul3A_35 = arith.constant 128 : i32
      %mul3A_36 = arith.muli %add3A_32, %mul3A_35 : i32
      %dma_start3A = arith.constant 0 : i32
      %dma_start3A_37 = tpu.memref_slice %arg8[%mul3A_36, %dma_start3A] : memref<3328x16xf32, #tpu.memory_space<vmem>> -> memref<128x16xf32, #tpu.memory_space<vmem>>
      %dma_start3A_38 = tpu.memref_slice %arg7[%mul3A_34] : memref<3328xi32, #tpu.memory_space<vmem>> -> memref<128xi32, #tpu.memory_space<vmem>>
      %dma_start3A_39 = arith.constant 0 : i32
      %dma_start3A_40 = arith.constant 0 : i32
      %dma_start3A_41 = tpu.memref_slice %arg3[%dma_start3A_39, %dma_start3A_40] : memref<1000000x16xf32, #tpu.memory_space<hbm>> -> memref<1000000x16xf32, #tpu.memory_space<hbm>>
      tpu.enqueue_indirect_dma source(%dma_start3A_41 : memref<1000000x16xf32, #tpu.memory_space<hbm>>) target(%dma_start3A_37 : memref<128x16xf32, #tpu.memory_space<vmem>>) offsets(%dma_start3A_38 : memref<128xi32, #tpu.memory_space<vmem>>) semaphore(%arg11 : memref<!tpu.dma_semaphore, #tpu.memory_space<semaphore_mem>>)
      %mul3A_42 = arith.constant 128 : i32
      %mul3A_43 = arith.muli %add3A_32, %mul3A_42 : i32
      %mul3A_44 = arith.constant 128 : i32
      %mul3A_45 = arith.muli %add3A_32, %mul3A_44 : i32
      %dma_start3A_46 = tpu.memref_slice %arg9[%mul3A_45] : memref<3328xf32, #tpu.memory_space<vmem>> -> memref<128xf32, #tpu.memory_space<vmem>>
      %dma_start3A_47 = tpu.memref_slice %arg7[%mul3A_43] : memref<3328xi32, #tpu.memory_space<vmem>> -> memref<128xi32, #tpu.memory_space<vmem>>
      %dma_start3A_48 = arith.constant 0 : i32
      %dma_start3A_49 = tpu.memref_slice %arg4[%dma_start3A_48] : memref<1000000xf32, #tpu.memory_space<hbm>> -> memref<1000000xf32, #tpu.memory_space<hbm>>
      tpu.enqueue_indirect_dma source(%dma_start3A_49 : memref<1000000xf32, #tpu.memory_space<hbm>>) target(%dma_start3A_46 : memref<128xf32, #tpu.memory_space<vmem>>) offsets(%dma_start3A_47 : memref<128xi32, #tpu.memory_space<vmem>>) semaphore(%arg12 : memref<!tpu.dma_semaphore, #tpu.memory_space<semaphore_mem>>)
    }
    %scan3A_11 = arith.constant 26 : i32
    %dma_wait3A = arith.constant 0 : i32
    %dma_wait3A_12 = arith.constant 0 : i32
    %dma_wait3A_13 = tpu.memref_slice %arg3[%dma_wait3A, %dma_wait3A_12] : memref<1000000x16xf32, #tpu.memory_space<hbm>> -> memref<3328x16xf32, #tpu.memory_space<hbm>>
    %dma_wait3A_14 = arith.constant 0 : i32
    %dma_wait3A_15 = arith.constant 0 : i32
    %dma_wait3A_16 = tpu.memref_slice %arg3[%dma_wait3A_14, %dma_wait3A_15] : memref<1000000x16xf32, #tpu.memory_space<hbm>> -> memref<3328x16xf32, #tpu.memory_space<hbm>>
    tpu.wait_dma2 semaphore(%arg11 : memref<!tpu.dma_semaphore, #tpu.memory_space<semaphore_mem>>) src(%dma_wait3A_16 : memref<3328x16xf32, #tpu.memory_space<hbm>>) dst(%arg8 : memref<3328x16xf32, #tpu.memory_space<vmem>>)
    %dma_wait3A_17 = arith.constant 0 : i32
    %dma_wait3A_18 = tpu.memref_slice %arg4[%dma_wait3A_17] : memref<1000000xf32, #tpu.memory_space<hbm>> -> memref<3328xf32, #tpu.memory_space<hbm>>
    %dma_wait3A_19 = arith.constant 0 : i32
    %dma_wait3A_20 = tpu.memref_slice %arg4[%dma_wait3A_19] : memref<1000000xf32, #tpu.memory_space<hbm>> -> memref<3328xf32, #tpu.memory_space<hbm>>
    tpu.wait_dma2 semaphore(%arg12 : memref<!tpu.dma_semaphore, #tpu.memory_space<semaphore_mem>>) src(%dma_wait3A_20 : memref<3328xf32, #tpu.memory_space<hbm>>) dst(%arg9 : memref<3328xf32, #tpu.memory_space<vmem>>)
    %scan3A_21 = arith.constant 0 : i32
    %scan3A_22 = arith.constant 8 : i32
    %scan3A_23 = arith.addi %scan3A_21, %scan3A_22 : i32
    %scan3A_24 = arith.constant 1 : i32
    scf.for %scan3A_28 = %scan3A_21 to %scan3A_23 step %scan3A_24  : i32 {
      %mul3A_29 = arith.constant 1 : i32
      %mul3A_30 = arith.muli %scan3A_28, %mul3A_29 : i32
      %add3A_31 = arith.constant 0 : i32
      %add3A_32 = arith.addi %add3A_31, %mul3A_30 : i32
      %iota3A = tpu.iota {dimensions = array<i32: 0>} : vector<16xi32>
      %ge3A = arith.constant 6 : i32
      %ge3A_33 = vector.broadcast %ge3A : i32 to vector<16xi32>
      %ge3A_34 = arith.cmpi sge, %iota3A, %ge3A_33 : vector<16xi32>
      %convert_element_type3A = arith.extui %ge3A_34 : vector<16xi1> to vector<16xi32>
      %convert_element_type3A_35 = arith.sitofp %convert_element_type3A : vector<16xi32> to vector<16xf32>
      %broadcast_in_dim3A = arith.constant 0.000000e+00 : f32
      %broadcast_in_dim3A_36 = vector.broadcast %broadcast_in_dim3A : f32 to vector<16xf32>
      %mul3A_37 = arith.constant 16 : i32
      %mul3A_38 = arith.muli %add3A_32, %mul3A_37 : i32
      %add3A_39 = arith.constant 0 : i32
      %add3A_40 = arith.addi %mul3A_38, %add3A_39 : i32
      %mul3A_41 = arith.constant 26 : i32
      %mul3A_42 = arith.muli %add3A_40, %mul3A_41 : i32
      %get3A = arith.index_cast %mul3A_42 : i32 to index
      %get3A_43 = arith.constant 0 : index
      %get3A_44 = tpu.vector_load %arg8[%get3A, %get3A_43] {strides = array<i32>} : memref<3328x16xf32, #tpu.memory_space<vmem>>, vector<16xf32>,
      %mul3A_45 = arith.mulf %get3A_44, %get3A_44 : vector<16xf32>
      %add3A_46 = arith.constant 1 : i32
      %add3A_47 = arith.addi %mul3A_42, %add3A_46 : i32
      %get3A_48 = arith.index_cast %add3A_47 : i32 to index
      %get3A_49 = arith.constant 0 : index
      %get3A_50 = tpu.vector_load %arg8[%get3A_48, %get3A_49] {strides = array<i32>} : memref<3328x16xf32, #tpu.memory_space<vmem>>, vector<16xf32>,
      %add3A_51 = arith.addf %get3A_44, %get3A_50 : vector<16xf32>
      %mul3A_52 = arith.mulf %get3A_50, %get3A_50 : vector<16xf32>
      %add3A_53 = arith.addf %mul3A_45, %mul3A_52 : vector<16xf32>
      %add3A_54 = arith.constant 2 : i32
      %add3A_55 = arith.addi %mul3A_42, %add3A_54 : i32
      %get3A_56 = arith.index_cast %add3A_55 : i32 to index
      %get3A_57 = arith.constant 0 : index
      %get3A_58 = tpu.vector_load %arg8[%get3A_56, %get3A_57] {strides = array<i32>} : memref<3328x16xf32, #tpu.memory_space<vmem>>, vector<16xf32>,
      %add3A_59 = arith.addf %add3A_51, %get3A_58 : vector<16xf32>
      %mul3A_60 = arith.mulf %get3A_58, %get3A_58 : vector<16xf32>
      %add3A_61 = arith.addf %add3A_53, %mul3A_60 : vector<16xf32>
      %add3A_62 = arith.constant 3 : i32
      %add3A_63 = arith.addi %mul3A_42, %add3A_62 : i32
      %get3A_64 = arith.index_cast %add3A_63 : i32 to index
      %get3A_65 = arith.constant 0 : index
      %get3A_66 = tpu.vector_load %arg8[%get3A_64, %get3A_65] {strides = array<i32>} : memref<3328x16xf32, #tpu.memory_space<vmem>>, vector<16xf32>,
      %add3A_67 = arith.addf %add3A_59, %get3A_66 : vector<16xf32>
      %mul3A_68 = arith.mulf %get3A_66, %get3A_66 : vector<16xf32>
      %add3A_69 = arith.addf %add3A_61, %mul3A_68 : vector<16xf32>
      %add3A_70 = arith.constant 4 : i32
      %add3A_71 = arith.addi %mul3A_42, %add3A_70 : i32
      %get3A_72 = arith.index_cast %add3A_71 : i32 to index
      %get3A_73 = arith.constant 0 : index
      %get3A_74 = tpu.vector_load %arg8[%get3A_72, %get3A_73] {strides = array<i32>} : memref<3328x16xf32, #tpu.memory_space<vmem>>, vector<16xf32>,
      %add3A_75 = arith.addf %add3A_67, %get3A_74 : vector<16xf32>
      %mul3A_76 = arith.mulf %get3A_74, %get3A_74 : vector<16xf32>
      %add3A_77 = arith.addf %add3A_69, %mul3A_76 : vector<16xf32>
      %add3A_78 = arith.constant 5 : i32
      %add3A_79 = arith.addi %mul3A_42, %add3A_78 : i32
      %get3A_80 = arith.index_cast %add3A_79 : i32 to index
      %get3A_81 = arith.constant 0 : index
      %get3A_82 = tpu.vector_load %arg8[%get3A_80, %get3A_81] {strides = array<i32>} : memref<3328x16xf32, #tpu.memory_space<vmem>>, vector<16xf32>,
      %add3A_83 = arith.addf %add3A_75, %get3A_82 : vector<16xf32>
      %mul3A_84 = arith.mulf %get3A_82, %get3A_82 : vector<16xf32>
      %add3A_85 = arith.addf %add3A_77, %mul3A_84 : vector<16xf32>
      %add3A_86 = arith.constant 6 : i32
      %add3A_87 = arith.addi %mul3A_42, %add3A_86 : i32
      %get3A_88 = arith.index_cast %add3A_87 : i32 to index
      %get3A_89 = arith.constant 0 : index
      %get3A_90 = tpu.vector_load %arg8[%get3A_88, %get3A_89] {strides = array<i32>} : memref<3328x16xf32, #tpu.memory_space<vmem>>, vector<16xf32>,
      %add3A_91 = arith.addf %add3A_83, %get3A_90 : vector<16xf32>
      %mul3A_92 = arith.mulf %get3A_90, %get3A_90 : vector<16xf32>
      %add3A_93 = arith.addf %add3A_85, %mul3A_92 : vector<16xf32>
      %add3A_94 = arith.constant 7 : i32
      %add3A_95 = arith.addi %mul3A_42, %add3A_94 : i32
      %get3A_96 = arith.index_cast %add3A_95 : i32 to index
      %get3A_97 = arith.constant 0 : index
      %get3A_98 = tpu.vector_load %arg8[%get3A_96, %get3A_97] {strides = array<i32>} : memref<3328x16xf32, #tpu.memory_space<vmem>>, vector<16xf32>,
      %add3A_99 = arith.addf %add3A_91, %get3A_98 : vector<16xf32>
      %mul3A_100 = arith.mulf %get3A_98, %get3A_98 : vector<16xf32>
      %add3A_101 = arith.addf %add3A_93, %mul3A_100 : vector<16xf32>
      %add3A_102 = arith.constant 8 : i32
      %add3A_103 = arith.addi %mul3A_42, %add3A_102 : i32
      %get3A_104 = arith.index_cast %add3A_103 : i32 to index
      %get3A_105 = arith.constant 0 : index
      %get3A_106 = tpu.vector_load %arg8[%get3A_104, %get3A_105] {strides = array<i32>} : memref<3328x16xf32, #tpu.memory_space<vmem>>, vector<16xf32>,
      %add3A_107 = arith.addf %add3A_99, %get3A_106 : vector<16xf32>
      %mul3A_108 = arith.mulf %get3A_106, %get3A_106 : vector<16xf32>
      %add3A_109 = arith.addf %add3A_101, %mul3A_108 : vector<16xf32>
      %add3A_110 = arith.constant 9 : i32
      %add3A_111 = arith.addi %mul3A_42, %add3A_110 : i32
      %get3A_112 = arith.index_cast %add3A_111 : i32 to index
      %get3A_113 = arith.constant 0 : index
      %get3A_114 = tpu.vector_load %arg8[%get3A_112, %get3A_113] {strides = array<i32>} : memref<3328x16xf32, #tpu.memory_space<vmem>>, vector<16xf32>,
      %add3A_115 = arith.addf %add3A_107, %get3A_114 : vector<16xf32>
      %mul3A_116 = arith.mulf %get3A_114, %get3A_114 : vector<16xf32>
      %add3A_117 = arith.addf %add3A_109, %mul3A_116 : vector<16xf32>
      %add3A_118 = arith.constant 10 : i32
      %add3A_119 = arith.addi %mul3A_42, %add3A_118 : i32
      %get3A_120 = arith.index_cast %add3A_119 : i32 to index
      %get3A_121 = arith.constant 0 : index
      %get3A_122 = tpu.vector_load %arg8[%get3A_120, %get3A_121] {strides = array<i32>} : memref<3328x16xf32, #tpu.memory_space<vmem>>, vector<16xf32>,
      %add3A_123 = arith.addf %add3A_115, %get3A_122 : vector<16xf32>
      %mul3A_124 = arith.mulf %get3A_122, %get3A_122 : vector<16xf32>
      %add3A_125 = arith.addf %add3A_117, %mul3A_124 : vector<16xf32>
      %add3A_126 = arith.constant 11 : i32
      %add3A_127 = arith.addi %mul3A_42, %add3A_126 : i32
      %get3A_128 = arith.index_cast %add3A_127 : i32 to index
      %get3A_129 = arith.constant 0 : index
      %get3A_130 = tpu.vector_load %arg8[%get3A_128, %get3A_129] {strides = array<i32>} : memref<3328x16xf32, #tpu.memory_space<vmem>>, vector<16xf32>,
      %add3A_131 = arith.addf %add3A_123, %get3A_130 : vector<16xf32>
      %mul3A_132 = arith.mulf %get3A_130, %get3A_130 : vector<16xf32>
      %add3A_133 = arith.addf %add3A_125, %mul3A_132 : vector<16xf32>
      %add3A_134 = arith.constant 12 : i32
      %add3A_135 = arith.addi %mul3A_42, %add3A_134 : i32
      %get3A_136 = arith.index_cast %add3A_135 : i32 to index
      %get3A_137 = arith.constant 0 : index
      %get3A_138 = tpu.vector_load %arg8[%get3A_136, %get3A_137] {strides = array<i32>} : memref<3328x16xf32, #tpu.memory_space<vmem>>, vector<16xf32>,
      %add3A_139 = arith.addf %add3A_131, %get3A_138 : vector<16xf32>
      %mul3A_140 = arith.mulf %get3A_138, %get3A_138 : vector<16xf32>
      %add3A_141 = arith.addf %add3A_133, %mul3A_140 : vector<16xf32>
      %add3A_142 = arith.constant 13 : i32
      %add3A_143 = arith.addi %mul3A_42, %add3A_142 : i32
      %get3A_144 = arith.index_cast %add3A_143 : i32 to index
      %get3A_145 = arith.constant 0 : index
      %get3A_146 = tpu.vector_load %arg8[%get3A_144, %get3A_145] {strides = array<i32>} : memref<3328x16xf32, #tpu.memory_space<vmem>>, vector<16xf32>,
      %add3A_147 = arith.addf %add3A_139, %get3A_146 : vector<16xf32>
      %mul3A_148 = arith.mulf %get3A_146, %get3A_146 : vector<16xf32>
      %add3A_149 = arith.addf %add3A_141, %mul3A_148 : vector<16xf32>
      %add3A_150 = arith.constant 14 : i32
      %add3A_151 = arith.addi %mul3A_42, %add3A_150 : i32
      %get3A_152 = arith.index_cast %add3A_151 : i32 to index
      %get3A_153 = arith.constant 0 : index
      %get3A_154 = tpu.vector_load %arg8[%get3A_152, %get3A_153] {strides = array<i32>} : memref<3328x16xf32, #tpu.memory_space<vmem>>, vector<16xf32>,
      %add3A_155 = arith.addf %add3A_147, %get3A_154 : vector<16xf32>
      %mul3A_156 = arith.mulf %get3A_154, %get3A_154 : vector<16xf32>
      %add3A_157 = arith.addf %add3A_149, %mul3A_156 : vector<16xf32>
      %add3A_158 = arith.constant 15 : i32
      %add3A_159 = arith.addi %mul3A_42, %add3A_158 : i32
      %get3A_160 = arith.index_cast %add3A_159 : i32 to index
      %get3A_161 = arith.constant 0 : index
      %get3A_162 = tpu.vector_load %arg8[%get3A_160, %get3A_161] {strides = array<i32>} : memref<3328x16xf32, #tpu.memory_space<vmem>>, vector<16xf32>,
      %add3A_163 = arith.addf %add3A_155, %get3A_162 : vector<16xf32>
      %mul3A_164 = arith.mulf %get3A_162, %get3A_162 : vector<16xf32>
      %add3A_165 = arith.addf %add3A_157, %mul3A_164 : vector<16xf32>
      %add3A_166 = arith.constant 16 : i32
      %add3A_167 = arith.addi %mul3A_42, %add3A_166 : i32
      %get3A_168 = arith.index_cast %add3A_167 : i32 to index
      %get3A_169 = arith.constant 0 : index
      %get3A_170 = tpu.vector_load %arg8[%get3A_168, %get3A_169] {strides = array<i32>} : memref<3328x16xf32, #tpu.memory_space<vmem>>, vector<16xf32>,
      %add3A_171 = arith.addf %add3A_163, %get3A_170 : vector<16xf32>
      %mul3A_172 = arith.mulf %get3A_170, %get3A_170 : vector<16xf32>
      %add3A_173 = arith.addf %add3A_165, %mul3A_172 : vector<16xf32>
      %add3A_174 = arith.constant 17 : i32
      %add3A_175 = arith.addi %mul3A_42, %add3A_174 : i32
      %get3A_176 = arith.index_cast %add3A_175 : i32 to index
      %get3A_177 = arith.constant 0 : index
      %get3A_178 = tpu.vector_load %arg8[%get3A_176, %get3A_177] {strides = array<i32>} : memref<3328x16xf32, #tpu.memory_space<vmem>>, vector<16xf32>,
      %add3A_179 = arith.addf %add3A_171, %get3A_178 : vector<16xf32>
      %mul3A_180 = arith.mulf %get3A_178, %get3A_178 : vector<16xf32>
      %add3A_181 = arith.addf %add3A_173, %mul3A_180 : vector<16xf32>
      %add3A_182 = arith.constant 18 : i32
      %add3A_183 = arith.addi %mul3A_42, %add3A_182 : i32
      %get3A_184 = arith.index_cast %add3A_183 : i32 to index
      %get3A_185 = arith.constant 0 : index
      %get3A_186 = tpu.vector_load %arg8[%get3A_184, %get3A_185] {strides = array<i32>} : memref<3328x16xf32, #tpu.memory_space<vmem>>, vector<16xf32>,
      %add3A_187 = arith.addf %add3A_179, %get3A_186 : vector<16xf32>
      %mul3A_188 = arith.mulf %get3A_186, %get3A_186 : vector<16xf32>
      %add3A_189 = arith.addf %add3A_181, %mul3A_188 : vector<16xf32>
      %add3A_190 = arith.constant 19 : i32
      %add3A_191 = arith.addi %mul3A_42, %add3A_190 : i32
      %get3A_192 = arith.index_cast %add3A_191 : i32 to index
      %get3A_193 = arith.constant 0 : index
      %get3A_194 = tpu.vector_load %arg8[%get3A_192, %get3A_193] {strides = array<i32>} : memref<3328x16xf32, #tpu.memory_space<vmem>>, vector<16xf32>,
      %add3A_195 = arith.addf %add3A_187, %get3A_194 : vector<16xf32>
      %mul3A_196 = arith.mulf %get3A_194, %get3A_194 : vector<16xf32>
      %add3A_197 = arith.addf %add3A_189, %mul3A_196 : vector<16xf32>
      %add3A_198 = arith.constant 20 : i32
      %add3A_199 = arith.addi %mul3A_42, %add3A_198 : i32
      %get3A_200 = arith.index_cast %add3A_199 : i32 to index
      %get3A_201 = arith.constant 0 : index
      %get3A_202 = tpu.vector_load %arg8[%get3A_200, %get3A_201] {strides = array<i32>} : memref<3328x16xf32, #tpu.memory_space<vmem>>, vector<16xf32>,
      %add3A_203 = arith.addf %add3A_195, %get3A_202 : vector<16xf32>
      %mul3A_204 = arith.mulf %get3A_202, %get3A_202 : vector<16xf32>
      %add3A_205 = arith.addf %add3A_197, %mul3A_204 : vector<16xf32>
      %add3A_206 = arith.constant 21 : i32
      %add3A_207 = arith.addi %mul3A_42, %add3A_206 : i32
      %get3A_208 = arith.index_cast %add3A_207 : i32 to index
      %get3A_209 = arith.constant 0 : index
      %get3A_210 = tpu.vector_load %arg8[%get3A_208, %get3A_209] {strides = array<i32>} : memref<3328x16xf32, #tpu.memory_space<vmem>>, vector<16xf32>,
      %add3A_211 = arith.addf %add3A_203, %get3A_210 : vector<16xf32>
      %mul3A_212 = arith.mulf %get3A_210, %get3A_210 : vector<16xf32>
      %add3A_213 = arith.addf %add3A_205, %mul3A_212 : vector<16xf32>
      %add3A_214 = arith.constant 22 : i32
      %add3A_215 = arith.addi %mul3A_42, %add3A_214 : i32
      %get3A_216 = arith.index_cast %add3A_215 : i32 to index
      %get3A_217 = arith.constant 0 : index
      %get3A_218 = tpu.vector_load %arg8[%get3A_216, %get3A_217] {strides = array<i32>} : memref<3328x16xf32, #tpu.memory_space<vmem>>, vector<16xf32>,
      %add3A_219 = arith.addf %add3A_211, %get3A_218 : vector<16xf32>
      %mul3A_220 = arith.mulf %get3A_218, %get3A_218 : vector<16xf32>
      %add3A_221 = arith.addf %add3A_213, %mul3A_220 : vector<16xf32>
      %add3A_222 = arith.constant 23 : i32
      %add3A_223 = arith.addi %mul3A_42, %add3A_222 : i32
      %get3A_224 = arith.index_cast %add3A_223 : i32 to index
      %get3A_225 = arith.constant 0 : index
      %get3A_226 = tpu.vector_load %arg8[%get3A_224, %get3A_225] {strides = array<i32>} : memref<3328x16xf32, #tpu.memory_space<vmem>>, vector<16xf32>,
      %add3A_227 = arith.addf %add3A_219, %get3A_226 : vector<16xf32>
      %mul3A_228 = arith.mulf %get3A_226, %get3A_226 : vector<16xf32>
      %add3A_229 = arith.addf %add3A_221, %mul3A_228 : vector<16xf32>
      %add3A_230 = arith.constant 24 : i32
      %add3A_231 = arith.addi %mul3A_42, %add3A_230 : i32
      %get3A_232 = arith.index_cast %add3A_231 : i32 to index
      %get3A_233 = arith.constant 0 : index
      %get3A_234 = tpu.vector_load %arg8[%get3A_232, %get3A_233] {strides = array<i32>} : memref<3328x16xf32, #tpu.memory_space<vmem>>, vector<16xf32>,
      %add3A_235 = arith.addf %add3A_227, %get3A_234 : vector<16xf32>
      %mul3A_236 = arith.mulf %get3A_234, %get3A_234 : vector<16xf32>
      %add3A_237 = arith.addf %add3A_229, %mul3A_236 : vector<16xf32>
      %add3A_238 = arith.constant 25 : i32
      %add3A_239 = arith.addi %mul3A_42, %add3A_238 : i32
      %get3A_240 = arith.index_cast %add3A_239 : i32 to index
      %get3A_241 = arith.constant 0 : index
      %get3A_242 = tpu.vector_load %arg8[%get3A_240, %get3A_241] {strides = array<i32>} : memref<3328x16xf32, #tpu.memory_space<vmem>>, vector<16xf32>,
      %add3A_243 = arith.addf %add3A_235, %get3A_242 : vector<16xf32>
      %mul3A_244 = arith.mulf %get3A_242, %get3A_242 : vector<16xf32>
      %add3A_245 = arith.addf %add3A_237, %mul3A_244 : vector<16xf32>
      %get3A_246 = arith.index_cast %mul3A_42 : i32 to index
      %get3A_247 = tpu.vector_load %arg9[%get3A_246] {strides = array<i32>} : memref<3328xf32, #tpu.memory_space<vmem>>, vector<16xf32>,
      %add3A_248 = arith.constant 10 : i32
      %add3A_249 = arith.addi %mul3A_42, %add3A_248 : i32
      %get3A_250 = arith.index_cast %add3A_249 : i32 to index
      %get3A_251 = tpu.vector_load %arg9[%get3A_250] {strides = array<i32>} : memref<3328xf32, #tpu.memory_space<vmem>>, vector<16xf32>,
      %mul3A_252 = arith.mulf %add3A_243, %add3A_243 : vector<16xf32>
      %sub3A = arith.subf %mul3A_252, %add3A_245 : vector<16xf32>
      %mul3A_253 = arith.constant 5.000000e-01 : f32
      %mul3A_254 = vector.broadcast %mul3A_253 : f32 to vector<16xf32>
      %mul3A_255 = arith.mulf %mul3A_254, %sub3A : vector<16xf32>
      %add3A_256 = arith.addf %mul3A_255, %get3A_247 : vector<16xf32>
      %mul3A_257 = arith.mulf %get3A_251, %convert_element_type3A_35 : vector<16xf32>
      %add3A_258 = arith.addf %add3A_256, %mul3A_257 : vector<16xf32>
      %reduce_sum3A = arith.constant true
      %reduce_sum3A_259 = vector.broadcast %reduce_sum3A : i1 to vector<16xi1>
      %reduce_sum3A_260 = tpu.scan <sum>, %add3A_258 masked %reduce_sum3A_259 : vector<16xf32>, vector<16xi1> -> vector<16xf32>
      %reduce_sum3A_261 = vector.extract %reduce_sum3A_260[15] : f32 from vector<16xf32>
      %eq3A = arith.constant 0 : i32
      %eq3A_262 = vector.broadcast %eq3A : i32 to vector<16xi32>
      %eq3A_263 = arith.cmpi eq, %iota3A, %eq3A_262 : vector<16xi32>
      %broadcast_in_dim3A_264 = vector.broadcast %reduce_sum3A_261 : f32 to vector<16xf32>
      %select_n3A = arith.select %eq3A_263, %broadcast_in_dim3A_264, %broadcast_in_dim3A_36 : vector<16xi1>, vector<16xf32>
      %mul3A_265 = arith.constant 16 : i32
      %mul3A_266 = arith.muli %add3A_32, %mul3A_265 : i32
      %add3A_267 = arith.constant 1 : i32
      %add3A_268 = arith.addi %mul3A_266, %add3A_267 : i32
      %mul3A_269 = arith.constant 26 : i32
      %mul3A_270 = arith.muli %add3A_268, %mul3A_269 : i32
      %get3A_271 = arith.index_cast %mul3A_270 : i32 to index
      %get3A_272 = arith.constant 0 : index
      %get3A_273 = tpu.vector_load %arg8[%get3A_271, %get3A_272] {strides = array<i32>} : memref<3328x16xf32, #tpu.memory_space<vmem>>, vector<16xf32>,
      %mul3A_274 = arith.mulf %get3A_273, %get3A_273 : vector<16xf32>
      %add3A_275 = arith.constant 1 : i32
      %add3A_276 = arith.addi %mul3A_270, %add3A_275 : i32
      %get3A_277 = arith.index_cast %add3A_276 : i32 to index
      %get3A_278 = arith.constant 0 : index
      %get3A_279 = tpu.vector_load %arg8[%get3A_277, %get3A_278] {strides = array<i32>} : memref<3328x16xf32, #tpu.memory_space<vmem>>, vector<16xf32>,
      %add3A_280 = arith.addf %get3A_273, %get3A_279 : vector<16xf32>
      %mul3A_281 = arith.mulf %get3A_279, %get3A_279 : vector<16xf32>
      %add3A_282 = arith.addf %mul3A_274, %mul3A_281 : vector<16xf32>
      %add3A_283 = arith.constant 2 : i32
      %add3A_284 = arith.addi %mul3A_270, %add3A_283 : i32
      %get3A_285 = arith.index_cast %add3A_284 : i32 to index
      %get3A_286 = arith.constant 0 : index
      %get3A_287 = tpu.vector_load %arg8[%get3A_285, %get3A_286] {strides = array<i32>} : memref<3328x16xf32, #tpu.memory_space<vmem>>, vector<16xf32>,
      %add3A_288 = arith.addf %add3A_280, %get3A_287 : vector<16xf32>
      %mul3A_289 = arith.mulf %get3A_287, %get3A_287 : vector<16xf32>
      %add3A_290 = arith.addf %add3A_282, %mul3A_289 : vector<16xf32>
      %add3A_291 = arith.constant 3 : i32
      %add3A_292 = arith.addi %mul3A_270, %add3A_291 : i32
      %get3A_293 = arith.index_cast %add3A_292 : i32 to index
      %get3A_294 = arith.constant 0 : index
      %get3A_295 = tpu.vector_load %arg8[%get3A_293, %get3A_294] {strides = array<i32>} : memref<3328x16xf32, #tpu.memory_space<vmem>>, vector<16xf32>,
      %add3A_296 = arith.addf %add3A_288, %get3A_295 : vector<16xf32>
      %mul3A_297 = arith.mulf %get3A_295, %get3A_295 : vector<16xf32>
      %add3A_298 = arith.addf %add3A_290, %mul3A_297 : vector<16xf32>
      %add3A_299 = arith.constant 4 : i32
      %add3A_300 = arith.addi %mul3A_270, %add3A_299 : i32
      %get3A_301 = arith.index_cast %add3A_300 : i32 to index
      %get3A_302 = arith.constant 0 : index
      %get3A_303 = tpu.vector_load %arg8[%get3A_301, %get3A_302] {strides = array<i32>} : memref<3328x16xf32, #tpu.memory_space<vmem>>, vector<16xf32>,
      %add3A_304 = arith.addf %add3A_296, %get3A_303 : vector<16xf32>
      %mul3A_305 = arith.mulf %get3A_303, %get3A_303 : vector<16xf32>
      %add3A_306 = arith.addf %add3A_298, %mul3A_305 : vector<16xf32>
      %add3A_307 = arith.constant 5 : i32
      %add3A_308 = arith.addi %mul3A_270, %add3A_307 : i32
      %get3A_309 = arith.index_cast %add3A_308 : i32 to index
      %get3A_310 = arith.constant 0 : index
      %get3A_311 = tpu.vector_load %arg8[%get3A_309, %get3A_310] {strides = array<i32>} : memref<3328x16xf32, #tpu.memory_space<vmem>>, vector<16xf32>,
      %add3A_312 = arith.addf %add3A_304, %get3A_311 : vector<16xf32>
      %mul3A_313 = arith.mulf %get3A_311, %get3A_311 : vector<16xf32>
      %add3A_314 = arith.addf %add3A_306, %mul3A_313 : vector<16xf32>
      %add3A_315 = arith.constant 6 : i32
      %add3A_316 = arith.addi %mul3A_270, %add3A_315 : i32
      %get3A_317 = arith.index_cast %add3A_316 : i32 to index
      %get3A_318 = arith.constant 0 : index
      %get3A_319 = tpu.vector_load %arg8[%get3A_317, %get3A_318] {strides = array<i32>} : memref<3328x16xf32, #tpu.memory_space<vmem>>, vector<16xf32>,
      %add3A_320 = arith.addf %add3A_312, %get3A_319 : vector<16xf32>
      %mul3A_321 = arith.mulf %get3A_319, %get3A_319 : vector<16xf32>
      %add3A_322 = arith.addf %add3A_314, %mul3A_321 : vector<16xf32>
      %add3A_323 = arith.constant 7 : i32
      %add3A_324 = arith.addi %mul3A_270, %add3A_323 : i32
      %get3A_325 = arith.index_cast %add3A_324 : i32 to index
      %get3A_326 = arith.constant 0 : index
      %get3A_327 = tpu.vector_load %arg8[%get3A_325, %get3A_326] {strides = array<i32>} : memref<3328x16xf32, #tpu.memory_space<vmem>>, vector<16xf32>,
      %add3A_328 = arith.addf %add3A_320, %get3A_327 : vector<16xf32>
      %mul3A_329 = arith.mulf %get3A_327, %get3A_327 : vector<16xf32>
      %add3A_330 = arith.addf %add3A_322, %mul3A_329 : vector<16xf32>
      %add3A_331 = arith.constant 8 : i32
      %add3A_332 = arith.addi %mul3A_270, %add3A_331 : i32
      %get3A_333 = arith.index_cast %add3A_332 : i32 to index
      %get3A_334 = arith.constant 0 : index
      %get3A_335 = tpu.vector_load %arg8[%get3A_333, %get3A_334] {strides = array<i32>} : memref<3328x16xf32, #tpu.memory_space<vmem>>, vector<16xf32>,
      %add3A_336 = arith.addf %add3A_328, %get3A_335 : vector<16xf32>
      %mul3A_337 = arith.mulf %get3A_335, %get3A_335 : vector<16xf32>
      %add3A_338 = arith.addf %add3A_330, %mul3A_337 : vector<16xf32>
      %add3A_339 = arith.constant 9 : i32
      %add3A_340 = arith.addi %mul3A_270, %add3A_339 : i32
      %get3A_341 = arith.index_cast %add3A_340 : i32 to index
      %get3A_342 = arith.constant 0 : index
      %get3A_343 = tpu.vector_load %arg8[%get3A_341, %get3A_342] {strides = array<i32>} : memref<3328x16xf32, #tpu.memory_space<vmem>>, vector<16xf32>,
      %add3A_344 = arith.addf %add3A_336, %get3A_343 : vector<16xf32>
      %mul3A_345 = arith.mulf %get3A_343, %get3A_343 : vector<16xf32>
      %add3A_346 = arith.addf %add3A_338, %mul3A_345 : vector<16xf32>
      %add3A_347 = arith.constant 10 : i32
      %add3A_348 = arith.addi %mul3A_270, %add3A_347 : i32
      %get3A_349 = arith.index_cast %add3A_348 : i32 to index
      %get3A_350 = arith.constant 0 : index
      %get3A_351 = tpu.vector_load %arg8[%get3A_349, %get3A_350] {strides = array<i32>} : memref<3328x16xf32, #tpu.memory_space<vmem>>, vector<16xf32>,
      %add3A_352 = arith.addf %add3A_344, %get3A_351 : vector<16xf32>
      %mul3A_353 = arith.mulf %get3A_351, %get3A_351 : vector<16xf32>
      %add3A_354 = arith.addf %add3A_346, %mul3A_353 : vector<16xf32>
      %add3A_355 = arith.constant 11 : i32
      %add3A_356 = arith.addi %mul3A_270, %add3A_355 : i32
      %get3A_357 = arith.index_cast %add3A_356 : i32 to index
      %get3A_358 = arith.constant 0 : index
      %get3A_359 = tpu.vector_load %arg8[%get3A_357, %get3A_358] {strides = array<i32>} : memref<3328x16xf32, #tpu.memory_space<vmem>>, vector<16xf32>,
      %add3A_360 = arith.addf %add3A_352, %get3A_359 : vector<16xf32>
      %mul3A_361 = arith.mulf %get3A_359, %get3A_359 : vector<16xf32>
      %add3A_362 = arith.addf %add3A_354, %mul3A_361 : vector<16xf32>
      %add3A_363 = arith.constant 12 : i32
      %add3A_364 = arith.addi %mul3A_270, %add3A_363 : i32
      %get3A_365 = arith.index_cast %add3A_364 : i32 to index
      %get3A_366 = arith.constant 0 : index
      %get3A_367 = tpu.vector_load %arg8[%get3A_365, %get3A_366] {strides = array<i32>} : memref<3328x16xf32, #tpu.memory_space<vmem>>, vector<16xf32>,
      %add3A_368 = arith.addf %add3A_360, %get3A_367 : vector<16xf32>
      %mul3A_369 = arith.mulf %get3A_367, %get3A_367 : vector<16xf32>
      %add3A_370 = arith.addf %add3A_362, %mul3A_369 : vector<16xf32>
      %add3A_371 = arith.constant 13 : i32
      %add3A_372 = arith.addi %mul3A_270, %add3A_371 : i32
      %get3A_373 = arith.index_cast %add3A_372 : i32 to index
      %get3A_374 = arith.constant 0 : index
      %get3A_375 = tpu.vector_load %arg8[%get3A_373, %get3A_374] {strides = array<i32>} : memref<3328x16xf32, #tpu.memory_space<vmem>>, vector<16xf32>,
      %add3A_376 = arith.addf %add3A_368, %get3A_375 : vector<16xf32>
      %mul3A_377 = arith.mulf %get3A_375, %get3A_375 : vector<16xf32>
      %add3A_378 = arith.addf %add3A_370, %mul3A_377 : vector<16xf32>
      %add3A_379 = arith.constant 14 : i32
      %add3A_380 = arith.addi %mul3A_270, %add3A_379 : i32
      %get3A_381 = arith.index_cast %add3A_380 : i32 to index
      %get3A_382 = arith.constant 0 : index
      %get3A_383 = tpu.vector_load %arg8[%get3A_381, %get3A_382] {strides = array<i32>} : memref<3328x16xf32, #tpu.memory_space<vmem>>, vector<16xf32>,
      %add3A_384 = arith.addf %add3A_376, %get3A_383 : vector<16xf32>
      %mul3A_385 = arith.mulf %get3A_383, %get3A_383 : vector<16xf32>
      %add3A_386 = arith.addf %add3A_378, %mul3A_385 : vector<16xf32>
      %add3A_387 = arith.constant 15 : i32
      %add3A_388 = arith.addi %mul3A_270, %add3A_387 : i32
      %get3A_389 = arith.index_cast %add3A_388 : i32 to index
      %get3A_390 = arith.constant 0 : index
      %get3A_391 = tpu.vector_load %arg8[%get3A_389, %get3A_390] {strides = array<i32>} : memref<3328x16xf32, #tpu.memory_space<vmem>>, vector<16xf32>,
      %add3A_392 = arith.addf %add3A_384, %get3A_391 : vector<16xf32>
      %mul3A_393 = arith.mulf %get3A_391, %get3A_391 : vector<16xf32>
      %add3A_394 = arith.addf %add3A_386, %mul3A_393 : vector<16xf32>
      %add3A_395 = arith.constant 16 : i32
      %add3A_396 = arith.addi %mul3A_270, %add3A_395 : i32
      %get3A_397 = arith.index_cast %add3A_396 : i32 to index
      %get3A_398 = arith.constant 0 : index
      %get3A_399 = tpu.vector_load %arg8[%get3A_397, %get3A_398] {strides = array<i32>} : memref<3328x16xf32, #tpu.memory_space<vmem>>, vector<16xf32>,
      %add3A_400 = arith.addf %add3A_392, %get3A_399 : vector<16xf32>
      %mul3A_401 = arith.mulf %get3A_399, %get3A_399 : vector<16xf32>
      %add3A_402 = arith.addf %add3A_394, %mul3A_401 : vector<16xf32>
      %add3A_403 = arith.constant 17 : i32
      %add3A_404 = arith.addi %mul3A_270, %add3A_403 : i32
      %get3A_405 = arith.index_cast %add3A_404 : i32 to index
      %get3A_406 = arith.constant 0 : index
      %get3A_407 = tpu.vector_load %arg8[%get3A_405, %get3A_406] {strides = array<i32>} : memref<3328x16xf32, #tpu.memory_space<vmem>>, vector<16xf32>,
      %add3A_408 = arith.addf %add3A_400, %get3A_407 : vector<16xf32>
      %mul3A_409 = arith.mulf %get3A_407, %get3A_407 : vector<16xf32>
      %add3A_410 = arith.addf %add3A_402, %mul3A_409 : vector<16xf32>
      %add3A_411 = arith.constant 18 : i32
      %add3A_412 = arith.addi %mul3A_270, %add3A_411 : i32
      %get3A_413 = arith.index_cast %add3A_412 : i32 to index
      %get3A_414 = arith.constant 0 : index
      %get3A_415 = tpu.vector_load %arg8[%get3A_413, %get3A_414] {strides = array<i32>} : memref<3328x16xf32, #tpu.memory_space<vmem>>, vector<16xf32>,
      %add3A_416 = arith.addf %add3A_408, %get3A_415 : vector<16xf32>
      %mul3A_417 = arith.mulf %get3A_415, %get3A_415 : vector<16xf32>
      %add3A_418 = arith.addf %add3A_410, %mul3A_417 : vector<16xf32>
      %add3A_419 = arith.constant 19 : i32
      %add3A_420 = arith.addi %mul3A_270, %add3A_419 : i32
      %get3A_421 = arith.index_cast %add3A_420 : i32 to index
      %get3A_422 = arith.constant 0 : index
      %get3A_423 = tpu.vector_load %arg8[%get3A_421, %get3A_422] {strides = array<i32>} : memref<3328x16xf32, #tpu.memory_space<vmem>>, vector<16xf32>,
      %add3A_424 = arith.addf %add3A_416, %get3A_423 : vector<16xf32>
      %mul3A_425 = arith.mulf %get3A_423, %get3A_423 : vector<16xf32>
      %add3A_426 = arith.addf %add3A_418, %mul3A_425 : vector<16xf32>
      %add3A_427 = arith.constant 20 : i32
      %add3A_428 = arith.addi %mul3A_270, %add3A_427 : i32
      %get3A_429 = arith.index_cast %add3A_428 : i32 to index
      %get3A_430 = arith.constant 0 : index
      %get3A_431 = tpu.vector_load %arg8[%get3A_429, %get3A_430] {strides = array<i32>} : memref<3328x16xf32, #tpu.memory_space<vmem>>, vector<16xf32>,
      %add3A_432 = arith.addf %add3A_424, %get3A_431 : vector<16xf32>
      %mul3A_433 = arith.mulf %get3A_431, %get3A_431 : vector<16xf32>
      %add3A_434 = arith.addf %add3A_426, %mul3A_433 : vector<16xf32>
      %add3A_435 = arith.constant 21 : i32
      %add3A_436 = arith.addi %mul3A_270, %add3A_435 : i32
      %get3A_437 = arith.index_cast %add3A_436 : i32 to index
      %get3A_438 = arith.constant 0 : index
      %get3A_439 = tpu.vector_load %arg8[%get3A_437, %get3A_438] {strides = array<i32>} : memref<3328x16xf32, #tpu.memory_space<vmem>>, vector<16xf32>,
      %add3A_440 = arith.addf %add3A_432, %get3A_439 : vector<16xf32>
      %mul3A_441 = arith.mulf %get3A_439, %get3A_439 : vector<16xf32>
      %add3A_442 = arith.addf %add3A_434, %mul3A_441 : vector<16xf32>
      %add3A_443 = arith.constant 22 : i32
      %add3A_444 = arith.addi %mul3A_270, %add3A_443 : i32
      %get3A_445 = arith.index_cast %add3A_444 : i32 to index
      %get3A_446 = arith.constant 0 : index
      %get3A_447 = tpu.vector_load %arg8[%get3A_445, %get3A_446] {strides = array<i32>} : memref<3328x16xf32, #tpu.memory_space<vmem>>, vector<16xf32>,
      %add3A_448 = arith.addf %add3A_440, %get3A_447 : vector<16xf32>
      %mul3A_449 = arith.mulf %get3A_447, %get3A_447 : vector<16xf32>
      %add3A_450 = arith.addf %add3A_442, %mul3A_449 : vector<16xf32>
      %add3A_451 = arith.constant 23 : i32
      %add3A_452 = arith.addi %mul3A_270, %add3A_451 : i32
      %get3A_453 = arith.index_cast %add3A_452 : i32 to index
      %get3A_454 = arith.constant 0 : index
      %get3A_455 = tpu.vector_load %arg8[%get3A_453, %get3A_454] {strides = array<i32>} : memref<3328x16xf32, #tpu.memory_space<vmem>>, vector<16xf32>,
      %add3A_456 = arith.addf %add3A_448, %get3A_455 : vector<16xf32>
      %mul3A_457 = arith.mulf %get3A_455, %get3A_455 : vector<16xf32>
      %add3A_458 = arith.addf %add3A_450, %mul3A_457 : vector<16xf32>
      %add3A_459 = arith.constant 24 : i32
      %add3A_460 = arith.addi %mul3A_270, %add3A_459 : i32
      %get3A_461 = arith.index_cast %add3A_460 : i32 to index
      %get3A_462 = arith.constant 0 : index
      %get3A_463 = tpu.vector_load %arg8[%get3A_461, %get3A_462] {strides = array<i32>} : memref<3328x16xf32, #tpu.memory_space<vmem>>, vector<16xf32>,
      %add3A_464 = arith.addf %add3A_456, %get3A_463 : vector<16xf32>
      %mul3A_465 = arith.mulf %get3A_463, %get3A_463 : vector<16xf32>
      %add3A_466 = arith.addf %add3A_458, %mul3A_465 : vector<16xf32>
      %add3A_467 = arith.constant 25 : i32
      %add3A_468 = arith.addi %mul3A_270, %add3A_467 : i32
      %get3A_469 = arith.index_cast %add3A_468 : i32 to index
      %get3A_470 = arith.constant 0 : index
      %get3A_471 = tpu.vector_load %arg8[%get3A_469, %get3A_470] {strides = array<i32>} : memref<3328x16xf32, #tpu.memory_space<vmem>>, vector<16xf32>,
      %add3A_472 = arith.addf %add3A_464, %get3A_471 : vector<16xf32>
      %mul3A_473 = arith.mulf %get3A_471, %get3A_471 : vector<16xf32>
      %add3A_474 = arith.addf %add3A_466, %mul3A_473 : vector<16xf32>
      %get3A_475 = arith.index_cast %mul3A_270 : i32 to index
      %get3A_476 = tpu.vector_load %arg9[%get3A_475] {strides = array<i32>} : memref<3328xf32, #tpu.memory_space<vmem>>, vector<16xf32>,
      %add3A_477 = arith.constant 10 : i32
      %add3A_478 = arith.addi %mul3A_270, %add3A_477 : i32
      %get3A_479 = arith.index_cast %add3A_478 : i32 to index
      %get3A_480 = tpu.vector_load %arg9[%get3A_479] {strides = array<i32>} : memref<3328xf32, #tpu.memory_space<vmem>>, vector<16xf32>,
      %mul3A_481 = arith.mulf %add3A_472, %add3A_472 : vector<16xf32>
      %sub3A_482 = arith.subf %mul3A_481, %add3A_474 : vector<16xf32>
      %mul3A_483 = arith.constant 5.000000e-01 : f32
      %mul3A_484 = vector.broadcast %mul3A_483 : f32 to vector<16xf32>
      %mul3A_485 = arith.mulf %mul3A_484, %sub3A_482 : vector<16xf32>
      %add3A_486 = arith.addf %mul3A_485, %get3A_476 : vector<16xf32>
      %mul3A_487 = arith.mulf %get3A_480, %convert_element_type3A_35 : vector<16xf32>
      %add3A_488 = arith.addf %add3A_486, %mul3A_487 : vector<16xf32>
      %reduce_sum3A_489 = arith.constant true
      %reduce_sum3A_490 = vector.broadcast %reduce_sum3A_489 : i1 to vector<16xi1>
      %reduce_sum3A_491 = tpu.scan <sum>, %add3A_488 masked %reduce_sum3A_490 : vector<16xf32>, vector<16xi1> -> vector<16xf32>
      %reduce_sum3A_492 = vector.extract %reduce_sum3A_491[15] : f32 from vector<16xf32>
      %eq3A_493 = arith.constant 1 : i32
      %eq3A_494 = vector.broadcast %eq3A_493 : i32 to vector<16xi32>
      %eq3A_495 = arith.cmpi eq, %iota3A, %eq3A_494 : vector<16xi32>
      %broadcast_in_dim3A_496 = vector.broadcast %reduce_sum3A_492 : f32 to vector<16xf32>
      %select_n3A_497 = arith.select %eq3A_495, %broadcast_in_dim3A_496, %select_n3A : vector<16xi1>, vector<16xf32>
      %mul3A_498 = arith.constant 16 : i32
      %mul3A_499 = arith.muli %add3A_32, %mul3A_498 : i32
      %add3A_500 = arith.constant 2 : i32
      %add3A_501 = arith.addi %mul3A_499, %add3A_500 : i32
      %mul3A_502 = arith.constant 26 : i32
      %mul3A_503 = arith.muli %add3A_501, %mul3A_502 : i32
      %get3A_504 = arith.index_cast %mul3A_503 : i32 to index
      %get3A_505 = arith.constant 0 : index
      %get3A_506 = tpu.vector_load %arg8[%get3A_504, %get3A_505] {strides = array<i32>} : memref<3328x16xf32, #tpu.memory_space<vmem>>, vector<16xf32>,
      %mul3A_507 = arith.mulf %get3A_506, %get3A_506 : vector<16xf32>
      %add3A_508 = arith.constant 1 : i32
      %add3A_509 = arith.addi %mul3A_503, %add3A_508 : i32
      %get3A_510 = arith.index_cast %add3A_509 : i32 to index
      %get3A_511 = arith.constant 0 : index
      %get3A_512 = tpu.vector_load %arg8[%get3A_510, %get3A_511] {strides = array<i32>} : memref<3328x16xf32, #tpu.memory_space<vmem>>, vector<16xf32>,
      %add3A_513 = arith.addf %get3A_506, %get3A_512 : vector<16xf32>
      %mul3A_514 = arith.mulf %get3A_512, %get3A_512 : vector<16xf32>
      %add3A_515 = arith.addf %mul3A_507, %mul3A_514 : vector<16xf32>
      %add3A_516 = arith.constant 2 : i32
      %add3A_517 = arith.addi %mul3A_503, %add3A_516 : i32
      %get3A_518 = arith.index_cast %add3A_517 : i32 to index
      %get3A_519 = arith.constant 0 : index
      %get3A_520 = tpu.vector_load %arg8[%get3A_518, %get3A_519] {strides = array<i32>} : memref<3328x16xf32, #tpu.memory_space<vmem>>, vector<16xf32>,
      %add3A_521 = arith.addf %add3A_513, %get3A_520 : vector<16xf32>
      %mul3A_522 = arith.mulf %get3A_520, %get3A_520 : vector<16xf32>
      %add3A_523 = arith.addf %add3A_515, %mul3A_522 : vector<16xf32>
      %add3A_524 = arith.constant 3 : i32
      %add3A_525 = arith.addi %mul3A_503, %add3A_524 : i32
      %get3A_526 = arith.index_cast %add3A_525 : i32 to index
      %get3A_527 = arith.constant 0 : index
      %get3A_528 = tpu.vector_load %arg8[%get3A_526, %get3A_527] {strides = array<i32>} : memref<3328x16xf32, #tpu.memory_space<vmem>>, vector<16xf32>,
      %add3A_529 = arith.addf %add3A_521, %get3A_528 : vector<16xf32>
      %mul3A_530 = arith.mulf %get3A_528, %get3A_528 : vector<16xf32>
      %add3A_531 = arith.addf %add3A_523, %mul3A_530 : vector<16xf32>
      %add3A_532 = arith.constant 4 : i32
      %add3A_533 = arith.addi %mul3A_503, %add3A_532 : i32
      %get3A_534 = arith.index_cast %add3A_533 : i32 to index
      %get3A_535 = arith.constant 0 : index
      %get3A_536 = tpu.vector_load %arg8[%get3A_534, %get3A_535] {strides = array<i32>} : memref<3328x16xf32, #tpu.memory_space<vmem>>, vector<16xf32>,
      %add3A_537 = arith.addf %add3A_529, %get3A_536 : vector<16xf32>
      %mul3A_538 = arith.mulf %get3A_536, %get3A_536 : vector<16xf32>
      %add3A_539 = arith.addf %add3A_531, %mul3A_538 : vector<16xf32>
      %add3A_540 = arith.constant 5 : i32
      %add3A_541 = arith.addi %mul3A_503, %add3A_540 : i32
      %get3A_542 = arith.index_cast %add3A_541 : i32 to index
      %get3A_543 = arith.constant 0 : index
      %get3A_544 = tpu.vector_load %arg8[%get3A_542, %get3A_543] {strides = array<i32>} : memref<3328x16xf32, #tpu.memory_space<vmem>>, vector<16xf32>,
      %add3A_545 = arith.addf %add3A_537, %get3A_544 : vector<16xf32>
      %mul3A_546 = arith.mulf %get3A_544, %get3A_544 : vector<16xf32>
      %add3A_547 = arith.addf %add3A_539, %mul3A_546 : vector<16xf32>
      %add3A_548 = arith.constant 6 : i32
      %add3A_549 = arith.addi %mul3A_503, %add3A_548 : i32
      %get3A_550 = arith.index_cast %add3A_549 : i32 to index
      %get3A_551 = arith.constant 0 : index
      %get3A_552 = tpu.vector_load %arg8[%get3A_550, %get3A_551] {strides = array<i32>} : memref<3328x16xf32, #tpu.memory_space<vmem>>, vector<16xf32>,
      %add3A_553 = arith.addf %add3A_545, %get3A_552 : vector<16xf32>
      %mul3A_554 = arith.mulf %get3A_552, %get3A_552 : vector<16xf32>
      %add3A_555 = arith.addf %add3A_547, %mul3A_554 : vector<16xf32>
      %add3A_556 = arith.constant 7 : i32
      %add3A_557 = arith.addi %mul3A_503, %add3A_556 : i32
      %get3A_558 = arith.index_cast %add3A_557 : i32 to index
      %get3A_559 = arith.constant 0 : index
      %get3A_560 = tpu.vector_load %arg8[%get3A_558, %get3A_559] {strides = array<i32>} : memref<3328x16xf32, #tpu.memory_space<vmem>>, vector<16xf32>,
      %add3A_561 = arith.addf %add3A_553, %get3A_560 : vector<16xf32>
      %mul3A_562 = arith.mulf %get3A_560, %get3A_560 : vector<16xf32>
      %add3A_563 = arith.addf %add3A_555, %mul3A_562 : vector<16xf32>
      %add3A_564 = arith.constant 8 : i32
      %add3A_565 = arith.addi %mul3A_503, %add3A_564 : i32
      %get3A_566 = arith.index_cast %add3A_565 : i32 to index
      %get3A_567 = arith.constant 0 : index
      %get3A_568 = tpu.vector_load %arg8[%get3A_566, %get3A_567] {strides = array<i32>} : memref<3328x16xf32, #tpu.memory_space<vmem>>, vector<16xf32>,
      %add3A_569 = arith.addf %add3A_561, %get3A_568 : vector<16xf32>
      %mul3A_570 = arith.mulf %get3A_568, %get3A_568 : vector<16xf32>
      %add3A_571 = arith.addf %add3A_563, %mul3A_570 : vector<16xf32>
      %add3A_572 = arith.constant 9 : i32
      %add3A_573 = arith.addi %mul3A_503, %add3A_572 : i32
      %get3A_574 = arith.index_cast %add3A_573 : i32 to index
      %get3A_575 = arith.constant 0 : index
      %get3A_576 = tpu.vector_load %arg8[%get3A_574, %get3A_575] {strides = array<i32>} : memref<3328x16xf32, #tpu.memory_space<vmem>>, vector<16xf32>,
      %add3A_577 = arith.addf %add3A_569, %get3A_576 : vector<16xf32>
      %mul3A_578 = arith.mulf %get3A_576, %get3A_576 : vector<16xf32>
      %add3A_579 = arith.addf %add3A_571, %mul3A_578 : vector<16xf32>
      %add3A_580 = arith.constant 10 : i32
      %add3A_581 = arith.addi %mul3A_503, %add3A_580 : i32
      %get3A_582 = arith.index_cast %add3A_581 : i32 to index
      %get3A_583 = arith.constant 0 : index
      %get3A_584 = tpu.vector_load %arg8[%get3A_582, %get3A_583] {strides = array<i32>} : memref<3328x16xf32, #tpu.memory_space<vmem>>, vector<16xf32>,
      %add3A_585 = arith.addf %add3A_577, %get3A_584 : vector<16xf32>
      %mul3A_586 = arith.mulf %get3A_584, %get3A_584 : vector<16xf32>
      %add3A_587 = arith.addf %add3A_579, %mul3A_586 : vector<16xf32>
      %add3A_588 = arith.constant 11 : i32
      %add3A_589 = arith.addi %mul3A_503, %add3A_588 : i32
      %get3A_590 = arith.index_cast %add3A_589 : i32 to index
      %get3A_591 = arith.constant 0 : index
      %get3A_592 = tpu.vector_load %arg8[%get3A_590, %get3A_591] {strides = array<i32>} : memref<3328x16xf32, #tpu.memory_space<vmem>>, vector<16xf32>,
      %add3A_593 = arith.addf %add3A_585, %get3A_592 : vector<16xf32>
      %mul3A_594 = arith.mulf %get3A_592, %get3A_592 : vector<16xf32>
      %add3A_595 = arith.addf %add3A_587, %mul3A_594 : vector<16xf32>
      %add3A_596 = arith.constant 12 : i32
      %add3A_597 = arith.addi %mul3A_503, %add3A_596 : i32
      %get3A_598 = arith.index_cast %add3A_597 : i32 to index
      %get3A_599 = arith.constant 0 : index
      %get3A_600 = tpu.vector_load %arg8[%get3A_598, %get3A_599] {strides = array<i32>} : memref<3328x16xf32, #tpu.memory_space<vmem>>, vector<16xf32>,
      %add3A_601 = arith.addf %add3A_593, %get3A_600 : vector<16xf32>
      %mul3A_602 = arith.mulf %get3A_600, %get3A_600 : vector<16xf32>
      %add3A_603 = arith.addf %add3A_595, %mul3A_602 : vector<16xf32>
      %add3A_604 = arith.constant 13 : i32
      %add3A_605 = arith.addi %mul3A_503, %add3A_604 : i32
      %get3A_606 = arith.index_cast %add3A_605 : i32 to index
      %get3A_607 = arith.constant 0 : index
      %get3A_608 = tpu.vector_load %arg8[%get3A_606, %get3A_607] {strides = array<i32>} : memref<3328x16xf32, #tpu.memory_space<vmem>>, vector<16xf32>,
      %add3A_609 = arith.addf %add3A_601, %get3A_608 : vector<16xf32>
      %mul3A_610 = arith.mulf %get3A_608, %get3A_608 : vector<16xf32>
      %add3A_611 = arith.addf %add3A_603, %mul3A_610 : vector<16xf32>
      %add3A_612 = arith.constant 14 : i32
      %add3A_613 = arith.addi %mul3A_503, %add3A_612 : i32
      %get3A_614 = arith.index_cast %add3A_613 : i32 to index
      %get3A_615 = arith.constant 0 : index
      %get3A_616 = tpu.vector_load %arg8[%get3A_614, %get3A_615] {strides = array<i32>} : memref<3328x16xf32, #tpu.memory_space<vmem>>, vector<16xf32>,
      %add3A_617 = arith.addf %add3A_609, %get3A_616 : vector<16xf32>
      %mul3A_618 = arith.mulf %get3A_616, %get3A_616 : vector<16xf32>
      %add3A_619 = arith.addf %add3A_611, %mul3A_618 : vector<16xf32>
      %add3A_620 = arith.constant 15 : i32
      %add3A_621 = arith.addi %mul3A_503, %add3A_620 : i32
      %get3A_622 = arith.index_cast %add3A_621 : i32 to index
      %get3A_623 = arith.constant 0 : index
      %get3A_624 = tpu.vector_load %arg8[%get3A_622, %get3A_623] {strides = array<i32>} : memref<3328x16xf32, #tpu.memory_space<vmem>>, vector<16xf32>,
      %add3A_625 = arith.addf %add3A_617, %get3A_624 : vector<16xf32>
      %mul3A_626 = arith.mulf %get3A_624, %get3A_624 : vector<16xf32>
      %add3A_627 = arith.addf %add3A_619, %mul3A_626 : vector<16xf32>
      %add3A_628 = arith.constant 16 : i32
      %add3A_629 = arith.addi %mul3A_503, %add3A_628 : i32
      %get3A_630 = arith.index_cast %add3A_629 : i32 to index
      %get3A_631 = arith.constant 0 : index
      %get3A_632 = tpu.vector_load %arg8[%get3A_630, %get3A_631] {strides = array<i32>} : memref<3328x16xf32, #tpu.memory_space<vmem>>, vector<16xf32>,
      %add3A_633 = arith.addf %add3A_625, %get3A_632 : vector<16xf32>
      %mul3A_634 = arith.mulf %get3A_632, %get3A_632 : vector<16xf32>
      %add3A_635 = arith.addf %add3A_627, %mul3A_634 : vector<16xf32>
      %add3A_636 = arith.constant 17 : i32
      %add3A_637 = arith.addi %mul3A_503, %add3A_636 : i32
      %get3A_638 = arith.index_cast %add3A_637 : i32 to index
      %get3A_639 = arith.constant 0 : index
      %get3A_640 = tpu.vector_load %arg8[%get3A_638, %get3A_639] {strides = array<i32>} : memref<3328x16xf32, #tpu.memory_space<vmem>>, vector<16xf32>,
      %add3A_641 = arith.addf %add3A_633, %get3A_640 : vector<16xf32>
      %mul3A_642 = arith.mulf %get3A_640, %get3A_640 : vector<16xf32>
      %add3A_643 = arith.addf %add3A_635, %mul3A_642 : vector<16xf32>
      %add3A_644 = arith.constant 18 : i32
      %add3A_645 = arith.addi %mul3A_503, %add3A_644 : i32
      %get3A_646 = arith.index_cast %add3A_645 : i32 to index
      %get3A_647 = arith.constant 0 : index
      %get3A_648 = tpu.vector_load %arg8[%get3A_646, %get3A_647] {strides = array<i32>} : memref<3328x16xf32, #tpu.memory_space<vmem>>, vector<16xf32>,
      %add3A_649 = arith.addf %add3A_641, %get3A_648 : vector<16xf32>
      %mul3A_650 = arith.mulf %get3A_648, %get3A_648 : vector<16xf32>
      %add3A_651 = arith.addf %add3A_643, %mul3A_650 : vector<16xf32>
      %add3A_652 = arith.constant 19 : i32
      %add3A_653 = arith.addi %mul3A_503, %add3A_652 : i32
      %get3A_654 = arith.index_cast %add3A_653 : i32 to index
      %get3A_655 = arith.constant 0 : index
      %get3A_656 = tpu.vector_load %arg8[%get3A_654, %get3A_655] {strides = array<i32>} : memref<3328x16xf32, #tpu.memory_space<vmem>>, vector<16xf32>,
      %add3A_657 = arith.addf %add3A_649, %get3A_656 : vector<16xf32>
      %mul3A_658 = arith.mulf %get3A_656, %get3A_656 : vector<16xf32>
      %add3A_659 = arith.addf %add3A_651, %mul3A_658 : vector<16xf32>
      %add3A_660 = arith.constant 20 : i32
      %add3A_661 = arith.addi %mul3A_503, %add3A_660 : i32
      %get3A_662 = arith.index_cast %add3A_661 : i32 to index
      %get3A_663 = arith.constant 0 : index
      %get3A_664 = tpu.vector_load %arg8[%get3A_662, %get3A_663] {strides = array<i32>} : memref<3328x16xf32, #tpu.memory_space<vmem>>, vector<16xf32>,
      %add3A_665 = arith.addf %add3A_657, %get3A_664 : vector<16xf32>
      %mul3A_666 = arith.mulf %get3A_664, %get3A_664 : vector<16xf32>
      %add3A_667 = arith.addf %add3A_659, %mul3A_666 : vector<16xf32>
      %add3A_668 = arith.constant 21 : i32
      %add3A_669 = arith.addi %mul3A_503, %add3A_668 : i32
      %get3A_670 = arith.index_cast %add3A_669 : i32 to index
      %get3A_671 = arith.constant 0 : index
      %get3A_672 = tpu.vector_load %arg8[%get3A_670, %get3A_671] {strides = array<i32>} : memref<3328x16xf32, #tpu.memory_space<vmem>>, vector<16xf32>,
      %add3A_673 = arith.addf %add3A_665, %get3A_672 : vector<16xf32>
      %mul3A_674 = arith.mulf %get3A_672, %get3A_672 : vector<16xf32>
      %add3A_675 = arith.addf %add3A_667, %mul3A_674 : vector<16xf32>
      %add3A_676 = arith.constant 22 : i32
      %add3A_677 = arith.addi %mul3A_503, %add3A_676 : i32
      %get3A_678 = arith.index_cast %add3A_677 : i32 to index
      %get3A_679 = arith.constant 0 : index
      %get3A_680 = tpu.vector_load %arg8[%get3A_678, %get3A_679] {strides = array<i32>} : memref<3328x16xf32, #tpu.memory_space<vmem>>, vector<16xf32>,
      %add3A_681 = arith.addf %add3A_673, %get3A_680 : vector<16xf32>
      %mul3A_682 = arith.mulf %get3A_680, %get3A_680 : vector<16xf32>
      %add3A_683 = arith.addf %add3A_675, %mul3A_682 : vector<16xf32>
      %add3A_684 = arith.constant 23 : i32
      %add3A_685 = arith.addi %mul3A_503, %add3A_684 : i32
      %get3A_686 = arith.index_cast %add3A_685 : i32 to index
      %get3A_687 = arith.constant 0 : index
      %get3A_688 = tpu.vector_load %arg8[%get3A_686, %get3A_687] {strides = array<i32>} : memref<3328x16xf32, #tpu.memory_space<vmem>>, vector<16xf32>,
      %add3A_689 = arith.addf %add3A_681, %get3A_688 : vector<16xf32>
      %mul3A_690 = arith.mulf %get3A_688, %get3A_688 : vector<16xf32>
      %add3A_691 = arith.addf %add3A_683, %mul3A_690 : vector<16xf32>
      %add3A_692 = arith.constant 24 : i32
      %add3A_693 = arith.addi %mul3A_503, %add3A_692 : i32
      %get3A_694 = arith.index_cast %add3A_693 : i32 to index
      %get3A_695 = arith.constant 0 : index
      %get3A_696 = tpu.vector_load %arg8[%get3A_694, %get3A_695] {strides = array<i32>} : memref<3328x16xf32, #tpu.memory_space<vmem>>, vector<16xf32>,
      %add3A_697 = arith.addf %add3A_689, %get3A_696 : vector<16xf32>
      %mul3A_698 = arith.mulf %get3A_696, %get3A_696 : vector<16xf32>
      %add3A_699 = arith.addf %add3A_691, %mul3A_698 : vector<16xf32>
      %add3A_700 = arith.constant 25 : i32
      %add3A_701 = arith.addi %mul3A_503, %add3A_700 : i32
      %get3A_702 = arith.index_cast %add3A_701 : i32 to index
      %get3A_703 = arith.constant 0 : index
      %get3A_704 = tpu.vector_load %arg8[%get3A_702, %get3A_703] {strides = array<i32>} : memref<3328x16xf32, #tpu.memory_space<vmem>>, vector<16xf32>,
      %add3A_705 = arith.addf %add3A_697, %get3A_704 : vector<16xf32>
      %mul3A_706 = arith.mulf %get3A_704, %get3A_704 : vector<16xf32>
      %add3A_707 = arith.addf %add3A_699, %mul3A_706 : vector<16xf32>
      %get3A_708 = arith.index_cast %mul3A_503 : i32 to index
      %get3A_709 = tpu.vector_load %arg9[%get3A_708] {strides = array<i32>} : memref<3328xf32, #tpu.memory_space<vmem>>, vector<16xf32>,
      %add3A_710 = arith.constant 10 : i32
      %add3A_711 = arith.addi %mul3A_503, %add3A_710 : i32
      %get3A_712 = arith.index_cast %add3A_711 : i32 to index
      %get3A_713 = tpu.vector_load %arg9[%get3A_712] {strides = array<i32>} : memref<3328xf32, #tpu.memory_space<vmem>>, vector<16xf32>,
      %mul3A_714 = arith.mulf %add3A_705, %add3A_705 : vector<16xf32>
      %sub3A_715 = arith.subf %mul3A_714, %add3A_707 : vector<16xf32>
      %mul3A_716 = arith.constant 5.000000e-01 : f32
      %mul3A_717 = vector.broadcast %mul3A_716 : f32 to vector<16xf32>
      %mul3A_718 = arith.mulf %mul3A_717, %sub3A_715 : vector<16xf32>
      %add3A_719 = arith.addf %mul3A_718, %get3A_709 : vector<16xf32>
      %mul3A_720 = arith.mulf %get3A_713, %convert_element_type3A_35 : vector<16xf32>
      %add3A_721 = arith.addf %add3A_719, %mul3A_720 : vector<16xf32>
      %reduce_sum3A_722 = arith.constant true
      %reduce_sum3A_723 = vector.broadcast %reduce_sum3A_722 : i1 to vector<16xi1>
      %reduce_sum3A_724 = tpu.scan <sum>, %add3A_721 masked %reduce_sum3A_723 : vector<16xf32>, vector<16xi1> -> vector<16xf32>
      %reduce_sum3A_725 = vector.extract %reduce_sum3A_724[15] : f32 from vector<16xf32>
      %eq3A_726 = arith.constant 2 : i32
      %eq3A_727 = vector.broadcast %eq3A_726 : i32 to vector<16xi32>
      %eq3A_728 = arith.cmpi eq, %iota3A, %eq3A_727 : vector<16xi32>
      %broadcast_in_dim3A_729 = vector.broadcast %reduce_sum3A_725 : f32 to vector<16xf32>
      %select_n3A_730 = arith.select %eq3A_728, %broadcast_in_dim3A_729, %select_n3A_497 : vector<16xi1>, vector<16xf32>
      %mul3A_731 = arith.constant 16 : i32
      %mul3A_732 = arith.muli %add3A_32, %mul3A_731 : i32
      %add3A_733 = arith.constant 3 : i32
      %add3A_734 = arith.addi %mul3A_732, %add3A_733 : i32
      %mul3A_735 = arith.constant 26 : i32
      %mul3A_736 = arith.muli %add3A_734, %mul3A_735 : i32
      %get3A_737 = arith.index_cast %mul3A_736 : i32 to index
      %get3A_738 = arith.constant 0 : index
      %get3A_739 = tpu.vector_load %arg8[%get3A_737, %get3A_738] {strides = array<i32>} : memref<3328x16xf32, #tpu.memory_space<vmem>>, vector<16xf32>,
      %mul3A_740 = arith.mulf %get3A_739, %get3A_739 : vector<16xf32>
      %add3A_741 = arith.constant 1 : i32
      %add3A_742 = arith.addi %mul3A_736, %add3A_741 : i32
      %get3A_743 = arith.index_cast %add3A_742 : i32 to index
      %get3A_744 = arith.constant 0 : index
      %get3A_745 = tpu.vector_load %arg8[%get3A_743, %get3A_744] {strides = array<i32>} : memref<3328x16xf32, #tpu.memory_space<vmem>>, vector<16xf32>,
      %add3A_746 = arith.addf %get3A_739, %get3A_745 : vector<16xf32>
      %mul3A_747 = arith.mulf %get3A_745, %get3A_745 : vector<16xf32>
      %add3A_748 = arith.addf %mul3A_740, %mul3A_747 : vector<16xf32>
      %add3A_749 = arith.constant 2 : i32
      %add3A_750 = arith.addi %mul3A_736, %add3A_749 : i32
      %get3A_751 = arith.index_cast %add3A_750 : i32 to index
      %get3A_752 = arith.constant 0 : index
      %get3A_753 = tpu.vector_load %arg8[%get3A_751, %get3A_752] {strides = array<i32>} : memref<3328x16xf32, #tpu.memory_space<vmem>>, vector<16xf32>,
      %add3A_754 = arith.addf %add3A_746, %get3A_753 : vector<16xf32>
      %mul3A_755 = arith.mulf %get3A_753, %get3A_753 : vector<16xf32>
      %add3A_756 = arith.addf %add3A_748, %mul3A_755 : vector<16xf32>
      %add3A_757 = arith.constant 3 : i32
      %add3A_758 = arith.addi %mul3A_736, %add3A_757 : i32
      %get3A_759 = arith.index_cast %add3A_758 : i32 to index
      %get3A_760 = arith.constant 0 : index
      %get3A_761 = tpu.vector_load %arg8[%get3A_759, %get3A_760] {strides = array<i32>} : memref<3328x16xf32, #tpu.memory_space<vmem>>, vector<16xf32>,
      %add3A_762 = arith.addf %add3A_754, %get3A_761 : vector<16xf32>
      %mul3A_763 = arith.mulf %get3A_761, %get3A_761 : vector<16xf32>
      %add3A_764 = arith.addf %add3A_756, %mul3A_763 : vector<16xf32>
      %add3A_765 = arith.constant 4 : i32
      %add3A_766 = arith.addi %mul3A_736, %add3A_765 : i32
      %get3A_767 = arith.index_cast %add3A_766 : i32 to index
      %get3A_768 = arith.constant 0 : index
      %get3A_769 = tpu.vector_load %arg8[%get3A_767, %get3A_768] {strides = array<i32>} : memref<3328x16xf32, #tpu.memory_space<vmem>>, vector<16xf32>,
      %add3A_770 = arith.addf %add3A_762, %get3A_769 : vector<16xf32>
      %mul3A_771 = arith.mulf %get3A_769, %get3A_769 : vector<16xf32>
      %add3A_772 = arith.addf %add3A_764, %mul3A_771 : vector<16xf32>
      %add3A_773 = arith.constant 5 : i32
      %add3A_774 = arith.addi %mul3A_736, %add3A_773 : i32
      %get3A_775 = arith.index_cast %add3A_774 : i32 to index
      %get3A_776 = arith.constant 0 : index
      %get3A_777 = tpu.vector_load %arg8[%get3A_775, %get3A_776] {strides = array<i32>} : memref<3328x16xf32, #tpu.memory_space<vmem>>, vector<16xf32>,
      %add3A_778 = arith.addf %add3A_770, %get3A_777 : vector<16xf32>
      %mul3A_779 = arith.mulf %get3A_777, %get3A_777 : vector<16xf32>
      %add3A_780 = arith.addf %add3A_772, %mul3A_779 : vector<16xf32>
      %add3A_781 = arith.constant 6 : i32
      %add3A_782 = arith.addi %mul3A_736, %add3A_781 : i32
      %get3A_783 = arith.index_cast %add3A_782 : i32 to index
      %get3A_784 = arith.constant 0 : index
      %get3A_785 = tpu.vector_load %arg8[%get3A_783, %get3A_784] {strides = array<i32>} : memref<3328x16xf32, #tpu.memory_space<vmem>>, vector<16xf32>,
      %add3A_786 = arith.addf %add3A_778, %get3A_785 : vector<16xf32>
      %mul3A_787 = arith.mulf %get3A_785, %get3A_785 : vector<16xf32>
      %add3A_788 = arith.addf %add3A_780, %mul3A_787 : vector<16xf32>
      %add3A_789 = arith.constant 7 : i32
      %add3A_790 = arith.addi %mul3A_736, %add3A_789 : i32
      %get3A_791 = arith.index_cast %add3A_790 : i32 to index
      %get3A_792 = arith.constant 0 : index
      %get3A_793 = tpu.vector_load %arg8[%get3A_791, %get3A_792] {strides = array<i32>} : memref<3328x16xf32, #tpu.memory_space<vmem>>, vector<16xf32>,
      %add3A_794 = arith.addf %add3A_786, %get3A_793 : vector<16xf32>
      %mul3A_795 = arith.mulf %get3A_793, %get3A_793 : vector<16xf32>
      %add3A_796 = arith.addf %add3A_788, %mul3A_795 : vector<16xf32>
      %add3A_797 = arith.constant 8 : i32
      %add3A_798 = arith.addi %mul3A_736, %add3A_797 : i32
      %get3A_799 = arith.index_cast %add3A_798 : i32 to index
      %get3A_800 = arith.constant 0 : index
      %get3A_801 = tpu.vector_load %arg8[%get3A_799, %get3A_800] {strides = array<i32>} : memref<3328x16xf32, #tpu.memory_space<vmem>>, vector<16xf32>,
      %add3A_802 = arith.addf %add3A_794, %get3A_801 : vector<16xf32>
      %mul3A_803 = arith.mulf %get3A_801, %get3A_801 : vector<16xf32>
      %add3A_804 = arith.addf %add3A_796, %mul3A_803 : vector<16xf32>
      %add3A_805 = arith.constant 9 : i32
      %add3A_806 = arith.addi %mul3A_736, %add3A_805 : i32
      %get3A_807 = arith.index_cast %add3A_806 : i32 to index
      %get3A_808 = arith.constant 0 : index
      %get3A_809 = tpu.vector_load %arg8[%get3A_807, %get3A_808] {strides = array<i32>} : memref<3328x16xf32, #tpu.memory_space<vmem>>, vector<16xf32>,
      %add3A_810 = arith.addf %add3A_802, %get3A_809 : vector<16xf32>
      %mul3A_811 = arith.mulf %get3A_809, %get3A_809 : vector<16xf32>
      %add3A_812 = arith.addf %add3A_804, %mul3A_811 : vector<16xf32>
      %add3A_813 = arith.constant 10 : i32
      %add3A_814 = arith.addi %mul3A_736, %add3A_813 : i32
      %get3A_815 = arith.index_cast %add3A_814 : i32 to index
      %get3A_816 = arith.constant 0 : index
      %get3A_817 = tpu.vector_load %arg8[%get3A_815, %get3A_816] {strides = array<i32>} : memref<3328x16xf32, #tpu.memory_space<vmem>>, vector<16xf32>,
      %add3A_818 = arith.addf %add3A_810, %get3A_817 : vector<16xf32>
      %mul3A_819 = arith.mulf %get3A_817, %get3A_817 : vector<16xf32>
      %add3A_820 = arith.addf %add3A_812, %mul3A_819 : vector<16xf32>
      %add3A_821 = arith.constant 11 : i32
      %add3A_822 = arith.addi %mul3A_736, %add3A_821 : i32
      %get3A_823 = arith.index_cast %add3A_822 : i32 to index
      %get3A_824 = arith.constant 0 : index
      %get3A_825 = tpu.vector_load %arg8[%get3A_823, %get3A_824] {strides = array<i32>} : memref<3328x16xf32, #tpu.memory_space<vmem>>, vector<16xf32>,
      %add3A_826 = arith.addf %add3A_818, %get3A_825 : vector<16xf32>
      %mul3A_827 = arith.mulf %get3A_825, %get3A_825 : vector<16xf32>
      %add3A_828 = arith.addf %add3A_820, %mul3A_827 : vector<16xf32>
      %add3A_829 = arith.constant 12 : i32
      %add3A_830 = arith.addi %mul3A_736, %add3A_829 : i32
      %get3A_831 = arith.index_cast %add3A_830 : i32 to index
      %get3A_832 = arith.constant 0 : index
      %get3A_833 = tpu.vector_load %arg8[%get3A_831, %get3A_832] {strides = array<i32>} : memref<3328x16xf32, #tpu.memory_space<vmem>>, vector<16xf32>,
      %add3A_834 = arith.addf %add3A_826, %get3A_833 : vector<16xf32>
      %mul3A_835 = arith.mulf %get3A_833, %get3A_833 : vector<16xf32>
      %add3A_836 = arith.addf %add3A_828, %mul3A_835 : vector<16xf32>
      %add3A_837 = arith.constant 13 : i32
      %add3A_838 = arith.addi %mul3A_736, %add3A_837 : i32
      %get3A_839 = arith.index_cast %add3A_838 : i32 to index
      %get3A_840 = arith.constant 0 : index
      %get3A_841 = tpu.vector_load %arg8[%get3A_839, %get3A_840] {strides = array<i32>} : memref<3328x16xf32, #tpu.memory_space<vmem>>, vector<16xf32>,
      %add3A_842 = arith.addf %add3A_834, %get3A_841 : vector<16xf32>
      %mul3A_843 = arith.mulf %get3A_841, %get3A_841 : vector<16xf32>
      %add3A_844 = arith.addf %add3A_836, %mul3A_843 : vector<16xf32>
      %add3A_845 = arith.constant 14 : i32
      %add3A_846 = arith.addi %mul3A_736, %add3A_845 : i32
      %get3A_847 = arith.index_cast %add3A_846 : i32 to index
      %get3A_848 = arith.constant 0 : index
      %get3A_849 = tpu.vector_load %arg8[%get3A_847, %get3A_848] {strides = array<i32>} : memref<3328x16xf32, #tpu.memory_space<vmem>>, vector<16xf32>,
      %add3A_850 = arith.addf %add3A_842, %get3A_849 : vector<16xf32>
      %mul3A_851 = arith.mulf %get3A_849, %get3A_849 : vector<16xf32>
      %add3A_852 = arith.addf %add3A_844, %mul3A_851 : vector<16xf32>
      %add3A_853 = arith.constant 15 : i32
      %add3A_854 = arith.addi %mul3A_736, %add3A_853 : i32
      %get3A_855 = arith.index_cast %add3A_854 : i32 to index
      %get3A_856 = arith.constant 0 : index
      %get3A_857 = tpu.vector_load %arg8[%get3A_855, %get3A_856] {strides = array<i32>} : memref<3328x16xf32, #tpu.memory_space<vmem>>, vector<16xf32>,
      %add3A_858 = arith.addf %add3A_850, %get3A_857 : vector<16xf32>
      %mul3A_859 = arith.mulf %get3A_857, %get3A_857 : vector<16xf32>
      %add3A_860 = arith.addf %add3A_852, %mul3A_859 : vector<16xf32>
      %add3A_861 = arith.constant 16 : i32
      %add3A_862 = arith.addi %mul3A_736, %add3A_861 : i32
      %get3A_863 = arith.index_cast %add3A_862 : i32 to index
      %get3A_864 = arith.constant 0 : index
      %get3A_865 = tpu.vector_load %arg8[%get3A_863, %get3A_864] {strides = array<i32>} : memref<3328x16xf32, #tpu.memory_space<vmem>>, vector<16xf32>,
      %add3A_866 = arith.addf %add3A_858, %get3A_865 : vector<16xf32>
      %mul3A_867 = arith.mulf %get3A_865, %get3A_865 : vector<16xf32>
      %add3A_868 = arith.addf %add3A_860, %mul3A_867 : vector<16xf32>
      %add3A_869 = arith.constant 17 : i32
      %add3A_870 = arith.addi %mul3A_736, %add3A_869 : i32
      %get3A_871 = arith.index_cast %add3A_870 : i32 to index
      %get3A_872 = arith.constant 0 : index
      %get3A_873 = tpu.vector_load %arg8[%get3A_871, %get3A_872] {strides = array<i32>} : memref<3328x16xf32, #tpu.memory_space<vmem>>, vector<16xf32>,
      %add3A_874 = arith.addf %add3A_866, %get3A_873 : vector<16xf32>
      %mul3A_875 = arith.mulf %get3A_873, %get3A_873 : vector<16xf32>
      %add3A_876 = arith.addf %add3A_868, %mul3A_875 : vector<16xf32>
      %add3A_877 = arith.constant 18 : i32
      %add3A_878 = arith.addi %mul3A_736, %add3A_877 : i32
      %get3A_879 = arith.index_cast %add3A_878 : i32 to index
      %get3A_880 = arith.constant 0 : index
      %get3A_881 = tpu.vector_load %arg8[%get3A_879, %get3A_880] {strides = array<i32>} : memref<3328x16xf32, #tpu.memory_space<vmem>>, vector<16xf32>,
      %add3A_882 = arith.addf %add3A_874, %get3A_881 : vector<16xf32>
      %mul3A_883 = arith.mulf %get3A_881, %get3A_881 : vector<16xf32>
      %add3A_884 = arith.addf %add3A_876, %mul3A_883 : vector<16xf32>
      %add3A_885 = arith.constant 19 : i32
      %add3A_886 = arith.addi %mul3A_736, %add3A_885 : i32
      %get3A_887 = arith.index_cast %add3A_886 : i32 to index
      %get3A_888 = arith.constant 0 : index
      %get3A_889 = tpu.vector_load %arg8[%get3A_887, %get3A_888] {strides = array<i32>} : memref<3328x16xf32, #tpu.memory_space<vmem>>, vector<16xf32>,
      %add3A_890 = arith.addf %add3A_882, %get3A_889 : vector<16xf32>
      %mul3A_891 = arith.mulf %get3A_889, %get3A_889 : vector<16xf32>
      %add3A_892 = arith.addf %add3A_884, %mul3A_891 : vector<16xf32>
      %add3A_893 = arith.constant 20 : i32
      %add3A_894 = arith.addi %mul3A_736, %add3A_893 : i32
      %get3A_895 = arith.index_cast %add3A_894 : i32 to index
      %get3A_896 = arith.constant 0 : index
      %get3A_897 = tpu.vector_load %arg8[%get3A_895, %get3A_896] {strides = array<i32>} : memref<3328x16xf32, #tpu.memory_space<vmem>>, vector<16xf32>,
      %add3A_898 = arith.addf %add3A_890, %get3A_897 : vector<16xf32>
      %mul3A_899 = arith.mulf %get3A_897, %get3A_897 : vector<16xf32>
      %add3A_900 = arith.addf %add3A_892, %mul3A_899 : vector<16xf32>
      %add3A_901 = arith.constant 21 : i32
      %add3A_902 = arith.addi %mul3A_736, %add3A_901 : i32
      %get3A_903 = arith.index_cast %add3A_902 : i32 to index
      %get3A_904 = arith.constant 0 : index
      %get3A_905 = tpu.vector_load %arg8[%get3A_903, %get3A_904] {strides = array<i32>} : memref<3328x16xf32, #tpu.memory_space<vmem>>, vector<16xf32>,
      %add3A_906 = arith.addf %add3A_898, %get3A_905 : vector<16xf32>
      %mul3A_907 = arith.mulf %get3A_905, %get3A_905 : vector<16xf32>
      %add3A_908 = arith.addf %add3A_900, %mul3A_907 : vector<16xf32>
      %add3A_909 = arith.constant 22 : i32
      %add3A_910 = arith.addi %mul3A_736, %add3A_909 : i32
      %get3A_911 = arith.index_cast %add3A_910 : i32 to index
      %get3A_912 = arith.constant 0 : index
      %get3A_913 = tpu.vector_load %arg8[%get3A_911, %get3A_912] {strides = array<i32>} : memref<3328x16xf32, #tpu.memory_space<vmem>>, vector<16xf32>,
      %add3A_914 = arith.addf %add3A_906, %get3A_913 : vector<16xf32>
      %mul3A_915 = arith.mulf %get3A_913, %get3A_913 : vector<16xf32>
      %add3A_916 = arith.addf %add3A_908, %mul3A_915 : vector<16xf32>
      %add3A_917 = arith.constant 23 : i32
      %add3A_918 = arith.addi %mul3A_736, %add3A_917 : i32
      %get3A_919 = arith.index_cast %add3A_918 : i32 to index
      %get3A_920 = arith.constant 0 : index
      %get3A_921 = tpu.vector_load %arg8[%get3A_919, %get3A_920] {strides = array<i32>} : memref<3328x16xf32, #tpu.memory_space<vmem>>, vector<16xf32>,
      %add3A_922 = arith.addf %add3A_914, %get3A_921 : vector<16xf32>
      %mul3A_923 = arith.mulf %get3A_921, %get3A_921 : vector<16xf32>
      %add3A_924 = arith.addf %add3A_916, %mul3A_923 : vector<16xf32>
      %add3A_925 = arith.constant 24 : i32
      %add3A_926 = arith.addi %mul3A_736, %add3A_925 : i32
      %get3A_927 = arith.index_cast %add3A_926 : i32 to index
      %get3A_928 = arith.constant 0 : index
      %get3A_929 = tpu.vector_load %arg8[%get3A_927, %get3A_928] {strides = array<i32>} : memref<3328x16xf32, #tpu.memory_space<vmem>>, vector<16xf32>,
      %add3A_930 = arith.addf %add3A_922, %get3A_929 : vector<16xf32>
      %mul3A_931 = arith.mulf %get3A_929, %get3A_929 : vector<16xf32>
      %add3A_932 = arith.addf %add3A_924, %mul3A_931 : vector<16xf32>
      %add3A_933 = arith.constant 25 : i32
      %add3A_934 = arith.addi %mul3A_736, %add3A_933 : i32
      %get3A_935 = arith.index_cast %add3A_934 : i32 to index
      %get3A_936 = arith.constant 0 : index
      %get3A_937 = tpu.vector_load %arg8[%get3A_935, %get3A_936] {strides = array<i32>} : memref<3328x16xf32, #tpu.memory_space<vmem>>, vector<16xf32>,
      %add3A_938 = arith.addf %add3A_930, %get3A_937 : vector<16xf32>
      %mul3A_939 = arith.mulf %get3A_937, %get3A_937 : vector<16xf32>
      %add3A_940 = arith.addf %add3A_932, %mul3A_939 : vector<16xf32>
      %get3A_941 = arith.index_cast %mul3A_736 : i32 to index
      %get3A_942 = tpu.vector_load %arg9[%get3A_941] {strides = array<i32>} : memref<3328xf32, #tpu.memory_space<vmem>>, vector<16xf32>,
      %add3A_943 = arith.constant 10 : i32
      %add3A_944 = arith.addi %mul3A_736, %add3A_943 : i32
      %get3A_945 = arith.index_cast %add3A_944 : i32 to index
      %get3A_946 = tpu.vector_load %arg9[%get3A_945] {strides = array<i32>} : memref<3328xf32, #tpu.memory_space<vmem>>, vector<16xf32>,
      %mul3A_947 = arith.mulf %add3A_938, %add3A_938 : vector<16xf32>
      %sub3A_948 = arith.subf %mul3A_947, %add3A_940 : vector<16xf32>
      %mul3A_949 = arith.constant 5.000000e-01 : f32
      %mul3A_950 = vector.broadcast %mul3A_949 : f32 to vector<16xf32>
      %mul3A_951 = arith.mulf %mul3A_950, %sub3A_948 : vector<16xf32>
      %add3A_952 = arith.addf %mul3A_951, %get3A_942 : vector<16xf32>
      %mul3A_953 = arith.mulf %get3A_946, %convert_element_type3A_35 : vector<16xf32>
      %add3A_954 = arith.addf %add3A_952, %mul3A_953 : vector<16xf32>
      %reduce_sum3A_955 = arith.constant true
      %reduce_sum3A_956 = vector.broadcast %reduce_sum3A_955 : i1 to vector<16xi1>
      %reduce_sum3A_957 = tpu.scan <sum>, %add3A_954 masked %reduce_sum3A_956 : vector<16xf32>, vector<16xi1> -> vector<16xf32>
      %reduce_sum3A_958 = vector.extract %reduce_sum3A_957[15] : f32 from vector<16xf32>
      %eq3A_959 = arith.constant 3 : i32
      %eq3A_960 = vector.broadcast %eq3A_959 : i32 to vector<16xi32>
      %eq3A_961 = arith.cmpi eq, %iota3A, %eq3A_960 : vector<16xi32>
      %broadcast_in_dim3A_962 = vector.broadcast %reduce_sum3A_958 : f32 to vector<16xf32>
      %select_n3A_963 = arith.select %eq3A_961, %broadcast_in_dim3A_962, %select_n3A_730 : vector<16xi1>, vector<16xf32>
      %mul3A_964 = arith.constant 16 : i32
      %mul3A_965 = arith.muli %add3A_32, %mul3A_964 : i32
      %add3A_966 = arith.constant 4 : i32
      %add3A_967 = arith.addi %mul3A_965, %add3A_966 : i32
      %mul3A_968 = arith.constant 26 : i32
      %mul3A_969 = arith.muli %add3A_967, %mul3A_968 : i32
      %get3A_970 = arith.index_cast %mul3A_969 : i32 to index
      %get3A_971 = arith.constant 0 : index
      %get3A_972 = tpu.vector_load %arg8[%get3A_970, %get3A_971] {strides = array<i32>} : memref<3328x16xf32, #tpu.memory_space<vmem>>, vector<16xf32>,
      %mul3A_973 = arith.mulf %get3A_972, %get3A_972 : vector<16xf32>
      %add3A_974 = arith.constant 1 : i32
      %add3A_975 = arith.addi %mul3A_969, %add3A_974 : i32
      %get3A_976 = arith.index_cast %add3A_975 : i32 to index
      %get3A_977 = arith.constant 0 : index
      %get3A_978 = tpu.vector_load %arg8[%get3A_976, %get3A_977] {strides = array<i32>} : memref<3328x16xf32, #tpu.memory_space<vmem>>, vector<16xf32>,
      %add3A_979 = arith.addf %get3A_972, %get3A_978 : vector<16xf32>
      %mul3A_980 = arith.mulf %get3A_978, %get3A_978 : vector<16xf32>
      %add3A_981 = arith.addf %mul3A_973, %mul3A_980 : vector<16xf32>
      %add3A_982 = arith.constant 2 : i32
      %add3A_983 = arith.addi %mul3A_969, %add3A_982 : i32
      %get3A_984 = arith.index_cast %add3A_983 : i32 to index
      %get3A_985 = arith.constant 0 : index
      %get3A_986 = tpu.vector_load %arg8[%get3A_984, %get3A_985] {strides = array<i32>} : memref<3328x16xf32, #tpu.memory_space<vmem>>, vector<16xf32>,
      %add3A_987 = arith.addf %add3A_979, %get3A_986 : vector<16xf32>
      %mul3A_988 = arith.mulf %get3A_986, %get3A_986 : vector<16xf32>
      %add3A_989 = arith.addf %add3A_981, %mul3A_988 : vector<16xf32>
      %add3A_990 = arith.constant 3 : i32
      %add3A_991 = arith.addi %mul3A_969, %add3A_990 : i32
      %get3A_992 = arith.index_cast %add3A_991 : i32 to index
      %get3A_993 = arith.constant 0 : index
      %get3A_994 = tpu.vector_load %arg8[%get3A_992, %get3A_993] {strides = array<i32>} : memref<3328x16xf32, #tpu.memory_space<vmem>>, vector<16xf32>,
      %add3A_995 = arith.addf %add3A_987, %get3A_994 : vector<16xf32>
      %mul3A_996 = arith.mulf %get3A_994, %get3A_994 : vector<16xf32>
      %add3A_997 = arith.addf %add3A_989, %mul3A_996 : vector<16xf32>
      %add3A_998 = arith.constant 4 : i32
      %add3A_999 = arith.addi %mul3A_969, %add3A_998 : i32
      %get3A_1000 = arith.index_cast %add3A_999 : i32 to index
      %get3A_1001 = arith.constant 0 : index
      %get3A_1002 = tpu.vector_load %arg8[%get3A_1000, %get3A_1001] {strides = array<i32>} : memref<3328x16xf32, #tpu.memory_space<vmem>>, vector<16xf32>,
      %add3A_1003 = arith.addf %add3A_995, %get3A_1002 : vector<16xf32>
      %mul3A_1004 = arith.mulf %get3A_1002, %get3A_1002 : vector<16xf32>
      %add3A_1005 = arith.addf %add3A_997, %mul3A_1004 : vector<16xf32>
      %add3A_1006 = arith.constant 5 : i32
      %add3A_1007 = arith.addi %mul3A_969, %add3A_1006 : i32
      %get3A_1008 = arith.index_cast %add3A_1007 : i32 to index
      %get3A_1009 = arith.constant 0 : index
      %get3A_1010 = tpu.vector_load %arg8[%get3A_1008, %get3A_1009] {strides = array<i32>} : memref<3328x16xf32, #tpu.memory_space<vmem>>, vector<16xf32>,
      %add3A_1011 = arith.addf %add3A_1003, %get3A_1010 : vector<16xf32>
      %mul3A_1012 = arith.mulf %get3A_1010, %get3A_1010 : vector<16xf32>
      %add3A_1013 = arith.addf %add3A_1005, %mul3A_1012 : vector<16xf32>
      %add3A_1014 = arith.constant 6 : i32
      %add3A_1015 = arith.addi %mul3A_969, %add3A_1014 : i32
      %get3A_1016 = arith.index_cast %add3A_1015 : i32 to index
      %get3A_1017 = arith.constant 0 : index
      %get3A_1018 = tpu.vector_load %arg8[%get3A_1016, %get3A_1017] {strides = array<i32>} : memref<3328x16xf32, #tpu.memory_space<vmem>>, vector<16xf32>,
      %add3A_1019 = arith.addf %add3A_1011, %get3A_1018 : vector<16xf32>
      %mul3A_1020 = arith.mulf %get3A_1018, %get3A_1018 : vector<16xf32>
      %add3A_1021 = arith.addf %add3A_1013, %mul3A_1020 : vector<16xf32>
      %add3A_1022 = arith.constant 7 : i32
      %add3A_1023 = arith.addi %mul3A_969, %add3A_1022 : i32
      %get3A_1024 = arith.index_cast %add3A_1023 : i32 to index
      %get3A_1025 = arith.constant 0 : index
      %get3A_1026 = tpu.vector_load %arg8[%get3A_1024, %get3A_1025] {strides = array<i32>} : memref<3328x16xf32, #tpu.memory_space<vmem>>, vector<16xf32>,
      %add3A_1027 = arith.addf %add3A_1019, %get3A_1026 : vector<16xf32>
      %mul3A_1028 = arith.mulf %get3A_1026, %get3A_1026 : vector<16xf32>
      %add3A_1029 = arith.addf %add3A_1021, %mul3A_1028 : vector<16xf32>
      %add3A_1030 = arith.constant 8 : i32
      %add3A_1031 = arith.addi %mul3A_969, %add3A_1030 : i32
      %get3A_1032 = arith.index_cast %add3A_1031 : i32 to index
      %get3A_1033 = arith.constant 0 : index
      %get3A_1034 = tpu.vector_load %arg8[%get3A_1032, %get3A_1033] {strides = array<i32>} : memref<3328x16xf32, #tpu.memory_space<vmem>>, vector<16xf32>,
      %add3A_1035 = arith.addf %add3A_1027, %get3A_1034 : vector<16xf32>
      %mul3A_1036 = arith.mulf %get3A_1034, %get3A_1034 : vector<16xf32>
      %add3A_1037 = arith.addf %add3A_1029, %mul3A_1036 : vector<16xf32>
      %add3A_1038 = arith.constant 9 : i32
      %add3A_1039 = arith.addi %mul3A_969, %add3A_1038 : i32
      %get3A_1040 = arith.index_cast %add3A_1039 : i32 to index
      %get3A_1041 = arith.constant 0 : index
      %get3A_1042 = tpu.vector_load %arg8[%get3A_1040, %get3A_1041] {strides = array<i32>} : memref<3328x16xf32, #tpu.memory_space<vmem>>, vector<16xf32>,
      %add3A_1043 = arith.addf %add3A_1035, %get3A_1042 : vector<16xf32>
      %mul3A_1044 = arith.mulf %get3A_1042, %get3A_1042 : vector<16xf32>
      %add3A_1045 = arith.addf %add3A_1037, %mul3A_1044 : vector<16xf32>
      %add3A_1046 = arith.constant 10 : i32
      %add3A_1047 = arith.addi %mul3A_969, %add3A_1046 : i32
      %get3A_1048 = arith.index_cast %add3A_1047 : i32 to index
      %get3A_1049 = arith.constant 0 : index
      %get3A_1050 = tpu.vector_load %arg8[%get3A_1048, %get3A_1049] {strides = array<i32>} : memref<3328x16xf32, #tpu.memory_space<vmem>>, vector<16xf32>,
      %add3A_1051 = arith.addf %add3A_1043, %get3A_1050 : vector<16xf32>
      %mul3A_1052 = arith.mulf %get3A_1050, %get3A_1050 : vector<16xf32>
      %add3A_1053 = arith.addf %add3A_1045, %mul3A_1052 : vector<16xf32>
      %add3A_1054 = arith.constant 11 : i32
      %add3A_1055 = arith.addi %mul3A_969, %add3A_1054 : i32
      %get3A_1056 = arith.index_cast %add3A_1055 : i32 to index
      %get3A_1057 = arith.constant 0 : index
      %get3A_1058 = tpu.vector_load %arg8[%get3A_1056, %get3A_1057] {strides = array<i32>} : memref<3328x16xf32, #tpu.memory_space<vmem>>, vector<16xf32>,
      %add3A_1059 = arith.addf %add3A_1051, %get3A_1058 : vector<16xf32>
      %mul3A_1060 = arith.mulf %get3A_1058, %get3A_1058 : vector<16xf32>
      %add3A_1061 = arith.addf %add3A_1053, %mul3A_1060 : vector<16xf32>
      %add3A_1062 = arith.constant 12 : i32
      %add3A_1063 = arith.addi %mul3A_969, %add3A_1062 : i32
      %get3A_1064 = arith.index_cast %add3A_1063 : i32 to index
      %get3A_1065 = arith.constant 0 : index
      %get3A_1066 = tpu.vector_load %arg8[%get3A_1064, %get3A_1065] {strides = array<i32>} : memref<3328x16xf32, #tpu.memory_space<vmem>>, vector<16xf32>,
      %add3A_1067 = arith.addf %add3A_1059, %get3A_1066 : vector<16xf32>
      %mul3A_1068 = arith.mulf %get3A_1066, %get3A_1066 : vector<16xf32>
      %add3A_1069 = arith.addf %add3A_1061, %mul3A_1068 : vector<16xf32>
      %add3A_1070 = arith.constant 13 : i32
      %add3A_1071 = arith.addi %mul3A_969, %add3A_1070 : i32
      %get3A_1072 = arith.index_cast %add3A_1071 : i32 to index
      %get3A_1073 = arith.constant 0 : index
      %get3A_1074 = tpu.vector_load %arg8[%get3A_1072, %get3A_1073] {strides = array<i32>} : memref<3328x16xf32, #tpu.memory_space<vmem>>, vector<16xf32>,
      %add3A_1075 = arith.addf %add3A_1067, %get3A_1074 : vector<16xf32>
      %mul3A_1076 = arith.mulf %get3A_1074, %get3A_1074 : vector<16xf32>
      %add3A_1077 = arith.addf %add3A_1069, %mul3A_1076 : vector<16xf32>
      %add3A_1078 = arith.constant 14 : i32
      %add3A_1079 = arith.addi %mul3A_969, %add3A_1078 : i32
      %get3A_1080 = arith.index_cast %add3A_1079 : i32 to index
      %get3A_1081 = arith.constant 0 : index
      %get3A_1082 = tpu.vector_load %arg8[%get3A_1080, %get3A_1081] {strides = array<i32>} : memref<3328x16xf32, #tpu.memory_space<vmem>>, vector<16xf32>,
      %add3A_1083 = arith.addf %add3A_1075, %get3A_1082 : vector<16xf32>
      %mul3A_1084 = arith.mulf %get3A_1082, %get3A_1082 : vector<16xf32>
      %add3A_1085 = arith.addf %add3A_1077, %mul3A_1084 : vector<16xf32>
      %add3A_1086 = arith.constant 15 : i32
      %add3A_1087 = arith.addi %mul3A_969, %add3A_1086 : i32
      %get3A_1088 = arith.index_cast %add3A_1087 : i32 to index
      %get3A_1089 = arith.constant 0 : index
      %get3A_1090 = tpu.vector_load %arg8[%get3A_1088, %get3A_1089] {strides = array<i32>} : memref<3328x16xf32, #tpu.memory_space<vmem>>, vector<16xf32>,
      %add3A_1091 = arith.addf %add3A_1083, %get3A_1090 : vector<16xf32>
      %mul3A_1092 = arith.mulf %get3A_1090, %get3A_1090 : vector<16xf32>
      %add3A_1093 = arith.addf %add3A_1085, %mul3A_1092 : vector<16xf32>
      %add3A_1094 = arith.constant 16 : i32
      %add3A_1095 = arith.addi %mul3A_969, %add3A_1094 : i32
      %get3A_1096 = arith.index_cast %add3A_1095 : i32 to index
      %get3A_1097 = arith.constant 0 : index
      %get3A_1098 = tpu.vector_load %arg8[%get3A_1096, %get3A_1097] {strides = array<i32>} : memref<3328x16xf32, #tpu.memory_space<vmem>>, vector<16xf32>,
      %add3A_1099 = arith.addf %add3A_1091, %get3A_1098 : vector<16xf32>
      %mul3A_1100 = arith.mulf %get3A_1098, %get3A_1098 : vector<16xf32>
      %add3A_1101 = arith.addf %add3A_1093, %mul3A_1100 : vector<16xf32>
      %add3A_1102 = arith.constant 17 : i32
      %add3A_1103 = arith.addi %mul3A_969, %add3A_1102 : i32
      %get3A_1104 = arith.index_cast %add3A_1103 : i32 to index
      %get3A_1105 = arith.constant 0 : index
      %get3A_1106 = tpu.vector_load %arg8[%get3A_1104, %get3A_1105] {strides = array<i32>} : memref<3328x16xf32, #tpu.memory_space<vmem>>, vector<16xf32>,
      %add3A_1107 = arith.addf %add3A_1099, %get3A_1106 : vector<16xf32>
      %mul3A_1108 = arith.mulf %get3A_1106, %get3A_1106 : vector<16xf32>
      %add3A_1109 = arith.addf %add3A_1101, %mul3A_1108 : vector<16xf32>
      %add3A_1110 = arith.constant 18 : i32
      %add3A_1111 = arith.addi %mul3A_969, %add3A_1110 : i32
      %get3A_1112 = arith.index_cast %add3A_1111 : i32 to index
      %get3A_1113 = arith.constant 0 : index
      %get3A_1114 = tpu.vector_load %arg8[%get3A_1112, %get3A_1113] {strides = array<i32>} : memref<3328x16xf32, #tpu.memory_space<vmem>>, vector<16xf32>,
      %add3A_1115 = arith.addf %add3A_1107, %get3A_1114 : vector<16xf32>
      %mul3A_1116 = arith.mulf %get3A_1114, %get3A_1114 : vector<16xf32>
      %add3A_1117 = arith.addf %add3A_1109, %mul3A_1116 : vector<16xf32>
      %add3A_1118 = arith.constant 19 : i32
      %add3A_1119 = arith.addi %mul3A_969, %add3A_1118 : i32
      %get3A_1120 = arith.index_cast %add3A_1119 : i32 to index
      %get3A_1121 = arith.constant 0 : index
      %get3A_1122 = tpu.vector_load %arg8[%get3A_1120, %get3A_1121] {strides = array<i32>} : memref<3328x16xf32, #tpu.memory_space<vmem>>, vector<16xf32>,
      %add3A_1123 = arith.addf %add3A_1115, %get3A_1122 : vector<16xf32>
      %mul3A_1124 = arith.mulf %get3A_1122, %get3A_1122 : vector<16xf32>
      %add3A_1125 = arith.addf %add3A_1117, %mul3A_1124 : vector<16xf32>
      %add3A_1126 = arith.constant 20 : i32
      %add3A_1127 = arith.addi %mul3A_969, %add3A_1126 : i32
      %get3A_1128 = arith.index_cast %add3A_1127 : i32 to index
      %get3A_1129 = arith.constant 0 : index
      %get3A_1130 = tpu.vector_load %arg8[%get3A_1128, %get3A_1129] {strides = array<i32>} : memref<3328x16xf32, #tpu.memory_space<vmem>>, vector<16xf32>,
      %add3A_1131 = arith.addf %add3A_1123, %get3A_1130 : vector<16xf32>
      %mul3A_1132 = arith.mulf %get3A_1130, %get3A_1130 : vector<16xf32>
      %add3A_1133 = arith.addf %add3A_1125, %mul3A_1132 : vector<16xf32>
      %add3A_1134 = arith.constant 21 : i32
      %add3A_1135 = arith.addi %mul3A_969, %add3A_1134 : i32
      %get3A_1136 = arith.index_cast %add3A_1135 : i32 to index
      %get3A_1137 = arith.constant 0 : index
      %get3A_1138 = tpu.vector_load %arg8[%get3A_1136, %get3A_1137] {strides = array<i32>} : memref<3328x16xf32, #tpu.memory_space<vmem>>, vector<16xf32>,
      %add3A_1139 = arith.addf %add3A_1131, %get3A_1138 : vector<16xf32>
      %mul3A_1140 = arith.mulf %get3A_1138, %get3A_1138 : vector<16xf32>
      %add3A_1141 = arith.addf %add3A_1133, %mul3A_1140 : vector<16xf32>
      %add3A_1142 = arith.constant 22 : i32
      %add3A_1143 = arith.addi %mul3A_969, %add3A_1142 : i32
      %get3A_1144 = arith.index_cast %add3A_1143 : i32 to index
      %get3A_1145 = arith.constant 0 : index
      %get3A_1146 = tpu.vector_load %arg8[%get3A_1144, %get3A_1145] {strides = array<i32>} : memref<3328x16xf32, #tpu.memory_space<vmem>>, vector<16xf32>,
      %add3A_1147 = arith.addf %add3A_1139, %get3A_1146 : vector<16xf32>
      %mul3A_1148 = arith.mulf %get3A_1146, %get3A_1146 : vector<16xf32>
      %add3A_1149 = arith.addf %add3A_1141, %mul3A_1148 : vector<16xf32>
      %add3A_1150 = arith.constant 23 : i32
      %add3A_1151 = arith.addi %mul3A_969, %add3A_1150 : i32
      %get3A_1152 = arith.index_cast %add3A_1151 : i32 to index
      %get3A_1153 = arith.constant 0 : index
      %get3A_1154 = tpu.vector_load %arg8[%get3A_1152, %get3A_1153] {strides = array<i32>} : memref<3328x16xf32, #tpu.memory_space<vmem>>, vector<16xf32>,
      %add3A_1155 = arith.addf %add3A_1147, %get3A_1154 : vector<16xf32>
      %mul3A_1156 = arith.mulf %get3A_1154, %get3A_1154 : vector<16xf32>
      %add3A_1157 = arith.addf %add3A_1149, %mul3A_1156 : vector<16xf32>
      %add3A_1158 = arith.constant 24 : i32
      %add3A_1159 = arith.addi %mul3A_969, %add3A_1158 : i32
      %get3A_1160 = arith.index_cast %add3A_1159 : i32 to index
      %get3A_1161 = arith.constant 0 : index
      %get3A_1162 = tpu.vector_load %arg8[%get3A_1160, %get3A_1161] {strides = array<i32>} : memref<3328x16xf32, #tpu.memory_space<vmem>>, vector<16xf32>,
      %add3A_1163 = arith.addf %add3A_1155, %get3A_1162 : vector<16xf32>
      %mul3A_1164 = arith.mulf %get3A_1162, %get3A_1162 : vector<16xf32>
      %add3A_1165 = arith.addf %add3A_1157, %mul3A_1164 : vector<16xf32>
      %add3A_1166 = arith.constant 25 : i32
      %add3A_1167 = arith.addi %mul3A_969, %add3A_1166 : i32
      %get3A_1168 = arith.index_cast %add3A_1167 : i32 to index
      %get3A_1169 = arith.constant 0 : index
      %get3A_1170 = tpu.vector_load %arg8[%get3A_1168, %get3A_1169] {strides = array<i32>} : memref<3328x16xf32, #tpu.memory_space<vmem>>, vector<16xf32>,
      %add3A_1171 = arith.addf %add3A_1163, %get3A_1170 : vector<16xf32>
      %mul3A_1172 = arith.mulf %get3A_1170, %get3A_1170 : vector<16xf32>
      %add3A_1173 = arith.addf %add3A_1165, %mul3A_1172 : vector<16xf32>
      %get3A_1174 = arith.index_cast %mul3A_969 : i32 to index
      %get3A_1175 = tpu.vector_load %arg9[%get3A_1174] {strides = array<i32>} : memref<3328xf32, #tpu.memory_space<vmem>>, vector<16xf32>,
      %add3A_1176 = arith.constant 10 : i32
      %add3A_1177 = arith.addi %mul3A_969, %add3A_1176 : i32
      %get3A_1178 = arith.index_cast %add3A_1177 : i32 to index
      %get3A_1179 = tpu.vector_load %arg9[%get3A_1178] {strides = array<i32>} : memref<3328xf32, #tpu.memory_space<vmem>>, vector<16xf32>,
      %mul3A_1180 = arith.mulf %add3A_1171, %add3A_1171 : vector<16xf32>
      %sub3A_1181 = arith.subf %mul3A_1180, %add3A_1173 : vector<16xf32>
      %mul3A_1182 = arith.constant 5.000000e-01 : f32
      %mul3A_1183 = vector.broadcast %mul3A_1182 : f32 to vector<16xf32>
      %mul3A_1184 = arith.mulf %mul3A_1183, %sub3A_1181 : vector<16xf32>
      %add3A_1185 = arith.addf %mul3A_1184, %get3A_1175 : vector<16xf32>
      %mul3A_1186 = arith.mulf %get3A_1179, %convert_element_type3A_35 : vector<16xf32>
      %add3A_1187 = arith.addf %add3A_1185, %mul3A_1186 : vector<16xf32>
      %reduce_sum3A_1188 = arith.constant true
      %reduce_sum3A_1189 = vector.broadcast %reduce_sum3A_1188 : i1 to vector<16xi1>
      %reduce_sum3A_1190 = tpu.scan <sum>, %add3A_1187 masked %reduce_sum3A_1189 : vector<16xf32>, vector<16xi1> -> vector<16xf32>
      %reduce_sum3A_1191 = vector.extract %reduce_sum3A_1190[15] : f32 from vector<16xf32>
      %eq3A_1192 = arith.constant 4 : i32
      %eq3A_1193 = vector.broadcast %eq3A_1192 : i32 to vector<16xi32>
      %eq3A_1194 = arith.cmpi eq, %iota3A, %eq3A_1193 : vector<16xi32>
      %broadcast_in_dim3A_1195 = vector.broadcast %reduce_sum3A_1191 : f32 to vector<16xf32>
      %select_n3A_1196 = arith.select %eq3A_1194, %broadcast_in_dim3A_1195, %select_n3A_963 : vector<16xi1>, vector<16xf32>
      %mul3A_1197 = arith.constant 16 : i32
      %mul3A_1198 = arith.muli %add3A_32, %mul3A_1197 : i32
      %add3A_1199 = arith.constant 5 : i32
      %add3A_1200 = arith.addi %mul3A_1198, %add3A_1199 : i32
      %mul3A_1201 = arith.constant 26 : i32
      %mul3A_1202 = arith.muli %add3A_1200, %mul3A_1201 : i32
      %get3A_1203 = arith.index_cast %mul3A_1202 : i32 to index
      %get3A_1204 = arith.constant 0 : index
      %get3A_1205 = tpu.vector_load %arg8[%get3A_1203, %get3A_1204] {strides = array<i32>} : memref<3328x16xf32, #tpu.memory_space<vmem>>, vector<16xf32>,
      %mul3A_1206 = arith.mulf %get3A_1205, %get3A_1205 : vector<16xf32>
      %add3A_1207 = arith.constant 1 : i32
      %add3A_1208 = arith.addi %mul3A_1202, %add3A_1207 : i32
      %get3A_1209 = arith.index_cast %add3A_1208 : i32 to index
      %get3A_1210 = arith.constant 0 : index
      %get3A_1211 = tpu.vector_load %arg8[%get3A_1209, %get3A_1210] {strides = array<i32>} : memref<3328x16xf32, #tpu.memory_space<vmem>>, vector<16xf32>,
      %add3A_1212 = arith.addf %get3A_1205, %get3A_1211 : vector<16xf32>
      %mul3A_1213 = arith.mulf %get3A_1211, %get3A_1211 : vector<16xf32>
      %add3A_1214 = arith.addf %mul3A_1206, %mul3A_1213 : vector<16xf32>
      %add3A_1215 = arith.constant 2 : i32
      %add3A_1216 = arith.addi %mul3A_1202, %add3A_1215 : i32
      %get3A_1217 = arith.index_cast %add3A_1216 : i32 to index
      %get3A_1218 = arith.constant 0 : index
      %get3A_1219 = tpu.vector_load %arg8[%get3A_1217, %get3A_1218] {strides = array<i32>} : memref<3328x16xf32, #tpu.memory_space<vmem>>, vector<16xf32>,
      %add3A_1220 = arith.addf %add3A_1212, %get3A_1219 : vector<16xf32>
      %mul3A_1221 = arith.mulf %get3A_1219, %get3A_1219 : vector<16xf32>
      %add3A_1222 = arith.addf %add3A_1214, %mul3A_1221 : vector<16xf32>
      %add3A_1223 = arith.constant 3 : i32
      %add3A_1224 = arith.addi %mul3A_1202, %add3A_1223 : i32
      %get3A_1225 = arith.index_cast %add3A_1224 : i32 to index
      %get3A_1226 = arith.constant 0 : index
      %get3A_1227 = tpu.vector_load %arg8[%get3A_1225, %get3A_1226] {strides = array<i32>} : memref<3328x16xf32, #tpu.memory_space<vmem>>, vector<16xf32>,
      %add3A_1228 = arith.addf %add3A_1220, %get3A_1227 : vector<16xf32>
      %mul3A_1229 = arith.mulf %get3A_1227, %get3A_1227 : vector<16xf32>
      %add3A_1230 = arith.addf %add3A_1222, %mul3A_1229 : vector<16xf32>
      %add3A_1231 = arith.constant 4 : i32
      %add3A_1232 = arith.addi %mul3A_1202, %add3A_1231 : i32
      %get3A_1233 = arith.index_cast %add3A_1232 : i32 to index
      %get3A_1234 = arith.constant 0 : index
      %get3A_1235 = tpu.vector_load %arg8[%get3A_1233, %get3A_1234] {strides = array<i32>} : memref<3328x16xf32, #tpu.memory_space<vmem>>, vector<16xf32>,
      %add3A_1236 = arith.addf %add3A_1228, %get3A_1235 : vector<16xf32>
      %mul3A_1237 = arith.mulf %get3A_1235, %get3A_1235 : vector<16xf32>
      %add3A_1238 = arith.addf %add3A_1230, %mul3A_1237 : vector<16xf32>
      %add3A_1239 = arith.constant 5 : i32
      %add3A_1240 = arith.addi %mul3A_1202, %add3A_1239 : i32
      %get3A_1241 = arith.index_cast %add3A_1240 : i32 to index
      %get3A_1242 = arith.constant 0 : index
      %get3A_1243 = tpu.vector_load %arg8[%get3A_1241, %get3A_1242] {strides = array<i32>} : memref<3328x16xf32, #tpu.memory_space<vmem>>, vector<16xf32>,
      %add3A_1244 = arith.addf %add3A_1236, %get3A_1243 : vector<16xf32>
      %mul3A_1245 = arith.mulf %get3A_1243, %get3A_1243 : vector<16xf32>
      %add3A_1246 = arith.addf %add3A_1238, %mul3A_1245 : vector<16xf32>
      %add3A_1247 = arith.constant 6 : i32
      %add3A_1248 = arith.addi %mul3A_1202, %add3A_1247 : i32
      %get3A_1249 = arith.index_cast %add3A_1248 : i32 to index
      %get3A_1250 = arith.constant 0 : index
      %get3A_1251 = tpu.vector_load %arg8[%get3A_1249, %get3A_1250] {strides = array<i32>} : memref<3328x16xf32, #tpu.memory_space<vmem>>, vector<16xf32>,
      %add3A_1252 = arith.addf %add3A_1244, %get3A_1251 : vector<16xf32>
      %mul3A_1253 = arith.mulf %get3A_1251, %get3A_1251 : vector<16xf32>
      %add3A_1254 = arith.addf %add3A_1246, %mul3A_1253 : vector<16xf32>
      %add3A_1255 = arith.constant 7 : i32
      %add3A_1256 = arith.addi %mul3A_1202, %add3A_1255 : i32
      %get3A_1257 = arith.index_cast %add3A_1256 : i32 to index
      %get3A_1258 = arith.constant 0 : index
      %get3A_1259 = tpu.vector_load %arg8[%get3A_1257, %get3A_1258] {strides = array<i32>} : memref<3328x16xf32, #tpu.memory_space<vmem>>, vector<16xf32>,
      %add3A_1260 = arith.addf %add3A_1252, %get3A_1259 : vector<16xf32>
      %mul3A_1261 = arith.mulf %get3A_1259, %get3A_1259 : vector<16xf32>
      %add3A_1262 = arith.addf %add3A_1254, %mul3A_1261 : vector<16xf32>
      %add3A_1263 = arith.constant 8 : i32
      %add3A_1264 = arith.addi %mul3A_1202, %add3A_1263 : i32
      %get3A_1265 = arith.index_cast %add3A_1264 : i32 to index
      %get3A_1266 = arith.constant 0 : index
      %get3A_1267 = tpu.vector_load %arg8[%get3A_1265, %get3A_1266] {strides = array<i32>} : memref<3328x16xf32, #tpu.memory_space<vmem>>, vector<16xf32>,
      %add3A_1268 = arith.addf %add3A_1260, %get3A_1267 : vector<16xf32>
      %mul3A_1269 = arith.mulf %get3A_1267, %get3A_1267 : vector<16xf32>
      %add3A_1270 = arith.addf %add3A_1262, %mul3A_1269 : vector<16xf32>
      %add3A_1271 = arith.constant 9 : i32
      %add3A_1272 = arith.addi %mul3A_1202, %add3A_1271 : i32
      %get3A_1273 = arith.index_cast %add3A_1272 : i32 to index
      %get3A_1274 = arith.constant 0 : index
      %get3A_1275 = tpu.vector_load %arg8[%get3A_1273, %get3A_1274] {strides = array<i32>} : memref<3328x16xf32, #tpu.memory_space<vmem>>, vector<16xf32>,
      %add3A_1276 = arith.addf %add3A_1268, %get3A_1275 : vector<16xf32>
      %mul3A_1277 = arith.mulf %get3A_1275, %get3A_1275 : vector<16xf32>
      %add3A_1278 = arith.addf %add3A_1270, %mul3A_1277 : vector<16xf32>
      %add3A_1279 = arith.constant 10 : i32
      %add3A_1280 = arith.addi %mul3A_1202, %add3A_1279 : i32
      %get3A_1281 = arith.index_cast %add3A_1280 : i32 to index
      %get3A_1282 = arith.constant 0 : index
      %get3A_1283 = tpu.vector_load %arg8[%get3A_1281, %get3A_1282] {strides = array<i32>} : memref<3328x16xf32, #tpu.memory_space<vmem>>, vector<16xf32>,
      %add3A_1284 = arith.addf %add3A_1276, %get3A_1283 : vector<16xf32>
      %mul3A_1285 = arith.mulf %get3A_1283, %get3A_1283 : vector<16xf32>
      %add3A_1286 = arith.addf %add3A_1278, %mul3A_1285 : vector<16xf32>
      %add3A_1287 = arith.constant 11 : i32
      %add3A_1288 = arith.addi %mul3A_1202, %add3A_1287 : i32
      %get3A_1289 = arith.index_cast %add3A_1288 : i32 to index
      %get3A_1290 = arith.constant 0 : index
      %get3A_1291 = tpu.vector_load %arg8[%get3A_1289, %get3A_1290] {strides = array<i32>} : memref<3328x16xf32, #tpu.memory_space<vmem>>, vector<16xf32>,
      %add3A_1292 = arith.addf %add3A_1284, %get3A_1291 : vector<16xf32>
      %mul3A_1293 = arith.mulf %get3A_1291, %get3A_1291 : vector<16xf32>
      %add3A_1294 = arith.addf %add3A_1286, %mul3A_1293 : vector<16xf32>
      %add3A_1295 = arith.constant 12 : i32
      %add3A_1296 = arith.addi %mul3A_1202, %add3A_1295 : i32
      %get3A_1297 = arith.index_cast %add3A_1296 : i32 to index
      %get3A_1298 = arith.constant 0 : index
      %get3A_1299 = tpu.vector_load %arg8[%get3A_1297, %get3A_1298] {strides = array<i32>} : memref<3328x16xf32, #tpu.memory_space<vmem>>, vector<16xf32>,
      %add3A_1300 = arith.addf %add3A_1292, %get3A_1299 : vector<16xf32>
      %mul3A_1301 = arith.mulf %get3A_1299, %get3A_1299 : vector<16xf32>
      %add3A_1302 = arith.addf %add3A_1294, %mul3A_1301 : vector<16xf32>
      %add3A_1303 = arith.constant 13 : i32
      %add3A_1304 = arith.addi %mul3A_1202, %add3A_1303 : i32
      %get3A_1305 = arith.index_cast %add3A_1304 : i32 to index
      %get3A_1306 = arith.constant 0 : index
      %get3A_1307 = tpu.vector_load %arg8[%get3A_1305, %get3A_1306] {strides = array<i32>} : memref<3328x16xf32, #tpu.memory_space<vmem>>, vector<16xf32>,
      %add3A_1308 = arith.addf %add3A_1300, %get3A_1307 : vector<16xf32>
      %mul3A_1309 = arith.mulf %get3A_1307, %get3A_1307 : vector<16xf32>
      %add3A_1310 = arith.addf %add3A_1302, %mul3A_1309 : vector<16xf32>
      %add3A_1311 = arith.constant 14 : i32
      %add3A_1312 = arith.addi %mul3A_1202, %add3A_1311 : i32
      %get3A_1313 = arith.index_cast %add3A_1312 : i32 to index
      %get3A_1314 = arith.constant 0 : index
      %get3A_1315 = tpu.vector_load %arg8[%get3A_1313, %get3A_1314] {strides = array<i32>} : memref<3328x16xf32, #tpu.memory_space<vmem>>, vector<16xf32>,
      %add3A_1316 = arith.addf %add3A_1308, %get3A_1315 : vector<16xf32>
      %mul3A_1317 = arith.mulf %get3A_1315, %get3A_1315 : vector<16xf32>
      %add3A_1318 = arith.addf %add3A_1310, %mul3A_1317 : vector<16xf32>
      %add3A_1319 = arith.constant 15 : i32
      %add3A_1320 = arith.addi %mul3A_1202, %add3A_1319 : i32
      %get3A_1321 = arith.index_cast %add3A_1320 : i32 to index
      %get3A_1322 = arith.constant 0 : index
      %get3A_1323 = tpu.vector_load %arg8[%get3A_1321, %get3A_1322] {strides = array<i32>} : memref<3328x16xf32, #tpu.memory_space<vmem>>, vector<16xf32>,
      %add3A_1324 = arith.addf %add3A_1316, %get3A_1323 : vector<16xf32>
      %mul3A_1325 = arith.mulf %get3A_1323, %get3A_1323 : vector<16xf32>
      %add3A_1326 = arith.addf %add3A_1318, %mul3A_1325 : vector<16xf32>
      %add3A_1327 = arith.constant 16 : i32
      %add3A_1328 = arith.addi %mul3A_1202, %add3A_1327 : i32
      %get3A_1329 = arith.index_cast %add3A_1328 : i32 to index
      %get3A_1330 = arith.constant 0 : index
      %get3A_1331 = tpu.vector_load %arg8[%get3A_1329, %get3A_1330] {strides = array<i32>} : memref<3328x16xf32, #tpu.memory_space<vmem>>, vector<16xf32>,
      %add3A_1332 = arith.addf %add3A_1324, %get3A_1331 : vector<16xf32>
      %mul3A_1333 = arith.mulf %get3A_1331, %get3A_1331 : vector<16xf32>
      %add3A_1334 = arith.addf %add3A_1326, %mul3A_1333 : vector<16xf32>
      %add3A_1335 = arith.constant 17 : i32
      %add3A_1336 = arith.addi %mul3A_1202, %add3A_1335 : i32
      %get3A_1337 = arith.index_cast %add3A_1336 : i32 to index
      %get3A_1338 = arith.constant 0 : index
      %get3A_1339 = tpu.vector_load %arg8[%get3A_1337, %get3A_1338] {strides = array<i32>} : memref<3328x16xf32, #tpu.memory_space<vmem>>, vector<16xf32>,
      %add3A_1340 = arith.addf %add3A_1332, %get3A_1339 : vector<16xf32>
      %mul3A_1341 = arith.mulf %get3A_1339, %get3A_1339 : vector<16xf32>
      %add3A_1342 = arith.addf %add3A_1334, %mul3A_1341 : vector<16xf32>
      %add3A_1343 = arith.constant 18 : i32
      %add3A_1344 = arith.addi %mul3A_1202, %add3A_1343 : i32
      %get3A_1345 = arith.index_cast %add3A_1344 : i32 to index
      %get3A_1346 = arith.constant 0 : index
      %get3A_1347 = tpu.vector_load %arg8[%get3A_1345, %get3A_1346] {strides = array<i32>} : memref<3328x16xf32, #tpu.memory_space<vmem>>, vector<16xf32>,
      %add3A_1348 = arith.addf %add3A_1340, %get3A_1347 : vector<16xf32>
      %mul3A_1349 = arith.mulf %get3A_1347, %get3A_1347 : vector<16xf32>
      %add3A_1350 = arith.addf %add3A_1342, %mul3A_1349 : vector<16xf32>
      %add3A_1351 = arith.constant 19 : i32
      %add3A_1352 = arith.addi %mul3A_1202, %add3A_1351 : i32
      %get3A_1353 = arith.index_cast %add3A_1352 : i32 to index
      %get3A_1354 = arith.constant 0 : index
      %get3A_1355 = tpu.vector_load %arg8[%get3A_1353, %get3A_1354] {strides = array<i32>} : memref<3328x16xf32, #tpu.memory_space<vmem>>, vector<16xf32>,
      %add3A_1356 = arith.addf %add3A_1348, %get3A_1355 : vector<16xf32>
      %mul3A_1357 = arith.mulf %get3A_1355, %get3A_1355 : vector<16xf32>
      %add3A_1358 = arith.addf %add3A_1350, %mul3A_1357 : vector<16xf32>
      %add3A_1359 = arith.constant 20 : i32
      %add3A_1360 = arith.addi %mul3A_1202, %add3A_1359 : i32
      %get3A_1361 = arith.index_cast %add3A_1360 : i32 to index
      %get3A_1362 = arith.constant 0 : index
      %get3A_1363 = tpu.vector_load %arg8[%get3A_1361, %get3A_1362] {strides = array<i32>} : memref<3328x16xf32, #tpu.memory_space<vmem>>, vector<16xf32>,
      %add3A_1364 = arith.addf %add3A_1356, %get3A_1363 : vector<16xf32>
      %mul3A_1365 = arith.mulf %get3A_1363, %get3A_1363 : vector<16xf32>
      %add3A_1366 = arith.addf %add3A_1358, %mul3A_1365 : vector<16xf32>
      %add3A_1367 = arith.constant 21 : i32
      %add3A_1368 = arith.addi %mul3A_1202, %add3A_1367 : i32
      %get3A_1369 = arith.index_cast %add3A_1368 : i32 to index
      %get3A_1370 = arith.constant 0 : index
      %get3A_1371 = tpu.vector_load %arg8[%get3A_1369, %get3A_1370] {strides = array<i32>} : memref<3328x16xf32, #tpu.memory_space<vmem>>, vector<16xf32>,
      %add3A_1372 = arith.addf %add3A_1364, %get3A_1371 : vector<16xf32>
      %mul3A_1373 = arith.mulf %get3A_1371, %get3A_1371 : vector<16xf32>
      %add3A_1374 = arith.addf %add3A_1366, %mul3A_1373 : vector<16xf32>
      %add3A_1375 = arith.constant 22 : i32
      %add3A_1376 = arith.addi %mul3A_1202, %add3A_1375 : i32
      %get3A_1377 = arith.index_cast %add3A_1376 : i32 to index
      %get3A_1378 = arith.constant 0 : index
      %get3A_1379 = tpu.vector_load %arg8[%get3A_1377, %get3A_1378] {strides = array<i32>} : memref<3328x16xf32, #tpu.memory_space<vmem>>, vector<16xf32>,
      %add3A_1380 = arith.addf %add3A_1372, %get3A_1379 : vector<16xf32>
      %mul3A_1381 = arith.mulf %get3A_1379, %get3A_1379 : vector<16xf32>
      %add3A_1382 = arith.addf %add3A_1374, %mul3A_1381 : vector<16xf32>
      %add3A_1383 = arith.constant 23 : i32
      %add3A_1384 = arith.addi %mul3A_1202, %add3A_1383 : i32
      %get3A_1385 = arith.index_cast %add3A_1384 : i32 to index
      %get3A_1386 = arith.constant 0 : index
      %get3A_1387 = tpu.vector_load %arg8[%get3A_1385, %get3A_1386] {strides = array<i32>} : memref<3328x16xf32, #tpu.memory_space<vmem>>, vector<16xf32>,
      %add3A_1388 = arith.addf %add3A_1380, %get3A_1387 : vector<16xf32>
      %mul3A_1389 = arith.mulf %get3A_1387, %get3A_1387 : vector<16xf32>
      %add3A_1390 = arith.addf %add3A_1382, %mul3A_1389 : vector<16xf32>
      %add3A_1391 = arith.constant 24 : i32
      %add3A_1392 = arith.addi %mul3A_1202, %add3A_1391 : i32
      %get3A_1393 = arith.index_cast %add3A_1392 : i32 to index
      %get3A_1394 = arith.constant 0 : index
      %get3A_1395 = tpu.vector_load %arg8[%get3A_1393, %get3A_1394] {strides = array<i32>} : memref<3328x16xf32, #tpu.memory_space<vmem>>, vector<16xf32>,
      %add3A_1396 = arith.addf %add3A_1388, %get3A_1395 : vector<16xf32>
      %mul3A_1397 = arith.mulf %get3A_1395, %get3A_1395 : vector<16xf32>
      %add3A_1398 = arith.addf %add3A_1390, %mul3A_1397 : vector<16xf32>
      %add3A_1399 = arith.constant 25 : i32
      %add3A_1400 = arith.addi %mul3A_1202, %add3A_1399 : i32
      %get3A_1401 = arith.index_cast %add3A_1400 : i32 to index
      %get3A_1402 = arith.constant 0 : index
      %get3A_1403 = tpu.vector_load %arg8[%get3A_1401, %get3A_1402] {strides = array<i32>} : memref<3328x16xf32, #tpu.memory_space<vmem>>, vector<16xf32>,
      %add3A_1404 = arith.addf %add3A_1396, %get3A_1403 : vector<16xf32>
      %mul3A_1405 = arith.mulf %get3A_1403, %get3A_1403 : vector<16xf32>
      %add3A_1406 = arith.addf %add3A_1398, %mul3A_1405 : vector<16xf32>
      %get3A_1407 = arith.index_cast %mul3A_1202 : i32 to index
      %get3A_1408 = tpu.vector_load %arg9[%get3A_1407] {strides = array<i32>} : memref<3328xf32, #tpu.memory_space<vmem>>, vector<16xf32>,
      %add3A_1409 = arith.constant 10 : i32
      %add3A_1410 = arith.addi %mul3A_1202, %add3A_1409 : i32
      %get3A_1411 = arith.index_cast %add3A_1410 : i32 to index
      %get3A_1412 = tpu.vector_load %arg9[%get3A_1411] {strides = array<i32>} : memref<3328xf32, #tpu.memory_space<vmem>>, vector<16xf32>,
      %mul3A_1413 = arith.mulf %add3A_1404, %add3A_1404 : vector<16xf32>
      %sub3A_1414 = arith.subf %mul3A_1413, %add3A_1406 : vector<16xf32>
      %mul3A_1415 = arith.constant 5.000000e-01 : f32
      %mul3A_1416 = vector.broadcast %mul3A_1415 : f32 to vector<16xf32>
      %mul3A_1417 = arith.mulf %mul3A_1416, %sub3A_1414 : vector<16xf32>
      %add3A_1418 = arith.addf %mul3A_1417, %get3A_1408 : vector<16xf32>
      %mul3A_1419 = arith.mulf %get3A_1412, %convert_element_type3A_35 : vector<16xf32>
      %add3A_1420 = arith.addf %add3A_1418, %mul3A_1419 : vector<16xf32>
      %reduce_sum3A_1421 = arith.constant true
      %reduce_sum3A_1422 = vector.broadcast %reduce_sum3A_1421 : i1 to vector<16xi1>
      %reduce_sum3A_1423 = tpu.scan <sum>, %add3A_1420 masked %reduce_sum3A_1422 : vector<16xf32>, vector<16xi1> -> vector<16xf32>
      %reduce_sum3A_1424 = vector.extract %reduce_sum3A_1423[15] : f32 from vector<16xf32>
      %eq3A_1425 = arith.constant 5 : i32
      %eq3A_1426 = vector.broadcast %eq3A_1425 : i32 to vector<16xi32>
      %eq3A_1427 = arith.cmpi eq, %iota3A, %eq3A_1426 : vector<16xi32>
      %broadcast_in_dim3A_1428 = vector.broadcast %reduce_sum3A_1424 : f32 to vector<16xf32>
      %select_n3A_1429 = arith.select %eq3A_1427, %broadcast_in_dim3A_1428, %select_n3A_1196 : vector<16xi1>, vector<16xf32>
      %mul3A_1430 = arith.constant 16 : i32
      %mul3A_1431 = arith.muli %add3A_32, %mul3A_1430 : i32
      %add3A_1432 = arith.constant 6 : i32
      %add3A_1433 = arith.addi %mul3A_1431, %add3A_1432 : i32
      %mul3A_1434 = arith.constant 26 : i32
      %mul3A_1435 = arith.muli %add3A_1433, %mul3A_1434 : i32
      %get3A_1436 = arith.index_cast %mul3A_1435 : i32 to index
      %get3A_1437 = arith.constant 0 : index
      %get3A_1438 = tpu.vector_load %arg8[%get3A_1436, %get3A_1437] {strides = array<i32>} : memref<3328x16xf32, #tpu.memory_space<vmem>>, vector<16xf32>,
      %mul3A_1439 = arith.mulf %get3A_1438, %get3A_1438 : vector<16xf32>
      %add3A_1440 = arith.constant 1 : i32
      %add3A_1441 = arith.addi %mul3A_1435, %add3A_1440 : i32
      %get3A_1442 = arith.index_cast %add3A_1441 : i32 to index
      %get3A_1443 = arith.constant 0 : index
      %get3A_1444 = tpu.vector_load %arg8[%get3A_1442, %get3A_1443] {strides = array<i32>} : memref<3328x16xf32, #tpu.memory_space<vmem>>, vector<16xf32>,
      %add3A_1445 = arith.addf %get3A_1438, %get3A_1444 : vector<16xf32>
      %mul3A_1446 = arith.mulf %get3A_1444, %get3A_1444 : vector<16xf32>
      %add3A_1447 = arith.addf %mul3A_1439, %mul3A_1446 : vector<16xf32>
      %add3A_1448 = arith.constant 2 : i32
      %add3A_1449 = arith.addi %mul3A_1435, %add3A_1448 : i32
      %get3A_1450 = arith.index_cast %add3A_1449 : i32 to index
      %get3A_1451 = arith.constant 0 : index
      %get3A_1452 = tpu.vector_load %arg8[%get3A_1450, %get3A_1451] {strides = array<i32>} : memref<3328x16xf32, #tpu.memory_space<vmem>>, vector<16xf32>,
      %add3A_1453 = arith.addf %add3A_1445, %get3A_1452 : vector<16xf32>
      %mul3A_1454 = arith.mulf %get3A_1452, %get3A_1452 : vector<16xf32>
      %add3A_1455 = arith.addf %add3A_1447, %mul3A_1454 : vector<16xf32>
      %add3A_1456 = arith.constant 3 : i32
      %add3A_1457 = arith.addi %mul3A_1435, %add3A_1456 : i32
      %get3A_1458 = arith.index_cast %add3A_1457 : i32 to index
      %get3A_1459 = arith.constant 0 : index
      %get3A_1460 = tpu.vector_load %arg8[%get3A_1458, %get3A_1459] {strides = array<i32>} : memref<3328x16xf32, #tpu.memory_space<vmem>>, vector<16xf32>,
      %add3A_1461 = arith.addf %add3A_1453, %get3A_1460 : vector<16xf32>
      %mul3A_1462 = arith.mulf %get3A_1460, %get3A_1460 : vector<16xf32>
      %add3A_1463 = arith.addf %add3A_1455, %mul3A_1462 : vector<16xf32>
      %add3A_1464 = arith.constant 4 : i32
      %add3A_1465 = arith.addi %mul3A_1435, %add3A_1464 : i32
      %get3A_1466 = arith.index_cast %add3A_1465 : i32 to index
      %get3A_1467 = arith.constant 0 : index
      %get3A_1468 = tpu.vector_load %arg8[%get3A_1466, %get3A_1467] {strides = array<i32>} : memref<3328x16xf32, #tpu.memory_space<vmem>>, vector<16xf32>,
      %add3A_1469 = arith.addf %add3A_1461, %get3A_1468 : vector<16xf32>
      %mul3A_1470 = arith.mulf %get3A_1468, %get3A_1468 : vector<16xf32>
      %add3A_1471 = arith.addf %add3A_1463, %mul3A_1470 : vector<16xf32>
      %add3A_1472 = arith.constant 5 : i32
      %add3A_1473 = arith.addi %mul3A_1435, %add3A_1472 : i32
      %get3A_1474 = arith.index_cast %add3A_1473 : i32 to index
      %get3A_1475 = arith.constant 0 : index
      %get3A_1476 = tpu.vector_load %arg8[%get3A_1474, %get3A_1475] {strides = array<i32>} : memref<3328x16xf32, #tpu.memory_space<vmem>>, vector<16xf32>,
      %add3A_1477 = arith.addf %add3A_1469, %get3A_1476 : vector<16xf32>
      %mul3A_1478 = arith.mulf %get3A_1476, %get3A_1476 : vector<16xf32>
      %add3A_1479 = arith.addf %add3A_1471, %mul3A_1478 : vector<16xf32>
      %add3A_1480 = arith.constant 6 : i32
      %add3A_1481 = arith.addi %mul3A_1435, %add3A_1480 : i32
      %get3A_1482 = arith.index_cast %add3A_1481 : i32 to index
      %get3A_1483 = arith.constant 0 : index
      %get3A_1484 = tpu.vector_load %arg8[%get3A_1482, %get3A_1483] {strides = array<i32>} : memref<3328x16xf32, #tpu.memory_space<vmem>>, vector<16xf32>,
      %add3A_1485 = arith.addf %add3A_1477, %get3A_1484 : vector<16xf32>
      %mul3A_1486 = arith.mulf %get3A_1484, %get3A_1484 : vector<16xf32>
      %add3A_1487 = arith.addf %add3A_1479, %mul3A_1486 : vector<16xf32>
      %add3A_1488 = arith.constant 7 : i32
      %add3A_1489 = arith.addi %mul3A_1435, %add3A_1488 : i32
      %get3A_1490 = arith.index_cast %add3A_1489 : i32 to index
      %get3A_1491 = arith.constant 0 : index
      %get3A_1492 = tpu.vector_load %arg8[%get3A_1490, %get3A_1491] {strides = array<i32>} : memref<3328x16xf32, #tpu.memory_space<vmem>>, vector<16xf32>,
      %add3A_1493 = arith.addf %add3A_1485, %get3A_1492 : vector<16xf32>
      %mul3A_1494 = arith.mulf %get3A_1492, %get3A_1492 : vector<16xf32>
      %add3A_1495 = arith.addf %add3A_1487, %mul3A_1494 : vector<16xf32>
      %add3A_1496 = arith.constant 8 : i32
      %add3A_1497 = arith.addi %mul3A_1435, %add3A_1496 : i32
      %get3A_1498 = arith.index_cast %add3A_1497 : i32 to index
      %get3A_1499 = arith.constant 0 : index
      %get3A_1500 = tpu.vector_load %arg8[%get3A_1498, %get3A_1499] {strides = array<i32>} : memref<3328x16xf32, #tpu.memory_space<vmem>>, vector<16xf32>,
      %add3A_1501 = arith.addf %add3A_1493, %get3A_1500 : vector<16xf32>
      %mul3A_1502 = arith.mulf %get3A_1500, %get3A_1500 : vector<16xf32>
      %add3A_1503 = arith.addf %add3A_1495, %mul3A_1502 : vector<16xf32>
      %add3A_1504 = arith.constant 9 : i32
      %add3A_1505 = arith.addi %mul3A_1435, %add3A_1504 : i32
      %get3A_1506 = arith.index_cast %add3A_1505 : i32 to index
      %get3A_1507 = arith.constant 0 : index
      %get3A_1508 = tpu.vector_load %arg8[%get3A_1506, %get3A_1507] {strides = array<i32>} : memref<3328x16xf32, #tpu.memory_space<vmem>>, vector<16xf32>,
      %add3A_1509 = arith.addf %add3A_1501, %get3A_1508 : vector<16xf32>
      %mul3A_1510 = arith.mulf %get3A_1508, %get3A_1508 : vector<16xf32>
      %add3A_1511 = arith.addf %add3A_1503, %mul3A_1510 : vector<16xf32>
      %add3A_1512 = arith.constant 10 : i32
      %add3A_1513 = arith.addi %mul3A_1435, %add3A_1512 : i32
      %get3A_1514 = arith.index_cast %add3A_1513 : i32 to index
      %get3A_1515 = arith.constant 0 : index
      %get3A_1516 = tpu.vector_load %arg8[%get3A_1514, %get3A_1515] {strides = array<i32>} : memref<3328x16xf32, #tpu.memory_space<vmem>>, vector<16xf32>,
      %add3A_1517 = arith.addf %add3A_1509, %get3A_1516 : vector<16xf32>
      %mul3A_1518 = arith.mulf %get3A_1516, %get3A_1516 : vector<16xf32>
      %add3A_1519 = arith.addf %add3A_1511, %mul3A_1518 : vector<16xf32>
      %add3A_1520 = arith.constant 11 : i32
      %add3A_1521 = arith.addi %mul3A_1435, %add3A_1520 : i32
      %get3A_1522 = arith.index_cast %add3A_1521 : i32 to index
      %get3A_1523 = arith.constant 0 : index
      %get3A_1524 = tpu.vector_load %arg8[%get3A_1522, %get3A_1523] {strides = array<i32>} : memref<3328x16xf32, #tpu.memory_space<vmem>>, vector<16xf32>,
      %add3A_1525 = arith.addf %add3A_1517, %get3A_1524 : vector<16xf32>
      %mul3A_1526 = arith.mulf %get3A_1524, %get3A_1524 : vector<16xf32>
      %add3A_1527 = arith.addf %add3A_1519, %mul3A_1526 : vector<16xf32>
      %add3A_1528 = arith.constant 12 : i32
      %add3A_1529 = arith.addi %mul3A_1435, %add3A_1528 : i32
      %get3A_1530 = arith.index_cast %add3A_1529 : i32 to index
      %get3A_1531 = arith.constant 0 : index
      %get3A_1532 = tpu.vector_load %arg8[%get3A_1530, %get3A_1531] {strides = array<i32>} : memref<3328x16xf32, #tpu.memory_space<vmem>>, vector<16xf32>,
      %add3A_1533 = arith.addf %add3A_1525, %get3A_1532 : vector<16xf32>
      %mul3A_1534 = arith.mulf %get3A_1532, %get3A_1532 : vector<16xf32>
      %add3A_1535 = arith.addf %add3A_1527, %mul3A_1534 : vector<16xf32>
      %add3A_1536 = arith.constant 13 : i32
      %add3A_1537 = arith.addi %mul3A_1435, %add3A_1536 : i32
      %get3A_1538 = arith.index_cast %add3A_1537 : i32 to index
      %get3A_1539 = arith.constant 0 : index
      %get3A_1540 = tpu.vector_load %arg8[%get3A_1538, %get3A_1539] {strides = array<i32>} : memref<3328x16xf32, #tpu.memory_space<vmem>>, vector<16xf32>,
      %add3A_1541 = arith.addf %add3A_1533, %get3A_1540 : vector<16xf32>
      %mul3A_1542 = arith.mulf %get3A_1540, %get3A_1540 : vector<16xf32>
      %add3A_1543 = arith.addf %add3A_1535, %mul3A_1542 : vector<16xf32>
      %add3A_1544 = arith.constant 14 : i32
      %add3A_1545 = arith.addi %mul3A_1435, %add3A_1544 : i32
      %get3A_1546 = arith.index_cast %add3A_1545 : i32 to index
      %get3A_1547 = arith.constant 0 : index
      %get3A_1548 = tpu.vector_load %arg8[%get3A_1546, %get3A_1547] {strides = array<i32>} : memref<3328x16xf32, #tpu.memory_space<vmem>>, vector<16xf32>,
      %add3A_1549 = arith.addf %add3A_1541, %get3A_1548 : vector<16xf32>
      %mul3A_1550 = arith.mulf %get3A_1548, %get3A_1548 : vector<16xf32>
      %add3A_1551 = arith.addf %add3A_1543, %mul3A_1550 : vector<16xf32>
      %add3A_1552 = arith.constant 15 : i32
      %add3A_1553 = arith.addi %mul3A_1435, %add3A_1552 : i32
      %get3A_1554 = arith.index_cast %add3A_1553 : i32 to index
      %get3A_1555 = arith.constant 0 : index
      %get3A_1556 = tpu.vector_load %arg8[%get3A_1554, %get3A_1555] {strides = array<i32>} : memref<3328x16xf32, #tpu.memory_space<vmem>>, vector<16xf32>,
      %add3A_1557 = arith.addf %add3A_1549, %get3A_1556 : vector<16xf32>
      %mul3A_1558 = arith.mulf %get3A_1556, %get3A_1556 : vector<16xf32>
      %add3A_1559 = arith.addf %add3A_1551, %mul3A_1558 : vector<16xf32>
      %add3A_1560 = arith.constant 16 : i32
      %add3A_1561 = arith.addi %mul3A_1435, %add3A_1560 : i32
      %get3A_1562 = arith.index_cast %add3A_1561 : i32 to index
      %get3A_1563 = arith.constant 0 : index
      %get3A_1564 = tpu.vector_load %arg8[%get3A_1562, %get3A_1563] {strides = array<i32>} : memref<3328x16xf32, #tpu.memory_space<vmem>>, vector<16xf32>,
      %add3A_1565 = arith.addf %add3A_1557, %get3A_1564 : vector<16xf32>
      %mul3A_1566 = arith.mulf %get3A_1564, %get3A_1564 : vector<16xf32>
      %add3A_1567 = arith.addf %add3A_1559, %mul3A_1566 : vector<16xf32>
      %add3A_1568 = arith.constant 17 : i32
      %add3A_1569 = arith.addi %mul3A_1435, %add3A_1568 : i32
      %get3A_1570 = arith.index_cast %add3A_1569 : i32 to index
      %get3A_1571 = arith.constant 0 : index
      %get3A_1572 = tpu.vector_load %arg8[%get3A_1570, %get3A_1571] {strides = array<i32>} : memref<3328x16xf32, #tpu.memory_space<vmem>>, vector<16xf32>,
      %add3A_1573 = arith.addf %add3A_1565, %get3A_1572 : vector<16xf32>
      %mul3A_1574 = arith.mulf %get3A_1572, %get3A_1572 : vector<16xf32>
      %add3A_1575 = arith.addf %add3A_1567, %mul3A_1574 : vector<16xf32>
      %add3A_1576 = arith.constant 18 : i32
      %add3A_1577 = arith.addi %mul3A_1435, %add3A_1576 : i32
      %get3A_1578 = arith.index_cast %add3A_1577 : i32 to index
      %get3A_1579 = arith.constant 0 : index
      %get3A_1580 = tpu.vector_load %arg8[%get3A_1578, %get3A_1579] {strides = array<i32>} : memref<3328x16xf32, #tpu.memory_space<vmem>>, vector<16xf32>,
      %add3A_1581 = arith.addf %add3A_1573, %get3A_1580 : vector<16xf32>
      %mul3A_1582 = arith.mulf %get3A_1580, %get3A_1580 : vector<16xf32>
      %add3A_1583 = arith.addf %add3A_1575, %mul3A_1582 : vector<16xf32>
      %add3A_1584 = arith.constant 19 : i32
      %add3A_1585 = arith.addi %mul3A_1435, %add3A_1584 : i32
      %get3A_1586 = arith.index_cast %add3A_1585 : i32 to index
      %get3A_1587 = arith.constant 0 : index
      %get3A_1588 = tpu.vector_load %arg8[%get3A_1586, %get3A_1587] {strides = array<i32>} : memref<3328x16xf32, #tpu.memory_space<vmem>>, vector<16xf32>,
      %add3A_1589 = arith.addf %add3A_1581, %get3A_1588 : vector<16xf32>
      %mul3A_1590 = arith.mulf %get3A_1588, %get3A_1588 : vector<16xf32>
      %add3A_1591 = arith.addf %add3A_1583, %mul3A_1590 : vector<16xf32>
      %add3A_1592 = arith.constant 20 : i32
      %add3A_1593 = arith.addi %mul3A_1435, %add3A_1592 : i32
      %get3A_1594 = arith.index_cast %add3A_1593 : i32 to index
      %get3A_1595 = arith.constant 0 : index
      %get3A_1596 = tpu.vector_load %arg8[%get3A_1594, %get3A_1595] {strides = array<i32>} : memref<3328x16xf32, #tpu.memory_space<vmem>>, vector<16xf32>,
      %add3A_1597 = arith.addf %add3A_1589, %get3A_1596 : vector<16xf32>
      %mul3A_1598 = arith.mulf %get3A_1596, %get3A_1596 : vector<16xf32>
      %add3A_1599 = arith.addf %add3A_1591, %mul3A_1598 : vector<16xf32>
      %add3A_1600 = arith.constant 21 : i32
      %add3A_1601 = arith.addi %mul3A_1435, %add3A_1600 : i32
      %get3A_1602 = arith.index_cast %add3A_1601 : i32 to index
      %get3A_1603 = arith.constant 0 : index
      %get3A_1604 = tpu.vector_load %arg8[%get3A_1602, %get3A_1603] {strides = array<i32>} : memref<3328x16xf32, #tpu.memory_space<vmem>>, vector<16xf32>,
      %add3A_1605 = arith.addf %add3A_1597, %get3A_1604 : vector<16xf32>
      %mul3A_1606 = arith.mulf %get3A_1604, %get3A_1604 : vector<16xf32>
      %add3A_1607 = arith.addf %add3A_1599, %mul3A_1606 : vector<16xf32>
      %add3A_1608 = arith.constant 22 : i32
      %add3A_1609 = arith.addi %mul3A_1435, %add3A_1608 : i32
      %get3A_1610 = arith.index_cast %add3A_1609 : i32 to index
      %get3A_1611 = arith.constant 0 : index
      %get3A_1612 = tpu.vector_load %arg8[%get3A_1610, %get3A_1611] {strides = array<i32>} : memref<3328x16xf32, #tpu.memory_space<vmem>>, vector<16xf32>,
      %add3A_1613 = arith.addf %add3A_1605, %get3A_1612 : vector<16xf32>
      %mul3A_1614 = arith.mulf %get3A_1612, %get3A_1612 : vector<16xf32>
      %add3A_1615 = arith.addf %add3A_1607, %mul3A_1614 : vector<16xf32>
      %add3A_1616 = arith.constant 23 : i32
      %add3A_1617 = arith.addi %mul3A_1435, %add3A_1616 : i32
      %get3A_1618 = arith.index_cast %add3A_1617 : i32 to index
      %get3A_1619 = arith.constant 0 : index
      %get3A_1620 = tpu.vector_load %arg8[%get3A_1618, %get3A_1619] {strides = array<i32>} : memref<3328x16xf32, #tpu.memory_space<vmem>>, vector<16xf32>,
      %add3A_1621 = arith.addf %add3A_1613, %get3A_1620 : vector<16xf32>
      %mul3A_1622 = arith.mulf %get3A_1620, %get3A_1620 : vector<16xf32>
      %add3A_1623 = arith.addf %add3A_1615, %mul3A_1622 : vector<16xf32>
      %add3A_1624 = arith.constant 24 : i32
      %add3A_1625 = arith.addi %mul3A_1435, %add3A_1624 : i32
      %get3A_1626 = arith.index_cast %add3A_1625 : i32 to index
      %get3A_1627 = arith.constant 0 : index
      %get3A_1628 = tpu.vector_load %arg8[%get3A_1626, %get3A_1627] {strides = array<i32>} : memref<3328x16xf32, #tpu.memory_space<vmem>>, vector<16xf32>,
      %add3A_1629 = arith.addf %add3A_1621, %get3A_1628 : vector<16xf32>
      %mul3A_1630 = arith.mulf %get3A_1628, %get3A_1628 : vector<16xf32>
      %add3A_1631 = arith.addf %add3A_1623, %mul3A_1630 : vector<16xf32>
      %add3A_1632 = arith.constant 25 : i32
      %add3A_1633 = arith.addi %mul3A_1435, %add3A_1632 : i32
      %get3A_1634 = arith.index_cast %add3A_1633 : i32 to index
      %get3A_1635 = arith.constant 0 : index
      %get3A_1636 = tpu.vector_load %arg8[%get3A_1634, %get3A_1635] {strides = array<i32>} : memref<3328x16xf32, #tpu.memory_space<vmem>>, vector<16xf32>,
      %add3A_1637 = arith.addf %add3A_1629, %get3A_1636 : vector<16xf32>
      %mul3A_1638 = arith.mulf %get3A_1636, %get3A_1636 : vector<16xf32>
      %add3A_1639 = arith.addf %add3A_1631, %mul3A_1638 : vector<16xf32>
      %get3A_1640 = arith.index_cast %mul3A_1435 : i32 to index
      %get3A_1641 = tpu.vector_load %arg9[%get3A_1640] {strides = array<i32>} : memref<3328xf32, #tpu.memory_space<vmem>>, vector<16xf32>,
      %add3A_1642 = arith.constant 10 : i32
      %add3A_1643 = arith.addi %mul3A_1435, %add3A_1642 : i32
      %get3A_1644 = arith.index_cast %add3A_1643 : i32 to index
      %get3A_1645 = tpu.vector_load %arg9[%get3A_1644] {strides = array<i32>} : memref<3328xf32, #tpu.memory_space<vmem>>, vector<16xf32>,
      %mul3A_1646 = arith.mulf %add3A_1637, %add3A_1637 : vector<16xf32>
      %sub3A_1647 = arith.subf %mul3A_1646, %add3A_1639 : vector<16xf32>
      %mul3A_1648 = arith.constant 5.000000e-01 : f32
      %mul3A_1649 = vector.broadcast %mul3A_1648 : f32 to vector<16xf32>
      %mul3A_1650 = arith.mulf %mul3A_1649, %sub3A_1647 : vector<16xf32>
      %add3A_1651 = arith.addf %mul3A_1650, %get3A_1641 : vector<16xf32>
      %mul3A_1652 = arith.mulf %get3A_1645, %convert_element_type3A_35 : vector<16xf32>
      %add3A_1653 = arith.addf %add3A_1651, %mul3A_1652 : vector<16xf32>
      %reduce_sum3A_1654 = arith.constant true
      %reduce_sum3A_1655 = vector.broadcast %reduce_sum3A_1654 : i1 to vector<16xi1>
      %reduce_sum3A_1656 = tpu.scan <sum>, %add3A_1653 masked %reduce_sum3A_1655 : vector<16xf32>, vector<16xi1> -> vector<16xf32>
      %reduce_sum3A_1657 = vector.extract %reduce_sum3A_1656[15] : f32 from vector<16xf32>
      %eq3A_1658 = arith.constant 6 : i32
      %eq3A_1659 = vector.broadcast %eq3A_1658 : i32 to vector<16xi32>
      %eq3A_1660 = arith.cmpi eq, %iota3A, %eq3A_1659 : vector<16xi32>
      %broadcast_in_dim3A_1661 = vector.broadcast %reduce_sum3A_1657 : f32 to vector<16xf32>
      %select_n3A_1662 = arith.select %eq3A_1660, %broadcast_in_dim3A_1661, %select_n3A_1429 : vector<16xi1>, vector<16xf32>
      %mul3A_1663 = arith.constant 16 : i32
      %mul3A_1664 = arith.muli %add3A_32, %mul3A_1663 : i32
      %add3A_1665 = arith.constant 7 : i32
      %add3A_1666 = arith.addi %mul3A_1664, %add3A_1665 : i32
      %mul3A_1667 = arith.constant 26 : i32
      %mul3A_1668 = arith.muli %add3A_1666, %mul3A_1667 : i32
      %get3A_1669 = arith.index_cast %mul3A_1668 : i32 to index
      %get3A_1670 = arith.constant 0 : index
      %get3A_1671 = tpu.vector_load %arg8[%get3A_1669, %get3A_1670] {strides = array<i32>} : memref<3328x16xf32, #tpu.memory_space<vmem>>, vector<16xf32>,
      %mul3A_1672 = arith.mulf %get3A_1671, %get3A_1671 : vector<16xf32>
      %add3A_1673 = arith.constant 1 : i32
      %add3A_1674 = arith.addi %mul3A_1668, %add3A_1673 : i32
      %get3A_1675 = arith.index_cast %add3A_1674 : i32 to index
      %get3A_1676 = arith.constant 0 : index
      %get3A_1677 = tpu.vector_load %arg8[%get3A_1675, %get3A_1676] {strides = array<i32>} : memref<3328x16xf32, #tpu.memory_space<vmem>>, vector<16xf32>,
      %add3A_1678 = arith.addf %get3A_1671, %get3A_1677 : vector<16xf32>
      %mul3A_1679 = arith.mulf %get3A_1677, %get3A_1677 : vector<16xf32>
      %add3A_1680 = arith.addf %mul3A_1672, %mul3A_1679 : vector<16xf32>
      %add3A_1681 = arith.constant 2 : i32
      %add3A_1682 = arith.addi %mul3A_1668, %add3A_1681 : i32
      %get3A_1683 = arith.index_cast %add3A_1682 : i32 to index
      %get3A_1684 = arith.constant 0 : index
      %get3A_1685 = tpu.vector_load %arg8[%get3A_1683, %get3A_1684] {strides = array<i32>} : memref<3328x16xf32, #tpu.memory_space<vmem>>, vector<16xf32>,
      %add3A_1686 = arith.addf %add3A_1678, %get3A_1685 : vector<16xf32>
      %mul3A_1687 = arith.mulf %get3A_1685, %get3A_1685 : vector<16xf32>
      %add3A_1688 = arith.addf %add3A_1680, %mul3A_1687 : vector<16xf32>
      %add3A_1689 = arith.constant 3 : i32
      %add3A_1690 = arith.addi %mul3A_1668, %add3A_1689 : i32
      %get3A_1691 = arith.index_cast %add3A_1690 : i32 to index
      %get3A_1692 = arith.constant 0 : index
      %get3A_1693 = tpu.vector_load %arg8[%get3A_1691, %get3A_1692] {strides = array<i32>} : memref<3328x16xf32, #tpu.memory_space<vmem>>, vector<16xf32>,
      %add3A_1694 = arith.addf %add3A_1686, %get3A_1693 : vector<16xf32>
      %mul3A_1695 = arith.mulf %get3A_1693, %get3A_1693 : vector<16xf32>
      %add3A_1696 = arith.addf %add3A_1688, %mul3A_1695 : vector<16xf32>
      %add3A_1697 = arith.constant 4 : i32
      %add3A_1698 = arith.addi %mul3A_1668, %add3A_1697 : i32
      %get3A_1699 = arith.index_cast %add3A_1698 : i32 to index
      %get3A_1700 = arith.constant 0 : index
      %get3A_1701 = tpu.vector_load %arg8[%get3A_1699, %get3A_1700] {strides = array<i32>} : memref<3328x16xf32, #tpu.memory_space<vmem>>, vector<16xf32>,
      %add3A_1702 = arith.addf %add3A_1694, %get3A_1701 : vector<16xf32>
      %mul3A_1703 = arith.mulf %get3A_1701, %get3A_1701 : vector<16xf32>
      %add3A_1704 = arith.addf %add3A_1696, %mul3A_1703 : vector<16xf32>
      %add3A_1705 = arith.constant 5 : i32
      %add3A_1706 = arith.addi %mul3A_1668, %add3A_1705 : i32
      %get3A_1707 = arith.index_cast %add3A_1706 : i32 to index
      %get3A_1708 = arith.constant 0 : index
      %get3A_1709 = tpu.vector_load %arg8[%get3A_1707, %get3A_1708] {strides = array<i32>} : memref<3328x16xf32, #tpu.memory_space<vmem>>, vector<16xf32>,
      %add3A_1710 = arith.addf %add3A_1702, %get3A_1709 : vector<16xf32>
      %mul3A_1711 = arith.mulf %get3A_1709, %get3A_1709 : vector<16xf32>
      %add3A_1712 = arith.addf %add3A_1704, %mul3A_1711 : vector<16xf32>
      %add3A_1713 = arith.constant 6 : i32
      %add3A_1714 = arith.addi %mul3A_1668, %add3A_1713 : i32
      %get3A_1715 = arith.index_cast %add3A_1714 : i32 to index
      %get3A_1716 = arith.constant 0 : index
      %get3A_1717 = tpu.vector_load %arg8[%get3A_1715, %get3A_1716] {strides = array<i32>} : memref<3328x16xf32, #tpu.memory_space<vmem>>, vector<16xf32>,
      %add3A_1718 = arith.addf %add3A_1710, %get3A_1717 : vector<16xf32>
      %mul3A_1719 = arith.mulf %get3A_1717, %get3A_1717 : vector<16xf32>
      %add3A_1720 = arith.addf %add3A_1712, %mul3A_1719 : vector<16xf32>
      %add3A_1721 = arith.constant 7 : i32
      %add3A_1722 = arith.addi %mul3A_1668, %add3A_1721 : i32
      %get3A_1723 = arith.index_cast %add3A_1722 : i32 to index
      %get3A_1724 = arith.constant 0 : index
      %get3A_1725 = tpu.vector_load %arg8[%get3A_1723, %get3A_1724] {strides = array<i32>} : memref<3328x16xf32, #tpu.memory_space<vmem>>, vector<16xf32>,
      %add3A_1726 = arith.addf %add3A_1718, %get3A_1725 : vector<16xf32>
      %mul3A_1727 = arith.mulf %get3A_1725, %get3A_1725 : vector<16xf32>
      %add3A_1728 = arith.addf %add3A_1720, %mul3A_1727 : vector<16xf32>
      %add3A_1729 = arith.constant 8 : i32
      %add3A_1730 = arith.addi %mul3A_1668, %add3A_1729 : i32
      %get3A_1731 = arith.index_cast %add3A_1730 : i32 to index
      %get3A_1732 = arith.constant 0 : index
      %get3A_1733 = tpu.vector_load %arg8[%get3A_1731, %get3A_1732] {strides = array<i32>} : memref<3328x16xf32, #tpu.memory_space<vmem>>, vector<16xf32>,
      %add3A_1734 = arith.addf %add3A_1726, %get3A_1733 : vector<16xf32>
      %mul3A_1735 = arith.mulf %get3A_1733, %get3A_1733 : vector<16xf32>
      %add3A_1736 = arith.addf %add3A_1728, %mul3A_1735 : vector<16xf32>
      %add3A_1737 = arith.constant 9 : i32
      %add3A_1738 = arith.addi %mul3A_1668, %add3A_1737 : i32
      %get3A_1739 = arith.index_cast %add3A_1738 : i32 to index
      %get3A_1740 = arith.constant 0 : index
      %get3A_1741 = tpu.vector_load %arg8[%get3A_1739, %get3A_1740] {strides = array<i32>} : memref<3328x16xf32, #tpu.memory_space<vmem>>, vector<16xf32>,
      %add3A_1742 = arith.addf %add3A_1734, %get3A_1741 : vector<16xf32>
      %mul3A_1743 = arith.mulf %get3A_1741, %get3A_1741 : vector<16xf32>
      %add3A_1744 = arith.addf %add3A_1736, %mul3A_1743 : vector<16xf32>
      %add3A_1745 = arith.constant 10 : i32
      %add3A_1746 = arith.addi %mul3A_1668, %add3A_1745 : i32
      %get3A_1747 = arith.index_cast %add3A_1746 : i32 to index
      %get3A_1748 = arith.constant 0 : index
      %get3A_1749 = tpu.vector_load %arg8[%get3A_1747, %get3A_1748] {strides = array<i32>} : memref<3328x16xf32, #tpu.memory_space<vmem>>, vector<16xf32>,
      %add3A_1750 = arith.addf %add3A_1742, %get3A_1749 : vector<16xf32>
      %mul3A_1751 = arith.mulf %get3A_1749, %get3A_1749 : vector<16xf32>
      %add3A_1752 = arith.addf %add3A_1744, %mul3A_1751 : vector<16xf32>
      %add3A_1753 = arith.constant 11 : i32
      %add3A_1754 = arith.addi %mul3A_1668, %add3A_1753 : i32
      %get3A_1755 = arith.index_cast %add3A_1754 : i32 to index
      %get3A_1756 = arith.constant 0 : index
      %get3A_1757 = tpu.vector_load %arg8[%get3A_1755, %get3A_1756] {strides = array<i32>} : memref<3328x16xf32, #tpu.memory_space<vmem>>, vector<16xf32>,
      %add3A_1758 = arith.addf %add3A_1750, %get3A_1757 : vector<16xf32>
      %mul3A_1759 = arith.mulf %get3A_1757, %get3A_1757 : vector<16xf32>
      %add3A_1760 = arith.addf %add3A_1752, %mul3A_1759 : vector<16xf32>
      %add3A_1761 = arith.constant 12 : i32
      %add3A_1762 = arith.addi %mul3A_1668, %add3A_1761 : i32
      %get3A_1763 = arith.index_cast %add3A_1762 : i32 to index
      %get3A_1764 = arith.constant 0 : index
      %get3A_1765 = tpu.vector_load %arg8[%get3A_1763, %get3A_1764] {strides = array<i32>} : memref<3328x16xf32, #tpu.memory_space<vmem>>, vector<16xf32>,
      %add3A_1766 = arith.addf %add3A_1758, %get3A_1765 : vector<16xf32>
      %mul3A_1767 = arith.mulf %get3A_1765, %get3A_1765 : vector<16xf32>
      %add3A_1768 = arith.addf %add3A_1760, %mul3A_1767 : vector<16xf32>
      %add3A_1769 = arith.constant 13 : i32
      %add3A_1770 = arith.addi %mul3A_1668, %add3A_1769 : i32
      %get3A_1771 = arith.index_cast %add3A_1770 : i32 to index
      %get3A_1772 = arith.constant 0 : index
      %get3A_1773 = tpu.vector_load %arg8[%get3A_1771, %get3A_1772] {strides = array<i32>} : memref<3328x16xf32, #tpu.memory_space<vmem>>, vector<16xf32>,
      %add3A_1774 = arith.addf %add3A_1766, %get3A_1773 : vector<16xf32>
      %mul3A_1775 = arith.mulf %get3A_1773, %get3A_1773 : vector<16xf32>
      %add3A_1776 = arith.addf %add3A_1768, %mul3A_1775 : vector<16xf32>
      %add3A_1777 = arith.constant 14 : i32
      %add3A_1778 = arith.addi %mul3A_1668, %add3A_1777 : i32
      %get3A_1779 = arith.index_cast %add3A_1778 : i32 to index
      %get3A_1780 = arith.constant 0 : index
      %get3A_1781 = tpu.vector_load %arg8[%get3A_1779, %get3A_1780] {strides = array<i32>} : memref<3328x16xf32, #tpu.memory_space<vmem>>, vector<16xf32>,
      %add3A_1782 = arith.addf %add3A_1774, %get3A_1781 : vector<16xf32>
      %mul3A_1783 = arith.mulf %get3A_1781, %get3A_1781 : vector<16xf32>
      %add3A_1784 = arith.addf %add3A_1776, %mul3A_1783 : vector<16xf32>
      %add3A_1785 = arith.constant 15 : i32
      %add3A_1786 = arith.addi %mul3A_1668, %add3A_1785 : i32
      %get3A_1787 = arith.index_cast %add3A_1786 : i32 to index
      %get3A_1788 = arith.constant 0 : index
      %get3A_1789 = tpu.vector_load %arg8[%get3A_1787, %get3A_1788] {strides = array<i32>} : memref<3328x16xf32, #tpu.memory_space<vmem>>, vector<16xf32>,
      %add3A_1790 = arith.addf %add3A_1782, %get3A_1789 : vector<16xf32>
      %mul3A_1791 = arith.mulf %get3A_1789, %get3A_1789 : vector<16xf32>
      %add3A_1792 = arith.addf %add3A_1784, %mul3A_1791 : vector<16xf32>
      %add3A_1793 = arith.constant 16 : i32
      %add3A_1794 = arith.addi %mul3A_1668, %add3A_1793 : i32
      %get3A_1795 = arith.index_cast %add3A_1794 : i32 to index
      %get3A_1796 = arith.constant 0 : index
      %get3A_1797 = tpu.vector_load %arg8[%get3A_1795, %get3A_1796] {strides = array<i32>} : memref<3328x16xf32, #tpu.memory_space<vmem>>, vector<16xf32>,
      %add3A_1798 = arith.addf %add3A_1790, %get3A_1797 : vector<16xf32>
      %mul3A_1799 = arith.mulf %get3A_1797, %get3A_1797 : vector<16xf32>
      %add3A_1800 = arith.addf %add3A_1792, %mul3A_1799 : vector<16xf32>
      %add3A_1801 = arith.constant 17 : i32
      %add3A_1802 = arith.addi %mul3A_1668, %add3A_1801 : i32
      %get3A_1803 = arith.index_cast %add3A_1802 : i32 to index
      %get3A_1804 = arith.constant 0 : index
      %get3A_1805 = tpu.vector_load %arg8[%get3A_1803, %get3A_1804] {strides = array<i32>} : memref<3328x16xf32, #tpu.memory_space<vmem>>, vector<16xf32>,
      %add3A_1806 = arith.addf %add3A_1798, %get3A_1805 : vector<16xf32>
      %mul3A_1807 = arith.mulf %get3A_1805, %get3A_1805 : vector<16xf32>
      %add3A_1808 = arith.addf %add3A_1800, %mul3A_1807 : vector<16xf32>
      %add3A_1809 = arith.constant 18 : i32
      %add3A_1810 = arith.addi %mul3A_1668, %add3A_1809 : i32
      %get3A_1811 = arith.index_cast %add3A_1810 : i32 to index
      %get3A_1812 = arith.constant 0 : index
      %get3A_1813 = tpu.vector_load %arg8[%get3A_1811, %get3A_1812] {strides = array<i32>} : memref<3328x16xf32, #tpu.memory_space<vmem>>, vector<16xf32>,
      %add3A_1814 = arith.addf %add3A_1806, %get3A_1813 : vector<16xf32>
      %mul3A_1815 = arith.mulf %get3A_1813, %get3A_1813 : vector<16xf32>
      %add3A_1816 = arith.addf %add3A_1808, %mul3A_1815 : vector<16xf32>
      %add3A_1817 = arith.constant 19 : i32
      %add3A_1818 = arith.addi %mul3A_1668, %add3A_1817 : i32
      %get3A_1819 = arith.index_cast %add3A_1818 : i32 to index
      %get3A_1820 = arith.constant 0 : index
      %get3A_1821 = tpu.vector_load %arg8[%get3A_1819, %get3A_1820] {strides = array<i32>} : memref<3328x16xf32, #tpu.memory_space<vmem>>, vector<16xf32>,
      %add3A_1822 = arith.addf %add3A_1814, %get3A_1821 : vector<16xf32>
      %mul3A_1823 = arith.mulf %get3A_1821, %get3A_1821 : vector<16xf32>
      %add3A_1824 = arith.addf %add3A_1816, %mul3A_1823 : vector<16xf32>
      %add3A_1825 = arith.constant 20 : i32
      %add3A_1826 = arith.addi %mul3A_1668, %add3A_1825 : i32
      %get3A_1827 = arith.index_cast %add3A_1826 : i32 to index
      %get3A_1828 = arith.constant 0 : index
      %get3A_1829 = tpu.vector_load %arg8[%get3A_1827, %get3A_1828] {strides = array<i32>} : memref<3328x16xf32, #tpu.memory_space<vmem>>, vector<16xf32>,
      %add3A_1830 = arith.addf %add3A_1822, %get3A_1829 : vector<16xf32>
      %mul3A_1831 = arith.mulf %get3A_1829, %get3A_1829 : vector<16xf32>
      %add3A_1832 = arith.addf %add3A_1824, %mul3A_1831 : vector<16xf32>
      %add3A_1833 = arith.constant 21 : i32
      %add3A_1834 = arith.addi %mul3A_1668, %add3A_1833 : i32
      %get3A_1835 = arith.index_cast %add3A_1834 : i32 to index
      %get3A_1836 = arith.constant 0 : index
      %get3A_1837 = tpu.vector_load %arg8[%get3A_1835, %get3A_1836] {strides = array<i32>} : memref<3328x16xf32, #tpu.memory_space<vmem>>, vector<16xf32>,
      %add3A_1838 = arith.addf %add3A_1830, %get3A_1837 : vector<16xf32>
      %mul3A_1839 = arith.mulf %get3A_1837, %get3A_1837 : vector<16xf32>
      %add3A_1840 = arith.addf %add3A_1832, %mul3A_1839 : vector<16xf32>
      %add3A_1841 = arith.constant 22 : i32
      %add3A_1842 = arith.addi %mul3A_1668, %add3A_1841 : i32
      %get3A_1843 = arith.index_cast %add3A_1842 : i32 to index
      %get3A_1844 = arith.constant 0 : index
      %get3A_1845 = tpu.vector_load %arg8[%get3A_1843, %get3A_1844] {strides = array<i32>} : memref<3328x16xf32, #tpu.memory_space<vmem>>, vector<16xf32>,
      %add3A_1846 = arith.addf %add3A_1838, %get3A_1845 : vector<16xf32>
      %mul3A_1847 = arith.mulf %get3A_1845, %get3A_1845 : vector<16xf32>
      %add3A_1848 = arith.addf %add3A_1840, %mul3A_1847 : vector<16xf32>
      %add3A_1849 = arith.constant 23 : i32
      %add3A_1850 = arith.addi %mul3A_1668, %add3A_1849 : i32
      %get3A_1851 = arith.index_cast %add3A_1850 : i32 to index
      %get3A_1852 = arith.constant 0 : index
      %get3A_1853 = tpu.vector_load %arg8[%get3A_1851, %get3A_1852] {strides = array<i32>} : memref<3328x16xf32, #tpu.memory_space<vmem>>, vector<16xf32>,
      %add3A_1854 = arith.addf %add3A_1846, %get3A_1853 : vector<16xf32>
      %mul3A_1855 = arith.mulf %get3A_1853, %get3A_1853 : vector<16xf32>
      %add3A_1856 = arith.addf %add3A_1848, %mul3A_1855 : vector<16xf32>
      %add3A_1857 = arith.constant 24 : i32
      %add3A_1858 = arith.addi %mul3A_1668, %add3A_1857 : i32
      %get3A_1859 = arith.index_cast %add3A_1858 : i32 to index
      %get3A_1860 = arith.constant 0 : index
      %get3A_1861 = tpu.vector_load %arg8[%get3A_1859, %get3A_1860] {strides = array<i32>} : memref<3328x16xf32, #tpu.memory_space<vmem>>, vector<16xf32>,
      %add3A_1862 = arith.addf %add3A_1854, %get3A_1861 : vector<16xf32>
      %mul3A_1863 = arith.mulf %get3A_1861, %get3A_1861 : vector<16xf32>
      %add3A_1864 = arith.addf %add3A_1856, %mul3A_1863 : vector<16xf32>
      %add3A_1865 = arith.constant 25 : i32
      %add3A_1866 = arith.addi %mul3A_1668, %add3A_1865 : i32
      %get3A_1867 = arith.index_cast %add3A_1866 : i32 to index
      %get3A_1868 = arith.constant 0 : index
      %get3A_1869 = tpu.vector_load %arg8[%get3A_1867, %get3A_1868] {strides = array<i32>} : memref<3328x16xf32, #tpu.memory_space<vmem>>, vector<16xf32>,
      %add3A_1870 = arith.addf %add3A_1862, %get3A_1869 : vector<16xf32>
      %mul3A_1871 = arith.mulf %get3A_1869, %get3A_1869 : vector<16xf32>
      %add3A_1872 = arith.addf %add3A_1864, %mul3A_1871 : vector<16xf32>
      %get3A_1873 = arith.index_cast %mul3A_1668 : i32 to index
      %get3A_1874 = tpu.vector_load %arg9[%get3A_1873] {strides = array<i32>} : memref<3328xf32, #tpu.memory_space<vmem>>, vector<16xf32>,
      %add3A_1875 = arith.constant 10 : i32
      %add3A_1876 = arith.addi %mul3A_1668, %add3A_1875 : i32
      %get3A_1877 = arith.index_cast %add3A_1876 : i32 to index
      %get3A_1878 = tpu.vector_load %arg9[%get3A_1877] {strides = array<i32>} : memref<3328xf32, #tpu.memory_space<vmem>>, vector<16xf32>,
      %mul3A_1879 = arith.mulf %add3A_1870, %add3A_1870 : vector<16xf32>
      %sub3A_1880 = arith.subf %mul3A_1879, %add3A_1872 : vector<16xf32>
      %mul3A_1881 = arith.constant 5.000000e-01 : f32
      %mul3A_1882 = vector.broadcast %mul3A_1881 : f32 to vector<16xf32>
      %mul3A_1883 = arith.mulf %mul3A_1882, %sub3A_1880 : vector<16xf32>
      %add3A_1884 = arith.addf %mul3A_1883, %get3A_1874 : vector<16xf32>
      %mul3A_1885 = arith.mulf %get3A_1878, %convert_element_type3A_35 : vector<16xf32>
      %add3A_1886 = arith.addf %add3A_1884, %mul3A_1885 : vector<16xf32>
      %reduce_sum3A_1887 = arith.constant true
      %reduce_sum3A_1888 = vector.broadcast %reduce_sum3A_1887 : i1 to vector<16xi1>
      %reduce_sum3A_1889 = tpu.scan <sum>, %add3A_1886 masked %reduce_sum3A_1888 : vector<16xf32>, vector<16xi1> -> vector<16xf32>
      %reduce_sum3A_1890 = vector.extract %reduce_sum3A_1889[15] : f32 from vector<16xf32>
      %eq3A_1891 = arith.constant 7 : i32
      %eq3A_1892 = vector.broadcast %eq3A_1891 : i32 to vector<16xi32>
      %eq3A_1893 = arith.cmpi eq, %iota3A, %eq3A_1892 : vector<16xi32>
      %broadcast_in_dim3A_1894 = vector.broadcast %reduce_sum3A_1890 : f32 to vector<16xf32>
      %select_n3A_1895 = arith.select %eq3A_1893, %broadcast_in_dim3A_1894, %select_n3A_1662 : vector<16xi1>, vector<16xf32>
      %mul3A_1896 = arith.constant 16 : i32
      %mul3A_1897 = arith.muli %add3A_32, %mul3A_1896 : i32
      %add3A_1898 = arith.constant 8 : i32
      %add3A_1899 = arith.addi %mul3A_1897, %add3A_1898 : i32
      %mul3A_1900 = arith.constant 26 : i32
      %mul3A_1901 = arith.muli %add3A_1899, %mul3A_1900 : i32
      %get3A_1902 = arith.index_cast %mul3A_1901 : i32 to index
      %get3A_1903 = arith.constant 0 : index
      %get3A_1904 = tpu.vector_load %arg8[%get3A_1902, %get3A_1903] {strides = array<i32>} : memref<3328x16xf32, #tpu.memory_space<vmem>>, vector<16xf32>,
      %mul3A_1905 = arith.mulf %get3A_1904, %get3A_1904 : vector<16xf32>
      %add3A_1906 = arith.constant 1 : i32
      %add3A_1907 = arith.addi %mul3A_1901, %add3A_1906 : i32
      %get3A_1908 = arith.index_cast %add3A_1907 : i32 to index
      %get3A_1909 = arith.constant 0 : index
      %get3A_1910 = tpu.vector_load %arg8[%get3A_1908, %get3A_1909] {strides = array<i32>} : memref<3328x16xf32, #tpu.memory_space<vmem>>, vector<16xf32>,
      %add3A_1911 = arith.addf %get3A_1904, %get3A_1910 : vector<16xf32>
      %mul3A_1912 = arith.mulf %get3A_1910, %get3A_1910 : vector<16xf32>
      %add3A_1913 = arith.addf %mul3A_1905, %mul3A_1912 : vector<16xf32>
      %add3A_1914 = arith.constant 2 : i32
      %add3A_1915 = arith.addi %mul3A_1901, %add3A_1914 : i32
      %get3A_1916 = arith.index_cast %add3A_1915 : i32 to index
      %get3A_1917 = arith.constant 0 : index
      %get3A_1918 = tpu.vector_load %arg8[%get3A_1916, %get3A_1917] {strides = array<i32>} : memref<3328x16xf32, #tpu.memory_space<vmem>>, vector<16xf32>,
      %add3A_1919 = arith.addf %add3A_1911, %get3A_1918 : vector<16xf32>
      %mul3A_1920 = arith.mulf %get3A_1918, %get3A_1918 : vector<16xf32>
      %add3A_1921 = arith.addf %add3A_1913, %mul3A_1920 : vector<16xf32>
      %add3A_1922 = arith.constant 3 : i32
      %add3A_1923 = arith.addi %mul3A_1901, %add3A_1922 : i32
      %get3A_1924 = arith.index_cast %add3A_1923 : i32 to index
      %get3A_1925 = arith.constant 0 : index
      %get3A_1926 = tpu.vector_load %arg8[%get3A_1924, %get3A_1925] {strides = array<i32>} : memref<3328x16xf32, #tpu.memory_space<vmem>>, vector<16xf32>,
      %add3A_1927 = arith.addf %add3A_1919, %get3A_1926 : vector<16xf32>
      %mul3A_1928 = arith.mulf %get3A_1926, %get3A_1926 : vector<16xf32>
      %add3A_1929 = arith.addf %add3A_1921, %mul3A_1928 : vector<16xf32>
      %add3A_1930 = arith.constant 4 : i32
      %add3A_1931 = arith.addi %mul3A_1901, %add3A_1930 : i32
      %get3A_1932 = arith.index_cast %add3A_1931 : i32 to index
      %get3A_1933 = arith.constant 0 : index
      %get3A_1934 = tpu.vector_load %arg8[%get3A_1932, %get3A_1933] {strides = array<i32>} : memref<3328x16xf32, #tpu.memory_space<vmem>>, vector<16xf32>,
      %add3A_1935 = arith.addf %add3A_1927, %get3A_1934 : vector<16xf32>
      %mul3A_1936 = arith.mulf %get3A_1934, %get3A_1934 : vector<16xf32>
      %add3A_1937 = arith.addf %add3A_1929, %mul3A_1936 : vector<16xf32>
      %add3A_1938 = arith.constant 5 : i32
      %add3A_1939 = arith.addi %mul3A_1901, %add3A_1938 : i32
      %get3A_1940 = arith.index_cast %add3A_1939 : i32 to index
      %get3A_1941 = arith.constant 0 : index
      %get3A_1942 = tpu.vector_load %arg8[%get3A_1940, %get3A_1941] {strides = array<i32>} : memref<3328x16xf32, #tpu.memory_space<vmem>>, vector<16xf32>,
      %add3A_1943 = arith.addf %add3A_1935, %get3A_1942 : vector<16xf32>
      %mul3A_1944 = arith.mulf %get3A_1942, %get3A_1942 : vector<16xf32>
      %add3A_1945 = arith.addf %add3A_1937, %mul3A_1944 : vector<16xf32>
      %add3A_1946 = arith.constant 6 : i32
      %add3A_1947 = arith.addi %mul3A_1901, %add3A_1946 : i32
      %get3A_1948 = arith.index_cast %add3A_1947 : i32 to index
      %get3A_1949 = arith.constant 0 : index
      %get3A_1950 = tpu.vector_load %arg8[%get3A_1948, %get3A_1949] {strides = array<i32>} : memref<3328x16xf32, #tpu.memory_space<vmem>>, vector<16xf32>,
      %add3A_1951 = arith.addf %add3A_1943, %get3A_1950 : vector<16xf32>
      %mul3A_1952 = arith.mulf %get3A_1950, %get3A_1950 : vector<16xf32>
      %add3A_1953 = arith.addf %add3A_1945, %mul3A_1952 : vector<16xf32>
      %add3A_1954 = arith.constant 7 : i32
      %add3A_1955 = arith.addi %mul3A_1901, %add3A_1954 : i32
      %get3A_1956 = arith.index_cast %add3A_1955 : i32 to index
      %get3A_1957 = arith.constant 0 : index
      %get3A_1958 = tpu.vector_load %arg8[%get3A_1956, %get3A_1957] {strides = array<i32>} : memref<3328x16xf32, #tpu.memory_space<vmem>>, vector<16xf32>,
      %add3A_1959 = arith.addf %add3A_1951, %get3A_1958 : vector<16xf32>
      %mul3A_1960 = arith.mulf %get3A_1958, %get3A_1958 : vector<16xf32>
      %add3A_1961 = arith.addf %add3A_1953, %mul3A_1960 : vector<16xf32>
      %add3A_1962 = arith.constant 8 : i32
      %add3A_1963 = arith.addi %mul3A_1901, %add3A_1962 : i32
      %get3A_1964 = arith.index_cast %add3A_1963 : i32 to index
      %get3A_1965 = arith.constant 0 : index
      %get3A_1966 = tpu.vector_load %arg8[%get3A_1964, %get3A_1965] {strides = array<i32>} : memref<3328x16xf32, #tpu.memory_space<vmem>>, vector<16xf32>,
      %add3A_1967 = arith.addf %add3A_1959, %get3A_1966 : vector<16xf32>
      %mul3A_1968 = arith.mulf %get3A_1966, %get3A_1966 : vector<16xf32>
      %add3A_1969 = arith.addf %add3A_1961, %mul3A_1968 : vector<16xf32>
      %add3A_1970 = arith.constant 9 : i32
      %add3A_1971 = arith.addi %mul3A_1901, %add3A_1970 : i32
      %get3A_1972 = arith.index_cast %add3A_1971 : i32 to index
      %get3A_1973 = arith.constant 0 : index
      %get3A_1974 = tpu.vector_load %arg8[%get3A_1972, %get3A_1973] {strides = array<i32>} : memref<3328x16xf32, #tpu.memory_space<vmem>>, vector<16xf32>,
      %add3A_1975 = arith.addf %add3A_1967, %get3A_1974 : vector<16xf32>
      %mul3A_1976 = arith.mulf %get3A_1974, %get3A_1974 : vector<16xf32>
      %add3A_1977 = arith.addf %add3A_1969, %mul3A_1976 : vector<16xf32>
      %add3A_1978 = arith.constant 10 : i32
      %add3A_1979 = arith.addi %mul3A_1901, %add3A_1978 : i32
      %get3A_1980 = arith.index_cast %add3A_1979 : i32 to index
      %get3A_1981 = arith.constant 0 : index
      %get3A_1982 = tpu.vector_load %arg8[%get3A_1980, %get3A_1981] {strides = array<i32>} : memref<3328x16xf32, #tpu.memory_space<vmem>>, vector<16xf32>,
      %add3A_1983 = arith.addf %add3A_1975, %get3A_1982 : vector<16xf32>
      %mul3A_1984 = arith.mulf %get3A_1982, %get3A_1982 : vector<16xf32>
      %add3A_1985 = arith.addf %add3A_1977, %mul3A_1984 : vector<16xf32>
      %add3A_1986 = arith.constant 11 : i32
      %add3A_1987 = arith.addi %mul3A_1901, %add3A_1986 : i32
      %get3A_1988 = arith.index_cast %add3A_1987 : i32 to index
      %get3A_1989 = arith.constant 0 : index
      %get3A_1990 = tpu.vector_load %arg8[%get3A_1988, %get3A_1989] {strides = array<i32>} : memref<3328x16xf32, #tpu.memory_space<vmem>>, vector<16xf32>,
      %add3A_1991 = arith.addf %add3A_1983, %get3A_1990 : vector<16xf32>
      %mul3A_1992 = arith.mulf %get3A_1990, %get3A_1990 : vector<16xf32>
      %add3A_1993 = arith.addf %add3A_1985, %mul3A_1992 : vector<16xf32>
      %add3A_1994 = arith.constant 12 : i32
      %add3A_1995 = arith.addi %mul3A_1901, %add3A_1994 : i32
      %get3A_1996 = arith.index_cast %add3A_1995 : i32 to index
      %get3A_1997 = arith.constant 0 : index
      %get3A_1998 = tpu.vector_load %arg8[%get3A_1996, %get3A_1997] {strides = array<i32>} : memref<3328x16xf32, #tpu.memory_space<vmem>>, vector<16xf32>,
      %add3A_1999 = arith.addf %add3A_1991, %get3A_1998 : vector<16xf32>
      %mul3A_2000 = arith.mulf %get3A_1998, %get3A_1998 : vector<16xf32>
      %add3A_2001 = arith.addf %add3A_1993, %mul3A_2000 : vector<16xf32>
      %add3A_2002 = arith.constant 13 : i32
      %add3A_2003 = arith.addi %mul3A_1901, %add3A_2002 : i32
      %get3A_2004 = arith.index_cast %add3A_2003 : i32 to index
      %get3A_2005 = arith.constant 0 : index
      %get3A_2006 = tpu.vector_load %arg8[%get3A_2004, %get3A_2005] {strides = array<i32>} : memref<3328x16xf32, #tpu.memory_space<vmem>>, vector<16xf32>,
      %add3A_2007 = arith.addf %add3A_1999, %get3A_2006 : vector<16xf32>
      %mul3A_2008 = arith.mulf %get3A_2006, %get3A_2006 : vector<16xf32>
      %add3A_2009 = arith.addf %add3A_2001, %mul3A_2008 : vector<16xf32>
      %add3A_2010 = arith.constant 14 : i32
      %add3A_2011 = arith.addi %mul3A_1901, %add3A_2010 : i32
      %get3A_2012 = arith.index_cast %add3A_2011 : i32 to index
      %get3A_2013 = arith.constant 0 : index
      %get3A_2014 = tpu.vector_load %arg8[%get3A_2012, %get3A_2013] {strides = array<i32>} : memref<3328x16xf32, #tpu.memory_space<vmem>>, vector<16xf32>,
      %add3A_2015 = arith.addf %add3A_2007, %get3A_2014 : vector<16xf32>
      %mul3A_2016 = arith.mulf %get3A_2014, %get3A_2014 : vector<16xf32>
      %add3A_2017 = arith.addf %add3A_2009, %mul3A_2016 : vector<16xf32>
      %add3A_2018 = arith.constant 15 : i32
      %add3A_2019 = arith.addi %mul3A_1901, %add3A_2018 : i32
      %get3A_2020 = arith.index_cast %add3A_2019 : i32 to index
      %get3A_2021 = arith.constant 0 : index
      %get3A_2022 = tpu.vector_load %arg8[%get3A_2020, %get3A_2021] {strides = array<i32>} : memref<3328x16xf32, #tpu.memory_space<vmem>>, vector<16xf32>,
      %add3A_2023 = arith.addf %add3A_2015, %get3A_2022 : vector<16xf32>
      %mul3A_2024 = arith.mulf %get3A_2022, %get3A_2022 : vector<16xf32>
      %add3A_2025 = arith.addf %add3A_2017, %mul3A_2024 : vector<16xf32>
      %add3A_2026 = arith.constant 16 : i32
      %add3A_2027 = arith.addi %mul3A_1901, %add3A_2026 : i32
      %get3A_2028 = arith.index_cast %add3A_2027 : i32 to index
      %get3A_2029 = arith.constant 0 : index
      %get3A_2030 = tpu.vector_load %arg8[%get3A_2028, %get3A_2029] {strides = array<i32>} : memref<3328x16xf32, #tpu.memory_space<vmem>>, vector<16xf32>,
      %add3A_2031 = arith.addf %add3A_2023, %get3A_2030 : vector<16xf32>
      %mul3A_2032 = arith.mulf %get3A_2030, %get3A_2030 : vector<16xf32>
      %add3A_2033 = arith.addf %add3A_2025, %mul3A_2032 : vector<16xf32>
      %add3A_2034 = arith.constant 17 : i32
      %add3A_2035 = arith.addi %mul3A_1901, %add3A_2034 : i32
      %get3A_2036 = arith.index_cast %add3A_2035 : i32 to index
      %get3A_2037 = arith.constant 0 : index
      %get3A_2038 = tpu.vector_load %arg8[%get3A_2036, %get3A_2037] {strides = array<i32>} : memref<3328x16xf32, #tpu.memory_space<vmem>>, vector<16xf32>,
      %add3A_2039 = arith.addf %add3A_2031, %get3A_2038 : vector<16xf32>
      %mul3A_2040 = arith.mulf %get3A_2038, %get3A_2038 : vector<16xf32>
      %add3A_2041 = arith.addf %add3A_2033, %mul3A_2040 : vector<16xf32>
      %add3A_2042 = arith.constant 18 : i32
      %add3A_2043 = arith.addi %mul3A_1901, %add3A_2042 : i32
      %get3A_2044 = arith.index_cast %add3A_2043 : i32 to index
      %get3A_2045 = arith.constant 0 : index
      %get3A_2046 = tpu.vector_load %arg8[%get3A_2044, %get3A_2045] {strides = array<i32>} : memref<3328x16xf32, #tpu.memory_space<vmem>>, vector<16xf32>,
      %add3A_2047 = arith.addf %add3A_2039, %get3A_2046 : vector<16xf32>
      %mul3A_2048 = arith.mulf %get3A_2046, %get3A_2046 : vector<16xf32>
      %add3A_2049 = arith.addf %add3A_2041, %mul3A_2048 : vector<16xf32>
      %add3A_2050 = arith.constant 19 : i32
      %add3A_2051 = arith.addi %mul3A_1901, %add3A_2050 : i32
      %get3A_2052 = arith.index_cast %add3A_2051 : i32 to index
      %get3A_2053 = arith.constant 0 : index
      %get3A_2054 = tpu.vector_load %arg8[%get3A_2052, %get3A_2053] {strides = array<i32>} : memref<3328x16xf32, #tpu.memory_space<vmem>>, vector<16xf32>,
      %add3A_2055 = arith.addf %add3A_2047, %get3A_2054 : vector<16xf32>
      %mul3A_2056 = arith.mulf %get3A_2054, %get3A_2054 : vector<16xf32>
      %add3A_2057 = arith.addf %add3A_2049, %mul3A_2056 : vector<16xf32>
      %add3A_2058 = arith.constant 20 : i32
      %add3A_2059 = arith.addi %mul3A_1901, %add3A_2058 : i32
      %get3A_2060 = arith.index_cast %add3A_2059 : i32 to index
      %get3A_2061 = arith.constant 0 : index
      %get3A_2062 = tpu.vector_load %arg8[%get3A_2060, %get3A_2061] {strides = array<i32>} : memref<3328x16xf32, #tpu.memory_space<vmem>>, vector<16xf32>,
      %add3A_2063 = arith.addf %add3A_2055, %get3A_2062 : vector<16xf32>
      %mul3A_2064 = arith.mulf %get3A_2062, %get3A_2062 : vector<16xf32>
      %add3A_2065 = arith.addf %add3A_2057, %mul3A_2064 : vector<16xf32>
      %add3A_2066 = arith.constant 21 : i32
      %add3A_2067 = arith.addi %mul3A_1901, %add3A_2066 : i32
      %get3A_2068 = arith.index_cast %add3A_2067 : i32 to index
      %get3A_2069 = arith.constant 0 : index
      %get3A_2070 = tpu.vector_load %arg8[%get3A_2068, %get3A_2069] {strides = array<i32>} : memref<3328x16xf32, #tpu.memory_space<vmem>>, vector<16xf32>,
      %add3A_2071 = arith.addf %add3A_2063, %get3A_2070 : vector<16xf32>
      %mul3A_2072 = arith.mulf %get3A_2070, %get3A_2070 : vector<16xf32>
      %add3A_2073 = arith.addf %add3A_2065, %mul3A_2072 : vector<16xf32>
      %add3A_2074 = arith.constant 22 : i32
      %add3A_2075 = arith.addi %mul3A_1901, %add3A_2074 : i32
      %get3A_2076 = arith.index_cast %add3A_2075 : i32 to index
      %get3A_2077 = arith.constant 0 : index
      %get3A_2078 = tpu.vector_load %arg8[%get3A_2076, %get3A_2077] {strides = array<i32>} : memref<3328x16xf32, #tpu.memory_space<vmem>>, vector<16xf32>,
      %add3A_2079 = arith.addf %add3A_2071, %get3A_2078 : vector<16xf32>
      %mul3A_2080 = arith.mulf %get3A_2078, %get3A_2078 : vector<16xf32>
      %add3A_2081 = arith.addf %add3A_2073, %mul3A_2080 : vector<16xf32>
      %add3A_2082 = arith.constant 23 : i32
      %add3A_2083 = arith.addi %mul3A_1901, %add3A_2082 : i32
      %get3A_2084 = arith.index_cast %add3A_2083 : i32 to index
      %get3A_2085 = arith.constant 0 : index
      %get3A_2086 = tpu.vector_load %arg8[%get3A_2084, %get3A_2085] {strides = array<i32>} : memref<3328x16xf32, #tpu.memory_space<vmem>>, vector<16xf32>,
      %add3A_2087 = arith.addf %add3A_2079, %get3A_2086 : vector<16xf32>
      %mul3A_2088 = arith.mulf %get3A_2086, %get3A_2086 : vector<16xf32>
      %add3A_2089 = arith.addf %add3A_2081, %mul3A_2088 : vector<16xf32>
      %add3A_2090 = arith.constant 24 : i32
      %add3A_2091 = arith.addi %mul3A_1901, %add3A_2090 : i32
      %get3A_2092 = arith.index_cast %add3A_2091 : i32 to index
      %get3A_2093 = arith.constant 0 : index
      %get3A_2094 = tpu.vector_load %arg8[%get3A_2092, %get3A_2093] {strides = array<i32>} : memref<3328x16xf32, #tpu.memory_space<vmem>>, vector<16xf32>,
      %add3A_2095 = arith.addf %add3A_2087, %get3A_2094 : vector<16xf32>
      %mul3A_2096 = arith.mulf %get3A_2094, %get3A_2094 : vector<16xf32>
      %add3A_2097 = arith.addf %add3A_2089, %mul3A_2096 : vector<16xf32>
      %add3A_2098 = arith.constant 25 : i32
      %add3A_2099 = arith.addi %mul3A_1901, %add3A_2098 : i32
      %get3A_2100 = arith.index_cast %add3A_2099 : i32 to index
      %get3A_2101 = arith.constant 0 : index
      %get3A_2102 = tpu.vector_load %arg8[%get3A_2100, %get3A_2101] {strides = array<i32>} : memref<3328x16xf32, #tpu.memory_space<vmem>>, vector<16xf32>,
      %add3A_2103 = arith.addf %add3A_2095, %get3A_2102 : vector<16xf32>
      %mul3A_2104 = arith.mulf %get3A_2102, %get3A_2102 : vector<16xf32>
      %add3A_2105 = arith.addf %add3A_2097, %mul3A_2104 : vector<16xf32>
      %get3A_2106 = arith.index_cast %mul3A_1901 : i32 to index
      %get3A_2107 = tpu.vector_load %arg9[%get3A_2106] {strides = array<i32>} : memref<3328xf32, #tpu.memory_space<vmem>>, vector<16xf32>,
      %add3A_2108 = arith.constant 10 : i32
      %add3A_2109 = arith.addi %mul3A_1901, %add3A_2108 : i32
      %get3A_2110 = arith.index_cast %add3A_2109 : i32 to index
      %get3A_2111 = tpu.vector_load %arg9[%get3A_2110] {strides = array<i32>} : memref<3328xf32, #tpu.memory_space<vmem>>, vector<16xf32>,
      %mul3A_2112 = arith.mulf %add3A_2103, %add3A_2103 : vector<16xf32>
      %sub3A_2113 = arith.subf %mul3A_2112, %add3A_2105 : vector<16xf32>
      %mul3A_2114 = arith.constant 5.000000e-01 : f32
      %mul3A_2115 = vector.broadcast %mul3A_2114 : f32 to vector<16xf32>
      %mul3A_2116 = arith.mulf %mul3A_2115, %sub3A_2113 : vector<16xf32>
      %add3A_2117 = arith.addf %mul3A_2116, %get3A_2107 : vector<16xf32>
      %mul3A_2118 = arith.mulf %get3A_2111, %convert_element_type3A_35 : vector<16xf32>
      %add3A_2119 = arith.addf %add3A_2117, %mul3A_2118 : vector<16xf32>
      %reduce_sum3A_2120 = arith.constant true
      %reduce_sum3A_2121 = vector.broadcast %reduce_sum3A_2120 : i1 to vector<16xi1>
      %reduce_sum3A_2122 = tpu.scan <sum>, %add3A_2119 masked %reduce_sum3A_2121 : vector<16xf32>, vector<16xi1> -> vector<16xf32>
      %reduce_sum3A_2123 = vector.extract %reduce_sum3A_2122[15] : f32 from vector<16xf32>
      %eq3A_2124 = arith.constant 8 : i32
      %eq3A_2125 = vector.broadcast %eq3A_2124 : i32 to vector<16xi32>
      %eq3A_2126 = arith.cmpi eq, %iota3A, %eq3A_2125 : vector<16xi32>
      %broadcast_in_dim3A_2127 = vector.broadcast %reduce_sum3A_2123 : f32 to vector<16xf32>
      %select_n3A_2128 = arith.select %eq3A_2126, %broadcast_in_dim3A_2127, %select_n3A_1895 : vector<16xi1>, vector<16xf32>
      %mul3A_2129 = arith.constant 16 : i32
      %mul3A_2130 = arith.muli %add3A_32, %mul3A_2129 : i32
      %add3A_2131 = arith.constant 9 : i32
      %add3A_2132 = arith.addi %mul3A_2130, %add3A_2131 : i32
      %mul3A_2133 = arith.constant 26 : i32
      %mul3A_2134 = arith.muli %add3A_2132, %mul3A_2133 : i32
      %get3A_2135 = arith.index_cast %mul3A_2134 : i32 to index
      %get3A_2136 = arith.constant 0 : index
      %get3A_2137 = tpu.vector_load %arg8[%get3A_2135, %get3A_2136] {strides = array<i32>} : memref<3328x16xf32, #tpu.memory_space<vmem>>, vector<16xf32>,
      %mul3A_2138 = arith.mulf %get3A_2137, %get3A_2137 : vector<16xf32>
      %add3A_2139 = arith.constant 1 : i32
      %add3A_2140 = arith.addi %mul3A_2134, %add3A_2139 : i32
      %get3A_2141 = arith.index_cast %add3A_2140 : i32 to index
      %get3A_2142 = arith.constant 0 : index
      %get3A_2143 = tpu.vector_load %arg8[%get3A_2141, %get3A_2142] {strides = array<i32>} : memref<3328x16xf32, #tpu.memory_space<vmem>>, vector<16xf32>,
      %add3A_2144 = arith.addf %get3A_2137, %get3A_2143 : vector<16xf32>
      %mul3A_2145 = arith.mulf %get3A_2143, %get3A_2143 : vector<16xf32>
      %add3A_2146 = arith.addf %mul3A_2138, %mul3A_2145 : vector<16xf32>
      %add3A_2147 = arith.constant 2 : i32
      %add3A_2148 = arith.addi %mul3A_2134, %add3A_2147 : i32
      %get3A_2149 = arith.index_cast %add3A_2148 : i32 to index
      %get3A_2150 = arith.constant 0 : index
      %get3A_2151 = tpu.vector_load %arg8[%get3A_2149, %get3A_2150] {strides = array<i32>} : memref<3328x16xf32, #tpu.memory_space<vmem>>, vector<16xf32>,
      %add3A_2152 = arith.addf %add3A_2144, %get3A_2151 : vector<16xf32>
      %mul3A_2153 = arith.mulf %get3A_2151, %get3A_2151 : vector<16xf32>
      %add3A_2154 = arith.addf %add3A_2146, %mul3A_2153 : vector<16xf32>
      %add3A_2155 = arith.constant 3 : i32
      %add3A_2156 = arith.addi %mul3A_2134, %add3A_2155 : i32
      %get3A_2157 = arith.index_cast %add3A_2156 : i32 to index
      %get3A_2158 = arith.constant 0 : index
      %get3A_2159 = tpu.vector_load %arg8[%get3A_2157, %get3A_2158] {strides = array<i32>} : memref<3328x16xf32, #tpu.memory_space<vmem>>, vector<16xf32>,
      %add3A_2160 = arith.addf %add3A_2152, %get3A_2159 : vector<16xf32>
      %mul3A_2161 = arith.mulf %get3A_2159, %get3A_2159 : vector<16xf32>
      %add3A_2162 = arith.addf %add3A_2154, %mul3A_2161 : vector<16xf32>
      %add3A_2163 = arith.constant 4 : i32
      %add3A_2164 = arith.addi %mul3A_2134, %add3A_2163 : i32
      %get3A_2165 = arith.index_cast %add3A_2164 : i32 to index
      %get3A_2166 = arith.constant 0 : index
      %get3A_2167 = tpu.vector_load %arg8[%get3A_2165, %get3A_2166] {strides = array<i32>} : memref<3328x16xf32, #tpu.memory_space<vmem>>, vector<16xf32>,
      %add3A_2168 = arith.addf %add3A_2160, %get3A_2167 : vector<16xf32>
      %mul3A_2169 = arith.mulf %get3A_2167, %get3A_2167 : vector<16xf32>
      %add3A_2170 = arith.addf %add3A_2162, %mul3A_2169 : vector<16xf32>
      %add3A_2171 = arith.constant 5 : i32
      %add3A_2172 = arith.addi %mul3A_2134, %add3A_2171 : i32
      %get3A_2173 = arith.index_cast %add3A_2172 : i32 to index
      %get3A_2174 = arith.constant 0 : index
      %get3A_2175 = tpu.vector_load %arg8[%get3A_2173, %get3A_2174] {strides = array<i32>} : memref<3328x16xf32, #tpu.memory_space<vmem>>, vector<16xf32>,
      %add3A_2176 = arith.addf %add3A_2168, %get3A_2175 : vector<16xf32>
      %mul3A_2177 = arith.mulf %get3A_2175, %get3A_2175 : vector<16xf32>
      %add3A_2178 = arith.addf %add3A_2170, %mul3A_2177 : vector<16xf32>
      %add3A_2179 = arith.constant 6 : i32
      %add3A_2180 = arith.addi %mul3A_2134, %add3A_2179 : i32
      %get3A_2181 = arith.index_cast %add3A_2180 : i32 to index
      %get3A_2182 = arith.constant 0 : index
      %get3A_2183 = tpu.vector_load %arg8[%get3A_2181, %get3A_2182] {strides = array<i32>} : memref<3328x16xf32, #tpu.memory_space<vmem>>, vector<16xf32>,
      %add3A_2184 = arith.addf %add3A_2176, %get3A_2183 : vector<16xf32>
      %mul3A_2185 = arith.mulf %get3A_2183, %get3A_2183 : vector<16xf32>
      %add3A_2186 = arith.addf %add3A_2178, %mul3A_2185 : vector<16xf32>
      %add3A_2187 = arith.constant 7 : i32
      %add3A_2188 = arith.addi %mul3A_2134, %add3A_2187 : i32
      %get3A_2189 = arith.index_cast %add3A_2188 : i32 to index
      %get3A_2190 = arith.constant 0 : index
      %get3A_2191 = tpu.vector_load %arg8[%get3A_2189, %get3A_2190] {strides = array<i32>} : memref<3328x16xf32, #tpu.memory_space<vmem>>, vector<16xf32>,
      %add3A_2192 = arith.addf %add3A_2184, %get3A_2191 : vector<16xf32>
      %mul3A_2193 = arith.mulf %get3A_2191, %get3A_2191 : vector<16xf32>
      %add3A_2194 = arith.addf %add3A_2186, %mul3A_2193 : vector<16xf32>
      %add3A_2195 = arith.constant 8 : i32
      %add3A_2196 = arith.addi %mul3A_2134, %add3A_2195 : i32
      %get3A_2197 = arith.index_cast %add3A_2196 : i32 to index
      %get3A_2198 = arith.constant 0 : index
      %get3A_2199 = tpu.vector_load %arg8[%get3A_2197, %get3A_2198] {strides = array<i32>} : memref<3328x16xf32, #tpu.memory_space<vmem>>, vector<16xf32>,
      %add3A_2200 = arith.addf %add3A_2192, %get3A_2199 : vector<16xf32>
      %mul3A_2201 = arith.mulf %get3A_2199, %get3A_2199 : vector<16xf32>
      %add3A_2202 = arith.addf %add3A_2194, %mul3A_2201 : vector<16xf32>
      %add3A_2203 = arith.constant 9 : i32
      %add3A_2204 = arith.addi %mul3A_2134, %add3A_2203 : i32
      %get3A_2205 = arith.index_cast %add3A_2204 : i32 to index
      %get3A_2206 = arith.constant 0 : index
      %get3A_2207 = tpu.vector_load %arg8[%get3A_2205, %get3A_2206] {strides = array<i32>} : memref<3328x16xf32, #tpu.memory_space<vmem>>, vector<16xf32>,
      %add3A_2208 = arith.addf %add3A_2200, %get3A_2207 : vector<16xf32>
      %mul3A_2209 = arith.mulf %get3A_2207, %get3A_2207 : vector<16xf32>
      %add3A_2210 = arith.addf %add3A_2202, %mul3A_2209 : vector<16xf32>
      %add3A_2211 = arith.constant 10 : i32
      %add3A_2212 = arith.addi %mul3A_2134, %add3A_2211 : i32
      %get3A_2213 = arith.index_cast %add3A_2212 : i32 to index
      %get3A_2214 = arith.constant 0 : index
      %get3A_2215 = tpu.vector_load %arg8[%get3A_2213, %get3A_2214] {strides = array<i32>} : memref<3328x16xf32, #tpu.memory_space<vmem>>, vector<16xf32>,
      %add3A_2216 = arith.addf %add3A_2208, %get3A_2215 : vector<16xf32>
      %mul3A_2217 = arith.mulf %get3A_2215, %get3A_2215 : vector<16xf32>
      %add3A_2218 = arith.addf %add3A_2210, %mul3A_2217 : vector<16xf32>
      %add3A_2219 = arith.constant 11 : i32
      %add3A_2220 = arith.addi %mul3A_2134, %add3A_2219 : i32
      %get3A_2221 = arith.index_cast %add3A_2220 : i32 to index
      %get3A_2222 = arith.constant 0 : index
      %get3A_2223 = tpu.vector_load %arg8[%get3A_2221, %get3A_2222] {strides = array<i32>} : memref<3328x16xf32, #tpu.memory_space<vmem>>, vector<16xf32>,
      %add3A_2224 = arith.addf %add3A_2216, %get3A_2223 : vector<16xf32>
      %mul3A_2225 = arith.mulf %get3A_2223, %get3A_2223 : vector<16xf32>
      %add3A_2226 = arith.addf %add3A_2218, %mul3A_2225 : vector<16xf32>
      %add3A_2227 = arith.constant 12 : i32
      %add3A_2228 = arith.addi %mul3A_2134, %add3A_2227 : i32
      %get3A_2229 = arith.index_cast %add3A_2228 : i32 to index
      %get3A_2230 = arith.constant 0 : index
      %get3A_2231 = tpu.vector_load %arg8[%get3A_2229, %get3A_2230] {strides = array<i32>} : memref<3328x16xf32, #tpu.memory_space<vmem>>, vector<16xf32>,
      %add3A_2232 = arith.addf %add3A_2224, %get3A_2231 : vector<16xf32>
      %mul3A_2233 = arith.mulf %get3A_2231, %get3A_2231 : vector<16xf32>
      %add3A_2234 = arith.addf %add3A_2226, %mul3A_2233 : vector<16xf32>
      %add3A_2235 = arith.constant 13 : i32
      %add3A_2236 = arith.addi %mul3A_2134, %add3A_2235 : i32
      %get3A_2237 = arith.index_cast %add3A_2236 : i32 to index
      %get3A_2238 = arith.constant 0 : index
      %get3A_2239 = tpu.vector_load %arg8[%get3A_2237, %get3A_2238] {strides = array<i32>} : memref<3328x16xf32, #tpu.memory_space<vmem>>, vector<16xf32>,
      %add3A_2240 = arith.addf %add3A_2232, %get3A_2239 : vector<16xf32>
      %mul3A_2241 = arith.mulf %get3A_2239, %get3A_2239 : vector<16xf32>
      %add3A_2242 = arith.addf %add3A_2234, %mul3A_2241 : vector<16xf32>
      %add3A_2243 = arith.constant 14 : i32
      %add3A_2244 = arith.addi %mul3A_2134, %add3A_2243 : i32
      %get3A_2245 = arith.index_cast %add3A_2244 : i32 to index
      %get3A_2246 = arith.constant 0 : index
      %get3A_2247 = tpu.vector_load %arg8[%get3A_2245, %get3A_2246] {strides = array<i32>} : memref<3328x16xf32, #tpu.memory_space<vmem>>, vector<16xf32>,
      %add3A_2248 = arith.addf %add3A_2240, %get3A_2247 : vector<16xf32>
      %mul3A_2249 = arith.mulf %get3A_2247, %get3A_2247 : vector<16xf32>
      %add3A_2250 = arith.addf %add3A_2242, %mul3A_2249 : vector<16xf32>
      %add3A_2251 = arith.constant 15 : i32
      %add3A_2252 = arith.addi %mul3A_2134, %add3A_2251 : i32
      %get3A_2253 = arith.index_cast %add3A_2252 : i32 to index
      %get3A_2254 = arith.constant 0 : index
      %get3A_2255 = tpu.vector_load %arg8[%get3A_2253, %get3A_2254] {strides = array<i32>} : memref<3328x16xf32, #tpu.memory_space<vmem>>, vector<16xf32>,
      %add3A_2256 = arith.addf %add3A_2248, %get3A_2255 : vector<16xf32>
      %mul3A_2257 = arith.mulf %get3A_2255, %get3A_2255 : vector<16xf32>
      %add3A_2258 = arith.addf %add3A_2250, %mul3A_2257 : vector<16xf32>
      %add3A_2259 = arith.constant 16 : i32
      %add3A_2260 = arith.addi %mul3A_2134, %add3A_2259 : i32
      %get3A_2261 = arith.index_cast %add3A_2260 : i32 to index
      %get3A_2262 = arith.constant 0 : index
      %get3A_2263 = tpu.vector_load %arg8[%get3A_2261, %get3A_2262] {strides = array<i32>} : memref<3328x16xf32, #tpu.memory_space<vmem>>, vector<16xf32>,
      %add3A_2264 = arith.addf %add3A_2256, %get3A_2263 : vector<16xf32>
      %mul3A_2265 = arith.mulf %get3A_2263, %get3A_2263 : vector<16xf32>
      %add3A_2266 = arith.addf %add3A_2258, %mul3A_2265 : vector<16xf32>
      %add3A_2267 = arith.constant 17 : i32
      %add3A_2268 = arith.addi %mul3A_2134, %add3A_2267 : i32
      %get3A_2269 = arith.index_cast %add3A_2268 : i32 to index
      %get3A_2270 = arith.constant 0 : index
      %get3A_2271 = tpu.vector_load %arg8[%get3A_2269, %get3A_2270] {strides = array<i32>} : memref<3328x16xf32, #tpu.memory_space<vmem>>, vector<16xf32>,
      %add3A_2272 = arith.addf %add3A_2264, %get3A_2271 : vector<16xf32>
      %mul3A_2273 = arith.mulf %get3A_2271, %get3A_2271 : vector<16xf32>
      %add3A_2274 = arith.addf %add3A_2266, %mul3A_2273 : vector<16xf32>
      %add3A_2275 = arith.constant 18 : i32
      %add3A_2276 = arith.addi %mul3A_2134, %add3A_2275 : i32
      %get3A_2277 = arith.index_cast %add3A_2276 : i32 to index
      %get3A_2278 = arith.constant 0 : index
      %get3A_2279 = tpu.vector_load %arg8[%get3A_2277, %get3A_2278] {strides = array<i32>} : memref<3328x16xf32, #tpu.memory_space<vmem>>, vector<16xf32>,
      %add3A_2280 = arith.addf %add3A_2272, %get3A_2279 : vector<16xf32>
      %mul3A_2281 = arith.mulf %get3A_2279, %get3A_2279 : vector<16xf32>
      %add3A_2282 = arith.addf %add3A_2274, %mul3A_2281 : vector<16xf32>
      %add3A_2283 = arith.constant 19 : i32
      %add3A_2284 = arith.addi %mul3A_2134, %add3A_2283 : i32
      %get3A_2285 = arith.index_cast %add3A_2284 : i32 to index
      %get3A_2286 = arith.constant 0 : index
      %get3A_2287 = tpu.vector_load %arg8[%get3A_2285, %get3A_2286] {strides = array<i32>} : memref<3328x16xf32, #tpu.memory_space<vmem>>, vector<16xf32>,
      %add3A_2288 = arith.addf %add3A_2280, %get3A_2287 : vector<16xf32>
      %mul3A_2289 = arith.mulf %get3A_2287, %get3A_2287 : vector<16xf32>
      %add3A_2290 = arith.addf %add3A_2282, %mul3A_2289 : vector<16xf32>
      %add3A_2291 = arith.constant 20 : i32
      %add3A_2292 = arith.addi %mul3A_2134, %add3A_2291 : i32
      %get3A_2293 = arith.index_cast %add3A_2292 : i32 to index
      %get3A_2294 = arith.constant 0 : index
      %get3A_2295 = tpu.vector_load %arg8[%get3A_2293, %get3A_2294] {strides = array<i32>} : memref<3328x16xf32, #tpu.memory_space<vmem>>, vector<16xf32>,
      %add3A_2296 = arith.addf %add3A_2288, %get3A_2295 : vector<16xf32>
      %mul3A_2297 = arith.mulf %get3A_2295, %get3A_2295 : vector<16xf32>
      %add3A_2298 = arith.addf %add3A_2290, %mul3A_2297 : vector<16xf32>
      %add3A_2299 = arith.constant 21 : i32
      %add3A_2300 = arith.addi %mul3A_2134, %add3A_2299 : i32
      %get3A_2301 = arith.index_cast %add3A_2300 : i32 to index
      %get3A_2302 = arith.constant 0 : index
      %get3A_2303 = tpu.vector_load %arg8[%get3A_2301, %get3A_2302] {strides = array<i32>} : memref<3328x16xf32, #tpu.memory_space<vmem>>, vector<16xf32>,
      %add3A_2304 = arith.addf %add3A_2296, %get3A_2303 : vector<16xf32>
      %mul3A_2305 = arith.mulf %get3A_2303, %get3A_2303 : vector<16xf32>
      %add3A_2306 = arith.addf %add3A_2298, %mul3A_2305 : vector<16xf32>
      %add3A_2307 = arith.constant 22 : i32
      %add3A_2308 = arith.addi %mul3A_2134, %add3A_2307 : i32
      %get3A_2309 = arith.index_cast %add3A_2308 : i32 to index
      %get3A_2310 = arith.constant 0 : index
      %get3A_2311 = tpu.vector_load %arg8[%get3A_2309, %get3A_2310] {strides = array<i32>} : memref<3328x16xf32, #tpu.memory_space<vmem>>, vector<16xf32>,
      %add3A_2312 = arith.addf %add3A_2304, %get3A_2311 : vector<16xf32>
      %mul3A_2313 = arith.mulf %get3A_2311, %get3A_2311 : vector<16xf32>
      %add3A_2314 = arith.addf %add3A_2306, %mul3A_2313 : vector<16xf32>
      %add3A_2315 = arith.constant 23 : i32
      %add3A_2316 = arith.addi %mul3A_2134, %add3A_2315 : i32
      %get3A_2317 = arith.index_cast %add3A_2316 : i32 to index
      %get3A_2318 = arith.constant 0 : index
      %get3A_2319 = tpu.vector_load %arg8[%get3A_2317, %get3A_2318] {strides = array<i32>} : memref<3328x16xf32, #tpu.memory_space<vmem>>, vector<16xf32>,
      %add3A_2320 = arith.addf %add3A_2312, %get3A_2319 : vector<16xf32>
      %mul3A_2321 = arith.mulf %get3A_2319, %get3A_2319 : vector<16xf32>
      %add3A_2322 = arith.addf %add3A_2314, %mul3A_2321 : vector<16xf32>
      %add3A_2323 = arith.constant 24 : i32
      %add3A_2324 = arith.addi %mul3A_2134, %add3A_2323 : i32
      %get3A_2325 = arith.index_cast %add3A_2324 : i32 to index
      %get3A_2326 = arith.constant 0 : index
      %get3A_2327 = tpu.vector_load %arg8[%get3A_2325, %get3A_2326] {strides = array<i32>} : memref<3328x16xf32, #tpu.memory_space<vmem>>, vector<16xf32>,
      %add3A_2328 = arith.addf %add3A_2320, %get3A_2327 : vector<16xf32>
      %mul3A_2329 = arith.mulf %get3A_2327, %get3A_2327 : vector<16xf32>
      %add3A_2330 = arith.addf %add3A_2322, %mul3A_2329 : vector<16xf32>
      %add3A_2331 = arith.constant 25 : i32
      %add3A_2332 = arith.addi %mul3A_2134, %add3A_2331 : i32
      %get3A_2333 = arith.index_cast %add3A_2332 : i32 to index
      %get3A_2334 = arith.constant 0 : index
      %get3A_2335 = tpu.vector_load %arg8[%get3A_2333, %get3A_2334] {strides = array<i32>} : memref<3328x16xf32, #tpu.memory_space<vmem>>, vector<16xf32>,
      %add3A_2336 = arith.addf %add3A_2328, %get3A_2335 : vector<16xf32>
      %mul3A_2337 = arith.mulf %get3A_2335, %get3A_2335 : vector<16xf32>
      %add3A_2338 = arith.addf %add3A_2330, %mul3A_2337 : vector<16xf32>
      %get3A_2339 = arith.index_cast %mul3A_2134 : i32 to index
      %get3A_2340 = tpu.vector_load %arg9[%get3A_2339] {strides = array<i32>} : memref<3328xf32, #tpu.memory_space<vmem>>, vector<16xf32>,
      %add3A_2341 = arith.constant 10 : i32
      %add3A_2342 = arith.addi %mul3A_2134, %add3A_2341 : i32
      %get3A_2343 = arith.index_cast %add3A_2342 : i32 to index
      %get3A_2344 = tpu.vector_load %arg9[%get3A_2343] {strides = array<i32>} : memref<3328xf32, #tpu.memory_space<vmem>>, vector<16xf32>,
      %mul3A_2345 = arith.mulf %add3A_2336, %add3A_2336 : vector<16xf32>
      %sub3A_2346 = arith.subf %mul3A_2345, %add3A_2338 : vector<16xf32>
      %mul3A_2347 = arith.constant 5.000000e-01 : f32
      %mul3A_2348 = vector.broadcast %mul3A_2347 : f32 to vector<16xf32>
      %mul3A_2349 = arith.mulf %mul3A_2348, %sub3A_2346 : vector<16xf32>
      %add3A_2350 = arith.addf %mul3A_2349, %get3A_2340 : vector<16xf32>
      %mul3A_2351 = arith.mulf %get3A_2344, %convert_element_type3A_35 : vector<16xf32>
      %add3A_2352 = arith.addf %add3A_2350, %mul3A_2351 : vector<16xf32>
      %reduce_sum3A_2353 = arith.constant true
      %reduce_sum3A_2354 = vector.broadcast %reduce_sum3A_2353 : i1 to vector<16xi1>
      %reduce_sum3A_2355 = tpu.scan <sum>, %add3A_2352 masked %reduce_sum3A_2354 : vector<16xf32>, vector<16xi1> -> vector<16xf32>
      %reduce_sum3A_2356 = vector.extract %reduce_sum3A_2355[15] : f32 from vector<16xf32>
      %eq3A_2357 = arith.constant 9 : i32
      %eq3A_2358 = vector.broadcast %eq3A_2357 : i32 to vector<16xi32>
      %eq3A_2359 = arith.cmpi eq, %iota3A, %eq3A_2358 : vector<16xi32>
      %broadcast_in_dim3A_2360 = vector.broadcast %reduce_sum3A_2356 : f32 to vector<16xf32>
      %select_n3A_2361 = arith.select %eq3A_2359, %broadcast_in_dim3A_2360, %select_n3A_2128 : vector<16xi1>, vector<16xf32>
      %mul3A_2362 = arith.constant 16 : i32
      %mul3A_2363 = arith.muli %add3A_32, %mul3A_2362 : i32
      %add3A_2364 = arith.constant 10 : i32
      %add3A_2365 = arith.addi %mul3A_2363, %add3A_2364 : i32
      %mul3A_2366 = arith.constant 26 : i32
      %mul3A_2367 = arith.muli %add3A_2365, %mul3A_2366 : i32
      %get3A_2368 = arith.index_cast %mul3A_2367 : i32 to index
      %get3A_2369 = arith.constant 0 : index
      %get3A_2370 = tpu.vector_load %arg8[%get3A_2368, %get3A_2369] {strides = array<i32>} : memref<3328x16xf32, #tpu.memory_space<vmem>>, vector<16xf32>,
      %mul3A_2371 = arith.mulf %get3A_2370, %get3A_2370 : vector<16xf32>
      %add3A_2372 = arith.constant 1 : i32
      %add3A_2373 = arith.addi %mul3A_2367, %add3A_2372 : i32
      %get3A_2374 = arith.index_cast %add3A_2373 : i32 to index
      %get3A_2375 = arith.constant 0 : index
      %get3A_2376 = tpu.vector_load %arg8[%get3A_2374, %get3A_2375] {strides = array<i32>} : memref<3328x16xf32, #tpu.memory_space<vmem>>, vector<16xf32>,
      %add3A_2377 = arith.addf %get3A_2370, %get3A_2376 : vector<16xf32>
      %mul3A_2378 = arith.mulf %get3A_2376, %get3A_2376 : vector<16xf32>
      %add3A_2379 = arith.addf %mul3A_2371, %mul3A_2378 : vector<16xf32>
      %add3A_2380 = arith.constant 2 : i32
      %add3A_2381 = arith.addi %mul3A_2367, %add3A_2380 : i32
      %get3A_2382 = arith.index_cast %add3A_2381 : i32 to index
      %get3A_2383 = arith.constant 0 : index
      %get3A_2384 = tpu.vector_load %arg8[%get3A_2382, %get3A_2383] {strides = array<i32>} : memref<3328x16xf32, #tpu.memory_space<vmem>>, vector<16xf32>,
      %add3A_2385 = arith.addf %add3A_2377, %get3A_2384 : vector<16xf32>
      %mul3A_2386 = arith.mulf %get3A_2384, %get3A_2384 : vector<16xf32>
      %add3A_2387 = arith.addf %add3A_2379, %mul3A_2386 : vector<16xf32>
      %add3A_2388 = arith.constant 3 : i32
      %add3A_2389 = arith.addi %mul3A_2367, %add3A_2388 : i32
      %get3A_2390 = arith.index_cast %add3A_2389 : i32 to index
      %get3A_2391 = arith.constant 0 : index
      %get3A_2392 = tpu.vector_load %arg8[%get3A_2390, %get3A_2391] {strides = array<i32>} : memref<3328x16xf32, #tpu.memory_space<vmem>>, vector<16xf32>,
      %add3A_2393 = arith.addf %add3A_2385, %get3A_2392 : vector<16xf32>
      %mul3A_2394 = arith.mulf %get3A_2392, %get3A_2392 : vector<16xf32>
      %add3A_2395 = arith.addf %add3A_2387, %mul3A_2394 : vector<16xf32>
      %add3A_2396 = arith.constant 4 : i32
      %add3A_2397 = arith.addi %mul3A_2367, %add3A_2396 : i32
      %get3A_2398 = arith.index_cast %add3A_2397 : i32 to index
      %get3A_2399 = arith.constant 0 : index
      %get3A_2400 = tpu.vector_load %arg8[%get3A_2398, %get3A_2399] {strides = array<i32>} : memref<3328x16xf32, #tpu.memory_space<vmem>>, vector<16xf32>,
      %add3A_2401 = arith.addf %add3A_2393, %get3A_2400 : vector<16xf32>
      %mul3A_2402 = arith.mulf %get3A_2400, %get3A_2400 : vector<16xf32>
      %add3A_2403 = arith.addf %add3A_2395, %mul3A_2402 : vector<16xf32>
      %add3A_2404 = arith.constant 5 : i32
      %add3A_2405 = arith.addi %mul3A_2367, %add3A_2404 : i32
      %get3A_2406 = arith.index_cast %add3A_2405 : i32 to index
      %get3A_2407 = arith.constant 0 : index
      %get3A_2408 = tpu.vector_load %arg8[%get3A_2406, %get3A_2407] {strides = array<i32>} : memref<3328x16xf32, #tpu.memory_space<vmem>>, vector<16xf32>,
      %add3A_2409 = arith.addf %add3A_2401, %get3A_2408 : vector<16xf32>
      %mul3A_2410 = arith.mulf %get3A_2408, %get3A_2408 : vector<16xf32>
      %add3A_2411 = arith.addf %add3A_2403, %mul3A_2410 : vector<16xf32>
      %add3A_2412 = arith.constant 6 : i32
      %add3A_2413 = arith.addi %mul3A_2367, %add3A_2412 : i32
      %get3A_2414 = arith.index_cast %add3A_2413 : i32 to index
      %get3A_2415 = arith.constant 0 : index
      %get3A_2416 = tpu.vector_load %arg8[%get3A_2414, %get3A_2415] {strides = array<i32>} : memref<3328x16xf32, #tpu.memory_space<vmem>>, vector<16xf32>,
      %add3A_2417 = arith.addf %add3A_2409, %get3A_2416 : vector<16xf32>
      %mul3A_2418 = arith.mulf %get3A_2416, %get3A_2416 : vector<16xf32>
      %add3A_2419 = arith.addf %add3A_2411, %mul3A_2418 : vector<16xf32>
      %add3A_2420 = arith.constant 7 : i32
      %add3A_2421 = arith.addi %mul3A_2367, %add3A_2420 : i32
      %get3A_2422 = arith.index_cast %add3A_2421 : i32 to index
      %get3A_2423 = arith.constant 0 : index
      %get3A_2424 = tpu.vector_load %arg8[%get3A_2422, %get3A_2423] {strides = array<i32>} : memref<3328x16xf32, #tpu.memory_space<vmem>>, vector<16xf32>,
      %add3A_2425 = arith.addf %add3A_2417, %get3A_2424 : vector<16xf32>
      %mul3A_2426 = arith.mulf %get3A_2424, %get3A_2424 : vector<16xf32>
      %add3A_2427 = arith.addf %add3A_2419, %mul3A_2426 : vector<16xf32>
      %add3A_2428 = arith.constant 8 : i32
      %add3A_2429 = arith.addi %mul3A_2367, %add3A_2428 : i32
      %get3A_2430 = arith.index_cast %add3A_2429 : i32 to index
      %get3A_2431 = arith.constant 0 : index
      %get3A_2432 = tpu.vector_load %arg8[%get3A_2430, %get3A_2431] {strides = array<i32>} : memref<3328x16xf32, #tpu.memory_space<vmem>>, vector<16xf32>,
      %add3A_2433 = arith.addf %add3A_2425, %get3A_2432 : vector<16xf32>
      %mul3A_2434 = arith.mulf %get3A_2432, %get3A_2432 : vector<16xf32>
      %add3A_2435 = arith.addf %add3A_2427, %mul3A_2434 : vector<16xf32>
      %add3A_2436 = arith.constant 9 : i32
      %add3A_2437 = arith.addi %mul3A_2367, %add3A_2436 : i32
      %get3A_2438 = arith.index_cast %add3A_2437 : i32 to index
      %get3A_2439 = arith.constant 0 : index
      %get3A_2440 = tpu.vector_load %arg8[%get3A_2438, %get3A_2439] {strides = array<i32>} : memref<3328x16xf32, #tpu.memory_space<vmem>>, vector<16xf32>,
      %add3A_2441 = arith.addf %add3A_2433, %get3A_2440 : vector<16xf32>
      %mul3A_2442 = arith.mulf %get3A_2440, %get3A_2440 : vector<16xf32>
      %add3A_2443 = arith.addf %add3A_2435, %mul3A_2442 : vector<16xf32>
      %add3A_2444 = arith.constant 10 : i32
      %add3A_2445 = arith.addi %mul3A_2367, %add3A_2444 : i32
      %get3A_2446 = arith.index_cast %add3A_2445 : i32 to index
      %get3A_2447 = arith.constant 0 : index
      %get3A_2448 = tpu.vector_load %arg8[%get3A_2446, %get3A_2447] {strides = array<i32>} : memref<3328x16xf32, #tpu.memory_space<vmem>>, vector<16xf32>,
      %add3A_2449 = arith.addf %add3A_2441, %get3A_2448 : vector<16xf32>
      %mul3A_2450 = arith.mulf %get3A_2448, %get3A_2448 : vector<16xf32>
      %add3A_2451 = arith.addf %add3A_2443, %mul3A_2450 : vector<16xf32>
      %add3A_2452 = arith.constant 11 : i32
      %add3A_2453 = arith.addi %mul3A_2367, %add3A_2452 : i32
      %get3A_2454 = arith.index_cast %add3A_2453 : i32 to index
      %get3A_2455 = arith.constant 0 : index
      %get3A_2456 = tpu.vector_load %arg8[%get3A_2454, %get3A_2455] {strides = array<i32>} : memref<3328x16xf32, #tpu.memory_space<vmem>>, vector<16xf32>,
      %add3A_2457 = arith.addf %add3A_2449, %get3A_2456 : vector<16xf32>
      %mul3A_2458 = arith.mulf %get3A_2456, %get3A_2456 : vector<16xf32>
      %add3A_2459 = arith.addf %add3A_2451, %mul3A_2458 : vector<16xf32>
      %add3A_2460 = arith.constant 12 : i32
      %add3A_2461 = arith.addi %mul3A_2367, %add3A_2460 : i32
      %get3A_2462 = arith.index_cast %add3A_2461 : i32 to index
      %get3A_2463 = arith.constant 0 : index
      %get3A_2464 = tpu.vector_load %arg8[%get3A_2462, %get3A_2463] {strides = array<i32>} : memref<3328x16xf32, #tpu.memory_space<vmem>>, vector<16xf32>,
      %add3A_2465 = arith.addf %add3A_2457, %get3A_2464 : vector<16xf32>
      %mul3A_2466 = arith.mulf %get3A_2464, %get3A_2464 : vector<16xf32>
      %add3A_2467 = arith.addf %add3A_2459, %mul3A_2466 : vector<16xf32>
      %add3A_2468 = arith.constant 13 : i32
      %add3A_2469 = arith.addi %mul3A_2367, %add3A_2468 : i32
      %get3A_2470 = arith.index_cast %add3A_2469 : i32 to index
      %get3A_2471 = arith.constant 0 : index
      %get3A_2472 = tpu.vector_load %arg8[%get3A_2470, %get3A_2471] {strides = array<i32>} : memref<3328x16xf32, #tpu.memory_space<vmem>>, vector<16xf32>,
      %add3A_2473 = arith.addf %add3A_2465, %get3A_2472 : vector<16xf32>
      %mul3A_2474 = arith.mulf %get3A_2472, %get3A_2472 : vector<16xf32>
      %add3A_2475 = arith.addf %add3A_2467, %mul3A_2474 : vector<16xf32>
      %add3A_2476 = arith.constant 14 : i32
      %add3A_2477 = arith.addi %mul3A_2367, %add3A_2476 : i32
      %get3A_2478 = arith.index_cast %add3A_2477 : i32 to index
      %get3A_2479 = arith.constant 0 : index
      %get3A_2480 = tpu.vector_load %arg8[%get3A_2478, %get3A_2479] {strides = array<i32>} : memref<3328x16xf32, #tpu.memory_space<vmem>>, vector<16xf32>,
      %add3A_2481 = arith.addf %add3A_2473, %get3A_2480 : vector<16xf32>
      %mul3A_2482 = arith.mulf %get3A_2480, %get3A_2480 : vector<16xf32>
      %add3A_2483 = arith.addf %add3A_2475, %mul3A_2482 : vector<16xf32>
      %add3A_2484 = arith.constant 15 : i32
      %add3A_2485 = arith.addi %mul3A_2367, %add3A_2484 : i32
      %get3A_2486 = arith.index_cast %add3A_2485 : i32 to index
      %get3A_2487 = arith.constant 0 : index
      %get3A_2488 = tpu.vector_load %arg8[%get3A_2486, %get3A_2487] {strides = array<i32>} : memref<3328x16xf32, #tpu.memory_space<vmem>>, vector<16xf32>,
      %add3A_2489 = arith.addf %add3A_2481, %get3A_2488 : vector<16xf32>
      %mul3A_2490 = arith.mulf %get3A_2488, %get3A_2488 : vector<16xf32>
      %add3A_2491 = arith.addf %add3A_2483, %mul3A_2490 : vector<16xf32>
      %add3A_2492 = arith.constant 16 : i32
      %add3A_2493 = arith.addi %mul3A_2367, %add3A_2492 : i32
      %get3A_2494 = arith.index_cast %add3A_2493 : i32 to index
      %get3A_2495 = arith.constant 0 : index
      %get3A_2496 = tpu.vector_load %arg8[%get3A_2494, %get3A_2495] {strides = array<i32>} : memref<3328x16xf32, #tpu.memory_space<vmem>>, vector<16xf32>,
      %add3A_2497 = arith.addf %add3A_2489, %get3A_2496 : vector<16xf32>
      %mul3A_2498 = arith.mulf %get3A_2496, %get3A_2496 : vector<16xf32>
      %add3A_2499 = arith.addf %add3A_2491, %mul3A_2498 : vector<16xf32>
      %add3A_2500 = arith.constant 17 : i32
      %add3A_2501 = arith.addi %mul3A_2367, %add3A_2500 : i32
      %get3A_2502 = arith.index_cast %add3A_2501 : i32 to index
      %get3A_2503 = arith.constant 0 : index
      %get3A_2504 = tpu.vector_load %arg8[%get3A_2502, %get3A_2503] {strides = array<i32>} : memref<3328x16xf32, #tpu.memory_space<vmem>>, vector<16xf32>,
      %add3A_2505 = arith.addf %add3A_2497, %get3A_2504 : vector<16xf32>
      %mul3A_2506 = arith.mulf %get3A_2504, %get3A_2504 : vector<16xf32>
      %add3A_2507 = arith.addf %add3A_2499, %mul3A_2506 : vector<16xf32>
      %add3A_2508 = arith.constant 18 : i32
      %add3A_2509 = arith.addi %mul3A_2367, %add3A_2508 : i32
      %get3A_2510 = arith.index_cast %add3A_2509 : i32 to index
      %get3A_2511 = arith.constant 0 : index
      %get3A_2512 = tpu.vector_load %arg8[%get3A_2510, %get3A_2511] {strides = array<i32>} : memref<3328x16xf32, #tpu.memory_space<vmem>>, vector<16xf32>,
      %add3A_2513 = arith.addf %add3A_2505, %get3A_2512 : vector<16xf32>
      %mul3A_2514 = arith.mulf %get3A_2512, %get3A_2512 : vector<16xf32>
      %add3A_2515 = arith.addf %add3A_2507, %mul3A_2514 : vector<16xf32>
      %add3A_2516 = arith.constant 19 : i32
      %add3A_2517 = arith.addi %mul3A_2367, %add3A_2516 : i32
      %get3A_2518 = arith.index_cast %add3A_2517 : i32 to index
      %get3A_2519 = arith.constant 0 : index
      %get3A_2520 = tpu.vector_load %arg8[%get3A_2518, %get3A_2519] {strides = array<i32>} : memref<3328x16xf32, #tpu.memory_space<vmem>>, vector<16xf32>,
      %add3A_2521 = arith.addf %add3A_2513, %get3A_2520 : vector<16xf32>
      %mul3A_2522 = arith.mulf %get3A_2520, %get3A_2520 : vector<16xf32>
      %add3A_2523 = arith.addf %add3A_2515, %mul3A_2522 : vector<16xf32>
      %add3A_2524 = arith.constant 20 : i32
      %add3A_2525 = arith.addi %mul3A_2367, %add3A_2524 : i32
      %get3A_2526 = arith.index_cast %add3A_2525 : i32 to index
      %get3A_2527 = arith.constant 0 : index
      %get3A_2528 = tpu.vector_load %arg8[%get3A_2526, %get3A_2527] {strides = array<i32>} : memref<3328x16xf32, #tpu.memory_space<vmem>>, vector<16xf32>,
      %add3A_2529 = arith.addf %add3A_2521, %get3A_2528 : vector<16xf32>
      %mul3A_2530 = arith.mulf %get3A_2528, %get3A_2528 : vector<16xf32>
      %add3A_2531 = arith.addf %add3A_2523, %mul3A_2530 : vector<16xf32>
      %add3A_2532 = arith.constant 21 : i32
      %add3A_2533 = arith.addi %mul3A_2367, %add3A_2532 : i32
      %get3A_2534 = arith.index_cast %add3A_2533 : i32 to index
      %get3A_2535 = arith.constant 0 : index
      %get3A_2536 = tpu.vector_load %arg8[%get3A_2534, %get3A_2535] {strides = array<i32>} : memref<3328x16xf32, #tpu.memory_space<vmem>>, vector<16xf32>,
      %add3A_2537 = arith.addf %add3A_2529, %get3A_2536 : vector<16xf32>
      %mul3A_2538 = arith.mulf %get3A_2536, %get3A_2536 : vector<16xf32>
      %add3A_2539 = arith.addf %add3A_2531, %mul3A_2538 : vector<16xf32>
      %add3A_2540 = arith.constant 22 : i32
      %add3A_2541 = arith.addi %mul3A_2367, %add3A_2540 : i32
      %get3A_2542 = arith.index_cast %add3A_2541 : i32 to index
      %get3A_2543 = arith.constant 0 : index
      %get3A_2544 = tpu.vector_load %arg8[%get3A_2542, %get3A_2543] {strides = array<i32>} : memref<3328x16xf32, #tpu.memory_space<vmem>>, vector<16xf32>,
      %add3A_2545 = arith.addf %add3A_2537, %get3A_2544 : vector<16xf32>
      %mul3A_2546 = arith.mulf %get3A_2544, %get3A_2544 : vector<16xf32>
      %add3A_2547 = arith.addf %add3A_2539, %mul3A_2546 : vector<16xf32>
      %add3A_2548 = arith.constant 23 : i32
      %add3A_2549 = arith.addi %mul3A_2367, %add3A_2548 : i32
      %get3A_2550 = arith.index_cast %add3A_2549 : i32 to index
      %get3A_2551 = arith.constant 0 : index
      %get3A_2552 = tpu.vector_load %arg8[%get3A_2550, %get3A_2551] {strides = array<i32>} : memref<3328x16xf32, #tpu.memory_space<vmem>>, vector<16xf32>,
      %add3A_2553 = arith.addf %add3A_2545, %get3A_2552 : vector<16xf32>
      %mul3A_2554 = arith.mulf %get3A_2552, %get3A_2552 : vector<16xf32>
      %add3A_2555 = arith.addf %add3A_2547, %mul3A_2554 : vector<16xf32>
      %add3A_2556 = arith.constant 24 : i32
      %add3A_2557 = arith.addi %mul3A_2367, %add3A_2556 : i32
      %get3A_2558 = arith.index_cast %add3A_2557 : i32 to index
      %get3A_2559 = arith.constant 0 : index
      %get3A_2560 = tpu.vector_load %arg8[%get3A_2558, %get3A_2559] {strides = array<i32>} : memref<3328x16xf32, #tpu.memory_space<vmem>>, vector<16xf32>,
      %add3A_2561 = arith.addf %add3A_2553, %get3A_2560 : vector<16xf32>
      %mul3A_2562 = arith.mulf %get3A_2560, %get3A_2560 : vector<16xf32>
      %add3A_2563 = arith.addf %add3A_2555, %mul3A_2562 : vector<16xf32>
      %add3A_2564 = arith.constant 25 : i32
      %add3A_2565 = arith.addi %mul3A_2367, %add3A_2564 : i32
      %get3A_2566 = arith.index_cast %add3A_2565 : i32 to index
      %get3A_2567 = arith.constant 0 : index
      %get3A_2568 = tpu.vector_load %arg8[%get3A_2566, %get3A_2567] {strides = array<i32>} : memref<3328x16xf32, #tpu.memory_space<vmem>>, vector<16xf32>,
      %add3A_2569 = arith.addf %add3A_2561, %get3A_2568 : vector<16xf32>
      %mul3A_2570 = arith.mulf %get3A_2568, %get3A_2568 : vector<16xf32>
      %add3A_2571 = arith.addf %add3A_2563, %mul3A_2570 : vector<16xf32>
      %get3A_2572 = arith.index_cast %mul3A_2367 : i32 to index
      %get3A_2573 = tpu.vector_load %arg9[%get3A_2572] {strides = array<i32>} : memref<3328xf32, #tpu.memory_space<vmem>>, vector<16xf32>,
      %add3A_2574 = arith.constant 10 : i32
      %add3A_2575 = arith.addi %mul3A_2367, %add3A_2574 : i32
      %get3A_2576 = arith.index_cast %add3A_2575 : i32 to index
      %get3A_2577 = tpu.vector_load %arg9[%get3A_2576] {strides = array<i32>} : memref<3328xf32, #tpu.memory_space<vmem>>, vector<16xf32>,
      %mul3A_2578 = arith.mulf %add3A_2569, %add3A_2569 : vector<16xf32>
      %sub3A_2579 = arith.subf %mul3A_2578, %add3A_2571 : vector<16xf32>
      %mul3A_2580 = arith.constant 5.000000e-01 : f32
      %mul3A_2581 = vector.broadcast %mul3A_2580 : f32 to vector<16xf32>
      %mul3A_2582 = arith.mulf %mul3A_2581, %sub3A_2579 : vector<16xf32>
      %add3A_2583 = arith.addf %mul3A_2582, %get3A_2573 : vector<16xf32>
      %mul3A_2584 = arith.mulf %get3A_2577, %convert_element_type3A_35 : vector<16xf32>
      %add3A_2585 = arith.addf %add3A_2583, %mul3A_2584 : vector<16xf32>
      %reduce_sum3A_2586 = arith.constant true
      %reduce_sum3A_2587 = vector.broadcast %reduce_sum3A_2586 : i1 to vector<16xi1>
      %reduce_sum3A_2588 = tpu.scan <sum>, %add3A_2585 masked %reduce_sum3A_2587 : vector<16xf32>, vector<16xi1> -> vector<16xf32>
      %reduce_sum3A_2589 = vector.extract %reduce_sum3A_2588[15] : f32 from vector<16xf32>
      %eq3A_2590 = arith.constant 10 : i32
      %eq3A_2591 = vector.broadcast %eq3A_2590 : i32 to vector<16xi32>
      %eq3A_2592 = arith.cmpi eq, %iota3A, %eq3A_2591 : vector<16xi32>
      %broadcast_in_dim3A_2593 = vector.broadcast %reduce_sum3A_2589 : f32 to vector<16xf32>
      %select_n3A_2594 = arith.select %eq3A_2592, %broadcast_in_dim3A_2593, %select_n3A_2361 : vector<16xi1>, vector<16xf32>
      %mul3A_2595 = arith.constant 16 : i32
      %mul3A_2596 = arith.muli %add3A_32, %mul3A_2595 : i32
      %add3A_2597 = arith.constant 11 : i32
      %add3A_2598 = arith.addi %mul3A_2596, %add3A_2597 : i32
      %mul3A_2599 = arith.constant 26 : i32
      %mul3A_2600 = arith.muli %add3A_2598, %mul3A_2599 : i32
      %get3A_2601 = arith.index_cast %mul3A_2600 : i32 to index
      %get3A_2602 = arith.constant 0 : index
      %get3A_2603 = tpu.vector_load %arg8[%get3A_2601, %get3A_2602] {strides = array<i32>} : memref<3328x16xf32, #tpu.memory_space<vmem>>, vector<16xf32>,
      %mul3A_2604 = arith.mulf %get3A_2603, %get3A_2603 : vector<16xf32>
      %add3A_2605 = arith.constant 1 : i32
      %add3A_2606 = arith.addi %mul3A_2600, %add3A_2605 : i32
      %get3A_2607 = arith.index_cast %add3A_2606 : i32 to index
      %get3A_2608 = arith.constant 0 : index
      %get3A_2609 = tpu.vector_load %arg8[%get3A_2607, %get3A_2608] {strides = array<i32>} : memref<3328x16xf32, #tpu.memory_space<vmem>>, vector<16xf32>,
      %add3A_2610 = arith.addf %get3A_2603, %get3A_2609 : vector<16xf32>
      %mul3A_2611 = arith.mulf %get3A_2609, %get3A_2609 : vector<16xf32>
      %add3A_2612 = arith.addf %mul3A_2604, %mul3A_2611 : vector<16xf32>
      %add3A_2613 = arith.constant 2 : i32
      %add3A_2614 = arith.addi %mul3A_2600, %add3A_2613 : i32
      %get3A_2615 = arith.index_cast %add3A_2614 : i32 to index
      %get3A_2616 = arith.constant 0 : index
      %get3A_2617 = tpu.vector_load %arg8[%get3A_2615, %get3A_2616] {strides = array<i32>} : memref<3328x16xf32, #tpu.memory_space<vmem>>, vector<16xf32>,
      %add3A_2618 = arith.addf %add3A_2610, %get3A_2617 : vector<16xf32>
      %mul3A_2619 = arith.mulf %get3A_2617, %get3A_2617 : vector<16xf32>
      %add3A_2620 = arith.addf %add3A_2612, %mul3A_2619 : vector<16xf32>
      %add3A_2621 = arith.constant 3 : i32
      %add3A_2622 = arith.addi %mul3A_2600, %add3A_2621 : i32
      %get3A_2623 = arith.index_cast %add3A_2622 : i32 to index
      %get3A_2624 = arith.constant 0 : index
      %get3A_2625 = tpu.vector_load %arg8[%get3A_2623, %get3A_2624] {strides = array<i32>} : memref<3328x16xf32, #tpu.memory_space<vmem>>, vector<16xf32>,
      %add3A_2626 = arith.addf %add3A_2618, %get3A_2625 : vector<16xf32>
      %mul3A_2627 = arith.mulf %get3A_2625, %get3A_2625 : vector<16xf32>
      %add3A_2628 = arith.addf %add3A_2620, %mul3A_2627 : vector<16xf32>
      %add3A_2629 = arith.constant 4 : i32
      %add3A_2630 = arith.addi %mul3A_2600, %add3A_2629 : i32
      %get3A_2631 = arith.index_cast %add3A_2630 : i32 to index
      %get3A_2632 = arith.constant 0 : index
      %get3A_2633 = tpu.vector_load %arg8[%get3A_2631, %get3A_2632] {strides = array<i32>} : memref<3328x16xf32, #tpu.memory_space<vmem>>, vector<16xf32>,
      %add3A_2634 = arith.addf %add3A_2626, %get3A_2633 : vector<16xf32>
      %mul3A_2635 = arith.mulf %get3A_2633, %get3A_2633 : vector<16xf32>
      %add3A_2636 = arith.addf %add3A_2628, %mul3A_2635 : vector<16xf32>
      %add3A_2637 = arith.constant 5 : i32
      %add3A_2638 = arith.addi %mul3A_2600, %add3A_2637 : i32
      %get3A_2639 = arith.index_cast %add3A_2638 : i32 to index
      %get3A_2640 = arith.constant 0 : index
      %get3A_2641 = tpu.vector_load %arg8[%get3A_2639, %get3A_2640] {strides = array<i32>} : memref<3328x16xf32, #tpu.memory_space<vmem>>, vector<16xf32>,
      %add3A_2642 = arith.addf %add3A_2634, %get3A_2641 : vector<16xf32>
      %mul3A_2643 = arith.mulf %get3A_2641, %get3A_2641 : vector<16xf32>
      %add3A_2644 = arith.addf %add3A_2636, %mul3A_2643 : vector<16xf32>
      %add3A_2645 = arith.constant 6 : i32
      %add3A_2646 = arith.addi %mul3A_2600, %add3A_2645 : i32
      %get3A_2647 = arith.index_cast %add3A_2646 : i32 to index
      %get3A_2648 = arith.constant 0 : index
      %get3A_2649 = tpu.vector_load %arg8[%get3A_2647, %get3A_2648] {strides = array<i32>} : memref<3328x16xf32, #tpu.memory_space<vmem>>, vector<16xf32>,
      %add3A_2650 = arith.addf %add3A_2642, %get3A_2649 : vector<16xf32>
      %mul3A_2651 = arith.mulf %get3A_2649, %get3A_2649 : vector<16xf32>
      %add3A_2652 = arith.addf %add3A_2644, %mul3A_2651 : vector<16xf32>
      %add3A_2653 = arith.constant 7 : i32
      %add3A_2654 = arith.addi %mul3A_2600, %add3A_2653 : i32
      %get3A_2655 = arith.index_cast %add3A_2654 : i32 to index
      %get3A_2656 = arith.constant 0 : index
      %get3A_2657 = tpu.vector_load %arg8[%get3A_2655, %get3A_2656] {strides = array<i32>} : memref<3328x16xf32, #tpu.memory_space<vmem>>, vector<16xf32>,
      %add3A_2658 = arith.addf %add3A_2650, %get3A_2657 : vector<16xf32>
      %mul3A_2659 = arith.mulf %get3A_2657, %get3A_2657 : vector<16xf32>
      %add3A_2660 = arith.addf %add3A_2652, %mul3A_2659 : vector<16xf32>
      %add3A_2661 = arith.constant 8 : i32
      %add3A_2662 = arith.addi %mul3A_2600, %add3A_2661 : i32
      %get3A_2663 = arith.index_cast %add3A_2662 : i32 to index
      %get3A_2664 = arith.constant 0 : index
      %get3A_2665 = tpu.vector_load %arg8[%get3A_2663, %get3A_2664] {strides = array<i32>} : memref<3328x16xf32, #tpu.memory_space<vmem>>, vector<16xf32>,
      %add3A_2666 = arith.addf %add3A_2658, %get3A_2665 : vector<16xf32>
      %mul3A_2667 = arith.mulf %get3A_2665, %get3A_2665 : vector<16xf32>
      %add3A_2668 = arith.addf %add3A_2660, %mul3A_2667 : vector<16xf32>
      %add3A_2669 = arith.constant 9 : i32
      %add3A_2670 = arith.addi %mul3A_2600, %add3A_2669 : i32
      %get3A_2671 = arith.index_cast %add3A_2670 : i32 to index
      %get3A_2672 = arith.constant 0 : index
      %get3A_2673 = tpu.vector_load %arg8[%get3A_2671, %get3A_2672] {strides = array<i32>} : memref<3328x16xf32, #tpu.memory_space<vmem>>, vector<16xf32>,
      %add3A_2674 = arith.addf %add3A_2666, %get3A_2673 : vector<16xf32>
      %mul3A_2675 = arith.mulf %get3A_2673, %get3A_2673 : vector<16xf32>
      %add3A_2676 = arith.addf %add3A_2668, %mul3A_2675 : vector<16xf32>
      %add3A_2677 = arith.constant 10 : i32
      %add3A_2678 = arith.addi %mul3A_2600, %add3A_2677 : i32
      %get3A_2679 = arith.index_cast %add3A_2678 : i32 to index
      %get3A_2680 = arith.constant 0 : index
      %get3A_2681 = tpu.vector_load %arg8[%get3A_2679, %get3A_2680] {strides = array<i32>} : memref<3328x16xf32, #tpu.memory_space<vmem>>, vector<16xf32>,
      %add3A_2682 = arith.addf %add3A_2674, %get3A_2681 : vector<16xf32>
      %mul3A_2683 = arith.mulf %get3A_2681, %get3A_2681 : vector<16xf32>
      %add3A_2684 = arith.addf %add3A_2676, %mul3A_2683 : vector<16xf32>
      %add3A_2685 = arith.constant 11 : i32
      %add3A_2686 = arith.addi %mul3A_2600, %add3A_2685 : i32
      %get3A_2687 = arith.index_cast %add3A_2686 : i32 to index
      %get3A_2688 = arith.constant 0 : index
      %get3A_2689 = tpu.vector_load %arg8[%get3A_2687, %get3A_2688] {strides = array<i32>} : memref<3328x16xf32, #tpu.memory_space<vmem>>, vector<16xf32>,
      %add3A_2690 = arith.addf %add3A_2682, %get3A_2689 : vector<16xf32>
      %mul3A_2691 = arith.mulf %get3A_2689, %get3A_2689 : vector<16xf32>
      %add3A_2692 = arith.addf %add3A_2684, %mul3A_2691 : vector<16xf32>
      %add3A_2693 = arith.constant 12 : i32
      %add3A_2694 = arith.addi %mul3A_2600, %add3A_2693 : i32
      %get3A_2695 = arith.index_cast %add3A_2694 : i32 to index
      %get3A_2696 = arith.constant 0 : index
      %get3A_2697 = tpu.vector_load %arg8[%get3A_2695, %get3A_2696] {strides = array<i32>} : memref<3328x16xf32, #tpu.memory_space<vmem>>, vector<16xf32>,
      %add3A_2698 = arith.addf %add3A_2690, %get3A_2697 : vector<16xf32>
      %mul3A_2699 = arith.mulf %get3A_2697, %get3A_2697 : vector<16xf32>
      %add3A_2700 = arith.addf %add3A_2692, %mul3A_2699 : vector<16xf32>
      %add3A_2701 = arith.constant 13 : i32
      %add3A_2702 = arith.addi %mul3A_2600, %add3A_2701 : i32
      %get3A_2703 = arith.index_cast %add3A_2702 : i32 to index
      %get3A_2704 = arith.constant 0 : index
      %get3A_2705 = tpu.vector_load %arg8[%get3A_2703, %get3A_2704] {strides = array<i32>} : memref<3328x16xf32, #tpu.memory_space<vmem>>, vector<16xf32>,
      %add3A_2706 = arith.addf %add3A_2698, %get3A_2705 : vector<16xf32>
      %mul3A_2707 = arith.mulf %get3A_2705, %get3A_2705 : vector<16xf32>
      %add3A_2708 = arith.addf %add3A_2700, %mul3A_2707 : vector<16xf32>
      %add3A_2709 = arith.constant 14 : i32
      %add3A_2710 = arith.addi %mul3A_2600, %add3A_2709 : i32
      %get3A_2711 = arith.index_cast %add3A_2710 : i32 to index
      %get3A_2712 = arith.constant 0 : index
      %get3A_2713 = tpu.vector_load %arg8[%get3A_2711, %get3A_2712] {strides = array<i32>} : memref<3328x16xf32, #tpu.memory_space<vmem>>, vector<16xf32>,
      %add3A_2714 = arith.addf %add3A_2706, %get3A_2713 : vector<16xf32>
      %mul3A_2715 = arith.mulf %get3A_2713, %get3A_2713 : vector<16xf32>
      %add3A_2716 = arith.addf %add3A_2708, %mul3A_2715 : vector<16xf32>
      %add3A_2717 = arith.constant 15 : i32
      %add3A_2718 = arith.addi %mul3A_2600, %add3A_2717 : i32
      %get3A_2719 = arith.index_cast %add3A_2718 : i32 to index
      %get3A_2720 = arith.constant 0 : index
      %get3A_2721 = tpu.vector_load %arg8[%get3A_2719, %get3A_2720] {strides = array<i32>} : memref<3328x16xf32, #tpu.memory_space<vmem>>, vector<16xf32>,
      %add3A_2722 = arith.addf %add3A_2714, %get3A_2721 : vector<16xf32>
      %mul3A_2723 = arith.mulf %get3A_2721, %get3A_2721 : vector<16xf32>
      %add3A_2724 = arith.addf %add3A_2716, %mul3A_2723 : vector<16xf32>
      %add3A_2725 = arith.constant 16 : i32
      %add3A_2726 = arith.addi %mul3A_2600, %add3A_2725 : i32
      %get3A_2727 = arith.index_cast %add3A_2726 : i32 to index
      %get3A_2728 = arith.constant 0 : index
      %get3A_2729 = tpu.vector_load %arg8[%get3A_2727, %get3A_2728] {strides = array<i32>} : memref<3328x16xf32, #tpu.memory_space<vmem>>, vector<16xf32>,
      %add3A_2730 = arith.addf %add3A_2722, %get3A_2729 : vector<16xf32>
      %mul3A_2731 = arith.mulf %get3A_2729, %get3A_2729 : vector<16xf32>
      %add3A_2732 = arith.addf %add3A_2724, %mul3A_2731 : vector<16xf32>
      %add3A_2733 = arith.constant 17 : i32
      %add3A_2734 = arith.addi %mul3A_2600, %add3A_2733 : i32
      %get3A_2735 = arith.index_cast %add3A_2734 : i32 to index
      %get3A_2736 = arith.constant 0 : index
      %get3A_2737 = tpu.vector_load %arg8[%get3A_2735, %get3A_2736] {strides = array<i32>} : memref<3328x16xf32, #tpu.memory_space<vmem>>, vector<16xf32>,
      %add3A_2738 = arith.addf %add3A_2730, %get3A_2737 : vector<16xf32>
      %mul3A_2739 = arith.mulf %get3A_2737, %get3A_2737 : vector<16xf32>
      %add3A_2740 = arith.addf %add3A_2732, %mul3A_2739 : vector<16xf32>
      %add3A_2741 = arith.constant 18 : i32
      %add3A_2742 = arith.addi %mul3A_2600, %add3A_2741 : i32
      %get3A_2743 = arith.index_cast %add3A_2742 : i32 to index
      %get3A_2744 = arith.constant 0 : index
      %get3A_2745 = tpu.vector_load %arg8[%get3A_2743, %get3A_2744] {strides = array<i32>} : memref<3328x16xf32, #tpu.memory_space<vmem>>, vector<16xf32>,
      %add3A_2746 = arith.addf %add3A_2738, %get3A_2745 : vector<16xf32>
      %mul3A_2747 = arith.mulf %get3A_2745, %get3A_2745 : vector<16xf32>
      %add3A_2748 = arith.addf %add3A_2740, %mul3A_2747 : vector<16xf32>
      %add3A_2749 = arith.constant 19 : i32
      %add3A_2750 = arith.addi %mul3A_2600, %add3A_2749 : i32
      %get3A_2751 = arith.index_cast %add3A_2750 : i32 to index
      %get3A_2752 = arith.constant 0 : index
      %get3A_2753 = tpu.vector_load %arg8[%get3A_2751, %get3A_2752] {strides = array<i32>} : memref<3328x16xf32, #tpu.memory_space<vmem>>, vector<16xf32>,
      %add3A_2754 = arith.addf %add3A_2746, %get3A_2753 : vector<16xf32>
      %mul3A_2755 = arith.mulf %get3A_2753, %get3A_2753 : vector<16xf32>
      %add3A_2756 = arith.addf %add3A_2748, %mul3A_2755 : vector<16xf32>
      %add3A_2757 = arith.constant 20 : i32
      %add3A_2758 = arith.addi %mul3A_2600, %add3A_2757 : i32
      %get3A_2759 = arith.index_cast %add3A_2758 : i32 to index
      %get3A_2760 = arith.constant 0 : index
      %get3A_2761 = tpu.vector_load %arg8[%get3A_2759, %get3A_2760] {strides = array<i32>} : memref<3328x16xf32, #tpu.memory_space<vmem>>, vector<16xf32>,
      %add3A_2762 = arith.addf %add3A_2754, %get3A_2761 : vector<16xf32>
      %mul3A_2763 = arith.mulf %get3A_2761, %get3A_2761 : vector<16xf32>
      %add3A_2764 = arith.addf %add3A_2756, %mul3A_2763 : vector<16xf32>
      %add3A_2765 = arith.constant 21 : i32
      %add3A_2766 = arith.addi %mul3A_2600, %add3A_2765 : i32
      %get3A_2767 = arith.index_cast %add3A_2766 : i32 to index
      %get3A_2768 = arith.constant 0 : index
      %get3A_2769 = tpu.vector_load %arg8[%get3A_2767, %get3A_2768] {strides = array<i32>} : memref<3328x16xf32, #tpu.memory_space<vmem>>, vector<16xf32>,
      %add3A_2770 = arith.addf %add3A_2762, %get3A_2769 : vector<16xf32>
      %mul3A_2771 = arith.mulf %get3A_2769, %get3A_2769 : vector<16xf32>
      %add3A_2772 = arith.addf %add3A_2764, %mul3A_2771 : vector<16xf32>
      %add3A_2773 = arith.constant 22 : i32
      %add3A_2774 = arith.addi %mul3A_2600, %add3A_2773 : i32
      %get3A_2775 = arith.index_cast %add3A_2774 : i32 to index
      %get3A_2776 = arith.constant 0 : index
      %get3A_2777 = tpu.vector_load %arg8[%get3A_2775, %get3A_2776] {strides = array<i32>} : memref<3328x16xf32, #tpu.memory_space<vmem>>, vector<16xf32>,
      %add3A_2778 = arith.addf %add3A_2770, %get3A_2777 : vector<16xf32>
      %mul3A_2779 = arith.mulf %get3A_2777, %get3A_2777 : vector<16xf32>
      %add3A_2780 = arith.addf %add3A_2772, %mul3A_2779 : vector<16xf32>
      %add3A_2781 = arith.constant 23 : i32
      %add3A_2782 = arith.addi %mul3A_2600, %add3A_2781 : i32
      %get3A_2783 = arith.index_cast %add3A_2782 : i32 to index
      %get3A_2784 = arith.constant 0 : index
      %get3A_2785 = tpu.vector_load %arg8[%get3A_2783, %get3A_2784] {strides = array<i32>} : memref<3328x16xf32, #tpu.memory_space<vmem>>, vector<16xf32>,
      %add3A_2786 = arith.addf %add3A_2778, %get3A_2785 : vector<16xf32>
      %mul3A_2787 = arith.mulf %get3A_2785, %get3A_2785 : vector<16xf32>
      %add3A_2788 = arith.addf %add3A_2780, %mul3A_2787 : vector<16xf32>
      %add3A_2789 = arith.constant 24 : i32
      %add3A_2790 = arith.addi %mul3A_2600, %add3A_2789 : i32
      %get3A_2791 = arith.index_cast %add3A_2790 : i32 to index
      %get3A_2792 = arith.constant 0 : index
      %get3A_2793 = tpu.vector_load %arg8[%get3A_2791, %get3A_2792] {strides = array<i32>} : memref<3328x16xf32, #tpu.memory_space<vmem>>, vector<16xf32>,
      %add3A_2794 = arith.addf %add3A_2786, %get3A_2793 : vector<16xf32>
      %mul3A_2795 = arith.mulf %get3A_2793, %get3A_2793 : vector<16xf32>
      %add3A_2796 = arith.addf %add3A_2788, %mul3A_2795 : vector<16xf32>
      %add3A_2797 = arith.constant 25 : i32
      %add3A_2798 = arith.addi %mul3A_2600, %add3A_2797 : i32
      %get3A_2799 = arith.index_cast %add3A_2798 : i32 to index
      %get3A_2800 = arith.constant 0 : index
      %get3A_2801 = tpu.vector_load %arg8[%get3A_2799, %get3A_2800] {strides = array<i32>} : memref<3328x16xf32, #tpu.memory_space<vmem>>, vector<16xf32>,
      %add3A_2802 = arith.addf %add3A_2794, %get3A_2801 : vector<16xf32>
      %mul3A_2803 = arith.mulf %get3A_2801, %get3A_2801 : vector<16xf32>
      %add3A_2804 = arith.addf %add3A_2796, %mul3A_2803 : vector<16xf32>
      %get3A_2805 = arith.index_cast %mul3A_2600 : i32 to index
      %get3A_2806 = tpu.vector_load %arg9[%get3A_2805] {strides = array<i32>} : memref<3328xf32, #tpu.memory_space<vmem>>, vector<16xf32>,
      %add3A_2807 = arith.constant 10 : i32
      %add3A_2808 = arith.addi %mul3A_2600, %add3A_2807 : i32
      %get3A_2809 = arith.index_cast %add3A_2808 : i32 to index
      %get3A_2810 = tpu.vector_load %arg9[%get3A_2809] {strides = array<i32>} : memref<3328xf32, #tpu.memory_space<vmem>>, vector<16xf32>,
      %mul3A_2811 = arith.mulf %add3A_2802, %add3A_2802 : vector<16xf32>
      %sub3A_2812 = arith.subf %mul3A_2811, %add3A_2804 : vector<16xf32>
      %mul3A_2813 = arith.constant 5.000000e-01 : f32
      %mul3A_2814 = vector.broadcast %mul3A_2813 : f32 to vector<16xf32>
      %mul3A_2815 = arith.mulf %mul3A_2814, %sub3A_2812 : vector<16xf32>
      %add3A_2816 = arith.addf %mul3A_2815, %get3A_2806 : vector<16xf32>
      %mul3A_2817 = arith.mulf %get3A_2810, %convert_element_type3A_35 : vector<16xf32>
      %add3A_2818 = arith.addf %add3A_2816, %mul3A_2817 : vector<16xf32>
      %reduce_sum3A_2819 = arith.constant true
      %reduce_sum3A_2820 = vector.broadcast %reduce_sum3A_2819 : i1 to vector<16xi1>
      %reduce_sum3A_2821 = tpu.scan <sum>, %add3A_2818 masked %reduce_sum3A_2820 : vector<16xf32>, vector<16xi1> -> vector<16xf32>
      %reduce_sum3A_2822 = vector.extract %reduce_sum3A_2821[15] : f32 from vector<16xf32>
      %eq3A_2823 = arith.constant 11 : i32
      %eq3A_2824 = vector.broadcast %eq3A_2823 : i32 to vector<16xi32>
      %eq3A_2825 = arith.cmpi eq, %iota3A, %eq3A_2824 : vector<16xi32>
      %broadcast_in_dim3A_2826 = vector.broadcast %reduce_sum3A_2822 : f32 to vector<16xf32>
      %select_n3A_2827 = arith.select %eq3A_2825, %broadcast_in_dim3A_2826, %select_n3A_2594 : vector<16xi1>, vector<16xf32>
      %mul3A_2828 = arith.constant 16 : i32
      %mul3A_2829 = arith.muli %add3A_32, %mul3A_2828 : i32
      %add3A_2830 = arith.constant 12 : i32
      %add3A_2831 = arith.addi %mul3A_2829, %add3A_2830 : i32
      %mul3A_2832 = arith.constant 26 : i32
      %mul3A_2833 = arith.muli %add3A_2831, %mul3A_2832 : i32
      %get3A_2834 = arith.index_cast %mul3A_2833 : i32 to index
      %get3A_2835 = arith.constant 0 : index
      %get3A_2836 = tpu.vector_load %arg8[%get3A_2834, %get3A_2835] {strides = array<i32>} : memref<3328x16xf32, #tpu.memory_space<vmem>>, vector<16xf32>,
      %mul3A_2837 = arith.mulf %get3A_2836, %get3A_2836 : vector<16xf32>
      %add3A_2838 = arith.constant 1 : i32
      %add3A_2839 = arith.addi %mul3A_2833, %add3A_2838 : i32
      %get3A_2840 = arith.index_cast %add3A_2839 : i32 to index
      %get3A_2841 = arith.constant 0 : index
      %get3A_2842 = tpu.vector_load %arg8[%get3A_2840, %get3A_2841] {strides = array<i32>} : memref<3328x16xf32, #tpu.memory_space<vmem>>, vector<16xf32>,
      %add3A_2843 = arith.addf %get3A_2836, %get3A_2842 : vector<16xf32>
      %mul3A_2844 = arith.mulf %get3A_2842, %get3A_2842 : vector<16xf32>
      %add3A_2845 = arith.addf %mul3A_2837, %mul3A_2844 : vector<16xf32>
      %add3A_2846 = arith.constant 2 : i32
      %add3A_2847 = arith.addi %mul3A_2833, %add3A_2846 : i32
      %get3A_2848 = arith.index_cast %add3A_2847 : i32 to index
      %get3A_2849 = arith.constant 0 : index
      %get3A_2850 = tpu.vector_load %arg8[%get3A_2848, %get3A_2849] {strides = array<i32>} : memref<3328x16xf32, #tpu.memory_space<vmem>>, vector<16xf32>,
      %add3A_2851 = arith.addf %add3A_2843, %get3A_2850 : vector<16xf32>
      %mul3A_2852 = arith.mulf %get3A_2850, %get3A_2850 : vector<16xf32>
      %add3A_2853 = arith.addf %add3A_2845, %mul3A_2852 : vector<16xf32>
      %add3A_2854 = arith.constant 3 : i32
      %add3A_2855 = arith.addi %mul3A_2833, %add3A_2854 : i32
      %get3A_2856 = arith.index_cast %add3A_2855 : i32 to index
      %get3A_2857 = arith.constant 0 : index
      %get3A_2858 = tpu.vector_load %arg8[%get3A_2856, %get3A_2857] {strides = array<i32>} : memref<3328x16xf32, #tpu.memory_space<vmem>>, vector<16xf32>,
      %add3A_2859 = arith.addf %add3A_2851, %get3A_2858 : vector<16xf32>
      %mul3A_2860 = arith.mulf %get3A_2858, %get3A_2858 : vector<16xf32>
      %add3A_2861 = arith.addf %add3A_2853, %mul3A_2860 : vector<16xf32>
      %add3A_2862 = arith.constant 4 : i32
      %add3A_2863 = arith.addi %mul3A_2833, %add3A_2862 : i32
      %get3A_2864 = arith.index_cast %add3A_2863 : i32 to index
      %get3A_2865 = arith.constant 0 : index
      %get3A_2866 = tpu.vector_load %arg8[%get3A_2864, %get3A_2865] {strides = array<i32>} : memref<3328x16xf32, #tpu.memory_space<vmem>>, vector<16xf32>,
      %add3A_2867 = arith.addf %add3A_2859, %get3A_2866 : vector<16xf32>
      %mul3A_2868 = arith.mulf %get3A_2866, %get3A_2866 : vector<16xf32>
      %add3A_2869 = arith.addf %add3A_2861, %mul3A_2868 : vector<16xf32>
      %add3A_2870 = arith.constant 5 : i32
      %add3A_2871 = arith.addi %mul3A_2833, %add3A_2870 : i32
      %get3A_2872 = arith.index_cast %add3A_2871 : i32 to index
      %get3A_2873 = arith.constant 0 : index
      %get3A_2874 = tpu.vector_load %arg8[%get3A_2872, %get3A_2873] {strides = array<i32>} : memref<3328x16xf32, #tpu.memory_space<vmem>>, vector<16xf32>,
      %add3A_2875 = arith.addf %add3A_2867, %get3A_2874 : vector<16xf32>
      %mul3A_2876 = arith.mulf %get3A_2874, %get3A_2874 : vector<16xf32>
      %add3A_2877 = arith.addf %add3A_2869, %mul3A_2876 : vector<16xf32>
      %add3A_2878 = arith.constant 6 : i32
      %add3A_2879 = arith.addi %mul3A_2833, %add3A_2878 : i32
      %get3A_2880 = arith.index_cast %add3A_2879 : i32 to index
      %get3A_2881 = arith.constant 0 : index
      %get3A_2882 = tpu.vector_load %arg8[%get3A_2880, %get3A_2881] {strides = array<i32>} : memref<3328x16xf32, #tpu.memory_space<vmem>>, vector<16xf32>,
      %add3A_2883 = arith.addf %add3A_2875, %get3A_2882 : vector<16xf32>
      %mul3A_2884 = arith.mulf %get3A_2882, %get3A_2882 : vector<16xf32>
      %add3A_2885 = arith.addf %add3A_2877, %mul3A_2884 : vector<16xf32>
      %add3A_2886 = arith.constant 7 : i32
      %add3A_2887 = arith.addi %mul3A_2833, %add3A_2886 : i32
      %get3A_2888 = arith.index_cast %add3A_2887 : i32 to index
      %get3A_2889 = arith.constant 0 : index
      %get3A_2890 = tpu.vector_load %arg8[%get3A_2888, %get3A_2889] {strides = array<i32>} : memref<3328x16xf32, #tpu.memory_space<vmem>>, vector<16xf32>,
      %add3A_2891 = arith.addf %add3A_2883, %get3A_2890 : vector<16xf32>
      %mul3A_2892 = arith.mulf %get3A_2890, %get3A_2890 : vector<16xf32>
      %add3A_2893 = arith.addf %add3A_2885, %mul3A_2892 : vector<16xf32>
      %add3A_2894 = arith.constant 8 : i32
      %add3A_2895 = arith.addi %mul3A_2833, %add3A_2894 : i32
      %get3A_2896 = arith.index_cast %add3A_2895 : i32 to index
      %get3A_2897 = arith.constant 0 : index
      %get3A_2898 = tpu.vector_load %arg8[%get3A_2896, %get3A_2897] {strides = array<i32>} : memref<3328x16xf32, #tpu.memory_space<vmem>>, vector<16xf32>,
      %add3A_2899 = arith.addf %add3A_2891, %get3A_2898 : vector<16xf32>
      %mul3A_2900 = arith.mulf %get3A_2898, %get3A_2898 : vector<16xf32>
      %add3A_2901 = arith.addf %add3A_2893, %mul3A_2900 : vector<16xf32>
      %add3A_2902 = arith.constant 9 : i32
      %add3A_2903 = arith.addi %mul3A_2833, %add3A_2902 : i32
      %get3A_2904 = arith.index_cast %add3A_2903 : i32 to index
      %get3A_2905 = arith.constant 0 : index
      %get3A_2906 = tpu.vector_load %arg8[%get3A_2904, %get3A_2905] {strides = array<i32>} : memref<3328x16xf32, #tpu.memory_space<vmem>>, vector<16xf32>,
      %add3A_2907 = arith.addf %add3A_2899, %get3A_2906 : vector<16xf32>
      %mul3A_2908 = arith.mulf %get3A_2906, %get3A_2906 : vector<16xf32>
      %add3A_2909 = arith.addf %add3A_2901, %mul3A_2908 : vector<16xf32>
      %add3A_2910 = arith.constant 10 : i32
      %add3A_2911 = arith.addi %mul3A_2833, %add3A_2910 : i32
      %get3A_2912 = arith.index_cast %add3A_2911 : i32 to index
      %get3A_2913 = arith.constant 0 : index
      %get3A_2914 = tpu.vector_load %arg8[%get3A_2912, %get3A_2913] {strides = array<i32>} : memref<3328x16xf32, #tpu.memory_space<vmem>>, vector<16xf32>,
      %add3A_2915 = arith.addf %add3A_2907, %get3A_2914 : vector<16xf32>
      %mul3A_2916 = arith.mulf %get3A_2914, %get3A_2914 : vector<16xf32>
      %add3A_2917 = arith.addf %add3A_2909, %mul3A_2916 : vector<16xf32>
      %add3A_2918 = arith.constant 11 : i32
      %add3A_2919 = arith.addi %mul3A_2833, %add3A_2918 : i32
      %get3A_2920 = arith.index_cast %add3A_2919 : i32 to index
      %get3A_2921 = arith.constant 0 : index
      %get3A_2922 = tpu.vector_load %arg8[%get3A_2920, %get3A_2921] {strides = array<i32>} : memref<3328x16xf32, #tpu.memory_space<vmem>>, vector<16xf32>,
      %add3A_2923 = arith.addf %add3A_2915, %get3A_2922 : vector<16xf32>
      %mul3A_2924 = arith.mulf %get3A_2922, %get3A_2922 : vector<16xf32>
      %add3A_2925 = arith.addf %add3A_2917, %mul3A_2924 : vector<16xf32>
      %add3A_2926 = arith.constant 12 : i32
      %add3A_2927 = arith.addi %mul3A_2833, %add3A_2926 : i32
      %get3A_2928 = arith.index_cast %add3A_2927 : i32 to index
      %get3A_2929 = arith.constant 0 : index
      %get3A_2930 = tpu.vector_load %arg8[%get3A_2928, %get3A_2929] {strides = array<i32>} : memref<3328x16xf32, #tpu.memory_space<vmem>>, vector<16xf32>,
      %add3A_2931 = arith.addf %add3A_2923, %get3A_2930 : vector<16xf32>
      %mul3A_2932 = arith.mulf %get3A_2930, %get3A_2930 : vector<16xf32>
      %add3A_2933 = arith.addf %add3A_2925, %mul3A_2932 : vector<16xf32>
      %add3A_2934 = arith.constant 13 : i32
      %add3A_2935 = arith.addi %mul3A_2833, %add3A_2934 : i32
      %get3A_2936 = arith.index_cast %add3A_2935 : i32 to index
      %get3A_2937 = arith.constant 0 : index
      %get3A_2938 = tpu.vector_load %arg8[%get3A_2936, %get3A_2937] {strides = array<i32>} : memref<3328x16xf32, #tpu.memory_space<vmem>>, vector<16xf32>,
      %add3A_2939 = arith.addf %add3A_2931, %get3A_2938 : vector<16xf32>
      %mul3A_2940 = arith.mulf %get3A_2938, %get3A_2938 : vector<16xf32>
      %add3A_2941 = arith.addf %add3A_2933, %mul3A_2940 : vector<16xf32>
      %add3A_2942 = arith.constant 14 : i32
      %add3A_2943 = arith.addi %mul3A_2833, %add3A_2942 : i32
      %get3A_2944 = arith.index_cast %add3A_2943 : i32 to index
      %get3A_2945 = arith.constant 0 : index
      %get3A_2946 = tpu.vector_load %arg8[%get3A_2944, %get3A_2945] {strides = array<i32>} : memref<3328x16xf32, #tpu.memory_space<vmem>>, vector<16xf32>,
      %add3A_2947 = arith.addf %add3A_2939, %get3A_2946 : vector<16xf32>
      %mul3A_2948 = arith.mulf %get3A_2946, %get3A_2946 : vector<16xf32>
      %add3A_2949 = arith.addf %add3A_2941, %mul3A_2948 : vector<16xf32>
      %add3A_2950 = arith.constant 15 : i32
      %add3A_2951 = arith.addi %mul3A_2833, %add3A_2950 : i32
      %get3A_2952 = arith.index_cast %add3A_2951 : i32 to index
      %get3A_2953 = arith.constant 0 : index
      %get3A_2954 = tpu.vector_load %arg8[%get3A_2952, %get3A_2953] {strides = array<i32>} : memref<3328x16xf32, #tpu.memory_space<vmem>>, vector<16xf32>,
      %add3A_2955 = arith.addf %add3A_2947, %get3A_2954 : vector<16xf32>
      %mul3A_2956 = arith.mulf %get3A_2954, %get3A_2954 : vector<16xf32>
      %add3A_2957 = arith.addf %add3A_2949, %mul3A_2956 : vector<16xf32>
      %add3A_2958 = arith.constant 16 : i32
      %add3A_2959 = arith.addi %mul3A_2833, %add3A_2958 : i32
      %get3A_2960 = arith.index_cast %add3A_2959 : i32 to index
      %get3A_2961 = arith.constant 0 : index
      %get3A_2962 = tpu.vector_load %arg8[%get3A_2960, %get3A_2961] {strides = array<i32>} : memref<3328x16xf32, #tpu.memory_space<vmem>>, vector<16xf32>,
      %add3A_2963 = arith.addf %add3A_2955, %get3A_2962 : vector<16xf32>
      %mul3A_2964 = arith.mulf %get3A_2962, %get3A_2962 : vector<16xf32>
      %add3A_2965 = arith.addf %add3A_2957, %mul3A_2964 : vector<16xf32>
      %add3A_2966 = arith.constant 17 : i32
      %add3A_2967 = arith.addi %mul3A_2833, %add3A_2966 : i32
      %get3A_2968 = arith.index_cast %add3A_2967 : i32 to index
      %get3A_2969 = arith.constant 0 : index
      %get3A_2970 = tpu.vector_load %arg8[%get3A_2968, %get3A_2969] {strides = array<i32>} : memref<3328x16xf32, #tpu.memory_space<vmem>>, vector<16xf32>,
      %add3A_2971 = arith.addf %add3A_2963, %get3A_2970 : vector<16xf32>
      %mul3A_2972 = arith.mulf %get3A_2970, %get3A_2970 : vector<16xf32>
      %add3A_2973 = arith.addf %add3A_2965, %mul3A_2972 : vector<16xf32>
      %add3A_2974 = arith.constant 18 : i32
      %add3A_2975 = arith.addi %mul3A_2833, %add3A_2974 : i32
      %get3A_2976 = arith.index_cast %add3A_2975 : i32 to index
      %get3A_2977 = arith.constant 0 : index
      %get3A_2978 = tpu.vector_load %arg8[%get3A_2976, %get3A_2977] {strides = array<i32>} : memref<3328x16xf32, #tpu.memory_space<vmem>>, vector<16xf32>,
      %add3A_2979 = arith.addf %add3A_2971, %get3A_2978 : vector<16xf32>
      %mul3A_2980 = arith.mulf %get3A_2978, %get3A_2978 : vector<16xf32>
      %add3A_2981 = arith.addf %add3A_2973, %mul3A_2980 : vector<16xf32>
      %add3A_2982 = arith.constant 19 : i32
      %add3A_2983 = arith.addi %mul3A_2833, %add3A_2982 : i32
      %get3A_2984 = arith.index_cast %add3A_2983 : i32 to index
      %get3A_2985 = arith.constant 0 : index
      %get3A_2986 = tpu.vector_load %arg8[%get3A_2984, %get3A_2985] {strides = array<i32>} : memref<3328x16xf32, #tpu.memory_space<vmem>>, vector<16xf32>,
      %add3A_2987 = arith.addf %add3A_2979, %get3A_2986 : vector<16xf32>
      %mul3A_2988 = arith.mulf %get3A_2986, %get3A_2986 : vector<16xf32>
      %add3A_2989 = arith.addf %add3A_2981, %mul3A_2988 : vector<16xf32>
      %add3A_2990 = arith.constant 20 : i32
      %add3A_2991 = arith.addi %mul3A_2833, %add3A_2990 : i32
      %get3A_2992 = arith.index_cast %add3A_2991 : i32 to index
      %get3A_2993 = arith.constant 0 : index
      %get3A_2994 = tpu.vector_load %arg8[%get3A_2992, %get3A_2993] {strides = array<i32>} : memref<3328x16xf32, #tpu.memory_space<vmem>>, vector<16xf32>,
      %add3A_2995 = arith.addf %add3A_2987, %get3A_2994 : vector<16xf32>
      %mul3A_2996 = arith.mulf %get3A_2994, %get3A_2994 : vector<16xf32>
      %add3A_2997 = arith.addf %add3A_2989, %mul3A_2996 : vector<16xf32>
      %add3A_2998 = arith.constant 21 : i32
      %add3A_2999 = arith.addi %mul3A_2833, %add3A_2998 : i32
      %get3A_3000 = arith.index_cast %add3A_2999 : i32 to index
      %get3A_3001 = arith.constant 0 : index
      %get3A_3002 = tpu.vector_load %arg8[%get3A_3000, %get3A_3001] {strides = array<i32>} : memref<3328x16xf32, #tpu.memory_space<vmem>>, vector<16xf32>,
      %add3A_3003 = arith.addf %add3A_2995, %get3A_3002 : vector<16xf32>
      %mul3A_3004 = arith.mulf %get3A_3002, %get3A_3002 : vector<16xf32>
      %add3A_3005 = arith.addf %add3A_2997, %mul3A_3004 : vector<16xf32>
      %add3A_3006 = arith.constant 22 : i32
      %add3A_3007 = arith.addi %mul3A_2833, %add3A_3006 : i32
      %get3A_3008 = arith.index_cast %add3A_3007 : i32 to index
      %get3A_3009 = arith.constant 0 : index
      %get3A_3010 = tpu.vector_load %arg8[%get3A_3008, %get3A_3009] {strides = array<i32>} : memref<3328x16xf32, #tpu.memory_space<vmem>>, vector<16xf32>,
      %add3A_3011 = arith.addf %add3A_3003, %get3A_3010 : vector<16xf32>
      %mul3A_3012 = arith.mulf %get3A_3010, %get3A_3010 : vector<16xf32>
      %add3A_3013 = arith.addf %add3A_3005, %mul3A_3012 : vector<16xf32>
      %add3A_3014 = arith.constant 23 : i32
      %add3A_3015 = arith.addi %mul3A_2833, %add3A_3014 : i32
      %get3A_3016 = arith.index_cast %add3A_3015 : i32 to index
      %get3A_3017 = arith.constant 0 : index
      %get3A_3018 = tpu.vector_load %arg8[%get3A_3016, %get3A_3017] {strides = array<i32>} : memref<3328x16xf32, #tpu.memory_space<vmem>>, vector<16xf32>,
      %add3A_3019 = arith.addf %add3A_3011, %get3A_3018 : vector<16xf32>
      %mul3A_3020 = arith.mulf %get3A_3018, %get3A_3018 : vector<16xf32>
      %add3A_3021 = arith.addf %add3A_3013, %mul3A_3020 : vector<16xf32>
      %add3A_3022 = arith.constant 24 : i32
      %add3A_3023 = arith.addi %mul3A_2833, %add3A_3022 : i32
      %get3A_3024 = arith.index_cast %add3A_3023 : i32 to index
      %get3A_3025 = arith.constant 0 : index
      %get3A_3026 = tpu.vector_load %arg8[%get3A_3024, %get3A_3025] {strides = array<i32>} : memref<3328x16xf32, #tpu.memory_space<vmem>>, vector<16xf32>,
      %add3A_3027 = arith.addf %add3A_3019, %get3A_3026 : vector<16xf32>
      %mul3A_3028 = arith.mulf %get3A_3026, %get3A_3026 : vector<16xf32>
      %add3A_3029 = arith.addf %add3A_3021, %mul3A_3028 : vector<16xf32>
      %add3A_3030 = arith.constant 25 : i32
      %add3A_3031 = arith.addi %mul3A_2833, %add3A_3030 : i32
      %get3A_3032 = arith.index_cast %add3A_3031 : i32 to index
      %get3A_3033 = arith.constant 0 : index
      %get3A_3034 = tpu.vector_load %arg8[%get3A_3032, %get3A_3033] {strides = array<i32>} : memref<3328x16xf32, #tpu.memory_space<vmem>>, vector<16xf32>,
      %add3A_3035 = arith.addf %add3A_3027, %get3A_3034 : vector<16xf32>
      %mul3A_3036 = arith.mulf %get3A_3034, %get3A_3034 : vector<16xf32>
      %add3A_3037 = arith.addf %add3A_3029, %mul3A_3036 : vector<16xf32>
      %get3A_3038 = arith.index_cast %mul3A_2833 : i32 to index
      %get3A_3039 = tpu.vector_load %arg9[%get3A_3038] {strides = array<i32>} : memref<3328xf32, #tpu.memory_space<vmem>>, vector<16xf32>,
      %add3A_3040 = arith.constant 10 : i32
      %add3A_3041 = arith.addi %mul3A_2833, %add3A_3040 : i32
      %get3A_3042 = arith.index_cast %add3A_3041 : i32 to index
      %get3A_3043 = tpu.vector_load %arg9[%get3A_3042] {strides = array<i32>} : memref<3328xf32, #tpu.memory_space<vmem>>, vector<16xf32>,
      %mul3A_3044 = arith.mulf %add3A_3035, %add3A_3035 : vector<16xf32>
      %sub3A_3045 = arith.subf %mul3A_3044, %add3A_3037 : vector<16xf32>
      %mul3A_3046 = arith.constant 5.000000e-01 : f32
      %mul3A_3047 = vector.broadcast %mul3A_3046 : f32 to vector<16xf32>
      %mul3A_3048 = arith.mulf %mul3A_3047, %sub3A_3045 : vector<16xf32>
      %add3A_3049 = arith.addf %mul3A_3048, %get3A_3039 : vector<16xf32>
      %mul3A_3050 = arith.mulf %get3A_3043, %convert_element_type3A_35 : vector<16xf32>
      %add3A_3051 = arith.addf %add3A_3049, %mul3A_3050 : vector<16xf32>
      %reduce_sum3A_3052 = arith.constant true
      %reduce_sum3A_3053 = vector.broadcast %reduce_sum3A_3052 : i1 to vector<16xi1>
      %reduce_sum3A_3054 = tpu.scan <sum>, %add3A_3051 masked %reduce_sum3A_3053 : vector<16xf32>, vector<16xi1> -> vector<16xf32>
      %reduce_sum3A_3055 = vector.extract %reduce_sum3A_3054[15] : f32 from vector<16xf32>
      %eq3A_3056 = arith.constant 12 : i32
      %eq3A_3057 = vector.broadcast %eq3A_3056 : i32 to vector<16xi32>
      %eq3A_3058 = arith.cmpi eq, %iota3A, %eq3A_3057 : vector<16xi32>
      %broadcast_in_dim3A_3059 = vector.broadcast %reduce_sum3A_3055 : f32 to vector<16xf32>
      %select_n3A_3060 = arith.select %eq3A_3058, %broadcast_in_dim3A_3059, %select_n3A_2827 : vector<16xi1>, vector<16xf32>
      %mul3A_3061 = arith.constant 16 : i32
      %mul3A_3062 = arith.muli %add3A_32, %mul3A_3061 : i32
      %add3A_3063 = arith.constant 13 : i32
      %add3A_3064 = arith.addi %mul3A_3062, %add3A_3063 : i32
      %mul3A_3065 = arith.constant 26 : i32
      %mul3A_3066 = arith.muli %add3A_3064, %mul3A_3065 : i32
      %get3A_3067 = arith.index_cast %mul3A_3066 : i32 to index
      %get3A_3068 = arith.constant 0 : index
      %get3A_3069 = tpu.vector_load %arg8[%get3A_3067, %get3A_3068] {strides = array<i32>} : memref<3328x16xf32, #tpu.memory_space<vmem>>, vector<16xf32>,
      %mul3A_3070 = arith.mulf %get3A_3069, %get3A_3069 : vector<16xf32>
      %add3A_3071 = arith.constant 1 : i32
      %add3A_3072 = arith.addi %mul3A_3066, %add3A_3071 : i32
      %get3A_3073 = arith.index_cast %add3A_3072 : i32 to index
      %get3A_3074 = arith.constant 0 : index
      %get3A_3075 = tpu.vector_load %arg8[%get3A_3073, %get3A_3074] {strides = array<i32>} : memref<3328x16xf32, #tpu.memory_space<vmem>>, vector<16xf32>,
      %add3A_3076 = arith.addf %get3A_3069, %get3A_3075 : vector<16xf32>
      %mul3A_3077 = arith.mulf %get3A_3075, %get3A_3075 : vector<16xf32>
      %add3A_3078 = arith.addf %mul3A_3070, %mul3A_3077 : vector<16xf32>
      %add3A_3079 = arith.constant 2 : i32
      %add3A_3080 = arith.addi %mul3A_3066, %add3A_3079 : i32
      %get3A_3081 = arith.index_cast %add3A_3080 : i32 to index
      %get3A_3082 = arith.constant 0 : index
      %get3A_3083 = tpu.vector_load %arg8[%get3A_3081, %get3A_3082] {strides = array<i32>} : memref<3328x16xf32, #tpu.memory_space<vmem>>, vector<16xf32>,
      %add3A_3084 = arith.addf %add3A_3076, %get3A_3083 : vector<16xf32>
      %mul3A_3085 = arith.mulf %get3A_3083, %get3A_3083 : vector<16xf32>
      %add3A_3086 = arith.addf %add3A_3078, %mul3A_3085 : vector<16xf32>
      %add3A_3087 = arith.constant 3 : i32
      %add3A_3088 = arith.addi %mul3A_3066, %add3A_3087 : i32
      %get3A_3089 = arith.index_cast %add3A_3088 : i32 to index
      %get3A_3090 = arith.constant 0 : index
      %get3A_3091 = tpu.vector_load %arg8[%get3A_3089, %get3A_3090] {strides = array<i32>} : memref<3328x16xf32, #tpu.memory_space<vmem>>, vector<16xf32>,
      %add3A_3092 = arith.addf %add3A_3084, %get3A_3091 : vector<16xf32>
      %mul3A_3093 = arith.mulf %get3A_3091, %get3A_3091 : vector<16xf32>
      %add3A_3094 = arith.addf %add3A_3086, %mul3A_3093 : vector<16xf32>
      %add3A_3095 = arith.constant 4 : i32
      %add3A_3096 = arith.addi %mul3A_3066, %add3A_3095 : i32
      %get3A_3097 = arith.index_cast %add3A_3096 : i32 to index
      %get3A_3098 = arith.constant 0 : index
      %get3A_3099 = tpu.vector_load %arg8[%get3A_3097, %get3A_3098] {strides = array<i32>} : memref<3328x16xf32, #tpu.memory_space<vmem>>, vector<16xf32>,
      %add3A_3100 = arith.addf %add3A_3092, %get3A_3099 : vector<16xf32>
      %mul3A_3101 = arith.mulf %get3A_3099, %get3A_3099 : vector<16xf32>
      %add3A_3102 = arith.addf %add3A_3094, %mul3A_3101 : vector<16xf32>
      %add3A_3103 = arith.constant 5 : i32
      %add3A_3104 = arith.addi %mul3A_3066, %add3A_3103 : i32
      %get3A_3105 = arith.index_cast %add3A_3104 : i32 to index
      %get3A_3106 = arith.constant 0 : index
      %get3A_3107 = tpu.vector_load %arg8[%get3A_3105, %get3A_3106] {strides = array<i32>} : memref<3328x16xf32, #tpu.memory_space<vmem>>, vector<16xf32>,
      %add3A_3108 = arith.addf %add3A_3100, %get3A_3107 : vector<16xf32>
      %mul3A_3109 = arith.mulf %get3A_3107, %get3A_3107 : vector<16xf32>
      %add3A_3110 = arith.addf %add3A_3102, %mul3A_3109 : vector<16xf32>
      %add3A_3111 = arith.constant 6 : i32
      %add3A_3112 = arith.addi %mul3A_3066, %add3A_3111 : i32
      %get3A_3113 = arith.index_cast %add3A_3112 : i32 to index
      %get3A_3114 = arith.constant 0 : index
      %get3A_3115 = tpu.vector_load %arg8[%get3A_3113, %get3A_3114] {strides = array<i32>} : memref<3328x16xf32, #tpu.memory_space<vmem>>, vector<16xf32>,
      %add3A_3116 = arith.addf %add3A_3108, %get3A_3115 : vector<16xf32>
      %mul3A_3117 = arith.mulf %get3A_3115, %get3A_3115 : vector<16xf32>
      %add3A_3118 = arith.addf %add3A_3110, %mul3A_3117 : vector<16xf32>
      %add3A_3119 = arith.constant 7 : i32
      %add3A_3120 = arith.addi %mul3A_3066, %add3A_3119 : i32
      %get3A_3121 = arith.index_cast %add3A_3120 : i32 to index
      %get3A_3122 = arith.constant 0 : index
      %get3A_3123 = tpu.vector_load %arg8[%get3A_3121, %get3A_3122] {strides = array<i32>} : memref<3328x16xf32, #tpu.memory_space<vmem>>, vector<16xf32>,
      %add3A_3124 = arith.addf %add3A_3116, %get3A_3123 : vector<16xf32>
      %mul3A_3125 = arith.mulf %get3A_3123, %get3A_3123 : vector<16xf32>
      %add3A_3126 = arith.addf %add3A_3118, %mul3A_3125 : vector<16xf32>
      %add3A_3127 = arith.constant 8 : i32
      %add3A_3128 = arith.addi %mul3A_3066, %add3A_3127 : i32
      %get3A_3129 = arith.index_cast %add3A_3128 : i32 to index
      %get3A_3130 = arith.constant 0 : index
      %get3A_3131 = tpu.vector_load %arg8[%get3A_3129, %get3A_3130] {strides = array<i32>} : memref<3328x16xf32, #tpu.memory_space<vmem>>, vector<16xf32>,
      %add3A_3132 = arith.addf %add3A_3124, %get3A_3131 : vector<16xf32>
      %mul3A_3133 = arith.mulf %get3A_3131, %get3A_3131 : vector<16xf32>
      %add3A_3134 = arith.addf %add3A_3126, %mul3A_3133 : vector<16xf32>
      %add3A_3135 = arith.constant 9 : i32
      %add3A_3136 = arith.addi %mul3A_3066, %add3A_3135 : i32
      %get3A_3137 = arith.index_cast %add3A_3136 : i32 to index
      %get3A_3138 = arith.constant 0 : index
      %get3A_3139 = tpu.vector_load %arg8[%get3A_3137, %get3A_3138] {strides = array<i32>} : memref<3328x16xf32, #tpu.memory_space<vmem>>, vector<16xf32>,
      %add3A_3140 = arith.addf %add3A_3132, %get3A_3139 : vector<16xf32>
      %mul3A_3141 = arith.mulf %get3A_3139, %get3A_3139 : vector<16xf32>
      %add3A_3142 = arith.addf %add3A_3134, %mul3A_3141 : vector<16xf32>
      %add3A_3143 = arith.constant 10 : i32
      %add3A_3144 = arith.addi %mul3A_3066, %add3A_3143 : i32
      %get3A_3145 = arith.index_cast %add3A_3144 : i32 to index
      %get3A_3146 = arith.constant 0 : index
      %get3A_3147 = tpu.vector_load %arg8[%get3A_3145, %get3A_3146] {strides = array<i32>} : memref<3328x16xf32, #tpu.memory_space<vmem>>, vector<16xf32>,
      %add3A_3148 = arith.addf %add3A_3140, %get3A_3147 : vector<16xf32>
      %mul3A_3149 = arith.mulf %get3A_3147, %get3A_3147 : vector<16xf32>
      %add3A_3150 = arith.addf %add3A_3142, %mul3A_3149 : vector<16xf32>
      %add3A_3151 = arith.constant 11 : i32
      %add3A_3152 = arith.addi %mul3A_3066, %add3A_3151 : i32
      %get3A_3153 = arith.index_cast %add3A_3152 : i32 to index
      %get3A_3154 = arith.constant 0 : index
      %get3A_3155 = tpu.vector_load %arg8[%get3A_3153, %get3A_3154] {strides = array<i32>} : memref<3328x16xf32, #tpu.memory_space<vmem>>, vector<16xf32>,
      %add3A_3156 = arith.addf %add3A_3148, %get3A_3155 : vector<16xf32>
      %mul3A_3157 = arith.mulf %get3A_3155, %get3A_3155 : vector<16xf32>
      %add3A_3158 = arith.addf %add3A_3150, %mul3A_3157 : vector<16xf32>
      %add3A_3159 = arith.constant 12 : i32
      %add3A_3160 = arith.addi %mul3A_3066, %add3A_3159 : i32
      %get3A_3161 = arith.index_cast %add3A_3160 : i32 to index
      %get3A_3162 = arith.constant 0 : index
      %get3A_3163 = tpu.vector_load %arg8[%get3A_3161, %get3A_3162] {strides = array<i32>} : memref<3328x16xf32, #tpu.memory_space<vmem>>, vector<16xf32>,
      %add3A_3164 = arith.addf %add3A_3156, %get3A_3163 : vector<16xf32>
      %mul3A_3165 = arith.mulf %get3A_3163, %get3A_3163 : vector<16xf32>
      %add3A_3166 = arith.addf %add3A_3158, %mul3A_3165 : vector<16xf32>
      %add3A_3167 = arith.constant 13 : i32
      %add3A_3168 = arith.addi %mul3A_3066, %add3A_3167 : i32
      %get3A_3169 = arith.index_cast %add3A_3168 : i32 to index
      %get3A_3170 = arith.constant 0 : index
      %get3A_3171 = tpu.vector_load %arg8[%get3A_3169, %get3A_3170] {strides = array<i32>} : memref<3328x16xf32, #tpu.memory_space<vmem>>, vector<16xf32>,
      %add3A_3172 = arith.addf %add3A_3164, %get3A_3171 : vector<16xf32>
      %mul3A_3173 = arith.mulf %get3A_3171, %get3A_3171 : vector<16xf32>
      %add3A_3174 = arith.addf %add3A_3166, %mul3A_3173 : vector<16xf32>
      %add3A_3175 = arith.constant 14 : i32
      %add3A_3176 = arith.addi %mul3A_3066, %add3A_3175 : i32
      %get3A_3177 = arith.index_cast %add3A_3176 : i32 to index
      %get3A_3178 = arith.constant 0 : index
      %get3A_3179 = tpu.vector_load %arg8[%get3A_3177, %get3A_3178] {strides = array<i32>} : memref<3328x16xf32, #tpu.memory_space<vmem>>, vector<16xf32>,
      %add3A_3180 = arith.addf %add3A_3172, %get3A_3179 : vector<16xf32>
      %mul3A_3181 = arith.mulf %get3A_3179, %get3A_3179 : vector<16xf32>
      %add3A_3182 = arith.addf %add3A_3174, %mul3A_3181 : vector<16xf32>
      %add3A_3183 = arith.constant 15 : i32
      %add3A_3184 = arith.addi %mul3A_3066, %add3A_3183 : i32
      %get3A_3185 = arith.index_cast %add3A_3184 : i32 to index
      %get3A_3186 = arith.constant 0 : index
      %get3A_3187 = tpu.vector_load %arg8[%get3A_3185, %get3A_3186] {strides = array<i32>} : memref<3328x16xf32, #tpu.memory_space<vmem>>, vector<16xf32>,
      %add3A_3188 = arith.addf %add3A_3180, %get3A_3187 : vector<16xf32>
      %mul3A_3189 = arith.mulf %get3A_3187, %get3A_3187 : vector<16xf32>
      %add3A_3190 = arith.addf %add3A_3182, %mul3A_3189 : vector<16xf32>
      %add3A_3191 = arith.constant 16 : i32
      %add3A_3192 = arith.addi %mul3A_3066, %add3A_3191 : i32
      %get3A_3193 = arith.index_cast %add3A_3192 : i32 to index
      %get3A_3194 = arith.constant 0 : index
      %get3A_3195 = tpu.vector_load %arg8[%get3A_3193, %get3A_3194] {strides = array<i32>} : memref<3328x16xf32, #tpu.memory_space<vmem>>, vector<16xf32>,
      %add3A_3196 = arith.addf %add3A_3188, %get3A_3195 : vector<16xf32>
      %mul3A_3197 = arith.mulf %get3A_3195, %get3A_3195 : vector<16xf32>
      %add3A_3198 = arith.addf %add3A_3190, %mul3A_3197 : vector<16xf32>
      %add3A_3199 = arith.constant 17 : i32
      %add3A_3200 = arith.addi %mul3A_3066, %add3A_3199 : i32
      %get3A_3201 = arith.index_cast %add3A_3200 : i32 to index
      %get3A_3202 = arith.constant 0 : index
      %get3A_3203 = tpu.vector_load %arg8[%get3A_3201, %get3A_3202] {strides = array<i32>} : memref<3328x16xf32, #tpu.memory_space<vmem>>, vector<16xf32>,
      %add3A_3204 = arith.addf %add3A_3196, %get3A_3203 : vector<16xf32>
      %mul3A_3205 = arith.mulf %get3A_3203, %get3A_3203 : vector<16xf32>
      %add3A_3206 = arith.addf %add3A_3198, %mul3A_3205 : vector<16xf32>
      %add3A_3207 = arith.constant 18 : i32
      %add3A_3208 = arith.addi %mul3A_3066, %add3A_3207 : i32
      %get3A_3209 = arith.index_cast %add3A_3208 : i32 to index
      %get3A_3210 = arith.constant 0 : index
      %get3A_3211 = tpu.vector_load %arg8[%get3A_3209, %get3A_3210] {strides = array<i32>} : memref<3328x16xf32, #tpu.memory_space<vmem>>, vector<16xf32>,
      %add3A_3212 = arith.addf %add3A_3204, %get3A_3211 : vector<16xf32>
      %mul3A_3213 = arith.mulf %get3A_3211, %get3A_3211 : vector<16xf32>
      %add3A_3214 = arith.addf %add3A_3206, %mul3A_3213 : vector<16xf32>
      %add3A_3215 = arith.constant 19 : i32
      %add3A_3216 = arith.addi %mul3A_3066, %add3A_3215 : i32
      %get3A_3217 = arith.index_cast %add3A_3216 : i32 to index
      %get3A_3218 = arith.constant 0 : index
      %get3A_3219 = tpu.vector_load %arg8[%get3A_3217, %get3A_3218] {strides = array<i32>} : memref<3328x16xf32, #tpu.memory_space<vmem>>, vector<16xf32>,
      %add3A_3220 = arith.addf %add3A_3212, %get3A_3219 : vector<16xf32>
      %mul3A_3221 = arith.mulf %get3A_3219, %get3A_3219 : vector<16xf32>
      %add3A_3222 = arith.addf %add3A_3214, %mul3A_3221 : vector<16xf32>
      %add3A_3223 = arith.constant 20 : i32
      %add3A_3224 = arith.addi %mul3A_3066, %add3A_3223 : i32
      %get3A_3225 = arith.index_cast %add3A_3224 : i32 to index
      %get3A_3226 = arith.constant 0 : index
      %get3A_3227 = tpu.vector_load %arg8[%get3A_3225, %get3A_3226] {strides = array<i32>} : memref<3328x16xf32, #tpu.memory_space<vmem>>, vector<16xf32>,
      %add3A_3228 = arith.addf %add3A_3220, %get3A_3227 : vector<16xf32>
      %mul3A_3229 = arith.mulf %get3A_3227, %get3A_3227 : vector<16xf32>
      %add3A_3230 = arith.addf %add3A_3222, %mul3A_3229 : vector<16xf32>
      %add3A_3231 = arith.constant 21 : i32
      %add3A_3232 = arith.addi %mul3A_3066, %add3A_3231 : i32
      %get3A_3233 = arith.index_cast %add3A_3232 : i32 to index
      %get3A_3234 = arith.constant 0 : index
      %get3A_3235 = tpu.vector_load %arg8[%get3A_3233, %get3A_3234] {strides = array<i32>} : memref<3328x16xf32, #tpu.memory_space<vmem>>, vector<16xf32>,
      %add3A_3236 = arith.addf %add3A_3228, %get3A_3235 : vector<16xf32>
      %mul3A_3237 = arith.mulf %get3A_3235, %get3A_3235 : vector<16xf32>
      %add3A_3238 = arith.addf %add3A_3230, %mul3A_3237 : vector<16xf32>
      %add3A_3239 = arith.constant 22 : i32
      %add3A_3240 = arith.addi %mul3A_3066, %add3A_3239 : i32
      %get3A_3241 = arith.index_cast %add3A_3240 : i32 to index
      %get3A_3242 = arith.constant 0 : index
      %get3A_3243 = tpu.vector_load %arg8[%get3A_3241, %get3A_3242] {strides = array<i32>} : memref<3328x16xf32, #tpu.memory_space<vmem>>, vector<16xf32>,
      %add3A_3244 = arith.addf %add3A_3236, %get3A_3243 : vector<16xf32>
      %mul3A_3245 = arith.mulf %get3A_3243, %get3A_3243 : vector<16xf32>
      %add3A_3246 = arith.addf %add3A_3238, %mul3A_3245 : vector<16xf32>
      %add3A_3247 = arith.constant 23 : i32
      %add3A_3248 = arith.addi %mul3A_3066, %add3A_3247 : i32
      %get3A_3249 = arith.index_cast %add3A_3248 : i32 to index
      %get3A_3250 = arith.constant 0 : index
      %get3A_3251 = tpu.vector_load %arg8[%get3A_3249, %get3A_3250] {strides = array<i32>} : memref<3328x16xf32, #tpu.memory_space<vmem>>, vector<16xf32>,
      %add3A_3252 = arith.addf %add3A_3244, %get3A_3251 : vector<16xf32>
      %mul3A_3253 = arith.mulf %get3A_3251, %get3A_3251 : vector<16xf32>
      %add3A_3254 = arith.addf %add3A_3246, %mul3A_3253 : vector<16xf32>
      %add3A_3255 = arith.constant 24 : i32
      %add3A_3256 = arith.addi %mul3A_3066, %add3A_3255 : i32
      %get3A_3257 = arith.index_cast %add3A_3256 : i32 to index
      %get3A_3258 = arith.constant 0 : index
      %get3A_3259 = tpu.vector_load %arg8[%get3A_3257, %get3A_3258] {strides = array<i32>} : memref<3328x16xf32, #tpu.memory_space<vmem>>, vector<16xf32>,
      %add3A_3260 = arith.addf %add3A_3252, %get3A_3259 : vector<16xf32>
      %mul3A_3261 = arith.mulf %get3A_3259, %get3A_3259 : vector<16xf32>
      %add3A_3262 = arith.addf %add3A_3254, %mul3A_3261 : vector<16xf32>
      %add3A_3263 = arith.constant 25 : i32
      %add3A_3264 = arith.addi %mul3A_3066, %add3A_3263 : i32
      %get3A_3265 = arith.index_cast %add3A_3264 : i32 to index
      %get3A_3266 = arith.constant 0 : index
      %get3A_3267 = tpu.vector_load %arg8[%get3A_3265, %get3A_3266] {strides = array<i32>} : memref<3328x16xf32, #tpu.memory_space<vmem>>, vector<16xf32>,
      %add3A_3268 = arith.addf %add3A_3260, %get3A_3267 : vector<16xf32>
      %mul3A_3269 = arith.mulf %get3A_3267, %get3A_3267 : vector<16xf32>
      %add3A_3270 = arith.addf %add3A_3262, %mul3A_3269 : vector<16xf32>
      %get3A_3271 = arith.index_cast %mul3A_3066 : i32 to index
      %get3A_3272 = tpu.vector_load %arg9[%get3A_3271] {strides = array<i32>} : memref<3328xf32, #tpu.memory_space<vmem>>, vector<16xf32>,
      %add3A_3273 = arith.constant 10 : i32
      %add3A_3274 = arith.addi %mul3A_3066, %add3A_3273 : i32
      %get3A_3275 = arith.index_cast %add3A_3274 : i32 to index
      %get3A_3276 = tpu.vector_load %arg9[%get3A_3275] {strides = array<i32>} : memref<3328xf32, #tpu.memory_space<vmem>>, vector<16xf32>,
      %mul3A_3277 = arith.mulf %add3A_3268, %add3A_3268 : vector<16xf32>
      %sub3A_3278 = arith.subf %mul3A_3277, %add3A_3270 : vector<16xf32>
      %mul3A_3279 = arith.constant 5.000000e-01 : f32
      %mul3A_3280 = vector.broadcast %mul3A_3279 : f32 to vector<16xf32>
      %mul3A_3281 = arith.mulf %mul3A_3280, %sub3A_3278 : vector<16xf32>
      %add3A_3282 = arith.addf %mul3A_3281, %get3A_3272 : vector<16xf32>
      %mul3A_3283 = arith.mulf %get3A_3276, %convert_element_type3A_35 : vector<16xf32>
      %add3A_3284 = arith.addf %add3A_3282, %mul3A_3283 : vector<16xf32>
      %reduce_sum3A_3285 = arith.constant true
      %reduce_sum3A_3286 = vector.broadcast %reduce_sum3A_3285 : i1 to vector<16xi1>
      %reduce_sum3A_3287 = tpu.scan <sum>, %add3A_3284 masked %reduce_sum3A_3286 : vector<16xf32>, vector<16xi1> -> vector<16xf32>
      %reduce_sum3A_3288 = vector.extract %reduce_sum3A_3287[15] : f32 from vector<16xf32>
      %eq3A_3289 = arith.constant 13 : i32
      %eq3A_3290 = vector.broadcast %eq3A_3289 : i32 to vector<16xi32>
      %eq3A_3291 = arith.cmpi eq, %iota3A, %eq3A_3290 : vector<16xi32>
      %broadcast_in_dim3A_3292 = vector.broadcast %reduce_sum3A_3288 : f32 to vector<16xf32>
      %select_n3A_3293 = arith.select %eq3A_3291, %broadcast_in_dim3A_3292, %select_n3A_3060 : vector<16xi1>, vector<16xf32>
      %mul3A_3294 = arith.constant 16 : i32
      %mul3A_3295 = arith.muli %add3A_32, %mul3A_3294 : i32
      %add3A_3296 = arith.constant 14 : i32
      %add3A_3297 = arith.addi %mul3A_3295, %add3A_3296 : i32
      %mul3A_3298 = arith.constant 26 : i32
      %mul3A_3299 = arith.muli %add3A_3297, %mul3A_3298 : i32
      %get3A_3300 = arith.index_cast %mul3A_3299 : i32 to index
      %get3A_3301 = arith.constant 0 : index
      %get3A_3302 = tpu.vector_load %arg8[%get3A_3300, %get3A_3301] {strides = array<i32>} : memref<3328x16xf32, #tpu.memory_space<vmem>>, vector<16xf32>,
      %mul3A_3303 = arith.mulf %get3A_3302, %get3A_3302 : vector<16xf32>
      %add3A_3304 = arith.constant 1 : i32
      %add3A_3305 = arith.addi %mul3A_3299, %add3A_3304 : i32
      %get3A_3306 = arith.index_cast %add3A_3305 : i32 to index
      %get3A_3307 = arith.constant 0 : index
      %get3A_3308 = tpu.vector_load %arg8[%get3A_3306, %get3A_3307] {strides = array<i32>} : memref<3328x16xf32, #tpu.memory_space<vmem>>, vector<16xf32>,
      %add3A_3309 = arith.addf %get3A_3302, %get3A_3308 : vector<16xf32>
      %mul3A_3310 = arith.mulf %get3A_3308, %get3A_3308 : vector<16xf32>
      %add3A_3311 = arith.addf %mul3A_3303, %mul3A_3310 : vector<16xf32>
      %add3A_3312 = arith.constant 2 : i32
      %add3A_3313 = arith.addi %mul3A_3299, %add3A_3312 : i32
      %get3A_3314 = arith.index_cast %add3A_3313 : i32 to index
      %get3A_3315 = arith.constant 0 : index
      %get3A_3316 = tpu.vector_load %arg8[%get3A_3314, %get3A_3315] {strides = array<i32>} : memref<3328x16xf32, #tpu.memory_space<vmem>>, vector<16xf32>,
      %add3A_3317 = arith.addf %add3A_3309, %get3A_3316 : vector<16xf32>
      %mul3A_3318 = arith.mulf %get3A_3316, %get3A_3316 : vector<16xf32>
      %add3A_3319 = arith.addf %add3A_3311, %mul3A_3318 : vector<16xf32>
      %add3A_3320 = arith.constant 3 : i32
      %add3A_3321 = arith.addi %mul3A_3299, %add3A_3320 : i32
      %get3A_3322 = arith.index_cast %add3A_3321 : i32 to index
      %get3A_3323 = arith.constant 0 : index
      %get3A_3324 = tpu.vector_load %arg8[%get3A_3322, %get3A_3323] {strides = array<i32>} : memref<3328x16xf32, #tpu.memory_space<vmem>>, vector<16xf32>,
      %add3A_3325 = arith.addf %add3A_3317, %get3A_3324 : vector<16xf32>
      %mul3A_3326 = arith.mulf %get3A_3324, %get3A_3324 : vector<16xf32>
      %add3A_3327 = arith.addf %add3A_3319, %mul3A_3326 : vector<16xf32>
      %add3A_3328 = arith.constant 4 : i32
      %add3A_3329 = arith.addi %mul3A_3299, %add3A_3328 : i32
      %get3A_3330 = arith.index_cast %add3A_3329 : i32 to index
      %get3A_3331 = arith.constant 0 : index
      %get3A_3332 = tpu.vector_load %arg8[%get3A_3330, %get3A_3331] {strides = array<i32>} : memref<3328x16xf32, #tpu.memory_space<vmem>>, vector<16xf32>,
      %add3A_3333 = arith.addf %add3A_3325, %get3A_3332 : vector<16xf32>
      %mul3A_3334 = arith.mulf %get3A_3332, %get3A_3332 : vector<16xf32>
      %add3A_3335 = arith.addf %add3A_3327, %mul3A_3334 : vector<16xf32>
      %add3A_3336 = arith.constant 5 : i32
      %add3A_3337 = arith.addi %mul3A_3299, %add3A_3336 : i32
      %get3A_3338 = arith.index_cast %add3A_3337 : i32 to index
      %get3A_3339 = arith.constant 0 : index
      %get3A_3340 = tpu.vector_load %arg8[%get3A_3338, %get3A_3339] {strides = array<i32>} : memref<3328x16xf32, #tpu.memory_space<vmem>>, vector<16xf32>,
      %add3A_3341 = arith.addf %add3A_3333, %get3A_3340 : vector<16xf32>
      %mul3A_3342 = arith.mulf %get3A_3340, %get3A_3340 : vector<16xf32>
      %add3A_3343 = arith.addf %add3A_3335, %mul3A_3342 : vector<16xf32>
      %add3A_3344 = arith.constant 6 : i32
      %add3A_3345 = arith.addi %mul3A_3299, %add3A_3344 : i32
      %get3A_3346 = arith.index_cast %add3A_3345 : i32 to index
      %get3A_3347 = arith.constant 0 : index
      %get3A_3348 = tpu.vector_load %arg8[%get3A_3346, %get3A_3347] {strides = array<i32>} : memref<3328x16xf32, #tpu.memory_space<vmem>>, vector<16xf32>,
      %add3A_3349 = arith.addf %add3A_3341, %get3A_3348 : vector<16xf32>
      %mul3A_3350 = arith.mulf %get3A_3348, %get3A_3348 : vector<16xf32>
      %add3A_3351 = arith.addf %add3A_3343, %mul3A_3350 : vector<16xf32>
      %add3A_3352 = arith.constant 7 : i32
      %add3A_3353 = arith.addi %mul3A_3299, %add3A_3352 : i32
      %get3A_3354 = arith.index_cast %add3A_3353 : i32 to index
      %get3A_3355 = arith.constant 0 : index
      %get3A_3356 = tpu.vector_load %arg8[%get3A_3354, %get3A_3355] {strides = array<i32>} : memref<3328x16xf32, #tpu.memory_space<vmem>>, vector<16xf32>,
      %add3A_3357 = arith.addf %add3A_3349, %get3A_3356 : vector<16xf32>
      %mul3A_3358 = arith.mulf %get3A_3356, %get3A_3356 : vector<16xf32>
      %add3A_3359 = arith.addf %add3A_3351, %mul3A_3358 : vector<16xf32>
      %add3A_3360 = arith.constant 8 : i32
      %add3A_3361 = arith.addi %mul3A_3299, %add3A_3360 : i32
      %get3A_3362 = arith.index_cast %add3A_3361 : i32 to index
      %get3A_3363 = arith.constant 0 : index
      %get3A_3364 = tpu.vector_load %arg8[%get3A_3362, %get3A_3363] {strides = array<i32>} : memref<3328x16xf32, #tpu.memory_space<vmem>>, vector<16xf32>,
      %add3A_3365 = arith.addf %add3A_3357, %get3A_3364 : vector<16xf32>
      %mul3A_3366 = arith.mulf %get3A_3364, %get3A_3364 : vector<16xf32>
      %add3A_3367 = arith.addf %add3A_3359, %mul3A_3366 : vector<16xf32>
      %add3A_3368 = arith.constant 9 : i32
      %add3A_3369 = arith.addi %mul3A_3299, %add3A_3368 : i32
      %get3A_3370 = arith.index_cast %add3A_3369 : i32 to index
      %get3A_3371 = arith.constant 0 : index
      %get3A_3372 = tpu.vector_load %arg8[%get3A_3370, %get3A_3371] {strides = array<i32>} : memref<3328x16xf32, #tpu.memory_space<vmem>>, vector<16xf32>,
      %add3A_3373 = arith.addf %add3A_3365, %get3A_3372 : vector<16xf32>
      %mul3A_3374 = arith.mulf %get3A_3372, %get3A_3372 : vector<16xf32>
      %add3A_3375 = arith.addf %add3A_3367, %mul3A_3374 : vector<16xf32>
      %add3A_3376 = arith.constant 10 : i32
      %add3A_3377 = arith.addi %mul3A_3299, %add3A_3376 : i32
      %get3A_3378 = arith.index_cast %add3A_3377 : i32 to index
      %get3A_3379 = arith.constant 0 : index
      %get3A_3380 = tpu.vector_load %arg8[%get3A_3378, %get3A_3379] {strides = array<i32>} : memref<3328x16xf32, #tpu.memory_space<vmem>>, vector<16xf32>,
      %add3A_3381 = arith.addf %add3A_3373, %get3A_3380 : vector<16xf32>
      %mul3A_3382 = arith.mulf %get3A_3380, %get3A_3380 : vector<16xf32>
      %add3A_3383 = arith.addf %add3A_3375, %mul3A_3382 : vector<16xf32>
      %add3A_3384 = arith.constant 11 : i32
      %add3A_3385 = arith.addi %mul3A_3299, %add3A_3384 : i32
      %get3A_3386 = arith.index_cast %add3A_3385 : i32 to index
      %get3A_3387 = arith.constant 0 : index
      %get3A_3388 = tpu.vector_load %arg8[%get3A_3386, %get3A_3387] {strides = array<i32>} : memref<3328x16xf32, #tpu.memory_space<vmem>>, vector<16xf32>,
      %add3A_3389 = arith.addf %add3A_3381, %get3A_3388 : vector<16xf32>
      %mul3A_3390 = arith.mulf %get3A_3388, %get3A_3388 : vector<16xf32>
      %add3A_3391 = arith.addf %add3A_3383, %mul3A_3390 : vector<16xf32>
      %add3A_3392 = arith.constant 12 : i32
      %add3A_3393 = arith.addi %mul3A_3299, %add3A_3392 : i32
      %get3A_3394 = arith.index_cast %add3A_3393 : i32 to index
      %get3A_3395 = arith.constant 0 : index
      %get3A_3396 = tpu.vector_load %arg8[%get3A_3394, %get3A_3395] {strides = array<i32>} : memref<3328x16xf32, #tpu.memory_space<vmem>>, vector<16xf32>,
      %add3A_3397 = arith.addf %add3A_3389, %get3A_3396 : vector<16xf32>
      %mul3A_3398 = arith.mulf %get3A_3396, %get3A_3396 : vector<16xf32>
      %add3A_3399 = arith.addf %add3A_3391, %mul3A_3398 : vector<16xf32>
      %add3A_3400 = arith.constant 13 : i32
      %add3A_3401 = arith.addi %mul3A_3299, %add3A_3400 : i32
      %get3A_3402 = arith.index_cast %add3A_3401 : i32 to index
      %get3A_3403 = arith.constant 0 : index
      %get3A_3404 = tpu.vector_load %arg8[%get3A_3402, %get3A_3403] {strides = array<i32>} : memref<3328x16xf32, #tpu.memory_space<vmem>>, vector<16xf32>,
      %add3A_3405 = arith.addf %add3A_3397, %get3A_3404 : vector<16xf32>
      %mul3A_3406 = arith.mulf %get3A_3404, %get3A_3404 : vector<16xf32>
      %add3A_3407 = arith.addf %add3A_3399, %mul3A_3406 : vector<16xf32>
      %add3A_3408 = arith.constant 14 : i32
      %add3A_3409 = arith.addi %mul3A_3299, %add3A_3408 : i32
      %get3A_3410 = arith.index_cast %add3A_3409 : i32 to index
      %get3A_3411 = arith.constant 0 : index
      %get3A_3412 = tpu.vector_load %arg8[%get3A_3410, %get3A_3411] {strides = array<i32>} : memref<3328x16xf32, #tpu.memory_space<vmem>>, vector<16xf32>,
      %add3A_3413 = arith.addf %add3A_3405, %get3A_3412 : vector<16xf32>
      %mul3A_3414 = arith.mulf %get3A_3412, %get3A_3412 : vector<16xf32>
      %add3A_3415 = arith.addf %add3A_3407, %mul3A_3414 : vector<16xf32>
      %add3A_3416 = arith.constant 15 : i32
      %add3A_3417 = arith.addi %mul3A_3299, %add3A_3416 : i32
      %get3A_3418 = arith.index_cast %add3A_3417 : i32 to index
      %get3A_3419 = arith.constant 0 : index
      %get3A_3420 = tpu.vector_load %arg8[%get3A_3418, %get3A_3419] {strides = array<i32>} : memref<3328x16xf32, #tpu.memory_space<vmem>>, vector<16xf32>,
      %add3A_3421 = arith.addf %add3A_3413, %get3A_3420 : vector<16xf32>
      %mul3A_3422 = arith.mulf %get3A_3420, %get3A_3420 : vector<16xf32>
      %add3A_3423 = arith.addf %add3A_3415, %mul3A_3422 : vector<16xf32>
      %add3A_3424 = arith.constant 16 : i32
      %add3A_3425 = arith.addi %mul3A_3299, %add3A_3424 : i32
      %get3A_3426 = arith.index_cast %add3A_3425 : i32 to index
      %get3A_3427 = arith.constant 0 : index
      %get3A_3428 = tpu.vector_load %arg8[%get3A_3426, %get3A_3427] {strides = array<i32>} : memref<3328x16xf32, #tpu.memory_space<vmem>>, vector<16xf32>,
      %add3A_3429 = arith.addf %add3A_3421, %get3A_3428 : vector<16xf32>
      %mul3A_3430 = arith.mulf %get3A_3428, %get3A_3428 : vector<16xf32>
      %add3A_3431 = arith.addf %add3A_3423, %mul3A_3430 : vector<16xf32>
      %add3A_3432 = arith.constant 17 : i32
      %add3A_3433 = arith.addi %mul3A_3299, %add3A_3432 : i32
      %get3A_3434 = arith.index_cast %add3A_3433 : i32 to index
      %get3A_3435 = arith.constant 0 : index
      %get3A_3436 = tpu.vector_load %arg8[%get3A_3434, %get3A_3435] {strides = array<i32>} : memref<3328x16xf32, #tpu.memory_space<vmem>>, vector<16xf32>,
      %add3A_3437 = arith.addf %add3A_3429, %get3A_3436 : vector<16xf32>
      %mul3A_3438 = arith.mulf %get3A_3436, %get3A_3436 : vector<16xf32>
      %add3A_3439 = arith.addf %add3A_3431, %mul3A_3438 : vector<16xf32>
      %add3A_3440 = arith.constant 18 : i32
      %add3A_3441 = arith.addi %mul3A_3299, %add3A_3440 : i32
      %get3A_3442 = arith.index_cast %add3A_3441 : i32 to index
      %get3A_3443 = arith.constant 0 : index
      %get3A_3444 = tpu.vector_load %arg8[%get3A_3442, %get3A_3443] {strides = array<i32>} : memref<3328x16xf32, #tpu.memory_space<vmem>>, vector<16xf32>,
      %add3A_3445 = arith.addf %add3A_3437, %get3A_3444 : vector<16xf32>
      %mul3A_3446 = arith.mulf %get3A_3444, %get3A_3444 : vector<16xf32>
      %add3A_3447 = arith.addf %add3A_3439, %mul3A_3446 : vector<16xf32>
      %add3A_3448 = arith.constant 19 : i32
      %add3A_3449 = arith.addi %mul3A_3299, %add3A_3448 : i32
      %get3A_3450 = arith.index_cast %add3A_3449 : i32 to index
      %get3A_3451 = arith.constant 0 : index
      %get3A_3452 = tpu.vector_load %arg8[%get3A_3450, %get3A_3451] {strides = array<i32>} : memref<3328x16xf32, #tpu.memory_space<vmem>>, vector<16xf32>,
      %add3A_3453 = arith.addf %add3A_3445, %get3A_3452 : vector<16xf32>
      %mul3A_3454 = arith.mulf %get3A_3452, %get3A_3452 : vector<16xf32>
      %add3A_3455 = arith.addf %add3A_3447, %mul3A_3454 : vector<16xf32>
      %add3A_3456 = arith.constant 20 : i32
      %add3A_3457 = arith.addi %mul3A_3299, %add3A_3456 : i32
      %get3A_3458 = arith.index_cast %add3A_3457 : i32 to index
      %get3A_3459 = arith.constant 0 : index
      %get3A_3460 = tpu.vector_load %arg8[%get3A_3458, %get3A_3459] {strides = array<i32>} : memref<3328x16xf32, #tpu.memory_space<vmem>>, vector<16xf32>,
      %add3A_3461 = arith.addf %add3A_3453, %get3A_3460 : vector<16xf32>
      %mul3A_3462 = arith.mulf %get3A_3460, %get3A_3460 : vector<16xf32>
      %add3A_3463 = arith.addf %add3A_3455, %mul3A_3462 : vector<16xf32>
      %add3A_3464 = arith.constant 21 : i32
      %add3A_3465 = arith.addi %mul3A_3299, %add3A_3464 : i32
      %get3A_3466 = arith.index_cast %add3A_3465 : i32 to index
      %get3A_3467 = arith.constant 0 : index
      %get3A_3468 = tpu.vector_load %arg8[%get3A_3466, %get3A_3467] {strides = array<i32>} : memref<3328x16xf32, #tpu.memory_space<vmem>>, vector<16xf32>,
      %add3A_3469 = arith.addf %add3A_3461, %get3A_3468 : vector<16xf32>
      %mul3A_3470 = arith.mulf %get3A_3468, %get3A_3468 : vector<16xf32>
      %add3A_3471 = arith.addf %add3A_3463, %mul3A_3470 : vector<16xf32>
      %add3A_3472 = arith.constant 22 : i32
      %add3A_3473 = arith.addi %mul3A_3299, %add3A_3472 : i32
      %get3A_3474 = arith.index_cast %add3A_3473 : i32 to index
      %get3A_3475 = arith.constant 0 : index
      %get3A_3476 = tpu.vector_load %arg8[%get3A_3474, %get3A_3475] {strides = array<i32>} : memref<3328x16xf32, #tpu.memory_space<vmem>>, vector<16xf32>,
      %add3A_3477 = arith.addf %add3A_3469, %get3A_3476 : vector<16xf32>
      %mul3A_3478 = arith.mulf %get3A_3476, %get3A_3476 : vector<16xf32>
      %add3A_3479 = arith.addf %add3A_3471, %mul3A_3478 : vector<16xf32>
      %add3A_3480 = arith.constant 23 : i32
      %add3A_3481 = arith.addi %mul3A_3299, %add3A_3480 : i32
      %get3A_3482 = arith.index_cast %add3A_3481 : i32 to index
      %get3A_3483 = arith.constant 0 : index
      %get3A_3484 = tpu.vector_load %arg8[%get3A_3482, %get3A_3483] {strides = array<i32>} : memref<3328x16xf32, #tpu.memory_space<vmem>>, vector<16xf32>,
      %add3A_3485 = arith.addf %add3A_3477, %get3A_3484 : vector<16xf32>
      %mul3A_3486 = arith.mulf %get3A_3484, %get3A_3484 : vector<16xf32>
      %add3A_3487 = arith.addf %add3A_3479, %mul3A_3486 : vector<16xf32>
      %add3A_3488 = arith.constant 24 : i32
      %add3A_3489 = arith.addi %mul3A_3299, %add3A_3488 : i32
      %get3A_3490 = arith.index_cast %add3A_3489 : i32 to index
      %get3A_3491 = arith.constant 0 : index
      %get3A_3492 = tpu.vector_load %arg8[%get3A_3490, %get3A_3491] {strides = array<i32>} : memref<3328x16xf32, #tpu.memory_space<vmem>>, vector<16xf32>,
      %add3A_3493 = arith.addf %add3A_3485, %get3A_3492 : vector<16xf32>
      %mul3A_3494 = arith.mulf %get3A_3492, %get3A_3492 : vector<16xf32>
      %add3A_3495 = arith.addf %add3A_3487, %mul3A_3494 : vector<16xf32>
      %add3A_3496 = arith.constant 25 : i32
      %add3A_3497 = arith.addi %mul3A_3299, %add3A_3496 : i32
      %get3A_3498 = arith.index_cast %add3A_3497 : i32 to index
      %get3A_3499 = arith.constant 0 : index
      %get3A_3500 = tpu.vector_load %arg8[%get3A_3498, %get3A_3499] {strides = array<i32>} : memref<3328x16xf32, #tpu.memory_space<vmem>>, vector<16xf32>,
      %add3A_3501 = arith.addf %add3A_3493, %get3A_3500 : vector<16xf32>
      %mul3A_3502 = arith.mulf %get3A_3500, %get3A_3500 : vector<16xf32>
      %add3A_3503 = arith.addf %add3A_3495, %mul3A_3502 : vector<16xf32>
      %get3A_3504 = arith.index_cast %mul3A_3299 : i32 to index
      %get3A_3505 = tpu.vector_load %arg9[%get3A_3504] {strides = array<i32>} : memref<3328xf32, #tpu.memory_space<vmem>>, vector<16xf32>,
      %add3A_3506 = arith.constant 10 : i32
      %add3A_3507 = arith.addi %mul3A_3299, %add3A_3506 : i32
      %get3A_3508 = arith.index_cast %add3A_3507 : i32 to index
      %get3A_3509 = tpu.vector_load %arg9[%get3A_3508] {strides = array<i32>} : memref<3328xf32, #tpu.memory_space<vmem>>, vector<16xf32>,
      %mul3A_3510 = arith.mulf %add3A_3501, %add3A_3501 : vector<16xf32>
      %sub3A_3511 = arith.subf %mul3A_3510, %add3A_3503 : vector<16xf32>
      %mul3A_3512 = arith.constant 5.000000e-01 : f32
      %mul3A_3513 = vector.broadcast %mul3A_3512 : f32 to vector<16xf32>
      %mul3A_3514 = arith.mulf %mul3A_3513, %sub3A_3511 : vector<16xf32>
      %add3A_3515 = arith.addf %mul3A_3514, %get3A_3505 : vector<16xf32>
      %mul3A_3516 = arith.mulf %get3A_3509, %convert_element_type3A_35 : vector<16xf32>
      %add3A_3517 = arith.addf %add3A_3515, %mul3A_3516 : vector<16xf32>
      %reduce_sum3A_3518 = arith.constant true
      %reduce_sum3A_3519 = vector.broadcast %reduce_sum3A_3518 : i1 to vector<16xi1>
      %reduce_sum3A_3520 = tpu.scan <sum>, %add3A_3517 masked %reduce_sum3A_3519 : vector<16xf32>, vector<16xi1> -> vector<16xf32>
      %reduce_sum3A_3521 = vector.extract %reduce_sum3A_3520[15] : f32 from vector<16xf32>
      %eq3A_3522 = arith.constant 14 : i32
      %eq3A_3523 = vector.broadcast %eq3A_3522 : i32 to vector<16xi32>
      %eq3A_3524 = arith.cmpi eq, %iota3A, %eq3A_3523 : vector<16xi32>
      %broadcast_in_dim3A_3525 = vector.broadcast %reduce_sum3A_3521 : f32 to vector<16xf32>
      %select_n3A_3526 = arith.select %eq3A_3524, %broadcast_in_dim3A_3525, %select_n3A_3293 : vector<16xi1>, vector<16xf32>
      %mul3A_3527 = arith.constant 16 : i32
      %mul3A_3528 = arith.muli %add3A_32, %mul3A_3527 : i32
      %add3A_3529 = arith.constant 15 : i32
      %add3A_3530 = arith.addi %mul3A_3528, %add3A_3529 : i32
      %mul3A_3531 = arith.constant 26 : i32
      %mul3A_3532 = arith.muli %add3A_3530, %mul3A_3531 : i32
      %get3A_3533 = arith.index_cast %mul3A_3532 : i32 to index
      %get3A_3534 = arith.constant 0 : index
      %get3A_3535 = tpu.vector_load %arg8[%get3A_3533, %get3A_3534] {strides = array<i32>} : memref<3328x16xf32, #tpu.memory_space<vmem>>, vector<16xf32>,
      %mul3A_3536 = arith.mulf %get3A_3535, %get3A_3535 : vector<16xf32>
      %add3A_3537 = arith.constant 1 : i32
      %add3A_3538 = arith.addi %mul3A_3532, %add3A_3537 : i32
      %get3A_3539 = arith.index_cast %add3A_3538 : i32 to index
      %get3A_3540 = arith.constant 0 : index
      %get3A_3541 = tpu.vector_load %arg8[%get3A_3539, %get3A_3540] {strides = array<i32>} : memref<3328x16xf32, #tpu.memory_space<vmem>>, vector<16xf32>,
      %add3A_3542 = arith.addf %get3A_3535, %get3A_3541 : vector<16xf32>
      %mul3A_3543 = arith.mulf %get3A_3541, %get3A_3541 : vector<16xf32>
      %add3A_3544 = arith.addf %mul3A_3536, %mul3A_3543 : vector<16xf32>
      %add3A_3545 = arith.constant 2 : i32
      %add3A_3546 = arith.addi %mul3A_3532, %add3A_3545 : i32
      %get3A_3547 = arith.index_cast %add3A_3546 : i32 to index
      %get3A_3548 = arith.constant 0 : index
      %get3A_3549 = tpu.vector_load %arg8[%get3A_3547, %get3A_3548] {strides = array<i32>} : memref<3328x16xf32, #tpu.memory_space<vmem>>, vector<16xf32>,
      %add3A_3550 = arith.addf %add3A_3542, %get3A_3549 : vector<16xf32>
      %mul3A_3551 = arith.mulf %get3A_3549, %get3A_3549 : vector<16xf32>
      %add3A_3552 = arith.addf %add3A_3544, %mul3A_3551 : vector<16xf32>
      %add3A_3553 = arith.constant 3 : i32
      %add3A_3554 = arith.addi %mul3A_3532, %add3A_3553 : i32
      %get3A_3555 = arith.index_cast %add3A_3554 : i32 to index
      %get3A_3556 = arith.constant 0 : index
      %get3A_3557 = tpu.vector_load %arg8[%get3A_3555, %get3A_3556] {strides = array<i32>} : memref<3328x16xf32, #tpu.memory_space<vmem>>, vector<16xf32>,
      %add3A_3558 = arith.addf %add3A_3550, %get3A_3557 : vector<16xf32>
      %mul3A_3559 = arith.mulf %get3A_3557, %get3A_3557 : vector<16xf32>
      %add3A_3560 = arith.addf %add3A_3552, %mul3A_3559 : vector<16xf32>
      %add3A_3561 = arith.constant 4 : i32
      %add3A_3562 = arith.addi %mul3A_3532, %add3A_3561 : i32
      %get3A_3563 = arith.index_cast %add3A_3562 : i32 to index
      %get3A_3564 = arith.constant 0 : index
      %get3A_3565 = tpu.vector_load %arg8[%get3A_3563, %get3A_3564] {strides = array<i32>} : memref<3328x16xf32, #tpu.memory_space<vmem>>, vector<16xf32>,
      %add3A_3566 = arith.addf %add3A_3558, %get3A_3565 : vector<16xf32>
      %mul3A_3567 = arith.mulf %get3A_3565, %get3A_3565 : vector<16xf32>
      %add3A_3568 = arith.addf %add3A_3560, %mul3A_3567 : vector<16xf32>
      %add3A_3569 = arith.constant 5 : i32
      %add3A_3570 = arith.addi %mul3A_3532, %add3A_3569 : i32
      %get3A_3571 = arith.index_cast %add3A_3570 : i32 to index
      %get3A_3572 = arith.constant 0 : index
      %get3A_3573 = tpu.vector_load %arg8[%get3A_3571, %get3A_3572] {strides = array<i32>} : memref<3328x16xf32, #tpu.memory_space<vmem>>, vector<16xf32>,
      %add3A_3574 = arith.addf %add3A_3566, %get3A_3573 : vector<16xf32>
      %mul3A_3575 = arith.mulf %get3A_3573, %get3A_3573 : vector<16xf32>
      %add3A_3576 = arith.addf %add3A_3568, %mul3A_3575 : vector<16xf32>
      %add3A_3577 = arith.constant 6 : i32
      %add3A_3578 = arith.addi %mul3A_3532, %add3A_3577 : i32
      %get3A_3579 = arith.index_cast %add3A_3578 : i32 to index
      %get3A_3580 = arith.constant 0 : index
      %get3A_3581 = tpu.vector_load %arg8[%get3A_3579, %get3A_3580] {strides = array<i32>} : memref<3328x16xf32, #tpu.memory_space<vmem>>, vector<16xf32>,
      %add3A_3582 = arith.addf %add3A_3574, %get3A_3581 : vector<16xf32>
      %mul3A_3583 = arith.mulf %get3A_3581, %get3A_3581 : vector<16xf32>
      %add3A_3584 = arith.addf %add3A_3576, %mul3A_3583 : vector<16xf32>
      %add3A_3585 = arith.constant 7 : i32
      %add3A_3586 = arith.addi %mul3A_3532, %add3A_3585 : i32
      %get3A_3587 = arith.index_cast %add3A_3586 : i32 to index
      %get3A_3588 = arith.constant 0 : index
      %get3A_3589 = tpu.vector_load %arg8[%get3A_3587, %get3A_3588] {strides = array<i32>} : memref<3328x16xf32, #tpu.memory_space<vmem>>, vector<16xf32>,
      %add3A_3590 = arith.addf %add3A_3582, %get3A_3589 : vector<16xf32>
      %mul3A_3591 = arith.mulf %get3A_3589, %get3A_3589 : vector<16xf32>
      %add3A_3592 = arith.addf %add3A_3584, %mul3A_3591 : vector<16xf32>
      %add3A_3593 = arith.constant 8 : i32
      %add3A_3594 = arith.addi %mul3A_3532, %add3A_3593 : i32
      %get3A_3595 = arith.index_cast %add3A_3594 : i32 to index
      %get3A_3596 = arith.constant 0 : index
      %get3A_3597 = tpu.vector_load %arg8[%get3A_3595, %get3A_3596] {strides = array<i32>} : memref<3328x16xf32, #tpu.memory_space<vmem>>, vector<16xf32>,
      %add3A_3598 = arith.addf %add3A_3590, %get3A_3597 : vector<16xf32>
      %mul3A_3599 = arith.mulf %get3A_3597, %get3A_3597 : vector<16xf32>
      %add3A_3600 = arith.addf %add3A_3592, %mul3A_3599 : vector<16xf32>
      %add3A_3601 = arith.constant 9 : i32
      %add3A_3602 = arith.addi %mul3A_3532, %add3A_3601 : i32
      %get3A_3603 = arith.index_cast %add3A_3602 : i32 to index
      %get3A_3604 = arith.constant 0 : index
      %get3A_3605 = tpu.vector_load %arg8[%get3A_3603, %get3A_3604] {strides = array<i32>} : memref<3328x16xf32, #tpu.memory_space<vmem>>, vector<16xf32>,
      %add3A_3606 = arith.addf %add3A_3598, %get3A_3605 : vector<16xf32>
      %mul3A_3607 = arith.mulf %get3A_3605, %get3A_3605 : vector<16xf32>
      %add3A_3608 = arith.addf %add3A_3600, %mul3A_3607 : vector<16xf32>
      %add3A_3609 = arith.constant 10 : i32
      %add3A_3610 = arith.addi %mul3A_3532, %add3A_3609 : i32
      %get3A_3611 = arith.index_cast %add3A_3610 : i32 to index
      %get3A_3612 = arith.constant 0 : index
      %get3A_3613 = tpu.vector_load %arg8[%get3A_3611, %get3A_3612] {strides = array<i32>} : memref<3328x16xf32, #tpu.memory_space<vmem>>, vector<16xf32>,
      %add3A_3614 = arith.addf %add3A_3606, %get3A_3613 : vector<16xf32>
      %mul3A_3615 = arith.mulf %get3A_3613, %get3A_3613 : vector<16xf32>
      %add3A_3616 = arith.addf %add3A_3608, %mul3A_3615 : vector<16xf32>
      %add3A_3617 = arith.constant 11 : i32
      %add3A_3618 = arith.addi %mul3A_3532, %add3A_3617 : i32
      %get3A_3619 = arith.index_cast %add3A_3618 : i32 to index
      %get3A_3620 = arith.constant 0 : index
      %get3A_3621 = tpu.vector_load %arg8[%get3A_3619, %get3A_3620] {strides = array<i32>} : memref<3328x16xf32, #tpu.memory_space<vmem>>, vector<16xf32>,
      %add3A_3622 = arith.addf %add3A_3614, %get3A_3621 : vector<16xf32>
      %mul3A_3623 = arith.mulf %get3A_3621, %get3A_3621 : vector<16xf32>
      %add3A_3624 = arith.addf %add3A_3616, %mul3A_3623 : vector<16xf32>
      %add3A_3625 = arith.constant 12 : i32
      %add3A_3626 = arith.addi %mul3A_3532, %add3A_3625 : i32
      %get3A_3627 = arith.index_cast %add3A_3626 : i32 to index
      %get3A_3628 = arith.constant 0 : index
      %get3A_3629 = tpu.vector_load %arg8[%get3A_3627, %get3A_3628] {strides = array<i32>} : memref<3328x16xf32, #tpu.memory_space<vmem>>, vector<16xf32>,
      %add3A_3630 = arith.addf %add3A_3622, %get3A_3629 : vector<16xf32>
      %mul3A_3631 = arith.mulf %get3A_3629, %get3A_3629 : vector<16xf32>
      %add3A_3632 = arith.addf %add3A_3624, %mul3A_3631 : vector<16xf32>
      %add3A_3633 = arith.constant 13 : i32
      %add3A_3634 = arith.addi %mul3A_3532, %add3A_3633 : i32
      %get3A_3635 = arith.index_cast %add3A_3634 : i32 to index
      %get3A_3636 = arith.constant 0 : index
      %get3A_3637 = tpu.vector_load %arg8[%get3A_3635, %get3A_3636] {strides = array<i32>} : memref<3328x16xf32, #tpu.memory_space<vmem>>, vector<16xf32>,
      %add3A_3638 = arith.addf %add3A_3630, %get3A_3637 : vector<16xf32>
      %mul3A_3639 = arith.mulf %get3A_3637, %get3A_3637 : vector<16xf32>
      %add3A_3640 = arith.addf %add3A_3632, %mul3A_3639 : vector<16xf32>
      %add3A_3641 = arith.constant 14 : i32
      %add3A_3642 = arith.addi %mul3A_3532, %add3A_3641 : i32
      %get3A_3643 = arith.index_cast %add3A_3642 : i32 to index
      %get3A_3644 = arith.constant 0 : index
      %get3A_3645 = tpu.vector_load %arg8[%get3A_3643, %get3A_3644] {strides = array<i32>} : memref<3328x16xf32, #tpu.memory_space<vmem>>, vector<16xf32>,
      %add3A_3646 = arith.addf %add3A_3638, %get3A_3645 : vector<16xf32>
      %mul3A_3647 = arith.mulf %get3A_3645, %get3A_3645 : vector<16xf32>
      %add3A_3648 = arith.addf %add3A_3640, %mul3A_3647 : vector<16xf32>
      %add3A_3649 = arith.constant 15 : i32
      %add3A_3650 = arith.addi %mul3A_3532, %add3A_3649 : i32
      %get3A_3651 = arith.index_cast %add3A_3650 : i32 to index
      %get3A_3652 = arith.constant 0 : index
      %get3A_3653 = tpu.vector_load %arg8[%get3A_3651, %get3A_3652] {strides = array<i32>} : memref<3328x16xf32, #tpu.memory_space<vmem>>, vector<16xf32>,
      %add3A_3654 = arith.addf %add3A_3646, %get3A_3653 : vector<16xf32>
      %mul3A_3655 = arith.mulf %get3A_3653, %get3A_3653 : vector<16xf32>
      %add3A_3656 = arith.addf %add3A_3648, %mul3A_3655 : vector<16xf32>
      %add3A_3657 = arith.constant 16 : i32
      %add3A_3658 = arith.addi %mul3A_3532, %add3A_3657 : i32
      %get3A_3659 = arith.index_cast %add3A_3658 : i32 to index
      %get3A_3660 = arith.constant 0 : index
      %get3A_3661 = tpu.vector_load %arg8[%get3A_3659, %get3A_3660] {strides = array<i32>} : memref<3328x16xf32, #tpu.memory_space<vmem>>, vector<16xf32>,
      %add3A_3662 = arith.addf %add3A_3654, %get3A_3661 : vector<16xf32>
      %mul3A_3663 = arith.mulf %get3A_3661, %get3A_3661 : vector<16xf32>
      %add3A_3664 = arith.addf %add3A_3656, %mul3A_3663 : vector<16xf32>
      %add3A_3665 = arith.constant 17 : i32
      %add3A_3666 = arith.addi %mul3A_3532, %add3A_3665 : i32
      %get3A_3667 = arith.index_cast %add3A_3666 : i32 to index
      %get3A_3668 = arith.constant 0 : index
      %get3A_3669 = tpu.vector_load %arg8[%get3A_3667, %get3A_3668] {strides = array<i32>} : memref<3328x16xf32, #tpu.memory_space<vmem>>, vector<16xf32>,
      %add3A_3670 = arith.addf %add3A_3662, %get3A_3669 : vector<16xf32>
      %mul3A_3671 = arith.mulf %get3A_3669, %get3A_3669 : vector<16xf32>
      %add3A_3672 = arith.addf %add3A_3664, %mul3A_3671 : vector<16xf32>
      %add3A_3673 = arith.constant 18 : i32
      %add3A_3674 = arith.addi %mul3A_3532, %add3A_3673 : i32
      %get3A_3675 = arith.index_cast %add3A_3674 : i32 to index
      %get3A_3676 = arith.constant 0 : index
      %get3A_3677 = tpu.vector_load %arg8[%get3A_3675, %get3A_3676] {strides = array<i32>} : memref<3328x16xf32, #tpu.memory_space<vmem>>, vector<16xf32>,
      %add3A_3678 = arith.addf %add3A_3670, %get3A_3677 : vector<16xf32>
      %mul3A_3679 = arith.mulf %get3A_3677, %get3A_3677 : vector<16xf32>
      %add3A_3680 = arith.addf %add3A_3672, %mul3A_3679 : vector<16xf32>
      %add3A_3681 = arith.constant 19 : i32
      %add3A_3682 = arith.addi %mul3A_3532, %add3A_3681 : i32
      %get3A_3683 = arith.index_cast %add3A_3682 : i32 to index
      %get3A_3684 = arith.constant 0 : index
      %get3A_3685 = tpu.vector_load %arg8[%get3A_3683, %get3A_3684] {strides = array<i32>} : memref<3328x16xf32, #tpu.memory_space<vmem>>, vector<16xf32>,
      %add3A_3686 = arith.addf %add3A_3678, %get3A_3685 : vector<16xf32>
      %mul3A_3687 = arith.mulf %get3A_3685, %get3A_3685 : vector<16xf32>
      %add3A_3688 = arith.addf %add3A_3680, %mul3A_3687 : vector<16xf32>
      %add3A_3689 = arith.constant 20 : i32
      %add3A_3690 = arith.addi %mul3A_3532, %add3A_3689 : i32
      %get3A_3691 = arith.index_cast %add3A_3690 : i32 to index
      %get3A_3692 = arith.constant 0 : index
      %get3A_3693 = tpu.vector_load %arg8[%get3A_3691, %get3A_3692] {strides = array<i32>} : memref<3328x16xf32, #tpu.memory_space<vmem>>, vector<16xf32>,
      %add3A_3694 = arith.addf %add3A_3686, %get3A_3693 : vector<16xf32>
      %mul3A_3695 = arith.mulf %get3A_3693, %get3A_3693 : vector<16xf32>
      %add3A_3696 = arith.addf %add3A_3688, %mul3A_3695 : vector<16xf32>
      %add3A_3697 = arith.constant 21 : i32
      %add3A_3698 = arith.addi %mul3A_3532, %add3A_3697 : i32
      %get3A_3699 = arith.index_cast %add3A_3698 : i32 to index
      %get3A_3700 = arith.constant 0 : index
      %get3A_3701 = tpu.vector_load %arg8[%get3A_3699, %get3A_3700] {strides = array<i32>} : memref<3328x16xf32, #tpu.memory_space<vmem>>, vector<16xf32>,
      %add3A_3702 = arith.addf %add3A_3694, %get3A_3701 : vector<16xf32>
      %mul3A_3703 = arith.mulf %get3A_3701, %get3A_3701 : vector<16xf32>
      %add3A_3704 = arith.addf %add3A_3696, %mul3A_3703 : vector<16xf32>
      %add3A_3705 = arith.constant 22 : i32
      %add3A_3706 = arith.addi %mul3A_3532, %add3A_3705 : i32
      %get3A_3707 = arith.index_cast %add3A_3706 : i32 to index
      %get3A_3708 = arith.constant 0 : index
      %get3A_3709 = tpu.vector_load %arg8[%get3A_3707, %get3A_3708] {strides = array<i32>} : memref<3328x16xf32, #tpu.memory_space<vmem>>, vector<16xf32>,
      %add3A_3710 = arith.addf %add3A_3702, %get3A_3709 : vector<16xf32>
      %mul3A_3711 = arith.mulf %get3A_3709, %get3A_3709 : vector<16xf32>
      %add3A_3712 = arith.addf %add3A_3704, %mul3A_3711 : vector<16xf32>
      %add3A_3713 = arith.constant 23 : i32
      %add3A_3714 = arith.addi %mul3A_3532, %add3A_3713 : i32
      %get3A_3715 = arith.index_cast %add3A_3714 : i32 to index
      %get3A_3716 = arith.constant 0 : index
      %get3A_3717 = tpu.vector_load %arg8[%get3A_3715, %get3A_3716] {strides = array<i32>} : memref<3328x16xf32, #tpu.memory_space<vmem>>, vector<16xf32>,
      %add3A_3718 = arith.addf %add3A_3710, %get3A_3717 : vector<16xf32>
      %mul3A_3719 = arith.mulf %get3A_3717, %get3A_3717 : vector<16xf32>
      %add3A_3720 = arith.addf %add3A_3712, %mul3A_3719 : vector<16xf32>
      %add3A_3721 = arith.constant 24 : i32
      %add3A_3722 = arith.addi %mul3A_3532, %add3A_3721 : i32
      %get3A_3723 = arith.index_cast %add3A_3722 : i32 to index
      %get3A_3724 = arith.constant 0 : index
      %get3A_3725 = tpu.vector_load %arg8[%get3A_3723, %get3A_3724] {strides = array<i32>} : memref<3328x16xf32, #tpu.memory_space<vmem>>, vector<16xf32>,
      %add3A_3726 = arith.addf %add3A_3718, %get3A_3725 : vector<16xf32>
      %mul3A_3727 = arith.mulf %get3A_3725, %get3A_3725 : vector<16xf32>
      %add3A_3728 = arith.addf %add3A_3720, %mul3A_3727 : vector<16xf32>
      %add3A_3729 = arith.constant 25 : i32
      %add3A_3730 = arith.addi %mul3A_3532, %add3A_3729 : i32
      %get3A_3731 = arith.index_cast %add3A_3730 : i32 to index
      %get3A_3732 = arith.constant 0 : index
      %get3A_3733 = tpu.vector_load %arg8[%get3A_3731, %get3A_3732] {strides = array<i32>} : memref<3328x16xf32, #tpu.memory_space<vmem>>, vector<16xf32>,
      %add3A_3734 = arith.addf %add3A_3726, %get3A_3733 : vector<16xf32>
      %mul3A_3735 = arith.mulf %get3A_3733, %get3A_3733 : vector<16xf32>
      %add3A_3736 = arith.addf %add3A_3728, %mul3A_3735 : vector<16xf32>
      %get3A_3737 = arith.index_cast %mul3A_3532 : i32 to index
      %get3A_3738 = tpu.vector_load %arg9[%get3A_3737] {strides = array<i32>} : memref<3328xf32, #tpu.memory_space<vmem>>, vector<16xf32>,
      %add3A_3739 = arith.constant 10 : i32
      %add3A_3740 = arith.addi %mul3A_3532, %add3A_3739 : i32
      %get3A_3741 = arith.index_cast %add3A_3740 : i32 to index
      %get3A_3742 = tpu.vector_load %arg9[%get3A_3741] {strides = array<i32>} : memref<3328xf32, #tpu.memory_space<vmem>>, vector<16xf32>,
      %mul3A_3743 = arith.mulf %add3A_3734, %add3A_3734 : vector<16xf32>
      %sub3A_3744 = arith.subf %mul3A_3743, %add3A_3736 : vector<16xf32>
      %mul3A_3745 = arith.constant 5.000000e-01 : f32
      %mul3A_3746 = vector.broadcast %mul3A_3745 : f32 to vector<16xf32>
      %mul3A_3747 = arith.mulf %mul3A_3746, %sub3A_3744 : vector<16xf32>
      %add3A_3748 = arith.addf %mul3A_3747, %get3A_3738 : vector<16xf32>
      %mul3A_3749 = arith.mulf %get3A_3742, %convert_element_type3A_35 : vector<16xf32>
      %add3A_3750 = arith.addf %add3A_3748, %mul3A_3749 : vector<16xf32>
      %reduce_sum3A_3751 = arith.constant true
      %reduce_sum3A_3752 = vector.broadcast %reduce_sum3A_3751 : i1 to vector<16xi1>
      %reduce_sum3A_3753 = tpu.scan <sum>, %add3A_3750 masked %reduce_sum3A_3752 : vector<16xf32>, vector<16xi1> -> vector<16xf32>
      %reduce_sum3A_3754 = vector.extract %reduce_sum3A_3753[15] : f32 from vector<16xf32>
      %eq3A_3755 = arith.constant 15 : i32
      %eq3A_3756 = vector.broadcast %eq3A_3755 : i32 to vector<16xi32>
      %eq3A_3757 = arith.cmpi eq, %iota3A, %eq3A_3756 : vector<16xi32>
      %broadcast_in_dim3A_3758 = vector.broadcast %reduce_sum3A_3754 : f32 to vector<16xf32>
      %select_n3A_3759 = arith.select %eq3A_3757, %broadcast_in_dim3A_3758, %select_n3A_3526 : vector<16xi1>, vector<16xf32>
      %mul3A_3760 = arith.constant 16 : i32
      %mul3A_3761 = arith.muli %add3A_32, %mul3A_3760 : i32
      %swap3A = arith.index_cast %mul3A_3761 : i32 to index
      %swap3A_3762 = tpu.vector_load %arg10[%swap3A] {strides = array<i32>} : memref<128xf32, #tpu.memory_space<vmem>>, vector<16xf32>,
      tpu.vector_store %arg10[%swap3A], %select_n3A_3759 {strides = array<i32>} : memref<128xf32, #tpu.memory_space<vmem>>, vector<16xf32>,
    }
    %scan3A_25 = arith.constant 8 : i32
    %mul3A_26 = arith.constant 128 : i32
    %mul3A_27 = arith.muli %add3A, %mul3A_26 : i32
    "tpu.region"() ({
      %run_scoped3A = tpu.sem_alloc : memref<!tpu.dma_semaphore, #tpu.memory_space<semaphore_mem>>
      %dma_start3A = tpu.memref_slice %arg5[%mul3A_27] : memref<4096xf32, #tpu.memory_space<hbm>> -> memref<128xf32, #tpu.memory_space<hbm>>
      %dma_start3A_28 = tpu.memref_slice %arg5[%mul3A_27] : memref<4096xf32, #tpu.memory_space<hbm>> -> memref<128xf32, #tpu.memory_space<hbm>>
      tpu.enqueue_dma source(%arg10 : memref<128xf32, #tpu.memory_space<vmem>>) target(%dma_start3A_28 : memref<128xf32, #tpu.memory_space<hbm>>) target_semaphore(%run_scoped3A : memref<!tpu.dma_semaphore, #tpu.memory_space<semaphore_mem>>)
      %dma_wait3A_29 = tpu.memref_slice %arg5[%mul3A_27] : memref<4096xf32, #tpu.memory_space<hbm>> -> memref<128xf32, #tpu.memory_space<hbm>>
      %dma_wait3A_30 = tpu.memref_slice %arg5[%mul3A_27] : memref<4096xf32, #tpu.memory_space<hbm>> -> memref<128xf32, #tpu.memory_space<hbm>>
      tpu.wait_dma2 semaphore(%run_scoped3A : memref<!tpu.dma_semaphore, #tpu.memory_space<semaphore_mem>>) src(%arg10 : memref<128xf32, #tpu.memory_space<vmem>>) dst(%dma_wait3A_30 : memref<128xf32, #tpu.memory_space<hbm>>)
      tpu.yield
    }) : () -> ()
    return
  }
}

</mosaic_0001>

<sc_bundles>
// kernel: kernel.3.cloned.1.call-start
scs
__scs_entry_jumppad:
0x0: {  	(pc) =	sbr.rel $0x88, $3  }
0x1: {  	(tag) =	ssettag $0x0;
	lr =	simm.s32 $0x1  }
0x2: {  	[smem:$0x3F9D] =	sst lr;
	_ =	strace $0xD0000000  }
0x3: {  	_ = 	snop  }
0x4: {  	_ = 	snop  }
0x5: {  	_ = 	snop  }
0x6: {  	_ = 	snop  }
0x7: {  	_ = 	snop  }
__scs_overlays_trampoline_lowered:
0x8: {  	[smem:$0x3FAC] =	sst s0  }
0x9: {  	[smem:$0x3FAD] =	sst s1  }
0xa: {  	[smem:$0x3FAE] =	sst s2  }
0xb: {  	[smem:$0x3FAF] =	sst s3  }
0xc: {  	[smem:$0x3FB0] =	sst s4  }
0xd: {  	[smem:$0x3FB1] =	sst s5  }
0xe: {  	[smem:$0x3FB2] =	sst s6  }
0xf: {  	[smem:$0x3FB3] =	sst s7  }
0x10: {  	[smem:$0x3FB4] =	sst s8  }
0x11: {  	[smem:$0x3FB5] =	sst s9;
	s0 =	simm.s32 @!p0 $0x0  }
0x12: {  	s1 =	sld [smem:$0x3F9B];
	s0 =	simm.s32 @p0 $0x1  }
0x13: {  	[smem:$0x3FB6] =	sst s0;
	s0 =	simm.s32 @!p1 $0x0  }
0x14: {  	s2 =	sld [smem:$0x3F9A];
	s0 =	simm.s32 @p1 $0x1  }
0x15: {  	[smem:$0x3FB7] =	sst s0;
	s0 =	simm.s32 @!p2 $0x0  }
0x16: {  	s3 =	sld [smem:$0x3FDB];
	s0 =	simm.s32 @p2 $0x1  }
0x17: {  	s4 =	simm.s32 $0x1BF5;
	[smem:$0x3FB9] =	sst s0  }
0x18: {  	s0 =	sld [smem:$0x3F9C];
	_ =	swait.ge [sflag:s4], $0x0  }
0x19: {  	s7 =	sld [smem:$0x3F9D]  }
0x1a: {  	s8 =	sadd.s32 $0xFFFFE003, lr  }
0x1b: {  	s9 =	sadd.s32 $0xFFFFFEF7, lr;
	s5 =	simm.s32 $0xFFFFFFFF;
	p2 =	slt.u32 s8, $0xFFFFF086  }
0x1c: {  	p1 =	slt.u32 s9, $0xF7A;
	s5 =	simm.s32 @!p2 $0x0  }
0x1d: {  	s5 =	simm.s32 @p1 $0x1;
	p0 =	seq.s32 s7, s2  }
0x1e: {  	s7 =	smul.u32 @!p0 $0xF7A, s2;
	p2 =	seq.s32 @!p0 s5, $0x0  }
0x1f: {  	s9 =	smul.u32 $0xF7A, s1;
	s8 =	simm.s32 @!p0 $0x1BF5;
	p2 =	por !p2, p0  }
0x20: {  	[sflag:s8] =	ssyncset.s32 @!p0 $0xFFFFF086;
	s6 =	sadd.s32 @!p0 s3, s7;
	s7 =	simm.s32 @!p0 $0x108  }
0x21: {  	s3 =	sadd.s32 s3, s9;
	s6 =	sadd.s32 @!p0 $0x88, s6;
	s7 =	simm.s32 @p2 $0x1082  }
0x22: {  	[simem:s7], [sflag:s8] =	dma.local @!p0 [hbm:s6], $0xF7A  }
0x23: {  	s9 =	sor.u32 $0xD0000000, s2;
	s6 =	simm.s32 $0x108;
	_ =	swait.ge @!p0 [sflag:s8], $0x0  }
0x24: {  	s3 =	sadd.s32 $0x88, s3;
	s6 =	simm.s32 @!p1 $0x1082;
	[sflag:s4] =	ssyncset.s32 $0xFFFFF086  }
0x25: {  	[simem:s6], [sflag:s4] =	dma.local [hbm:s3], $0xF7A  }
0x26: {  	[smem:$0x3F9D] =	sst s1;
	(tag) =	ssettag s2;
	_ =	strace s9  }
0x27: {  	s1 =	sld [smem:$0x3FAD]  }
0x28: {  	s2 =	sld [smem:$0x3FAE]  }
0x29: {  	s4 =	sld [smem:$0x3FB0]  }
0x2a: {  	p0 =	seq.s32 s5, $0x0;
	s5 =	sld [smem:$0x3FB1]  }
0x2b: {  	s6 =	sld [smem:$0x3FB2]  }
0x2c: {  	s7 =	sld [smem:$0x3FB3]  }
0x2d: {  	s3 =	simm.s32 $0x108;
	s8 =	sld [smem:$0x3FB4]  }
0x2e: {  	s3 =	simm.s32 @!p0 $0x1082;
	s9 =	sld [smem:$0x3FB5]  }
0x2f: {  	lr =	sadd.s32 s0, s3;
	s0 =	sld [smem:$0x3FAC]  }
0x30: {  	s3 =	sld [smem:$0x3FAF]  }
0x31: {  	[smem:$0x3FB8] =	sst s10  }
0x32: {  	s10 =	sld [smem:$0x3FB6];
	_ =	sdelay $0x3  }
0x33: {  	p0 =	seq.s32 s10, $0x1;
	s10 =	sld [smem:$0x3FB8];
	_ =	sdelay $0x3  }
0x34: {  	[smem:$0x3FB8] =	sst s10  }
0x35: {  	s10 =	sld [smem:$0x3FB7];
	_ =	sdelay $0x3  }
0x36: {  	p1 =	seq.s32 s10, $0x1;
	s10 =	sld [smem:$0x3FB8];
	_ =	sdelay $0x3  }
0x37: {  	[smem:$0x3FB8] =	sst s10  }
0x38: {  	s10 =	sld [smem:$0x3FB9]  }
0x39: {  	_ = 	snop;
	(pc) =	sbr.ind lr, $3  }
0x3a: {  	_ = 	snop  }
0x3b: {  	_ = 	snop  }
0x3c: {  	p2 =	seq.s32 s10, $0x1;
	s10 =	sld [smem:$0x3FB8]  }
0x3d: {  	_ =	shalt  }
0x3e: {  	_ =	shalt  }
0x3f: {  	_ =	shalt  }
0x40: {  	_ =	shalt  }
0x41: {  	_ =	shalt  }
0x42: {  	_ =	shalt  }
0x43: {  	_ =	shalt  }
0x44: {  	_ =	shalt  }
0x45: {  	_ =	shalt  }
0x46: {  	_ =	shalt  }
0x47: {  	_ =	shalt  }
0x48: {  	_ =	shalt  }
0x49: {  	_ =	shalt  }
0x4a: {  	_ =	shalt  }
0x4b: {  	_ =	shalt  }
0x4c: {  	_ =	shalt  }
0x4d: {  	_ =	shalt  }
0x4e: {  	_ =	shalt  }
0x4f: {  	_ =	shalt  }
0x50: {  	_ =	shalt  }
0x51: {  	_ =	shalt  }
0x52: {  	_ =	shalt  }
0x53: {  	_ =	shalt  }
0x54: {  	_ =	shalt  }
0x55: {  	_ =	shalt  }
0x56: {  	_ =	shalt  }
0x57: {  	_ =	shalt  }
0x58: {  	_ =	shalt  }
0x59: {  	_ =	shalt  }
0x5a: {  	_ =	shalt  }
0x5b: {  	_ =	shalt  }
0x5c: {  	_ =	shalt  }
0x5d: {  	_ =	shalt  }
0x5e: {  	_ =	shalt  }
0x5f: {  	_ =	shalt  }
0x60: {  	_ =	shalt  }
0x61: {  	_ =	shalt  }
0x62: {  	_ =	shalt  }
0x63: {  	_ =	shalt  }
0x64: {  	_ =	shalt  }
0x65: {  	_ =	shalt  }
0x66: {  	_ =	shalt  }
0x67: {  	_ =	shalt  }
0x68: {  	_ =	shalt  }
0x69: {  	_ =	shalt  }
0x6a: {  	_ =	shalt  }
0x6b: {  	_ =	shalt  }
0x6c: {  	_ =	shalt  }
0x6d: {  	_ =	shalt  }
0x6e: {  	_ =	shalt  }
0x6f: {  	_ =	shalt  }
0x70: {  	_ =	shalt  }
0x71: {  	_ =	shalt  }
0x72: {  	_ =	shalt  }
0x73: {  	_ =	shalt  }
0x74: {  	_ =	shalt  }
0x75: {  	_ =	shalt  }
0x76: {  	_ =	shalt  }
0x77: {  	_ =	shalt  }
0x78: {  	_ =	shalt  }
0x79: {  	_ =	shalt  }
0x7a: {  	_ =	shalt  }
0x7b: {  	_ =	shalt  }
0x7c: {  	_ =	shalt  }
0x7d: {  	_ =	shalt  }
0x7e: {  	_ =	shalt  }
0x7f: {  	_ =	shalt  }
0x80: {  	_ =	shalt  }
0x81: {  	_ =	shalt  }
0x82: {  	_ =	shalt  }
0x83: {  	_ =	shalt  }
0x84: {  	_ =	shalt  }
0x85: {  	_ =	shalt  }
0x86: {  	_ =	shalt  }
0x87: {  	_ =	shalt  }
.Lfunc_end0:
.L_simem_size_0:
called_computation_lowered:
.L_overlay_start_0:
0x88: {  	s2 =	sld [smem:$0x3FD9]  }
0x89: {  	s3 =	sld [smem:$0x3FFE];
	_ =	sdelay $0x1  }
0x8a: {  	s1 =	srdreg.scid  }
0x8b: {  	s0 =	sand.u32 $0x1, s1  }
0x8c: {  	s17 =	sshll.u32 s0, $0xA;
	s2 =	sadd.s32 s3, s2  }
0x8d: {  	s2 =	sadd.s32 s2, s17  }
0x8e: {  	[smem:$0x3FC4] =	sst s2  }
0x8f: {  	_ = 	snop  }
0x90: {  	s2 =	sld [smem:$0x3FD0];
	(tm) =	ssettm $0x1  }
0x91: {  	s18 =	sld [smem:$0x3FFB];
	_ =	sdelay $0x3  }
0x92: {  	_ =	strace s18  }
0x93: {  	s3 =	sld [smem:$0x3FFC];
	_ =	sdelay $0x3  }
0x94: {  	_ =	strace s3  }
0x95: {  	s3 =	sld [smem:$0x3FFD];
	_ =	sdelay $0x3  }
0x96: {  	_ =	strace s3  }
0x97: {  	_ =	strace $0x8FFFFFFF  }
0x98: {  	s19 =	sld [smem:$0x3FDB];
	_ =	sdelay $0x1  }
0x99: {  	s4 =	simm.s32 $_scs_section_size  }
0x9a: {  	s5 =	simm.s32 $_size__tile_overlayer_lowered;
	s6 =	simm.s32 $_tile_overlayer_lowered  }
0x9b: {  	s22 =	simm.s32 $0x1BFF;
	s21 =	sshll.u32 s6, $0x1;
	s3 =	sadd.s32 s4, s19  }
0x9c: {  	s7 =	simm.s32 $0x0;
	s20 =	sshll.u32 s5, $0x1;
	s5 =	sadd.s32 s21, s3  }
0x9d: {  	[timem:s7], [sflag:s22] =	dma.local [hbm:s5], s20  }
0x9e: {  	_ =	swait.ge [sflag:s22], s20  }
0x9f: {  	s4 =	ssub.s32 $0x0, s20;
	[sflag:s22] =	ssyncset.done $0x0  }
0xa0: {  	[sflag:s22] =	ssyncadd.s32 s4;
	_ =	sdelay $0x1  }
0xa1: {  	s23 =	simm.s32 $0x1B8B  }
0xa2: {  	_ =	swait.ge [sflag:s23], $0x1  }
0xa3: {  	[sflag:s23] =	ssyncset.done $0x0  }
0xa4: {  	s25 =	simm.s32 $0x1B8E;
	s24 =	sld [smem:$0x3FFE];
	[sflag:s23] =	ssyncadd.s32 $0xFFFFFFFF  }
0xa5: {  	s26 =	simm.s32 $execute0_lowered;
	[smem:$0x3FD2] =	sst s25  }
0xa6: {  	s5 =	sshll.u32 s26, $0x1;
	_ =	strace $0x80000046;
	[dreg:$0x1] =	wrdreg $0xFFFFFFFF  }
0xa7: {  	s28 =	simm.s32 $_size_execute0_lowered;
	s3 =	sadd.s32 s3, s5;
	[dreg:$0x0] =	wrdreg $0x0  }
0xa8: {  	s5 =	sshll.u32 s28, $0x1;
	[dreg:$0x2] =	wrdreg s3  }
0xa9: {  	[dreg:$0x3] =	wrdreg s5  }
0xaa: {  	[dreg:$0x4] =	wrdreg $0xC0  }
0xab: {  	_ =	task [dreg:s7], $0x5FFFF  }
0xac: {  	[dreg:$0x1] =	wrdreg $0xFFFFFFFF  }
0xad: {  	[dreg:$0x0] =	wrdreg $0x60  }
0xae: {  	[dreg:$0x2] =	wrdreg s24  }
0xaf: {  	[dreg:$0x3] =	wrdreg s2  }
0xb0: {  	[dreg:$0x4] =	wrdreg $0x9  }
0xb1: {  	_ =	task.clear_ibuf [dreg:s7], $0x5FFFF;
	_ =	strace $0x90000046  }
0xb2: {  	s29 =	simm.s32 $0x9;
	_ =	strace $0x80000048  }
0xb3: {  	_ =	swait.ge [sflag:s29], $0x1  }
0xb4: {  	[sflag:s29] =	ssyncadd.s32 $0xFFFFFFFF  }
0xb5: {  	_ =	strace $0x90000048  }
0xb6: {  	_ =	sfence  }
0xb7: {  	s30 =	sld [smem:$0x0];
	_ =	sdelay $0x2  }
0xb8: {  	s31 =	sshll.u32 s1, $0xD;
	s1 =	sshrl.u32 s1, $0x2  }
0xb9: {  	s3 =	sand.u32 $0x4000, s31;
	s1 =	sadd.s32 s1, s30  }
0xba: {  	s0 =	sor.u32 s3, s0;
	s1 =	sshll.u32 s1, $0x11  }
0xbb: {  	s0 =	sor.u32 s1, s0  }
0xbc: {  	s0 =	sadd.s32 $0x8F2B, s0  }
0xbd: {  	[sflag:s0] =	ssyncadd.remote.s32 $0x1  }
0xbe: {  	_ =	sfence.sel $0xFFFF  }
0xbf: {  	[dreg:$0x0] =	wrdreg $0xFFFFFFFF;
	(pc) =	sbr.abs _section_cstart, $3  }
0xc0: {  	[dreg:$0x1] =	wrdreg $0xFFFFFFFF  }
0xc1: {  	_ =	task.clear_ibuf [dreg:s7], $0x2FFFF;
	_ =	strace $0x9FFFFFFF  }
0xc2: {  	(tm) =	ssettm $0x7FFFFFFF  }
0xc3: {  	_ =	shalt  }
tec
execute0_lowered:
.L_overlay_start_1:
0x0: {  	(tag) =	ssettag $0x1  }
0x1: {  	s4 =	rddreg [dreg:$0x0]  }
0x2: {  	s6 =	rddreg [dreg:$0x1];
	s2 =	srdreg.scid  }
0x3: {  	s0 =	rddreg [dreg:$0x2];
	s1 =	stileid.u32  }
0x4: {  	v2 =	vimm.f32 $1.000000000e+00;
	s10 =	simm.s32 $0x1;
	s11 =	simm.s32 $0x2;
	s12 =	simm.s32 $0xFA00  }
0x5: {  	vm0 =	vcmask $0x1700;
	v0 =	vlaneseq.u32;
	v1 =	vimm.s32 $0x0;
	s13 =	simm.s32 $0x0;
	s3 =	sand.u32 $0x1, s2;
	s2 =	simm.s32 $0x0  }
0x6: {  	vm1 =	vmmov $0x3;
	vm2 =	vmmov $0x7;
	vm3 =	vmmov $0xf;
	s5 =	sshll.u32 s1, $0x8;
	s7 =	sshll.u32 s3, $0x7;
	[smem:$0x7FF] =	sst s2  }
0x7: {  	vm4 =	vmmov $0x1f;
	vm5 =	vmmov $0x3f;
	vm6 =	vmmov $0x7f;
	s8 =	ssub.s32 $0x2, s3;
	s3 =	sadd.s32 $0xF42800, s4;
	s5 =	sor.u32 s7, s5  }
0x8: {  	vm7 =	vmmov $0xff;
	vm8 =	vmmov $0x1ff;
	vm9 =	vmmov $0x3ff;
	_ =	strace $0x80000047;
	s9 =	sshrl.u32 s8, $0x1;
	s7 =	sshll.u32 s5, $0x2  }
0x9: {  	v3 =	vimm.s32 $0x0;
	v2 =	vsel vm0, $0x0, v2;
	vm0 =	vmmov $0x1;
	s8 =	ssub.s32 s8, s9;
	s31 =	sshrl.u32 s5, $0x3;
	s9 =	simm.s32 $0x80  }
0xa: {  	vm10 =	vmmov $0x7ff;
	vm11 =	vmmov $0xfff;
	v3 =	vsel vm0, $0xFFFFFFFF, v3;
	s7 =	sadd.s32 s7, s4;
	s4 =	sadd.s32 $0x4400, s4;
	s6 =	sadd.s32 s6, s31  }
0xb: {  	vm12 =	vmmov $0x1fff;
	vm13 =	vmmov $0x3fff;
	vm14 =	vmmov $0x7fff;
	[tilespmem:$0x1FFF0] =	vst v3;
	s5 =	sadd.s32 $0x400, s7;
	s7 =	smax.u32 s8, $0x1;
	s8 =	simm.s32 $0x3  }
.LBB2_1:
0xc: {  	v3 =	vor.u32 s2, v0  }
0xd: {  	v4 =	vmulhi.u32 $0x4EC4EC4F, v3;
	_ =	sdelay $0x1  }
0xe: {  	v4 =	vshrl.u32 v4, $0x3  }
0xf: {  	v5 =	vmul.u32 $0xFFFFFFE6, v4  }
0x10: {  	s14 =	simm.s32 $0x10;
	v6 =	vmov s2;
	v7 =	vsub.s32 $0x0, v3  }
0x11: {  	v8 =	vor.u32 s14, v0;
	vm15 =	veq.s32 v6, v0;
	vm0 =	vne.s32 v5, v7  }
0x12: {  	v5 =	vmulhi.u32 $0x4EC4EC4F, v8;
	vm0 =	vmand vm15, vm0  }
0x13: {  	v6 =	vsel vm0, $0xFFFFFFFF, v1  }
0x14: {  	v5 =	vshrl.u32 v5, $0x3;
	v4 =	vadd.s32 v6, v4  }
0x15: {  	v9 =	vmov s14;
	v7 =	vmul.u32 $0xFFFFFFE6, v5;
	v6 =	vmul.u32 $0xFFFFFFE6, v4  }
0x16: {  	s31 =	simm.s32 $0x20;
	v10 =	vsub.s32 $0x0, v8;
	vm0 =	veq.s32 v9, v0;
	v4 =	vshll.u32 v4, $0x5  }
0x17: {  	vm15 =	vne.s32 v7, v10;
	v3 =	vadd.s32 v3, v6;
	v6 =	vor.u32 s31, v0  }
0x18: {  	vm0 =	vmand vm0, vm15;
	v7 =	vand.u32 $0xFFFFFFF8, v3;
	v9 =	vmulhi.u32 $0x4EC4EC4F, v6  }
0x19: {  	v10 =	vsel vm0, $0xFFFFFFFF, v1;
	v3 =	vand.u32 $0x7, v3;
	v4 =	vadd.s32 v4, v7  }
0x1a: {  	s15 =	simm.s32 $0x30;
	v5 =	vadd.s32 v10, v5;
	v4 =	vor.u32 v3, v4;
	v7 =	vshrl.u32 v9, $0x3  }
0x1b: {  	[tilespmem:s2], [sflag:$0x3] =	stream.linear.gather [hbm4b:s5+s2], $0x1000, $0x38;
	v11 =	vmov s31;
	v9 =	vmul.u32 $0xFFFFFFE6, v5;
	v10 =	vmul.u32 $0xFFFFFFE6, v7;
	[tilespmem:$0xFA80] =	vst v63  }
0x1c: {  	_ =	swait.ge [sflag:s8], $0x1000;
	v12 =	vsub.s32 $0x0, v6;
	vm0 =	veq.s32 v11, v0;
	v3 =	vor.u32 s15, v0  }
0x1d: {  	[sflag:s8] =	ssyncset.done $0x0;
	v5 =	vshll.u32 v5, $0x5;
	v8 =	vadd.s32 v8, v9;
	vm15 =	vne.s32 v10, v12  }
0x1e: {  	[sflag:s8] =	ssyncadd.s32 $0xFFFFF000;
	v9 =	vand.u32 $0xFFFFFFF8, v8;
	v8 =	vand.u32 $0x7, v8;
	vm0 =	vmand vm0, vm15  }
0x1f: {  	v10 =	vld.idx.msk [tilespmem:v4+s2+$0x0], $0xffff;
	v4 =	vadd.s32 v5, v9;
	v5 =	vmulhi.u32 $0x4EC4EC4F, v3;
	v9 =	vsel vm0, $0xFFFFFFFF, v1  }
0x20: {  	v8 =	vor.u32 v8, v4;
	v7 =	vadd.s32 v9, v7  }
0x21: {  	v11 =	vmov s15;
	v5 =	vshrl.u32 v5, $0x3;
	v9 =	vmul.u32 $0xFFFFFFE6, v7  }
0x22: {  	s14 =	simm.s32 $0x40;
	vm0 =	veq.s32 v11, v0;
	v63 =	vmul.u32 $0xFFFFFFE6, v5  }
0x23: {  	s15 =	simm.s32 $0x1000;
	v11 =	vsub.s32 $0x0, v3;
	v4 =	vor.u32 s14, v0;
	v9 =	vadd.s32 v6, v9  }
0x24: {  	[tilespmem:s15+$0x0] =	vst v10;
	vm15 =	vne.s32 v63, v11;
	v10 =	vand.u32 $0xFFFFFFF8, v9;
	v11 =	vshll.u32 v7, $0x5  }
0x25: {  	s17 =	simm.s32 $0x50;
	v7 =	vand.u32 $0x7, v9;
	v6 =	vld.idx.msk [tilespmem:v8+s2+$0x0], $0xffff;
	vm15 =	vmand vm0, vm15;
	v8 =	vadd.s32 v11, v10  }
.LBB2_2:
0x26: {  	p0 =	sne.s32 s17, $0xCF0;
	v9 =	vmulhi.u32 $0x4EC4EC4F, v4;
	v10 =	vsel vm15, $0xFFFFFFFF, v1;
	v7 =	vor.u32 v7, v8  }
0x27: {  	v8 =	vadd.s32 v10, v5  }
.Ltmp0:
0x28: {  	v5 =	vshrl.u32 v9, $0x3;
	v9 =	vmul.u32 $0xFFFFFFE6, v8;
	(pc) =	sbr.rel @p0 .LBB2_2-.Ltmp0, $4  }
0x29: {  	v11 =	vmov s14;
	s15 =	sadd.s32 $0x10, s15;
	s14 =	smov.u32 s17;
	v10 =	vor.u32 s17, v0;
	v12 =	vmul.u32 $0xFFFFFFE6, v5  }
0x2a: {  	s16 =	simm.s32 $0x0;
	vm0 =	veq.s32 v11, v0;
	v11 =	vsub.s32 $0x0, v4;
	v9 =	vadd.s32 v3, v9;
	[tilespmem:s15+$0x0] =	vst v6;
	v3 =	vmovc v4  }
0x2b: {  	v8 =	vshll.u32 v8, $0x5;
	v4 =	vmovc v10;
	vm15 =	vne.s32 v12, v11;
	v11 =	vand.u32 $0xFFFFFFF8, v9;
	v6 =	vld.idx.msk [tilespmem:v7+s16+$0x0], $0xffff  }
0x2c: {  	s17 =	sadd.s32 $0x10, s17;
	v7 =	vand.u32 $0x7, v9;
	vm15 =	vmand vm0, vm15;
	v8 =	vadd.s32 v8, v11  }
0x2d: {  	v9 =	vmulhi.u32 $0x4EC4EC4F, v4  }
0x2e: {  	v10 =	vsel vm15, $0xFFFFFFFF, v1  }
0x2f: {  	v7 =	vor.u32 v7, v8;
	v5 =	vadd.s32 v10, v5;
	v57 =	vshrl.u32 v9, $0x3  }
0x30: {  	v58 =	vmul.u32 $0xFFFFFFE6, v5;
	v59 =	vmul.u32 $0xFFFFFFE6, v57  }
0x31: {  	v11 =	vmov s14;
	v12 =	vsub.s32 $0x0, v4  }
0x32: {  	s29 =	sadd.s32 $0x10, s15;
	vm0 =	veq.s32 v11, v0;
	v3 =	vadd.s32 v3, v58;
	vm15 =	vne.s32 v59, v12  }
0x33: {  	v5 =	vshll.u32 v5, $0x5;
	[tilespmem:s29+$0x0] =	vst v6;
	v60 =	vand.u32 $0xFFFFFFF8, v3;
	vm0 =	vmand vm0, vm15  }
0x34: {  	v7 =	vld.idx.msk [tilespmem:v7+s16+$0x0], $0xffff;
	v3 =	vand.u32 $0x7, v3;
	v5 =	vadd.s32 v5, v60;
	v61 =	vsel vm0, $0xFFFFFFFF, v1  }
0x35: {  	v3 =	vor.u32 v3, v5;
	v62 =	vadd.s32 v61, v57  }
0x36: {  	v6 =	vmul.u32 $0xFFFFFFE6, v62;
	_ =	sdelay $0x1  }
0x37: {  	s14 =	sadd.s32 $0x10, s29;
	v63 =	vadd.s32 v4, v6  }
0x38: {  	v5 =	vshll.u32 v62, $0x5;
	[tilespmem:s14+$0x0] =	vst v7;
	v6 =	vand.u32 $0xFFFFFFF8, v63  }
0x39: {  	v3 =	vld.idx.msk [tilespmem:v3+s16+$0x0], $0xffff;
	v4 =	vand.u32 $0x7, v63;
	v5 =	vadd.s32 v5, v6  }
0x3a: {  	v4 =	vor.u32 v4, v5;
	_ =	sdelay $0x2  }
0x3b: {  	s14 =	sadd.s32 $0x10, s14  }
0x3c: {  	[tilespmem:s14+$0x0] =	vst v3  }
0x3d: {  	v3 =	vld.idx.msk [tilespmem:v4+s16+$0x0], $0xffff;
	_ =	sdelay $0x2  }
0x3e: {  	p0 =	por $0x1, $0x1  }
.Ltmp1:
0x3f: {  	s14 =	sadd.s32 $0x10, s14;
	(pc) =	sbr.rel @!p0 .LBB2_5-.Ltmp1, $4  }
0x40: {  	s30 =	simm.s32 $0x1000;
	[tilespmem:s14+$0x0] =	vst v3;
	s14 =	simm.s32 $0x1D00  }
0x41: {  	[tilespmem:s14], [sflag:$0x1] =	stream.indirect.gather [hbm4b:s3+s9], $0x10, s30, s9, $0xb8;
	[tilespmem:$0xFA80] =	vst v63  }
0x42: {  	s31 =	simm.s32 $0xED00;
	s15 =	simm.s32 $0x200  }
0x43: {  	[tilespmem:s31], [sflag:$0x2] =	stream.indirect.gather [hbm4b:s4+s9], $0x1, s30, s9, $0xb8;
	[tilespmem:$0xFA80] =	vst v63  }
.LBB2_4:
0x44: {  	p0 =	sne.s32 s15, $0x3200  }
.Ltmp2:
0x45: {  	s16 =	sshra.s32 s15, $0x2;
	s15 =	sadd.s32 $0x200, s15;
	(pc) =	sbr.rel @p0 .LBB2_4-.Ltmp2, $4  }
0x46: {  	s14 =	sadd.s32 $0x800, s14;
	s17 =	sadd.s32 $0x1000, s16  }
0x47: {  	[tilespmem:s14], [sflag:$0x1] =	stream.indirect.gather [hbm4b:s3+s9], $0x10, s17, s9, $0xb8;
	[tilespmem:$0xFA80] =	vst v63  }
0x48: {  	s16 =	sadd.s32 $0xED00, s16  }
0x49: {  	[tilespmem:s16], [sflag:$0x2] =	stream.indirect.gather [hbm4b:s4+s9], $0x1, s17, s9, $0xb8;
	[tilespmem:$0xFA80] =	vst v63  }
.LBB2_5:
0x4a: {  	_ =	swait.ge [sflag:s10], $0xD000  }
0x4b: {  	[sflag:s10] =	ssyncset.done $0x0  }
0x4c: {  	[sflag:s10] =	ssyncadd.s32 $0xFFFF3000  }
0x4d: {  	_ =	swait.ge [sflag:s11], $0xD00  }
0x4e: {  	v3 =	vld [tilespmem:$0x1FFF0];
	_ =	sdelay $0x3  }
0x4f: {  	[sflag:s11] =	ssyncset.done $0x0  }
0x50: {  	s14 =	simm.s32 $0x0;
	[sflag:s11] =	ssyncadd.s32 $0xFFFFF300;
	vm0 =	vnez.u8 v3  }
.LBB2_6:
0x51: {  	s15 =	smul.u32 $0x6800, s14;
	_ =	sdelay $0x1  }
0x52: {  	s16 =	sshra.s32 s15, $0x2  }
0x53: {  	v3 =	vld [tilespmem:s16+$0x1D00]  }
0x54: {  	v4 =	vld [tilespmem:s16+$0x1D10]  }
0x55: {  	v5 =	vld [tilespmem:s16+$0x1D20]  }
0x56: {  	v6 =	vld [tilespmem:s16+$0x1D30]  }
0x57: {  	v8 =	vld [tilespmem:s16+$0x1D40]  }
0x58: {  	v37 =	vld [tilespmem:s16+$0x1D50]  }
0x59: {  	v39 =	vld [tilespmem:s16+$0x1D60]  }
0x5a: {  	v41 =	vld [tilespmem:s16+$0x1D70]  }
0x5b: {  	v43 =	vld [tilespmem:s16+$0x1D80]  }
0x5c: {  	v45 =	vld [tilespmem:s16+$0x1D90]  }
0x5d: {  	v49 =	vld [tilespmem:s16+$0x1DB0]  }
0x5e: {  	v51 =	vld [tilespmem:s16+$0x1DC0];
	v7 =	vmul.f32 v3, v3;
	v3 =	vadd.f32 v4, v3;
	v4 =	vmul.f32 v4, v4  }
0x5f: {  	v9 =	vld [tilespmem:s16+$0x1DD0]  }
0x60: {  	v53 =	vld [tilespmem:s16+$0x1DE0];
	v4 =	vadd.f32 v4, v7;
	v3 =	vadd.f32 v5, v3;
	v5 =	vmul.f32 v5, v5  }
0x61: {  	v10 =	vld [tilespmem:s16+$0x1DF0]  }
0x62: {  	v55 =	vld [tilespmem:s16+$0x1E00];
	v38 =	vmul.f32 v6, v6;
	v4 =	vadd.f32 v5, v4;
	v3 =	vadd.f32 v6, v3  }
0x63: {  	v11 =	vld [tilespmem:s16+$0x1E10]  }
0x64: {  	v57 =	vld [tilespmem:s16+$0x1E20];
	v40 =	vmul.f32 v8, v8;
	v4 =	vadd.f32 v38, v4;
	v3 =	vadd.f32 v8, v3  }
0x65: {  	v12 =	vld [tilespmem:s16+$0x1E30]  }
0x66: {  	s15 =	smul.u32 $0x1A0, s14;
	v59 =	vld [tilespmem:s16+$0x1E40];
	v42 =	vmul.f32 v37, v37;
	v4 =	vadd.f32 v40, v4;
	v3 =	vadd.f32 v37, v3  }
0x67: {  	v61 =	vld [tilespmem:s16+$0x1EB0]  }
0x68: {  	v14 =	vld [tilespmem:s16+$0x1E50];
	s17 =	sshll.u32 s15, $0x4;
	v44 =	vmul.f32 v39, v39;
	v4 =	vadd.f32 v42, v4;
	v3 =	vadd.f32 v39, v3  }
0x69: {  	v63 =	vld [tilespmem:s16+$0x1EC0];
	s18 =	sor.u32 $0xA0, s17  }
0x6a: {  	v15 =	vld [tilespmem:s16+$0x1E60];
	s18 =	sand.u32 $0x3FFFFEA0, s18;
	v46 =	vmul.f32 v41, v41;
	v4 =	vadd.f32 v44, v4;
	v3 =	vadd.f32 v41, v3  }
0x6b: {  	v47 =	vld [tilespmem:s18+$0x1D00]  }
0x6c: {  	v22 =	vld [tilespmem:s16+$0x1ED0];
	v48 =	vmul.f32 v43, v43;
	v4 =	vadd.f32 v46, v4;
	v3 =	vadd.f32 v43, v3  }
0x6d: {  	v16 =	vld [tilespmem:s16+$0x1E70]  }
0x6e: {  	v24 =	vld [tilespmem:s16+$0x1EE0];
	v50 =	vmul.f32 v45, v45;
	v4 =	vadd.f32 v48, v4;
	v3 =	vadd.f32 v45, v3  }
0x6f: {  	v18 =	vld [tilespmem:s16+$0x1E80];
	v54 =	vmul.f32 v49, v49  }
0x70: {  	v26 =	vld [tilespmem:s16+$0x1EF0];
	s25 =	sor.u32 $0x1A0, s17;
	v52 =	vmul.f32 v47, v47;
	v4 =	vadd.f32 v50, v4;
	v3 =	vadd.f32 v47, v3  }
0x71: {  	v19 =	vld [tilespmem:s16+$0x1E90];
	s18 =	sand.u32 $0x3FFFFFA0, s25;
	v56 =	vmul.f32 v51, v51;
	v58 =	vmul.f32 v9, v9  }
0x72: {  	v13 =	vld [tilespmem:s18+$0x1D00];
	v60 =	vmul.f32 v53, v53;
	v4 =	vadd.f32 v52, v4;
	v3 =	vadd.f32 v49, v3  }
0x73: {  	v30 =	vld [tilespmem:s16+$0x1F00];
	v62 =	vmul.f32 v10, v10;
	v21 =	vmul.f32 v55, v55  }
0x74: {  	v33 =	vld [tilespmem:s16+$0x1F10];
	v23 =	vmul.f32 v11, v11;
	v4 =	vadd.f32 v54, v4;
	v3 =	vadd.f32 v51, v3  }
0x75: {  	v36 =	vld [tilespmem:s16+$0x1F20];
	v25 =	vmul.f32 v57, v57;
	v29 =	vmul.f32 v12, v12  }
0x76: {  	v31 =	vld [tilespmem:s15+$0xED00];
	v32 =	vmul.f32 v59, v59;
	v4 =	vadd.f32 v56, v4;
	v3 =	vadd.f32 v9, v3  }
0x77: {  	v34 =	vmul.f32 v26, v26;
	v6 =	vld [tilespmem:s15+$0xED0A];
	v17 =	vmul.f32 v13, v13;
	v13 =	vadd.f32 v61, v13  }
0x78: {  	v8 =	vmul.f32 v61, v61;
	v61 =	vld [tilespmem:s16+$0x2060];
	v4 =	vadd.f32 v58, v4;
	v3 =	vadd.f32 v53, v3  }
0x79: {  	s26 =	sadd.s32 $0x240, s17;
	v35 =	vmul.f32 v14, v14;
	v7 =	vmul.f32 v22, v22;
	v13 =	vadd.f32 v63, v13;
	v37 =	vld [tilespmem:s16+$0x1F30]  }
0x7a: {  	s18 =	sand.u32 $0x3FFFFE40, s26;
	v38 =	vmul.f32 v15, v15;
	v40 =	vld [tilespmem:s16+$0x1F50];
	v4 =	vadd.f32 v60, v4;
	v3 =	vadd.f32 v10, v3  }
0x7b: {  	v8 =	vadd.f32 v8, v17;
	v28 =	vadd.f32 v22, v13;
	v39 =	vld [tilespmem:s18+$0x1D00];
	v10 =	vmul.f32 v63, v63  }
0x7c: {  	v6 =	vmul.f32 v2, v6;
	v42 =	vld [tilespmem:s16+$0x1F60];
	v4 =	vadd.f32 v62, v4;
	v3 =	vadd.f32 v55, v3  }
0x7d: {  	v13 =	vmul.f32 v61, v61;
	v44 =	vld [tilespmem:s16+$0x1F70];
	v27 =	vadd.f32 v10, v8;
	v8 =	vadd.f32 v24, v28  }
0x7e: {  	v41 =	vmul.f32 v16, v16;
	v46 =	vld [tilespmem:s16+$0x1F80];
	v4 =	vadd.f32 v21, v4;
	v3 =	vadd.f32 v11, v3  }
0x7f: {  	v48 =	vld [tilespmem:s16+$0x1F90];
	v7 =	vadd.f32 v7, v27;
	v11 =	vmul.f32 v24, v24;
	v8 =	vadd.f32 v26, v8  }
0x80: {  	s28 =	sadd.s32 $0x340, s17;
	v43 =	vmul.f32 v36, v36;
	v50 =	vld [tilespmem:s16+$0x1FA0];
	v4 =	vadd.f32 v23, v4;
	v3 =	vadd.f32 v57, v3  }
0x81: {  	s18 =	sand.u32 $0x3FFFFF40, s28;
	v45 =	vmul.f32 v18, v18;
	v52 =	vld [tilespmem:s16+$0x1FB0];
	v7 =	vadd.f32 v11, v7;
	v8 =	vadd.f32 v30, v8  }
0x82: {  	v47 =	vmul.f32 v37, v37;
	v56 =	vld [tilespmem:s18+$0x1D00];
	v4 =	vadd.f32 v25, v4;
	v3 =	vadd.f32 v12, v3  }
0x83: {  	v53 =	vld [tilespmem:s16+$0x1FC0];
	v10 =	vmul.f32 v30, v30;
	v7 =	vadd.f32 v34, v7;
	v8 =	vadd.f32 v33, v8  }
0x84: {  	v49 =	vmul.f32 v19, v19;
	v58 =	vld [tilespmem:s16+$0x2050];
	v4 =	vadd.f32 v29, v4;
	v3 =	vadd.f32 v59, v3  }
0x85: {  	v9 =	vmul.f32 v33, v33;
	v55 =	vld [tilespmem:s16+$0x1FD0];
	v7 =	vadd.f32 v10, v7;
	v8 =	vadd.f32 v36, v8  }
0x86: {  	v51 =	vmul.f32 v39, v39;
	v62 =	vld [tilespmem:s16+$0x1FF0];
	v4 =	vadd.f32 v32, v4;
	v3 =	vadd.f32 v14, v3  }
0x87: {  	v54 =	vmul.f32 v40, v40;
	v24 =	vld [tilespmem:s16+$0x2070];
	v7 =	vadd.f32 v9, v7;
	v8 =	vadd.f32 v37, v8  }
0x88: {  	v60 =	vmul.f32 v44, v44;
	v27 =	vld [tilespmem:s16+$0x2080];
	v4 =	vadd.f32 v35, v4;
	v3 =	vadd.f32 v15, v3  }
0x89: {  	v63 =	vmul.f32 v46, v46;
	v21 =	vld [tilespmem:s16+$0x2010];
	v7 =	vadd.f32 v43, v7;
	v8 =	vadd.f32 v39, v8  }
0x8a: {  	v20 =	vmul.f32 v56, v56;
	v30 =	vld [tilespmem:s16+$0x2020];
	v4 =	vadd.f32 v38, v4;
	v3 =	vadd.f32 v16, v3  }
0x8b: {  	v28 =	vmul.f32 v50, v50;
	v23 =	vld [tilespmem:s16+$0x2180];
	v7 =	vadd.f32 v47, v7;
	v8 =	vadd.f32 v40, v8  }
0x8c: {  	v5 =	vmul.f32 v53, v53;
	v25 =	vld [tilespmem:s16+$0x2000];
	v4 =	vadd.f32 v41, v4;
	v3 =	vadd.f32 v18, v3  }
0x8d: {  	v26 =	vmul.f32 v48, v48;
	v33 =	vld [tilespmem:s16+$0x20A0];
	v7 =	vadd.f32 v51, v7;
	v8 =	vadd.f32 v42, v8  }
0x8e: {  	v57 =	vmul.f32 v42, v42;
	v34 =	vld [tilespmem:s16+$0x2030];
	v4 =	vadd.f32 v45, v4;
	v3 =	vadd.f32 v19, v3  }
0x8f: {  	s29 =	sadd.s32 $0x3E0, s17;
	v11 =	vmul.f32 v27, v27;
	v29 =	vld [tilespmem:s16+$0x2090];
	v15 =	vmul.f32 v58, v58;
	v7 =	vadd.f32 v54, v7  }
0x90: {  	s30 =	sadd.s32 $0x4E0, s17;
	s18 =	sand.u32 $0x3FFFFFE0, s29;
	v36 =	vld [tilespmem:s16+$0x20B0];
	v8 =	vadd.f32 v44, v8;
	v4 =	vadd.f32 v49, v4;
	v3 =	vmul.f32 v3, v3  }
0x91: {  	v10 =	vmul.f32 v55, v55;
	v15 =	vadd.f32 v15, v20;
	v42 =	vld [tilespmem:s18+$0x1D00];
	s18 =	sand.u32 $0x3FFFFEE0, s30;
	v7 =	vadd.f32 v57, v7  }
0x92: {  	v32 =	vmul.f32 v52, v52;
	v8 =	vadd.f32 v46, v8;
	v57 =	vld [tilespmem:s18+$0x1D00];
	v3 =	vsub.f32 v3, v4  }
0x93: {  	v14 =	vmul.f32 v33, v33;
	v7 =	vadd.f32 v60, v7;
	v4 =	vadd.f32 v58, v56;
	v58 =	vld [tilespmem:s16+$0x21F0]  }
0x94: {  	v59 =	vld [tilespmem:s16+$0x1FE0];
	v13 =	vadd.f32 v13, v15;
	v8 =	vadd.f32 v48, v8;
	v3 =	vmul.f32 $5.000000000e-01, v3  }
0x95: {  	v39 =	vld [tilespmem:s16+$0x20C0];
	v43 =	vmul.f32 v62, v62;
	v7 =	vadd.f32 v63, v7;
	v4 =	vadd.f32 v61, v4  }
0x96: {  	v9 =	vmul.f32 v36, v36;
	v47 =	vld [tilespmem:s16+$0x2100];
	v8 =	vadd.f32 v50, v8;
	v3 =	vadd.f32 v3, v31  }
0x97: {  	v41 =	vld [tilespmem:s16+$0x20D0];
	v7 =	vadd.f32 v26, v7;
	v4 =	vadd.f32 v24, v4;
	v31 =	vmul.f32 v24, v24  }
0x98: {  	v38 =	vmul.f32 v29, v29;
	v51 =	vld [tilespmem:s16+$0x2120];
	v8 =	vadd.f32 v52, v8;
	v20 =	vadd.f32 v58, v57  }
0x99: {  	v40 =	vmul.f32 v59, v59;
	v44 =	vld [tilespmem:s16+$0x20F0];
	v7 =	vadd.f32 v28, v7;
	v13 =	vadd.f32 v31, v13  }
0x9a: {  	v46 =	vmul.f32 v39, v39;
	v49 =	vld [tilespmem:s16+$0x2110];
	v35 =	vadd.f32 v27, v4;
	v8 =	vadd.f32 v53, v8  }
0x9b: {  	v54 =	vmul.f32 v42, v42;
	v60 =	vld [tilespmem:s16+$0x2150];
	v3 =	vadd.f32 v3, v6;
	v7 =	vadd.f32 v32, v7  }
0x9c: {  	v48 =	vmul.f32 v25, v25;
	v63 =	vld [tilespmem:s16+$0x2160];
	v11 =	vadd.f32 v11, v13;
	v37 =	vadd.f32 v29, v35  }
0x9d: {  	v56 =	vmul.f32 v30, v30;
	v26 =	vld [tilespmem:s16+$0x2170];
	v8 =	vadd.f32 v55, v8;
	v7 =	vadd.f32 v5, v7  }
0x9e: {  	v22 =	vmul.f32 v57, v57;
	v57 =	vld [tilespmem:s16+$0x22A0];
	v11 =	vadd.f32 v38, v11;
	v13 =	vadd.f32 v33, v37  }
0x9f: {  	v12 =	vmul.f32 v44, v44;
	v4 =	vld [tilespmem:s15+$0xED1A];
	v8 =	vadd.f32 v59, v8;
	v7 =	vadd.f32 v10, v7  }
0xa0: {  	v50 =	vmul.f32 v41, v41;
	v53 =	vld [tilespmem:s16+$0x2130];
	v11 =	vadd.f32 v14, v11;
	v13 =	vadd.f32 v36, v13  }
0xa1: {  	v61 =	vmul.f32 v47, v47;
	v8 =	vadd.f32 v62, v8;
	v62 =	vld [tilespmem:s16+$0x2200];
	v7 =	vadd.f32 v40, v7  }
0xa2: {  	v52 =	vmul.f32 v21, v21;
	v28 =	vld [tilespmem:s16+$0x2220];
	v9 =	vadd.f32 v9, v11;
	v45 =	vadd.f32 v39, v13  }
0xa3: {  	v31 =	vld [tilespmem:s16+$0x2190];
	v8 =	vadd.f32 v25, v8;
	v13 =	vmul.f32 v58, v58;
	v7 =	vadd.f32 v43, v7  }
0xa4: {  	v24 =	vmul.f32 v49, v49;
	v25 =	vld [tilespmem:s16+$0x2210];
	v9 =	vadd.f32 v46, v9;
	v11 =	vadd.f32 v41, v45  }
0xa5: {  	v27 =	vmul.f32 v51, v51;
	v55 =	vld [tilespmem:s16+$0x2140];
	v8 =	vadd.f32 v21, v8;
	v13 =	vadd.f32 v13, v22  }
0xa6: {  	v35 =	vld [tilespmem:s16+$0x21A0];
	v20 =	vadd.f32 v62, v20;
	v17 =	vmul.f32 v62, v62;
	v7 =	vadd.f32 v48, v7  }
0xa7: {  	v5 =	vld [tilespmem:s15+$0xED24];
	v59 =	vmul.f32 v34, v34;
	v9 =	vadd.f32 v50, v9;
	v11 =	vadd.f32 v42, v11  }
0xa8: {  	v37 =	vld [tilespmem:s16+$0x2250];
	v29 =	vmul.f32 v53, v53;
	v8 =	vadd.f32 v30, v8;
	v13 =	vadd.f32 v17, v13  }
0xa9: {  	v30 =	vld [tilespmem:s16+$0x2230];
	v32 =	vadd.f32 v25, v20;
	v18 =	vmul.f32 v25, v25;
	v7 =	vadd.f32 v52, v7  }
0xaa: {  	v38 =	vld [tilespmem:s16+$0x21B0];
	v15 =	vmul.f32 v28, v28;
	v9 =	vadd.f32 v54, v9;
	v11 =	vadd.f32 v44, v11  }
0xab: {  	v36 =	vmul.f32 v60, v60;
	v41 =	vld [tilespmem:s16+$0x2260];
	v8 =	vadd.f32 v34, v8;
	v13 =	vadd.f32 v18, v13  }
0xac: {  	v33 =	vmul.f32 v55, v55;
	v34 =	vld [tilespmem:s16+$0x2240];
	v17 =	vadd.f32 v28, v32;
	v7 =	vadd.f32 v56, v7  }
0xad: {  	v5 =	vmul.f32 v2, v5;
	v45 =	vld [tilespmem:s16+$0x2270];
	v9 =	vadd.f32 v12, v9;
	v11 =	vadd.f32 v47, v11  }
0xae: {  	s31 =	sadd.s32 $0x580, s17;
	v46 =	vld [tilespmem:s16+$0x21D0];
	v13 =	vadd.f32 v15, v13;
	v39 =	vadd.f32 v30, v17;
	v40 =	vmul.f32 v30, v30  }
0xaf: {  	s18 =	sand.u32 $0x3FFFFF80, s31;
	v42 =	vld [tilespmem:s16+$0x21C0];
	v48 =	vmul.f32 v37, v37;
	v7 =	vadd.f32 v59, v7;
	v9 =	vadd.f32 v61, v9  }
0xb0: {  	v50 =	vld [tilespmem:s18+$0x1D00];
	v10 =	vmul.f32 v8, v8;
	v11 =	vadd.f32 v49, v11;
	v13 =	vadd.f32 v40, v13  }
0xb1: {  	v25 =	vld [tilespmem:s16+$0x22E0];
	v15 =	vadd.f32 v34, v39;
	v14 =	vmul.f32 v34, v34;
	v9 =	vadd.f32 v24, v9  }
0xb2: {  	v44 =	vmul.f32 v26, v26;
	v59 =	vld [tilespmem:s16+$0x22B0];
	v11 =	vadd.f32 v51, v11;
	v7 =	vsub.f32 v10, v7  }
0xb3: {  	v52 =	vmul.f32 v31, v31;
	v61 =	vld [tilespmem:s16+$0x22C0];
	v13 =	vadd.f32 v14, v13;
	v47 =	vadd.f32 v37, v15  }
0xb4: {  	v28 =	vmul.f32 v46, v46;
	v51 =	vld [tilespmem:s15+$0xED34];
	v9 =	vadd.f32 v27, v9;
	v11 =	vadd.f32 v53, v11  }
0xb5: {  	v12 =	vmul.f32 v41, v41;
	v53 =	vld [tilespmem:s16+$0x2290];
	v13 =	vadd.f32 v48, v13;
	v14 =	vadd.f32 v41, v47  }
0xb6: {  	v8 =	vmul.f32 v63, v63;
	v27 =	vld [tilespmem:s16+$0x22F0];
	v9 =	vadd.f32 v29, v9;
	v11 =	vadd.f32 v55, v11  }
0xb7: {  	v48 =	vld [tilespmem:s16+$0x23A0];
	v55 =	vmul.f32 v45, v45;
	v12 =	vadd.f32 v12, v13;
	v54 =	vadd.f32 v45, v14  }
0xb8: {  	v56 =	vmul.f32 v35, v35;
	v29 =	vld [tilespmem:s16+$0x2300];
	v9 =	vadd.f32 v33, v9;
	v11 =	vadd.f32 v60, v11  }
0xb9: {  	v58 =	vmul.f32 v50, v50;
	v33 =	vld [tilespmem:s16+$0x2320];
	v12 =	vadd.f32 v55, v12;
	v13 =	vadd.f32 v50, v54  }
0xba: {  	v49 =	vmul.f32 v23, v23;
	v54 =	vld [tilespmem:s16+$0x2360];
	v9 =	vadd.f32 v36, v9;
	v11 =	vadd.f32 v63, v11  }
0xbb: {  	v62 =	vmul.f32 v53, v53;
	v63 =	vld [tilespmem:s16+$0x22D0];
	v12 =	vadd.f32 v58, v12;
	v13 =	vadd.f32 v53, v13  }
0xbc: {  	v36 =	vmul.f32 $5.000000000e-01, v7;
	v53 =	vld [tilespmem:s16+$0x23B0];
	v8 =	vadd.f32 v8, v9;
	v43 =	vadd.f32 v26, v11  }
0xbd: {  	v58 =	vld [tilespmem:s16+$0x2370];
	v26 =	vmul.f32 v57, v57;
	v12 =	vadd.f32 v62, v12;
	v13 =	vadd.f32 v57, v13  }
0xbe: {  	v24 =	vmul.f32 v42, v42;
	v57 =	vld [tilespmem:s16+$0x23C0];
	v8 =	vadd.f32 v44, v8;
	v9 =	vadd.f32 v23, v43  }
0xbf: {  	v30 =	vmul.f32 v59, v59;
	v4 =	vadd.f32 v36, v4;
	v44 =	vld [tilespmem:s16+$0x2340];
	v12 =	vadd.f32 v26, v12  }
0xc0: {  	v34 =	vmul.f32 v61, v61;
	v23 =	vld [tilespmem:s15+$0xED72];
	v11 =	vadd.f32 v49, v8;
	v9 =	vadd.f32 v31, v9  }
0xc1: {  	v47 =	vmul.f32 v25, v25;
	v13 =	vadd.f32 v59, v13;
	v59 =	vld [tilespmem:s16+$0x23D0];
	v12 =	vadd.f32 v30, v12  }
0xc2: {  	v60 =	vmul.f32 v38, v38;
	v8 =	vld [tilespmem:s15+$0xED3E];
	v11 =	vadd.f32 v52, v11;
	v9 =	vadd.f32 v35, v9  }
0xc3: {  	s19 =	sadd.s32 $0x680, s17;
	v4 =	vadd.f32 v4, v5;
	v41 =	vmul.f32 v63, v63;
	v31 =	vld [tilespmem:s16+$0x2310];
	v39 =	vadd.f32 v34, v12  }
0xc4: {  	s18 =	sand.u32 $0x3FFFFE80, s19;
	v36 =	vmul.f32 v54, v54;
	v49 =	vld [tilespmem:s16+$0x2350];
	v11 =	vadd.f32 v56, v11;
	v9 =	vadd.f32 v38, v9  }
0xc5: {  	v13 =	vadd.f32 v61, v13;
	v52 =	vmul.f32 v27, v27;
	v38 =	vld [tilespmem:s18+$0x1D00];
	v45 =	vadd.f32 v41, v39  }
0xc6: {  	v62 =	vmul.f32 v57, v57;
	v11 =	vadd.f32 v60, v11;
	v9 =	vadd.f32 v42, v9;
	v42 =	vld [tilespmem:s16+$0x2390]  }
0xc7: {  	v61 =	vld [tilespmem:s16+$0x23E0];
	v40 =	vadd.f32 v63, v13;
	v13 =	vmul.f32 v48, v48;
	v50 =	vadd.f32 v47, v45  }
0xc8: {  	v35 =	vld [tilespmem:s16+$0x2330];
	v12 =	vmul.f32 v53, v53;
	v11 =	vadd.f32 v24, v11;
	v9 =	vadd.f32 v46, v9  }
0xc9: {  	v56 =	vmul.f32 v29, v29;
	v16 =	vmul.f32 v31, v31;
	v39 =	vld [tilespmem:s16+$0x2530];
	v6 =	vadd.f32 v52, v50  }
0xca: {  	v41 =	vld [tilespmem:s16+$0x2450];
	v46 =	vadd.f32 v25, v40;
	v32 =	vadd.f32 v28, v11;
	v9 =	vmul.f32 v9, v9  }
0xcb: {  	v47 =	vld [tilespmem:s16+$0x2470];
	v55 =	vmul.f32 v38, v38;
	v14 =	vmul.f32 v42, v42;
	v10 =	vadd.f32 v56, v6  }
0xcc: {  	v26 =	vmul.f32 v59, v59;
	v25 =	vld [tilespmem:s16+$0x23F0];
	v37 =	vsub.f32 v9, v32;
	v9 =	vadd.f32 v42, v38  }
0xcd: {  	v50 =	vld [tilespmem:s16+$0x2560];
	v11 =	vmul.f32 v33, v33;
	v14 =	vadd.f32 v14, v55;
	v10 =	vadd.f32 v16, v10  }
0xce: {  	v8 =	vmul.f32 v2, v8;
	v52 =	vld [tilespmem:s16+$0x2570];
	v43 =	vmul.f32 $5.000000000e-01, v37;
	v9 =	vadd.f32 v48, v9  }
0xcf: {  	v30 =	vmul.f32 v61, v61;
	v55 =	vld [tilespmem:s16+$0x2580];
	v13 =	vadd.f32 v13, v14;
	v10 =	vadd.f32 v11, v10  }
0xd0: {  	v24 =	vmul.f32 v35, v35;
	v5 =	vadd.f32 v43, v51;
	v51 =	vadd.f32 v27, v46;
	v27 =	vld [tilespmem:s16+$0x2400]  }
0xd1: {  	v40 =	vmul.f32 v58, v58;
	v28 =	vmul.f32 v44, v44;
	v9 =	vadd.f32 v53, v9;
	v43 =	vld [tilespmem:s16+$0x2540]  }
0xd2: {  	v20 =	vmul.f32 v39, v39;
	v46 =	vld [tilespmem:s16+$0x2550];
	v12 =	vadd.f32 v12, v13;
	v10 =	vadd.f32 v24, v10  }
0xd3: {  	v32 =	vmul.f32 v49, v49;
	v53 =	vld [tilespmem:s16+$0x2490];
	v7 =	vadd.f32 v29, v51;
	v9 =	vadd.f32 v57, v9  }
0xd4: {  	s20 =	sadd.s32 $0x720, s17;
	v34 =	vmul.f32 v25, v25;
	v29 =	vld [tilespmem:s16+$0x2410];
	v5 =	vadd.f32 v5, v8;
	v12 =	vadd.f32 v62, v12  }
0xd5: {  	s21 =	sadd.s32 $0x820, s17;
	s18 =	sand.u32 $0x3FFFFF20, s20;
	v19 =	vmul.f32 v50, v50;
	v57 =	vld [tilespmem:s16+$0x2590];
	v10 =	vadd.f32 v28, v10;
	v7 =	vadd.f32 v31, v7  }
0xd6: {  	v15 =	vmul.f32 v52, v52;
	v9 =	vadd.f32 v59, v9;
	v31 =	vld [tilespmem:s18+$0x1D00];
	s18 =	sand.u32 $0x3FFFFE20, s21;
	v12 =	vadd.f32 v26, v12  }
0xd7: {  	v28 =	vmul.f32 v55, v55;
	v10 =	vadd.f32 v32, v10;
	v37 =	vld [tilespmem:s18+$0x1D00];
	v60 =	vadd.f32 v33, v7  }
0xd8: {  	v6 =	vld [tilespmem:s15+$0xED4E];
	v38 =	vmul.f32 v27, v27;
	v22 =	vmul.f32 v43, v43;
	v9 =	vadd.f32 v61, v9  }
0xd9: {  	v56 =	vld [tilespmem:s16+$0x24A0];
	v16 =	vmul.f32 v46, v46;
	v12 =	vadd.f32 v30, v12;
	v63 =	vadd.f32 v35, v60  }
0xda: {  	v24 =	vld [tilespmem:s16+$0x2480];
	v32 =	vmul.f32 v53, v53;
	v10 =	vadd.f32 v36, v10;
	v9 =	vadd.f32 v25, v9  }
0xdb: {  	v8 =	vld [tilespmem:s15+$0xED82];
	v18 =	vmul.f32 v29, v29;
	v12 =	vadd.f32 v34, v12;
	v11 =	vadd.f32 v44, v63  }
0xdc: {  	v61 =	vld [tilespmem:s16+$0x25A0];
	v14 =	vmul.f32 v57, v57;
	v9 =	vadd.f32 v27, v9;
	v17 =	vadd.f32 v39, v37  }
0xdd: {  	v7 =	vld [tilespmem:s15+$0xED58];
	v48 =	vmul.f32 v37, v37;
	v12 =	vadd.f32 v38, v12;
	v11 =	vadd.f32 v49, v11  }
0xde: {  	v33 =	vld [tilespmem:s16+$0x2430];
	v60 =	vmul.f32 v47, v47;
	v42 =	vadd.f32 v29, v9;
	v9 =	vadd.f32 v40, v10  }
0xdf: {  	v62 =	vld [tilespmem:s16+$0x24C0];
	v45 =	vmul.f32 v31, v31;
	v20 =	vadd.f32 v20, v48;
	v17 =	vadd.f32 v43, v17  }
0xe0: {  	v35 =	vld [tilespmem:s16+$0x2440];
	v37 =	vmul.f32 v56, v56;
	v12 =	vadd.f32 v18, v12;
	v11 =	vadd.f32 v54, v11  }
0xe1: {  	v30 =	vld [tilespmem:s16+$0x25B0];
	v36 =	vmul.f32 v61, v61;
	v13 =	vadd.f32 v31, v42;
	v20 =	vadd.f32 v22, v20  }
0xe2: {  	v25 =	vld [tilespmem:s16+$0x2660];
	v7 =	vmul.f32 v2, v7;
	v17 =	vadd.f32 v46, v17;
	v12 =	vadd.f32 v45, v12  }
0xe3: {  	v34 =	vld [tilespmem:s16+$0x24E0];
	v49 =	vmul.f32 v33, v33;
	v11 =	vadd.f32 v58, v11;
	v13 =	vadd.f32 v33, v13  }
0xe4: {  	v44 =	vld [tilespmem:s16+$0x2460];
	v29 =	vmul.f32 v24, v24;
	v16 =	vadd.f32 v16, v20;
	v17 =	vadd.f32 v50, v17  }
0xe5: {  	v39 =	vld [tilespmem:s16+$0x24F0];
	v51 =	vmul.f32 v35, v35;
	v12 =	vadd.f32 v49, v12;
	v13 =	vadd.f32 v35, v13  }
0xe6: {  	v38 =	vld [tilespmem:s16+$0x25D0];
	v54 =	vmul.f32 v41, v41;
	v16 =	vadd.f32 v19, v16;
	v17 =	vadd.f32 v52, v17  }
0xe7: {  	v31 =	vld [tilespmem:s16+$0x24D0];
	v10 =	vmul.f32 v11, v11;
	v12 =	vadd.f32 v51, v12;
	v13 =	vadd.f32 v41, v13  }
0xe8: {  	v40 =	vmul.f32 v30, v30;
	v42 =	vld [tilespmem:s16+$0x25E0];
	v15 =	vadd.f32 v15, v16;
	v63 =	vadd.f32 v55, v17  }
0xe9: {  	v46 =	vld [tilespmem:s16+$0x25F0];
	v11 =	vmul.f32 v44, v44;
	v9 =	vsub.f32 v10, v9;
	v12 =	vadd.f32 v54, v12  }
0xea: {  	s22 =	sadd.s32 $0x8C0, s17;
	v27 =	vld [tilespmem:s16+$0x2670];
	v45 =	vmul.f32 v62, v62;
	v13 =	vadd.f32 v44, v13;
	v15 =	vadd.f32 v28, v15  }
0xeb: {  	s18 =	sand.u32 $0x3FFFFEC0, s22;
	v43 =	vld [tilespmem:s16+$0x2500];
	v48 =	vmul.f32 v38, v38;
	v16 =	vadd.f32 v57, v63;
	v11 =	vadd.f32 v11, v12  }
0xec: {  	v33 =	vld [tilespmem:s18+$0x1D00];
	v49 =	vmul.f32 v31, v31;
	v59 =	vadd.f32 v47, v13;
	v14 =	vadd.f32 v14, v15  }
0xed: {  	v58 =	vld [tilespmem:s16+$0x24B0];
	v52 =	vmul.f32 v42, v42;
	v35 =	vadd.f32 v61, v16;
	v11 =	vadd.f32 v60, v11  }
0xee: {  	v50 =	vld [tilespmem:s16+$0x2600];
	v55 =	vmul.f32 v46, v46;
	v12 =	vadd.f32 v24, v59;
	v14 =	vadd.f32 v36, v14  }
0xef: {  	v57 =	vld [tilespmem:s16+$0x2620];
	v15 =	vadd.f32 v30, v35;
	v35 =	vmul.f32 $5.000000000e-01, v9;
	v11 =	vadd.f32 v29, v11  }
0xf0: {  	v17 =	vmul.f32 v27, v27;
	v54 =	vld [tilespmem:s16+$0x2610];
	v12 =	vadd.f32 v53, v12;
	v14 =	vadd.f32 v40, v14  }
0xf1: {  	v44 =	vmul.f32 v33, v33;
	v47 =	vld [tilespmem:s16+$0x2510];
	v15 =	vadd.f32 v33, v15;
	v6 =	vadd.f32 v35, v6  }
0xf2: {  	v41 =	vmul.f32 v58, v58;
	v61 =	vld [tilespmem:s16+$0x2640];
	v11 =	vadd.f32 v32, v11;
	v12 =	vadd.f32 v56, v12  }
0xf3: {  	v63 =	vld [tilespmem:s16+$0x2650];
	v60 =	vmul.f32 v43, v43;
	v14 =	vadd.f32 v44, v14;
	v15 =	vadd.f32 v38, v15  }
0xf4: {  	s23 =	sadd.s32 $0x9C0, s17;
	v59 =	vld [tilespmem:s16+$0x2630];
	v26 =	vmul.f32 v57, v57;
	v6 =	vadd.f32 v6, v7;
	v11 =	vadd.f32 v37, v11  }
0xf5: {  	s18 =	sand.u32 $0x3FFFFFC0, s23;
	v30 =	vld [tilespmem:s16+$0x2680];
	v53 =	vmul.f32 v34, v34;
	v12 =	vadd.f32 v58, v12;
	v14 =	vadd.f32 v48, v14  }
0xf6: {  	v22 =	vmul.f32 v47, v47;
	v37 =	vld [tilespmem:s18+$0x1D00];
	v15 =	vadd.f32 v42, v15;
	v11 =	vadd.f32 v41, v11  }
0xf7: {  	v40 =	vmul.f32 v61, v61;
	v41 =	vld [tilespmem:s16+$0x26D0];
	v12 =	vadd.f32 v62, v12;
	v14 =	vadd.f32 v52, v14  }
0xf8: {  	v56 =	vmul.f32 v39, v39;
	v48 =	vld [tilespmem:s16+$0x26B0];
	v15 =	vadd.f32 v46, v15;
	v11 =	vadd.f32 v45, v11  }
0xf9: {  	v58 =	vmul.f32 v50, v50;
	v52 =	vld [tilespmem:s16+$0x2700];
	v12 =	vadd.f32 v31, v12;
	v14 =	vadd.f32 v55, v14  }
0xfa: {  	v33 =	vmul.f32 v59, v59;
	v15 =	vadd.f32 v50, v15;
	v50 =	vld [tilespmem:s16+$0x26F0];
	v11 =	vadd.f32 v49, v11  }
0xfb: {  	v62 =	vmul.f32 v54, v54;
	v55 =	vld [tilespmem:s16+$0x2720];
	v12 =	vadd.f32 v34, v12;
	v14 =	vadd.f32 v58, v14  }
0xfc: {  	v46 =	vmul.f32 v63, v63;
	v15 =	vadd.f32 v54, v15;
	v34 =	vld [tilespmem:s16+$0x2690];
	v10 =	vadd.f32 v41, v37  }
0xfd: {  	v49 =	vmul.f32 v25, v25;
	v11 =	vadd.f32 v53, v11;
	v53 =	vld [tilespmem:s16+$0x2710];
	v12 =	vadd.f32 v39, v12  }
0xfe: {  	v58 =	vmul.f32 v52, v52;
	v14 =	vadd.f32 v62, v14;
	v15 =	vadd.f32 v57, v15;
	v57 =	vld [tilespmem:s16+$0x2730]  }
0xff: {  	v11 =	vadd.f32 v56, v11;
	v54 =	vmul.f32 v50, v50;
	v12 =	vadd.f32 v43, v12;
	v43 =	vld [tilespmem:s16+$0x26A0]  }
0x100: {  	v19 =	vmul.f32 v55, v55;
	v31 =	vadd.f32 v26, v14;
	v32 =	vadd.f32 v59, v15;
	v59 =	vld [tilespmem:s16+$0x2740]  }
0x101: {  	s24 =	sadd.s32 $0xB60, s17;
	v15 =	vmul.f32 v41, v41;
	v11 =	vadd.f32 v60, v11;
	v12 =	vadd.f32 v47, v12;
	v47 =	vld [tilespmem:s16+$0x26E0]  }
0x102: {  	s18 =	sand.u32 $0x3FFFFF60, s24;
	v56 =	vmul.f32 v34, v34;
	v38 =	vadd.f32 v33, v31;
	v39 =	vadd.f32 v61, v32;
	v33 =	vld [tilespmem:s16+$0x2770]  }
0x103: {  	v61 =	vld [tilespmem:s18+$0x1D00];
	v62 =	vmul.f32 v53, v53;
	v28 =	vadd.f32 v22, v11;
	v29 =	vmul.f32 v12, v12  }
0x104: {  	v16 =	vmul.f32 v57, v57;
	v44 =	vadd.f32 v40, v38;
	v45 =	vadd.f32 v63, v39;
	v63 =	vld [tilespmem:s16+$0x2870]  }
0x105: {  	v51 =	vld [tilespmem:s15+$0xED68];
	v12 =	vmul.f32 v30, v30;
	v60 =	vmul.f32 v43, v43;
	v36 =	vsub.f32 v29, v28  }
0x106: {  	v38 =	vld [tilespmem:s16+$0x28B0];
	v35 =	vmul.f32 v59, v59;
	v9 =	vadd.f32 v46, v44;
	v11 =	vadd.f32 v25, v45  }
0x107: {  	v41 =	vld [tilespmem:s16+$0x27A0];
	v10 =	vadd.f32 v47, v10;
	v14 =	vmul.f32 v47, v47;
	v44 =	vmul.f32 v33, v33  }
0x108: {  	s25 =	sadd.s32 $0xA60, s17;
	v32 =	vld [tilespmem:s16+$0x2890];
	v42 =	vmul.f32 $5.000000000e-01, v36;
	v13 =	vadd.f32 v49, v9;
	v11 =	vadd.f32 v27, v11  }
0x109: {  	s18 =	sand.u32 $0x3FFFFE60, s25;
	v28 =	vld [tilespmem:s16+$0x2750];
	v27 =	vmul.f32 v48, v48;
	v10 =	vadd.f32 v50, v10;
	v18 =	vadd.f32 v63, v61  }
0x10a: {  	v31 =	vld [tilespmem:s18+$0x1D00];
	v7 =	vadd.f32 v42, v51;
	v51 =	vmul.f32 v37, v37;
	v13 =	vadd.f32 v17, v13  }
0x10b: {  	v39 =	vld [tilespmem:s16+$0x2790];
	v47 =	vmul.f32 v38, v38;
	v11 =	vadd.f32 v30, v11;
	v10 =	vadd.f32 v52, v10  }
0x10c: {  	v30 =	vld [tilespmem:s16+$0x2880];
	v17 =	vmul.f32 v63, v63;
	v15 =	vadd.f32 v15, v51;
	v12 =	vadd.f32 v12, v13  }
0x10d: {  	v36 =	vld [tilespmem:s16+$0x28A0];
	v11 =	vadd.f32 v34, v11;
	v34 =	vmul.f32 v61, v61;
	v10 =	vadd.f32 v53, v10  }
0x10e: {  	v40 =	vld [tilespmem:s16+$0x28C0];
	v37 =	vmul.f32 v28, v28;
	v14 =	vadd.f32 v14, v15;
	v12 =	vadd.f32 v56, v12  }
0x10f: {  	v9 =	vld [tilespmem:s15+$0xED8C];
	v13 =	vmul.f32 v31, v31;
	v11 =	vadd.f32 v43, v11;
	v17 =	vadd.f32 v17, v34  }
0x110: {  	v25 =	vld [tilespmem:s16+$0x2780];
	v51 =	vmul.f32 v39, v39;
	v29 =	vadd.f32 v55, v10;
	v14 =	vadd.f32 v54, v14  }
0x111: {  	v45 =	vld [tilespmem:s16+$0x28D0];
	v18 =	vadd.f32 v30, v18;
	v22 =	vmul.f32 v30, v30;
	v12 =	vadd.f32 v60, v12  }
0x112: {  	v46 =	vld [tilespmem:s16+$0x27B0];
	v42 =	vmul.f32 v36, v36;
	v26 =	vadd.f32 v48, v11;
	v14 =	vadd.f32 v58, v14  }
0x113: {  	v49 =	vld [tilespmem:s16+$0x28E0];
	v10 =	vmul.f32 v2, v23;
	v15 =	vadd.f32 v57, v29;
	v17 =	vadd.f32 v22, v17  }
0x114: {  	v50 =	vld [tilespmem:s16+$0x27C0];
	v9 =	vmul.f32 v2, v9;
	v18 =	vadd.f32 v32, v18;
	v14 =	vadd.f32 v62, v14  }
0x115: {  	v52 =	vld [tilespmem:s16+$0x28F0];
	v7 =	vadd.f32 v7, v10;
	v11 =	vadd.f32 v27, v12;
	v12 =	vmul.f32 v26, v26  }
0x116: {  	v61 =	vld [tilespmem:s16+$0x2910];
	v56 =	vmul.f32 v41, v41;
	v15 =	vadd.f32 v59, v15;
	v14 =	vadd.f32 v19, v14  }
0x117: {  	v53 =	vld [tilespmem:s16+$0x27D0];
	v18 =	vadd.f32 v36, v18;
	v11 =	vsub.f32 v12, v11;
	v19 =	vmul.f32 v32, v32  }
0x118: {  	s26 =	sadd.s32 $0xC00, s17;
	v34 =	vld [tilespmem:s16+$0x2810];
	v55 =	vmul.f32 v45, v45;
	v15 =	vadd.f32 v28, v15;
	v14 =	vadd.f32 v16, v14  }
0x119: {  	s18 =	sand.u32 $0x3FFFFE00, s26;
	v30 =	vld [tilespmem:s16+$0x2800];
	v48 =	vmul.f32 v25, v25;
	v18 =	vadd.f32 v38, v18;
	v17 =	vadd.f32 v19, v17  }
0x11a: {  	v60 =	vmul.f32 v46, v46;
	v57 =	vld [tilespmem:s18+$0x1D00];
	v15 =	vadd.f32 v31, v15;
	v14 =	vadd.f32 v35, v14  }
0x11b: {  	v63 =	vmul.f32 v52, v52;
	v10 =	vld [tilespmem:s15+$0xEDC0];
	v18 =	vadd.f32 v40, v18;
	v17 =	vadd.f32 v42, v17  }
0x11c: {  	v29 =	vld [tilespmem:s16+$0x2920];
	v59 =	vmul.f32 v49, v49;
	v43 =	vadd.f32 v33, v15;
	v14 =	vadd.f32 v37, v14  }
0x11d: {  	v58 =	vld [tilespmem:s16+$0x27E0];
	v16 =	vmul.f32 v40, v40;
	v54 =	vadd.f32 v45, v18;
	v17 =	vadd.f32 v47, v17  }
0x11e: {  	v62 =	vld [tilespmem:s16+$0x27F0];
	v28 =	vmul.f32 v50, v50;
	v13 =	vadd.f32 v13, v14;
	v14 =	vadd.f32 v25, v43  }
0x11f: {  	v12 =	vld [tilespmem:s15+$0xEDB6];
	v32 =	vmul.f32 v53, v53;
	v16 =	vadd.f32 v16, v17;
	v17 =	vadd.f32 v49, v54  }
0x120: {  	v10 =	vmul.f32 v2, v10;
	v33 =	vld [tilespmem:s16+$0x2930];
	v13 =	vadd.f32 v44, v13;
	v14 =	vadd.f32 v39, v14  }
0x121: {  	v38 =	vld [tilespmem:s16+$0x2820];
	v31 =	vmul.f32 v57, v57;
	v16 =	vadd.f32 v55, v16;
	v17 =	vadd.f32 v52, v17  }
0x122: {  	v36 =	vmul.f32 v58, v58;
	v45 =	vld [tilespmem:s16+$0x2960];
	v13 =	vadd.f32 v48, v13;
	v14 =	vadd.f32 v41, v14  }
0x123: {  	v40 =	vmul.f32 v62, v62;
	v42 =	vld [tilespmem:s16+$0x2830];
	v16 =	vadd.f32 v59, v16;
	v17 =	vadd.f32 v57, v17  }
0x124: {  	v35 =	vmul.f32 v61, v61;
	v37 =	vld [tilespmem:s16+$0x2940];
	v13 =	vadd.f32 v51, v13;
	v14 =	vadd.f32 v46, v14  }
0x125: {  	v43 =	vmul.f32 v33, v33;
	v49 =	vld [tilespmem:s16+$0x2970];
	v16 =	vadd.f32 v63, v16;
	v17 =	vadd.f32 v61, v17  }
0x126: {  	v54 =	vld [tilespmem:s15+$0xED9C];
	v39 =	vmul.f32 v29, v29;
	v13 =	vadd.f32 v56, v13;
	v14 =	vadd.f32 v50, v14  }
0x127: {  	v44 =	vmul.f32 v30, v30;
	v41 =	vld [tilespmem:s16+$0x2950];
	v16 =	vadd.f32 v31, v16;
	v17 =	vadd.f32 v29, v17  }
0x128: {  	v52 =	vmul.f32 v38, v38;
	v57 =	vld [tilespmem:s16+$0x2990];
	v13 =	vadd.f32 v60, v13;
	v14 =	vadd.f32 v53, v14  }
0x129: {  	v55 =	vmul.f32 v45, v45;
	v46 =	vld [tilespmem:s16+$0x2840];
	v16 =	vadd.f32 v35, v16;
	v17 =	vadd.f32 v33, v17  }
0x12a: {  	v47 =	vmul.f32 v37, v37;
	v61 =	vld [tilespmem:s16+$0x29A0];
	v13 =	vadd.f32 v28, v13;
	v14 =	vadd.f32 v58, v14  }
0x12b: {  	v48 =	vmul.f32 v34, v34;
	v63 =	vld [tilespmem:s16+$0x29B0];
	v16 =	vadd.f32 v39, v16;
	v17 =	vadd.f32 v37, v17  }
0x12c: {  	v50 =	vld [tilespmem:s16+$0x2850];
	v39 =	vmul.f32 $5.000000000e-01, v11;
	v13 =	vadd.f32 v32, v13;
	v14 =	vadd.f32 v62, v14  }
0x12d: {  	v59 =	vmul.f32 v49, v49;
	v29 =	vld [tilespmem:s16+$0x29C0];
	v16 =	vadd.f32 v43, v16;
	v17 =	vadd.f32 v41, v17  }
0x12e: {  	s28 =	sadd.s32 $0xD00, s17;
	v56 =	vmul.f32 v42, v42;
	v53 =	vld [tilespmem:s16+$0x2980];
	v8 =	vadd.f32 v39, v8;
	v13 =	vadd.f32 v36, v13  }
0x12f: {  	s18 =	sand.u32 $0x3FFFFF00, s28;
	v51 =	vmul.f32 v41, v41;
	v43 =	vld [tilespmem:s16+$0x2A10];
	v14 =	vadd.f32 v30, v14;
	v16 =	vadd.f32 v47, v16  }
0x130: {  	v60 =	vmul.f32 v46, v46;
	v41 =	vld [tilespmem:s18+$0x1D00];
	v17 =	vadd.f32 v45, v17;
	v8 =	vadd.f32 v8, v9  }
0x131: {  	v31 =	vld [tilespmem:s16+$0x29D0];
	v37 =	vmul.f32 v61, v61;
	v13 =	vadd.f32 v40, v13;
	v14 =	vadd.f32 v34, v14  }
0x132: {  	v58 =	vld [tilespmem:s15+$0xEDA6];
	v28 =	vmul.f32 v50, v50;
	v16 =	vadd.f32 v51, v16;
	v17 =	vadd.f32 v49, v17  }
0x133: {  	s29 =	sadd.s32 $0xEA0, s17;
	v62 =	vmul.f32 v53, v53;
	v34 =	vld [tilespmem:s16+$0x29E0];
	v13 =	vadd.f32 v44, v13;
	v14 =	vadd.f32 v38, v14  }
0x134: {  	s18 =	sand.u32 $0x3FFFFEA0, s29;
	v19 =	vmul.f32 v43, v43;
	v16 =	vadd.f32 v55, v16;
	v17 =	vadd.f32 v53, v17;
	v38 =	vld [tilespmem:s16+$0x29F0]  }
0x135: {  	v53 =	vmul.f32 v41, v41;
	v55 =	vld [tilespmem:s18+$0x1D00];
	v13 =	vadd.f32 v48, v13;
	v14 =	vadd.f32 v42, v14  }
0x136: {  	v30 =	vmul.f32 v57, v57;
	v16 =	vadd.f32 v59, v16;
	v17 =	vadd.f32 v57, v17;
	v48 =	vld [tilespmem:s16+$0x2A20]  }
0x137: {  	v47 =	vmul.f32 v29, v29;
	v19 =	vadd.f32 v19, v53;
	v59 =	vld [tilespmem:s16+$0x2A50];
	v13 =	vadd.f32 v52, v13  }
0x138: {  	v51 =	vmul.f32 v31, v31;
	v14 =	vadd.f32 v46, v14;
	v16 =	vadd.f32 v62, v16;
	v52 =	vld [tilespmem:s16+$0x2A30]  }
0x139: {  	v42 =	vmul.f32 v63, v63;
	v36 =	vadd.f32 v61, v17;
	v61 =	vld [tilespmem:s16+$0x2BC0];
	v13 =	vadd.f32 v56, v13  }
0x13a: {  	v62 =	vld [tilespmem:s16+$0x2A60];
	v14 =	vadd.f32 v50, v14;
	v35 =	vadd.f32 v30, v16;
	v50 =	vmul.f32 v2, v58  }
0x13b: {  	v16 =	vadd.f32 v63, v36;
	v56 =	vld [tilespmem:s16+$0x2BB0];
	v58 =	vmul.f32 v38, v38;
	v17 =	vmul.f32 v48, v48  }
0x13c: {  	v30 =	vld [tilespmem:s16+$0x2A70];
	v18 =	vmul.f32 v59, v59;
	v13 =	vadd.f32 v60, v13;
	v15 =	vadd.f32 v37, v35  }
0x13d: {  	v33 =	vmul.f32 v14, v14;
	v46 =	vadd.f32 v29, v16;
	v29 =	vld [tilespmem:s16+$0x2BD0];
	v17 =	vadd.f32 v17, v19  }
0x13e: {  	s30 =	sadd.s32 $0xDA0, s17;
	v37 =	vld [tilespmem:s16+$0x2BF0];
	v60 =	vmul.f32 v52, v52;
	v32 =	vadd.f32 v28, v13;
	v45 =	vadd.f32 v42, v15  }
0x13f: {  	s18 =	sand.u32 $0x3FFFFFA0, s30;
	v14 =	vmul.f32 v34, v34;
	v15 =	vadd.f32 v31, v46;
	v13 =	vadd.f32 v43, v41;
	v41 =	vld [tilespmem:s16+$0x2C00]  }
0x140: {  	v35 =	vmul.f32 v61, v61;
	v42 =	vld [tilespmem:s18+$0x1D00];
	v17 =	vadd.f32 v60, v17;
	v16 =	vadd.f32 v56, v55  }
0x141: {  	v31 =	vmul.f32 v55, v55;
	v46 =	vld [tilespmem:s16+$0x2C10];
	v40 =	vsub.f32 v33, v32;
	v11 =	vadd.f32 v47, v45  }
0x142: {  	v55 =	vld [tilespmem:s16+$0x2AD0];
	v15 =	vadd.f32 v34, v15;
	v13 =	vadd.f32 v48, v13;
	v32 =	vmul.f32 v56, v56  }
0x143: {  	v33 =	vld [tilespmem:s16+$0x2BE0];
	v16 =	vadd.f32 v61, v16;
	v39 =	vmul.f32 v29, v29;
	v44 =	vmul.f32 $5.000000000e-01, v40  }
0x144: {  	v34 =	vld [tilespmem:s16+$0x2A80];
	v48 =	vmul.f32 v37, v37;
	v11 =	vadd.f32 v51, v11;
	v57 =	vadd.f32 v38, v15  }
0x145: {  	v13 =	vadd.f32 v52, v13;
	v15 =	vmul.f32 v62, v62;
	v49 =	vadd.f32 v44, v54;
	v54 =	vld [tilespmem:s16+$0x2A40]  }
0x146: {  	v47 =	vld [tilespmem:s16+$0x2AB0];
	v16 =	vadd.f32 v29, v16;
	v52 =	vmul.f32 v41, v41;
	v53 =	vmul.f32 v42, v42  }
0x147: {  	v38 =	vld [tilespmem:s16+$0x2A90];
	v56 =	vmul.f32 v46, v46;
	v11 =	vadd.f32 v14, v11;
	v14 =	vmul.f32 v57, v57  }
0x148: {  	s31 =	sadd.s32 $0xF40, s17;
	v51 =	vld [tilespmem:s16+$0x2AC0];
	v29 =	vmul.f32 v55, v55;
	v43 =	vmul.f32 v33, v33;
	v16 =	vadd.f32 v33, v16  }
0x149: {  	s18 =	sand.u32 $0x3FFFFF40, s31;
	v45 =	vmul.f32 v34, v34;
	v9 =	vadd.f32 v49, v50;
	v11 =	vadd.f32 v58, v11;
	v50 =	vld [tilespmem:s16+$0x2C20]  }
0x14a: {  	v58 =	vld [tilespmem:s18+$0x1D00];
	v16 =	vadd.f32 v37, v16;
	v63 =	vadd.f32 v54, v13;
	v28 =	vmul.f32 v54, v54  }
0x14b: {  	v57 =	vmul.f32 v47, v47;
	v13 =	vsub.f32 v14, v11;
	v14 =	vadd.f32 v32, v31;
	v54 =	vld [tilespmem:s16+$0x2C30]  }
0x14c: {  	v49 =	vmul.f32 v38, v38;
	v16 =	vadd.f32 v41, v16;
	v31 =	vld [tilespmem:s16+$0x2B00];
	v17 =	vadd.f32 v28, v17  }
0x14d: {  	v61 =	vmul.f32 v51, v51;
	v19 =	vadd.f32 v59, v63;
	v14 =	vadd.f32 v35, v14;
	v59 =	vld [tilespmem:s16+$0x2AE0]  }
0x14e: {  	v16 =	vadd.f32 v46, v16;
	v63 =	vld [tilespmem:s16+$0x2AF0];
	v13 =	vmul.f32 $5.000000000e-01, v13;
	v17 =	vadd.f32 v18, v17  }
0x14f: {  	v11 =	vmul.f32 v30, v30;
	v35 =	vld [tilespmem:s16+$0x2B10];
	v36 =	vadd.f32 v62, v19;
	v14 =	vadd.f32 v39, v14  }
0x150: {  	v60 =	vmul.f32 v50, v50;
	v46 =	vld [tilespmem:s16+$0x2CA0];
	v16 =	vadd.f32 v50, v16;
	v12 =	vadd.f32 v13, v12  }
0x151: {  	v32 =	vmul.f32 v58, v58;
	v62 =	vld [tilespmem:s16+$0x2C50];
	v15 =	vadd.f32 v15, v17;
	v40 =	vadd.f32 v30, v36  }
0x152: {  	v39 =	vld [tilespmem:s16+$0x2B20];
	v28 =	vmul.f32 v54, v54;
	v14 =	vadd.f32 v43, v14;
	v16 =	vadd.f32 v54, v16  }
0x153: {  	v41 =	vmul.f32 v31, v31;
	v30 =	vld [tilespmem:s16+$0x2C60];
	v11 =	vadd.f32 v11, v15;
	v44 =	vadd.f32 v34, v40  }
0x154: {  	v50 =	vld [tilespmem:s16+$0x2CB0];
	v33 =	vmul.f32 v59, v59;
	v14 =	vadd.f32 v48, v14;
	v16 =	vadd.f32 v58, v16  }
0x155: {  	v37 =	vmul.f32 v63, v63;
	v34 =	vld [tilespmem:s16+$0x2C70];
	v11 =	vadd.f32 v45, v11;
	v15 =	vadd.f32 v38, v44  }
0x156: {  	v43 =	vld [tilespmem:s16+$0x2B30];
	v36 =	vmul.f32 v62, v62;
	v14 =	vadd.f32 v52, v14;
	v16 =	vadd.f32 v62, v16  }
0x157: {  	v38 =	vld [tilespmem:s16+$0x2C80];
	v45 =	vmul.f32 v35, v35;
	v11 =	vadd.f32 v49, v11;
	v15 =	vadd.f32 v42, v15  }
0x158: {  	v54 =	vld [tilespmem:s16+$0x2CC0];
	v40 =	vmul.f32 v30, v30;
	v14 =	vadd.f32 v56, v14;
	v16 =	vadd.f32 v30, v16  }
0x159: {  	v42 =	vld [tilespmem:s16+$0x2C90];
	v49 =	vmul.f32 v39, v39;
	v11 =	vadd.f32 v53, v11;
	v15 =	vadd.f32 v47, v15  }
0x15a: {  	v58 =	vld [tilespmem:s16+$0x2CD0];
	v56 =	vmul.f32 v46, v46;
	v14 =	vadd.f32 v60, v14;
	v16 =	vadd.f32 v34, v16  }
0x15b: {  	v62 =	vld [tilespmem:s16+$0x2CE0];
	v44 =	vmul.f32 v34, v34;
	v11 =	vadd.f32 v57, v11;
	v15 =	vadd.f32 v51, v15  }
0x15c: {  	v30 =	vld [tilespmem:s16+$0x2CF0];
	v53 =	vmul.f32 v43, v43;
	v14 =	vadd.f32 v28, v14;
	v16 =	vadd.f32 v38, v16  }
0x15d: {  	v47 =	vld [tilespmem:s16+$0x2B40];
	v60 =	vmul.f32 v50, v50;
	v11 =	vadd.f32 v61, v11;
	v15 =	vadd.f32 v55, v15  }
0x15e: {  	v34 =	vld [tilespmem:s16+$0x2D00];
	v48 =	vmul.f32 v38, v38;
	v14 =	vadd.f32 v32, v14;
	v16 =	vadd.f32 v42, v16  }
0x15f: {  	v51 =	vld [tilespmem:s16+$0x2B50];
	v28 =	vmul.f32 v54, v54;
	v11 =	vadd.f32 v29, v11;
	v15 =	vadd.f32 v59, v15  }
0x160: {  	v52 =	vmul.f32 v42, v42;
	v55 =	vld [tilespmem:s16+$0x2B60];
	v14 =	vadd.f32 v36, v14;
	v16 =	vadd.f32 v46, v16  }
0x161: {  	v38 =	vmul.f32 v30, v30;
	v59 =	vld [tilespmem:s16+$0x2B70];
	v11 =	vadd.f32 v33, v11;
	v15 =	vadd.f32 v63, v15  }
0x162: {  	v32 =	vmul.f32 v58, v58;
	v46 =	vld [tilespmem:s16+$0x2D60];
	v14 =	vadd.f32 v40, v14;
	v16 =	vadd.f32 v50, v16  }
0x163: {  	v57 =	vmul.f32 v47, v47;
	v63 =	vld [tilespmem:s16+$0x2B80];
	v11 =	vadd.f32 v37, v11;
	v15 =	vadd.f32 v31, v15  }
0x164: {  	s19 =	sadd.s32 $0x1040, s17;
	v42 =	vmul.f32 v34, v34;
	v14 =	vadd.f32 v44, v14;
	v31 =	vld [tilespmem:s16+$0x2B90];
	v16 =	vadd.f32 v54, v16  }
0x165: {  	s20 =	sadd.s32 $0x11E0, s17;
	s18 =	sand.u32 $0x3FFFFE40, s19;
	v61 =	vmul.f32 v51, v51;
	v37 =	vld [tilespmem:s16+$0x2D10];
	v11 =	vadd.f32 v41, v11;
	v15 =	vadd.f32 v35, v15  }
0x166: {  	v29 =	vmul.f32 v55, v55;
	v14 =	vadd.f32 v48, v14;
	v16 =	vadd.f32 v58, v16;
	v41 =	vld [tilespmem:s18+$0x1D00];
	s18 =	sand.u32 $0x3FFFFFE0, s20  }
0x167: {  	v33 =	vmul.f32 v59, v59;
	v50 =	vld [tilespmem:s18+$0x1D00];
	v11 =	vadd.f32 v45, v11;
	v15 =	vadd.f32 v39, v15  }
0x168: {  	v35 =	vmul.f32 v62, v62;
	v14 =	vadd.f32 v52, v14;
	v16 =	vadd.f32 v62, v16;
	v52 =	vld [tilespmem:s16+$0x2EF0]  }
0x169: {  	v44 =	vld [tilespmem:s16+$0x2D30];
	v36 =	vmul.f32 v63, v63;
	v11 =	vadd.f32 v49, v11;
	v15 =	vadd.f32 v43, v15  }
0x16a: {  	v40 =	vmul.f32 v31, v31;
	v14 =	vadd.f32 v56, v14;
	v16 =	vadd.f32 v30, v16;
	v43 =	vld [tilespmem:s16+$0x2D50]  }
0x16b: {  	v54 =	vld [tilespmem:s16+$0x2D80];
	v45 =	vmul.f32 v37, v37;
	v11 =	vadd.f32 v53, v11;
	v15 =	vadd.f32 v47, v15  }
0x16c: {  	v58 =	vld [tilespmem:s16+$0x2D90];
	v56 =	vmul.f32 v46, v46;
	v14 =	vadd.f32 v60, v14;
	v16 =	vadd.f32 v34, v16  }
0x16d: {  	v39 =	vld [tilespmem:s16+$0x2D20];
	v26 =	vmul.f32 v50, v50;
	v18 =	vadd.f32 v52, v50;
	v11 =	vadd.f32 v57, v11  }
0x16e: {  	v62 =	vld [tilespmem:s16+$0x2DA0];
	v25 =	vmul.f32 v52, v52;
	v15 =	vadd.f32 v51, v15;
	v14 =	vadd.f32 v28, v14  }
0x16f: {  	v47 =	vld [tilespmem:s16+$0x2D70];
	v48 =	vadd.f32 v37, v16;
	v51 =	vmul.f32 v41, v41;
	v23 =	vadd.f32 v43, v41  }
0x170: {  	v57 =	vld [tilespmem:s16+$0x2F00];
	v20 =	vmul.f32 v43, v43;
	v25 =	vadd.f32 v25, v26;
	v11 =	vadd.f32 v61, v11  }
0x171: {  	v27 =	vld [tilespmem:s16+$0x2DB0];
	v30 =	vmul.f32 v54, v54;
	v15 =	vadd.f32 v55, v15;
	v14 =	vadd.f32 v32, v14  }
0x172: {  	v53 =	vmul.f32 v44, v44;
	v61 =	vld [tilespmem:s16+$0x2F10];
	v20 =	vadd.f32 v20, v51;
	v55 =	vadd.f32 v46, v23  }
0x173: {  	v49 =	vmul.f32 v39, v39;
	v32 =	vld [tilespmem:s16+$0x2F30];
	v17 =	vadd.f32 v29, v11;
	v15 =	vadd.f32 v59, v15  }
0x174: {  	v16 =	vmul.f32 v58, v58;
	v46 =	vld [tilespmem:s16+$0x2F70];
	v14 =	vadd.f32 v35, v14;
	v59 =	vadd.f32 v56, v20  }
0x175: {  	v51 =	vld [tilespmem:s16+$0x2E10];
	v35 =	vmul.f32 v62, v62;
	v60 =	vadd.f32 v47, v55;
	v18 =	vadd.f32 v57, v18  }
0x176: {  	v37 =	vld [tilespmem:s16+$0x2DD0];
	v24 =	vmul.f32 v57, v57;
	v17 =	vadd.f32 v33, v17;
	v15 =	vadd.f32 v63, v15  }
0x177: {  	v43 =	vld [tilespmem:s16+$0x2DF0];
	v14 =	vadd.f32 v38, v14;
	v38 =	vmul.f32 v27, v27;
	v63 =	vadd.f32 v54, v60  }
0x178: {  	v55 =	vld [tilespmem:s16+$0x2E20];
	v24 =	vadd.f32 v24, v25;
	v18 =	vadd.f32 v61, v18;
	v22 =	vmul.f32 v61, v61  }
0x179: {  	v11 =	vld [tilespmem:s15+$0xEDD0];
	v20 =	vmul.f32 v32, v32;
	v17 =	vadd.f32 v36, v17;
	v15 =	vadd.f32 v31, v15  }
0x17a: {  	v14 =	vadd.f32 v42, v14;
	v31 =	vld [tilespmem:s16+$0x2F20];
	v56 =	vmul.f32 v46, v46;
	v61 =	vmul.f32 v51, v51  }
0x17b: {  	v33 =	vld [tilespmem:s16+$0x2DC0];
	v19 =	vadd.f32 v58, v63;
	v17 =	vadd.f32 v40, v17;
	v15 =	vmul.f32 v15, v15  }
0x17c: {  	v54 =	vld [tilespmem:s16+$0x2F90];
	v22 =	vadd.f32 v22, v24;
	v14 =	vadd.f32 v45, v14;
	v45 =	vmul.f32 v37, v37  }
0x17d: {  	v36 =	vld [tilespmem:s16+$0x2F40];
	v29 =	vmul.f32 v55, v55;
	v13 =	vsub.f32 v15, v17;
	v15 =	vadd.f32 v39, v48  }
0x17e: {  	v42 =	vld [tilespmem:s16+$0x2F60];
	v34 =	vadd.f32 v62, v19;
	v14 =	vadd.f32 v49, v14;
	v17 =	vmul.f32 v47, v47  }
0x17f: {  	v58 =	vld [tilespmem:s16+$0x2FA0];
	v18 =	vadd.f32 v31, v18;
	v21 =	vmul.f32 v31, v31;
	v15 =	vadd.f32 v44, v15  }
0x180: {  	s21 =	sadd.s32 $0x10E0, s17;
	v63 =	vld [tilespmem:s16+$0x2E40];
	v14 =	vadd.f32 v53, v14;
	v17 =	vadd.f32 v17, v59;
	v13 =	vmul.f32 $5.000000000e-01, v13  }
0x181: {  	s22 =	sadd.s32 $0x1280, s17;
	s18 =	sand.u32 $0x3FFFFEE0, s21;
	v41 =	vmul.f32 v33, v33;
	v39 =	vld [tilespmem:s16+$0x2F50];
	v21 =	vadd.f32 v21, v22;
	v18 =	vadd.f32 v32, v18  }
0x182: {  	v40 =	vld [tilespmem:s18+$0x1D00];
	s18 =	sand.u32 $0x3FFFFE80, s22;
	v28 =	vmul.f32 v54, v54;
	v17 =	vadd.f32 v30, v17;
	v11 =	vadd.f32 v13, v11  }
0x183: {  	v50 =	vld [tilespmem:s18+$0x1D00];
	v15 =	vmul.f32 v15, v15;
	v13 =	vadd.f32 v12, v10;
	v20 =	vadd.f32 v20, v21  }
0x184: {  	v62 =	vld [tilespmem:s16+$0x2FB0];
	v44 =	vmul.f32 v36, v36;
	v18 =	vadd.f32 v36, v18;
	v16 =	vadd.f32 v16, v17  }
0x185: {  	v47 =	vld [tilespmem:s16+$0x2E00];
	v52 =	vmul.f32 v42, v42;
	v17 =	vadd.f32 v27, v34;
	v14 =	vsub.f32 v15, v14  }
0x186: {  	v31 =	vld [tilespmem:s16+$0x2E50];
	v48 =	vmul.f32 v39, v39;
	v20 =	vadd.f32 v44, v20;
	v18 =	vadd.f32 v39, v18  }
0x187: {  	v53 =	vmul.f32 v43, v43;
	v59 =	vld [tilespmem:s16+$0x2E30];
	v16 =	vadd.f32 v35, v16;
	v17 =	vadd.f32 v33, v17  }
0x188: {  	v49 =	vmul.f32 v40, v40;
	v30 =	vld [tilespmem:s16+$0x2FC0];
	v20 =	vadd.f32 v48, v20;
	v18 =	vadd.f32 v42, v18  }
0x189: {  	v32 =	vmul.f32 v58, v58;
	v34 =	vld [tilespmem:s16+$0x2FD0];
	v16 =	vadd.f32 v38, v16;
	v17 =	vadd.f32 v37, v17  }
0x18a: {  	v60 =	vmul.f32 v50, v50;
	v39 =	vld [tilespmem:s16+$0x2E70];
	v20 =	vadd.f32 v52, v20;
	v18 =	vadd.f32 v46, v18  }
0x18b: {  	v57 =	vmul.f32 v47, v47;
	v35 =	vld [tilespmem:s16+$0x2E60];
	v16 =	vadd.f32 v41, v16;
	v17 =	vadd.f32 v40, v17  }
0x18c: {  	v36 =	vmul.f32 v62, v62;
	v42 =	vld [tilespmem:s16+$0x2FF0];
	v20 =	vadd.f32 v56, v20;
	v18 =	vadd.f32 v50, v18  }
0x18d: {  	v33 =	vmul.f32 v59, v59;
	v38 =	vld [tilespmem:s16+$0x2FE0];
	v16 =	vadd.f32 v45, v16;
	v17 =	vadd.f32 v43, v17  }
0x18e: {  	v37 =	vmul.f32 v63, v63;
	v46 =	vld [tilespmem:s16+$0x3000];
	v20 =	vadd.f32 v60, v20;
	v18 =	vadd.f32 v54, v18  }
0x18f: {  	v44 =	vmul.f32 v34, v34;
	v50 =	vld [tilespmem:s16+$0x3010];
	v16 =	vadd.f32 v49, v16;
	v17 =	vadd.f32 v47, v17  }
0x190: {  	v40 =	vmul.f32 v30, v30;
	v43 =	vld [tilespmem:s16+$0x2E80];
	v20 =	vadd.f32 v28, v20;
	v18 =	vadd.f32 v58, v18  }
0x191: {  	v41 =	vmul.f32 v31, v31;
	v54 =	vld [tilespmem:s16+$0x3020];
	v16 =	vadd.f32 v53, v16;
	v17 =	vadd.f32 v51, v17  }
0x192: {  	v45 =	vmul.f32 v35, v35;
	v47 =	vld [tilespmem:s16+$0x2E90];
	v20 =	vadd.f32 v32, v20;
	v18 =	vadd.f32 v62, v18  }
0x193: {  	v52 =	vmul.f32 v42, v42;
	v58 =	vld [tilespmem:s16+$0x3030];
	v16 =	vadd.f32 v57, v16;
	v17 =	vadd.f32 v55, v17  }
0x194: {  	v48 =	vmul.f32 v38, v38;
	v51 =	vld [tilespmem:s16+$0x2EA0];
	v20 =	vadd.f32 v36, v20;
	v18 =	vadd.f32 v30, v18  }
0x195: {  	v49 =	vmul.f32 v39, v39;
	v62 =	vld [tilespmem:s16+$0x3040];
	v16 =	vadd.f32 v61, v16;
	v17 =	vadd.f32 v59, v17  }
0x196: {  	v56 =	vmul.f32 v46, v46;
	v32 =	vld [tilespmem:s16+$0x3050];
	v20 =	vadd.f32 v40, v20;
	v18 =	vadd.f32 v34, v18  }
0x197: {  	v60 =	vmul.f32 v50, v50;
	v55 =	vld [tilespmem:s16+$0x2EB0];
	v16 =	vadd.f32 v29, v16;
	v17 =	vadd.f32 v63, v17  }
0x198: {  	v53 =	vmul.f32 v43, v43;
	v36 =	vld [tilespmem:s16+$0x3060];
	v20 =	vadd.f32 v44, v20;
	v18 =	vadd.f32 v38, v18  }
0x199: {  	v57 =	vmul.f32 v47, v47;
	v59 =	vld [tilespmem:s16+$0x2EC0];
	v16 =	vadd.f32 v33, v16;
	v17 =	vadd.f32 v31, v17  }
0x19a: {  	v30 =	vmul.f32 v54, v54;
	v40 =	vld [tilespmem:s16+$0x3070];
	v20 =	vadd.f32 v48, v20;
	v18 =	vadd.f32 v42, v18  }
0x19b: {  	v61 =	vmul.f32 v51, v51;
	v63 =	vld [tilespmem:s16+$0x2ED0];
	v16 =	vadd.f32 v37, v16;
	v17 =	vadd.f32 v35, v17  }
0x19c: {  	v34 =	vmul.f32 v58, v58;
	v33 =	vld [tilespmem:s15+$0xEDDA];
	v20 =	vadd.f32 v52, v20;
	v18 =	vadd.f32 v46, v18  }
0x19d: {  	v38 =	vmul.f32 v62, v62;
	v44 =	vld [tilespmem:s15+$0xEE0E];
	v16 =	vadd.f32 v41, v16;
	v17 =	vadd.f32 v39, v17  }
0x19e: {  	v31 =	vmul.f32 v55, v55;
	v37 =	vld [tilespmem:s15+$0xEDEA];
	v20 =	vadd.f32 v56, v20;
	v18 =	vadd.f32 v50, v18  }
0x19f: {  	v42 =	vmul.f32 v32, v32;
	v52 =	vld [tilespmem:s16+$0x30A0];
	v16 =	vadd.f32 v45, v16;
	v17 =	vadd.f32 v43, v17  }
0x1a0: {  	v35 =	vmul.f32 v59, v59;
	v41 =	vld [tilespmem:s15+$0xEDF4];
	v20 =	vadd.f32 v60, v20;
	v18 =	vadd.f32 v54, v18  }
0x1a1: {  	s23 =	sadd.s32 $0x1380, s17;
	v50 =	vld [tilespmem:s16+$0x3090];
	v54 =	vmul.f32 v2, v33;
	v16 =	vadd.f32 v49, v16;
	v17 =	vadd.f32 v47, v17  }
0x1a2: {  	s18 =	sand.u32 $0x3FFFFF80, s23;
	v39 =	vmul.f32 v63, v63;
	v43 =	vld [tilespmem:s15+$0xEE04];
	v20 =	vadd.f32 v30, v20;
	v18 =	vadd.f32 v58, v18  }
0x1a3: {  	v45 =	vmul.f32 v36, v36;
	v47 =	vld [tilespmem:s18+$0x1D00];
	v12 =	vadd.f32 v11, v54;
	v16 =	vadd.f32 v53, v16  }
0x1a4: {  	s24 =	sadd.s32 $0x1520, s17;
	v60 =	vld [tilespmem:s16+$0x3240];
	v17 =	vadd.f32 v51, v17;
	v51 =	vmul.f32 $5.000000000e-01, v14;
	v20 =	vadd.f32 v34, v20  }
0x1a5: {  	v33 =	vld [tilespmem:s16+$0x30E0];
	v49 =	vmul.f32 v40, v40;
	s18 =	sand.u32 $0x3FFFFF20, s24;
	v18 =	vadd.f32 v62, v18;
	v16 =	vadd.f32 v57, v16  }
0x1a6: {  	v56 =	vmul.f32 v2, v41;
	v53 =	vld [tilespmem:s18+$0x1D00];
	v17 =	vadd.f32 v55, v17;
	v55 =	vadd.f32 v51, v37  }
0x1a7: {  	v21 =	vmul.f32 v50, v50;
	v57 =	vld [tilespmem:s16+$0x3230];
	v20 =	vadd.f32 v38, v20;
	v18 =	vadd.f32 v32, v18  }
0x1a8: {  	v30 =	vld [tilespmem:s16+$0x30D0];
	v62 =	vmul.f32 v47, v47;
	v16 =	vadd.f32 v61, v16;
	v17 =	vadd.f32 v59, v17  }
0x1a9: {  	v58 =	vmul.f32 v2, v44;
	v54 =	vld [tilespmem:s16+$0x32D0];
	v11 =	vadd.f32 v55, v56;
	v20 =	vadd.f32 v42, v20  }
0x1aa: {  	v14 =	vmul.f32 v52, v52;
	v34 =	vld [tilespmem:s16+$0x3270];
	v18 =	vadd.f32 v36, v18;
	v19 =	vadd.f32 v21, v62  }
0x1ab: {  	v16 =	vadd.f32 v31, v16;
	v17 =	vadd.f32 v63, v17;
	v63 =	vld [tilespmem:s16+$0x3250];
	v31 =	vmul.f32 v53, v53  }
0x1ac: {  	v37 =	vld [tilespmem:s16+$0x3100];
	v48 =	vadd.f32 v45, v20;
	v20 =	vadd.f32 v57, v53;
	v26 =	vmul.f32 v57, v57  }
0x1ad: {  	v22 =	vmul.f32 v60, v60;
	v32 =	vld [tilespmem:s16+$0x3260];
	v18 =	vadd.f32 v40, v18;
	v16 =	vadd.f32 v35, v16  }
0x1ae: {  	v41 =	vmul.f32 v33, v33;
	v51 =	vld [tilespmem:s16+$0x3130];
	v25 =	vadd.f32 v26, v31;
	v20 =	vadd.f32 v60, v20  }
0x1af: {  	v59 =	vld [tilespmem:s16+$0x30B0];
	v14 =	vadd.f32 v14, v19;
	v17 =	vmul.f32 v17, v17;
	v16 =	vadd.f32 v39, v16  }
0x1b0: {  	v61 =	vld [tilespmem:s16+$0x30C0];
	v22 =	vadd.f32 v22, v25;
	v20 =	vadd.f32 v63, v20;
	v23 =	vmul.f32 v63, v63  }
0x1b1: {  	v55 =	vld [tilespmem:s16+$0x3140];
	v18 =	vmul.f32 v18, v18;
	v46 =	vsub.f32 v17, v16;
	v17 =	vadd.f32 v49, v48  }
0x1b2: {  	v36 =	vld [tilespmem:s16+$0x3280];
	v21 =	vmul.f32 v32, v32;
	v16 =	vadd.f32 v50, v47;
	v22 =	vadd.f32 v23, v22  }
0x1b3: {  	v42 =	vld [tilespmem:s16+$0x32A0];
	v20 =	vadd.f32 v32, v20;
	v15 =	vmul.f32 $5.000000000e-01, v46;
	v17 =	vsub.f32 v18, v17  }
0x1b4: {  	v39 =	vld [tilespmem:s16+$0x3290];
	v16 =	vadd.f32 v52, v16;
	v18 =	vmul.f32 v59, v59;
	v21 =	vadd.f32 v21, v22  }
0x1b5: {  	v62 =	vld [tilespmem:s16+$0x32F0];
	v19 =	vmul.f32 v34, v34;
	v20 =	vadd.f32 v34, v20;
	v15 =	vadd.f32 v15, v43  }
0x1b6: {  	v38 =	vmul.f32 v30, v30;
	v40 =	vld [tilespmem:s16+$0x3110];
	v16 =	vadd.f32 v59, v16;
	v14 =	vadd.f32 v18, v14  }
0x1b7: {  	s25 =	sadd.s32 $0x1420, s17;
	v35 =	vld [tilespmem:s16+$0x30F0];
	v18 =	vmul.f32 v36, v36;
	v19 =	vadd.f32 v19, v21;
	v20 =	vadd.f32 v36, v20  }
0x1b8: {  	s26 =	sadd.s32 $0x15C0, s17;
	s18 =	sand.u32 $0x3FFFFE20, s25;
	v46 =	vld [tilespmem:s16+$0x32B0];
	v10 =	vadd.f32 v15, v58;
	v15 =	vmul.f32 $5.000000000e-01, v17;
	v17 =	vmul.f32 v61, v61  }
0x1b9: {  	v48 =	vmul.f32 v39, v39;
	v43 =	vld [tilespmem:s18+$0x1D00];
	s18 =	sand.u32 $0x3FFFFFC0, s26;
	v16 =	vadd.f32 v61, v16;
	v18 =	vadd.f32 v18, v19  }
0x1ba: {  	v28 =	vmul.f32 v54, v54;
	v50 =	vld [tilespmem:s18+$0x1D00];
	v47 =	vadd.f32 v39, v20;
	v14 =	vadd.f32 v17, v14  }
0x1bb: {  	v31 =	vld [tilespmem:s16+$0x3170];
	v52 =	vmul.f32 v42, v42;
	v16 =	vadd.f32 v30, v16;
	v18 =	vadd.f32 v48, v18  }
0x1bc: {  	v29 =	vmul.f32 v55, v55;
	v63 =	vld [tilespmem:s16+$0x3160];
	v19 =	vadd.f32 v42, v47;
	v14 =	vadd.f32 v38, v14  }
0x1bd: {  	v34 =	vld [tilespmem:s16+$0x3310];
	v56 =	vmul.f32 v46, v46;
	v16 =	vadd.f32 v33, v16;
	v18 =	vadd.f32 v52, v18  }
0x1be: {  	v45 =	vmul.f32 v35, v35;
	v58 =	vld [tilespmem:s16+$0x32E0];
	v19 =	vadd.f32 v46, v19;
	v14 =	vadd.f32 v41, v14  }
0x1bf: {  	v60 =	vmul.f32 v50, v50;
	v44 =	vadd.f32 v35, v16;
	v16 =	vld [tilespmem:s15+$0xEE1E];
	v18 =	vadd.f32 v56, v18  }
0x1c0: {  	v49 =	vmul.f32 v37, v37;
	v59 =	vld [tilespmem:s16+$0x3150];
	v19 =	vadd.f32 v50, v19;
	v14 =	vadd.f32 v45, v14  }
0x1c1: {  	v53 =	vmul.f32 v40, v40;
	v39 =	vld [tilespmem:s16+$0x3190];
	v17 =	vadd.f32 v37, v44;
	v18 =	vadd.f32 v60, v18  }
0x1c2: {  	v36 =	vmul.f32 v62, v62;
	v30 =	vld [tilespmem:s16+$0x3300];
	v19 =	vadd.f32 v54, v19;
	v14 =	vadd.f32 v49, v14  }
0x1c3: {  	v61 =	vmul.f32 v51, v51;
	v42 =	vld [tilespmem:s16+$0x3330];
	v17 =	vadd.f32 v40, v17;
	v18 =	vadd.f32 v28, v18  }
0x1c4: {  	v47 =	vld [tilespmem:s16+$0x31B0];
	v32 =	vmul.f32 v58, v58;
	v19 =	vadd.f32 v58, v19;
	v15 =	vadd.f32 v15, v16  }
0x1c5: {  	v57 =	vmul.f32 v43, v43;
	v38 =	vld [tilespmem:s16+$0x3320];
	v14 =	vadd.f32 v53, v14;
	v17 =	vadd.f32 v43, v17  }
0x1c6: {  	v33 =	vmul.f32 v59, v59;
	v46 =	vld [tilespmem:s16+$0x3340];
	v18 =	vadd.f32 v32, v18;
	v19 =	vadd.f32 v62, v19  }
0x1c7: {  	v35 =	vld [tilespmem:s16+$0x3180];
	v41 =	vmul.f32 v31, v31;
	v14 =	vadd.f32 v57, v14;
	v17 =	vadd.f32 v51, v17  }
0x1c8: {  	v50 =	vld [tilespmem:s16+$0x3350];
	v40 =	vmul.f32 v30, v30;
	v18 =	vadd.f32 v36, v18;
	v19 =	vadd.f32 v30, v19  }
0x1c9: {  	v37 =	vmul.f32 v63, v63;
	v54 =	vld [tilespmem:s16+$0x3360];
	v14 =	vadd.f32 v61, v14;
	v17 =	vadd.f32 v55, v17  }
0x1ca: {  	v44 =	vmul.f32 v34, v34;
	v58 =	vld [tilespmem:s16+$0x3370];
	v18 =	vadd.f32 v40, v18;
	v19 =	vadd.f32 v34, v19  }
0x1cb: {  	v52 =	vmul.f32 v42, v42;
	v43 =	vld [tilespmem:s16+$0x31A0];
	v14 =	vadd.f32 v29, v14;
	v17 =	vadd.f32 v59, v17  }
0x1cc: {  	v48 =	vmul.f32 v38, v38;
	v62 =	vld [tilespmem:s16+$0x3380];
	v18 =	vadd.f32 v44, v18;
	v19 =	vadd.f32 v38, v19  }
0x1cd: {  	v49 =	vmul.f32 v39, v39;
	v51 =	vld [tilespmem:s16+$0x31C0];
	v14 =	vadd.f32 v33, v14;
	v17 =	vadd.f32 v63, v17  }
0x1ce: {  	v56 =	vmul.f32 v46, v46;
	v30 =	vld [tilespmem:s16+$0x3390];
	v18 =	vadd.f32 v48, v18;
	v19 =	vadd.f32 v42, v19  }
0x1cf: {  	v45 =	vmul.f32 v35, v35;
	v55 =	vld [tilespmem:s16+$0x31D0];
	v14 =	vadd.f32 v37, v14;
	v17 =	vadd.f32 v31, v17  }
0x1d0: {  	v60 =	vmul.f32 v50, v50;
	v34 =	vld [tilespmem:s16+$0x33A0];
	v18 =	vadd.f32 v52, v18;
	v19 =	vadd.f32 v46, v19  }
0x1d1: {  	v57 =	vmul.f32 v47, v47;
	v59 =	vld [tilespmem:s16+$0x31E0];
	v14 =	vadd.f32 v41, v14;
	v17 =	vadd.f32 v35, v17  }
0x1d2: {  	v28 =	vmul.f32 v54, v54;
	v38 =	vld [tilespmem:s16+$0x33B0];
	v18 =	vadd.f32 v56, v18;
	v19 =	vadd.f32 v50, v19  }
0x1d3: {  	s28 =	sadd.s32 $0x16C0, s17;
	v32 =	vmul.f32 v58, v58;
	v63 =	vld [tilespmem:s16+$0x31F0];
	v14 =	vadd.f32 v45, v14;
	v17 =	vadd.f32 v39, v17  }
0x1d4: {  	s18 =	sand.u32 $0x3FFFFEC0, s28;
	v53 =	vmul.f32 v43, v43;
	v31 =	vld [tilespmem:s16+$0x3200];
	v18 =	vadd.f32 v60, v18;
	v19 =	vadd.f32 v54, v19  }
0x1d5: {  	v36 =	vmul.f32 v62, v62;
	v41 =	vld [tilespmem:s18+$0x1D00];
	v14 =	vadd.f32 v49, v14;
	v17 =	vadd.f32 v43, v17  }
0x1d6: {  	v61 =	vmul.f32 v51, v51;
	v43 =	vld [tilespmem:s16+$0x33D0];
	v18 =	vadd.f32 v28, v18;
	v19 =	vadd.f32 v58, v19  }
0x1d7: {  	v29 =	vmul.f32 v55, v55;
	v52 =	vld [tilespmem:s16+$0x3580];
	v14 =	vadd.f32 v53, v14;
	v17 =	vadd.f32 v47, v17  }
0x1d8: {  	s29 =	sadd.s32 $0x1860, s17;
	v42 =	vmul.f32 v34, v34;
	v45 =	vld [tilespmem:s16+$0x33E0];
	v18 =	vadd.f32 v32, v18;
	v19 =	vadd.f32 v62, v19  }
0x1d9: {  	s18 =	sand.u32 $0x3FFFFE60, s29;
	v39 =	vmul.f32 v30, v30;
	v49 =	vld [tilespmem:s16+$0x3570];
	v14 =	vadd.f32 v57, v14;
	v17 =	vadd.f32 v51, v17  }
0x1da: {  	v47 =	vld [tilespmem:s18+$0x1D00];
	v51 =	vmul.f32 v41, v41;
	v18 =	vadd.f32 v36, v18;
	v19 =	vadd.f32 v30, v19  }
0x1db: {  	v35 =	vld [tilespmem:s16+$0x3210];
	v23 =	vadd.f32 v43, v41;
	v24 =	vmul.f32 v43, v43;
	v14 =	vadd.f32 v61, v14  }
0x1dc: {  	v33 =	vmul.f32 v59, v59;
	v50 =	vld [tilespmem:s16+$0x33F0];
	v17 =	vadd.f32 v55, v17;
	v18 =	vadd.f32 v39, v18  }
0x1dd: {  	v46 =	vmul.f32 v38, v38;
	v19 =	vadd.f32 v34, v19;
	v54 =	vadd.f32 v24, v51  }
0x1de: {  	v37 =	vmul.f32 v63, v63;
	v55 =	vadd.f32 v45, v23;
	v14 =	vadd.f32 v29, v14  }
0x1df: {  	v40 =	vmul.f32 v31, v31;
	v53 =	vld [tilespmem:s16+$0x3400];
	v25 =	vadd.f32 v49, v47;
	v17 =	vadd.f32 v59, v17  }
0x1e0: {  	v27 =	vmul.f32 v52, v52;
	v57 =	vld [tilespmem:s16+$0x3590];
	v18 =	vadd.f32 v42, v18;
	v21 =	vadd.f32 v33, v14  }
0x1e1: {  	v60 =	vld [tilespmem:s16+$0x3420];
	v44 =	vmul.f32 v35, v35;
	v19 =	vadd.f32 v38, v19;
	v22 =	vadd.f32 v50, v55  }
0x1e2: {  	v58 =	vld [tilespmem:s16+$0x3410];
	v20 =	vmul.f32 v50, v50;
	v25 =	vadd.f32 v52, v25;
	v21 =	vadd.f32 v37, v21  }
0x1e3: {  	v17 =	vadd.f32 v63, v17;
	v18 =	vadd.f32 v46, v18;
	v19 =	vmul.f32 v19, v19  }
0x1e4: {  	v56 =	vmul.f32 v45, v45;
	v59 =	vld [tilespmem:s16+$0x35A0];
	v61 =	vadd.f32 v53, v22;
	v21 =	vadd.f32 v40, v21  }
0x1e5: {  	v28 =	vmul.f32 v47, v47;
	v25 =	vadd.f32 v57, v25;
	v16 =	vsub.f32 v19, v18  }
0x1e6: {  	v62 =	vld [tilespmem:s16+$0x35B0];
	v19 =	vadd.f32 v56, v54;
	v48 =	vadd.f32 v44, v21;
	v21 =	vmul.f32 v49, v49  }
0x1e7: {  	v32 =	vld [tilespmem:s16+$0x35C0];
	v34 =	vmul.f32 v60, v60;
	v17 =	vadd.f32 v31, v17;
	v30 =	vadd.f32 v58, v61  }
0x1e8: {  	v63 =	vld [tilespmem:s16+$0x3430];
	v18 =	vmul.f32 v53, v53;
	v19 =	vadd.f32 v20, v19;
	v21 =	vadd.f32 v21, v28  }
0x1e9: {  	v24 =	vmul.f32 v57, v57;
	v25 =	vadd.f32 v59, v25;
	v17 =	vadd.f32 v35, v17  }
0x1ea: {  	v33 =	vld [tilespmem:s16+$0x3440];
	v31 =	vmul.f32 v58, v58;
	v18 =	vadd.f32 v18, v19;
	v21 =	vadd.f32 v27, v21  }
0x1eb: {  	s30 =	sadd.s32 $0x1760, s17;
	v36 =	vld [tilespmem:s16+$0x3450];
	v22 =	vmul.f32 v62, v62;
	v25 =	vadd.f32 v62, v25;
	v19 =	vadd.f32 v60, v30  }
0x1ec: {  	s18 =	sand.u32 $0x3FFFFF60, s30;
	v23 =	vmul.f32 v59, v59;
	v35 =	vld [tilespmem:s16+$0x35D0];
	v18 =	vadd.f32 v31, v18;
	v21 =	vadd.f32 v24, v21  }
0x1ed: {  	v39 =	vld [tilespmem:s18+$0x1D00];
	v17 =	vmul.f32 v17, v17;
	v25 =	vadd.f32 v32, v25;
	v19 =	vadd.f32 v63, v19  }
0x1ee: {  	v38 =	vld [tilespmem:s16+$0x35E0];
	v37 =	vmul.f32 v63, v63;
	v18 =	vadd.f32 v34, v18;
	v21 =	vadd.f32 v23, v21  }
0x1ef: {  	v41 =	vld [tilespmem:s16+$0x35F0];
	v26 =	vmul.f32 v32, v32;
	v17 =	vsub.f32 v17, v48;
	v19 =	vadd.f32 v33, v19  }
0x1f0: {  	s17 =	sadd.s32 $0x1900, s17;
	v42 =	vld [tilespmem:s16+$0x3470];
	v40 =	vmul.f32 v33, v33;
	v18 =	vadd.f32 v37, v18;
	v21 =	vadd.f32 v22, v21  }
0x1f1: {  	s17 =	sand.u32 $0x3FFFFF00, s17;
	v45 =	vld [tilespmem:s16+$0x3480];
	v43 =	vmul.f32 v36, v36;
	v25 =	vadd.f32 v35, v25;
	v19 =	vadd.f32 v36, v19  }
0x1f2: {  	v44 =	vld [tilespmem:s17+$0x1D00];
	v28 =	vmul.f32 v35, v35;
	v18 =	vadd.f32 v40, v18;
	v21 =	vadd.f32 v26, v21  }
0x1f3: {  	v47 =	vld [tilespmem:s16+$0x3610];
	v46 =	vmul.f32 v39, v39;
	v25 =	vadd.f32 v38, v25;
	v19 =	vadd.f32 v39, v19  }
0x1f4: {  	v48 =	vld [tilespmem:s16+$0x3490];
	v27 =	vmul.f32 v38, v38;
	v18 =	vadd.f32 v43, v18;
	v21 =	vadd.f32 v28, v21  }
0x1f5: {  	v51 =	vld [tilespmem:s16+$0x34A0];
	v49 =	vmul.f32 v42, v42;
	v25 =	vadd.f32 v41, v25;
	v19 =	vadd.f32 v42, v19  }
0x1f6: {  	v50 =	vld [tilespmem:s16+$0x3620];
	v24 =	vmul.f32 v41, v41;
	v18 =	vadd.f32 v46, v18;
	v21 =	vadd.f32 v27, v21  }
0x1f7: {  	v52 =	vmul.f32 v45, v45;
	v53 =	vld [tilespmem:s16+$0x3630];
	v25 =	vadd.f32 v44, v25;
	v19 =	vadd.f32 v45, v19  }
0x1f8: {  	v54 =	vld [tilespmem:s16+$0x34B0];
	v23 =	vmul.f32 v44, v44;
	v18 =	vadd.f32 v49, v18;
	v21 =	vadd.f32 v24, v21  }
0x1f9: {  	v57 =	vld [tilespmem:s16+$0x34C0];
	v55 =	vmul.f32 v48, v48;
	v25 =	vadd.f32 v47, v25;
	v19 =	vadd.f32 v48, v19  }
0x1fa: {  	v56 =	vld [tilespmem:s16+$0x3640];
	v22 =	vmul.f32 v47, v47;
	v18 =	vadd.f32 v52, v18;
	v21 =	vadd.f32 v23, v21  }
0x1fb: {  	v58 =	vmul.f32 v51, v51;
	v59 =	vld [tilespmem:s16+$0x3650];
	v25 =	vadd.f32 v50, v25;
	v19 =	vadd.f32 v51, v19  }
0x1fc: {  	v60 =	vld [tilespmem:s16+$0x34D0];
	v26 =	vmul.f32 v50, v50;
	v18 =	vadd.f32 v55, v18;
	v21 =	vadd.f32 v22, v21  }
0x1fd: {  	v62 =	vld [tilespmem:s16+$0x3660];
	v61 =	vmul.f32 v54, v54;
	v25 =	vadd.f32 v53, v25;
	v19 =	vadd.f32 v54, v19  }
0x1fe: {  	v63 =	vld [tilespmem:s16+$0x34E0];
	v28 =	vmul.f32 v53, v53;
	v18 =	vadd.f32 v58, v18;
	v21 =	vadd.f32 v26, v21  }
0x1ff: {  	v32 =	vld [tilespmem:s16+$0x3670];
	v31 =	vmul.f32 v57, v57;
	v25 =	vadd.f32 v56, v25;
	v19 =	vadd.f32 v57, v19  }
0x200: {  	v33 =	vld [tilespmem:s16+$0x34F0];
	v27 =	vmul.f32 v56, v56;
	v18 =	vadd.f32 v61, v18;
	v21 =	vadd.f32 v28, v21  }
0x201: {  	v35 =	vld [tilespmem:s16+$0x3680];
	v34 =	vmul.f32 v60, v60;
	v25 =	vadd.f32 v59, v25;
	v19 =	vadd.f32 v60, v19  }
0x202: {  	v36 =	vld [tilespmem:s16+$0x3500];
	v24 =	vmul.f32 v59, v59;
	v18 =	vadd.f32 v31, v18;
	v21 =	vadd.f32 v27, v21  }
0x203: {  	v38 =	vld [tilespmem:s16+$0x3690];
	v37 =	vmul.f32 v63, v63;
	v25 =	vadd.f32 v62, v25;
	v19 =	vadd.f32 v63, v19  }
0x204: {  	v39 =	vld [tilespmem:s16+$0x3510];
	v23 =	vmul.f32 v62, v62;
	v18 =	vadd.f32 v34, v18;
	v21 =	vadd.f32 v24, v21  }
0x205: {  	v41 =	vld [tilespmem:s16+$0x36A0];
	v40 =	vmul.f32 v33, v33;
	v25 =	vadd.f32 v32, v25;
	v19 =	vadd.f32 v33, v19  }
0x206: {  	v42 =	vld [tilespmem:s16+$0x3520];
	v22 =	vmul.f32 v32, v32;
	v18 =	vadd.f32 v37, v18;
	v21 =	vadd.f32 v23, v21  }
0x207: {  	v44 =	vld [tilespmem:s16+$0x36B0];
	v43 =	vmul.f32 v36, v36;
	v25 =	vadd.f32 v35, v25;
	v19 =	vadd.f32 v36, v19  }
0x208: {  	v45 =	vld [tilespmem:s16+$0x3530];
	v26 =	vmul.f32 v35, v35;
	v18 =	vadd.f32 v40, v18;
	v21 =	vadd.f32 v22, v21  }
0x209: {  	v47 =	vld [tilespmem:s16+$0x36C0];
	v46 =	vmul.f32 v39, v39;
	v25 =	vadd.f32 v38, v25;
	v19 =	vadd.f32 v39, v19  }
0x20a: {  	v48 =	vld [tilespmem:s16+$0x3540];
	v28 =	vmul.f32 v38, v38;
	v18 =	vadd.f32 v43, v18;
	v21 =	vadd.f32 v26, v21  }
0x20b: {  	v50 =	vld [tilespmem:s16+$0x36D0];
	v49 =	vmul.f32 v42, v42;
	v25 =	vadd.f32 v41, v25;
	v19 =	vadd.f32 v42, v19  }
0x20c: {  	v51 =	vld [tilespmem:s16+$0x3550];
	v27 =	vmul.f32 v41, v41;
	v18 =	vadd.f32 v46, v18;
	v21 =	vadd.f32 v28, v21  }
0x20d: {  	v29 =	vld [tilespmem:s15+$0xEE76];
	v52 =	vmul.f32 v45, v45;
	v25 =	vadd.f32 v44, v25;
	v19 =	vadd.f32 v45, v19  }
0x20e: {  	v53 =	vld [tilespmem:s16+$0x36E0];
	v24 =	vmul.f32 v44, v44;
	v18 =	vadd.f32 v49, v18;
	v21 =	vadd.f32 v27, v21  }
0x20f: {  	v14 =	vld [tilespmem:s15+$0xEE28];
	v56 =	vmul.f32 v48, v48;
	v25 =	vadd.f32 v47, v25;
	v55 =	vadd.f32 v48, v19  }
0x210: {  	(xrf2) =	vadd.scan.msk.f32 $0xffff, v3;
	v57 =	vld [tilespmem:s16+$0x36F0];
	v23 =	vmul.f32 v47, v47;
	v3 =	vadd.f32 v52, v18;
	v21 =	vadd.f32 v24, v21  }
0x211: {  	(xrf2) =	vadd.scan.msk.f32 $0xffff, v4;
	v54 =	vld [tilespmem:s15+$0xEE38];
	v62 =	vmul.f32 v51, v51;
	v60 =	vadd.f32 v50, v25;
	v18 =	vadd.f32 v51, v55  }
0x212: {  	(xrf2) =	vadd.scan.msk.f32 $0xffff, v5;
	v59 =	vld [tilespmem:s15+$0xEE42];
	v22 =	vmul.f32 v50, v50;
	v3 =	vadd.f32 v56, v3;
	v58 =	vadd.f32 v23, v21  }
0x213: {  	(xrf2) =	vadd.scan.msk.f32 $0xffff, v6;
	v61 =	vld [tilespmem:s15+$0xEE52];
	v26 =	vmul.f32 v53, v53;
	v25 =	vadd.f32 v53, v60  }
0x214: {  	(xrf2) =	vadd.scan.msk.f32 $0xffff, v7;
	v63 =	vld [tilespmem:s15+$0xEE5C];
	v18 =	vmul.f32 v18, v18;
	v3 =	vadd.f32 v62, v3;
	v4 =	vadd.f32 v22, v58  }
0x215: {  	(xrf2) =	vadd.scan.msk.f32 $0xffff, v8;
	v8 =	vmul.f32 v2, v29;
	v31 =	vmul.f32 $5.000000000e-01, v17;
	v28 =	vld [tilespmem:s15+$0xEE6C];
	v30 =	vadd.f32 v57, v25  }
0x216: {  	v20 =	vmul.f32 v57, v57;
	v3 =	vsub.f32 v18, v3;
	v4 =	vadd.f32 v26, v4  }
0x217: {  	(xrf2) =	vadd.scan.msk.f32 $0xffff, v9;
	v32 =	vmul.f32 $5.000000000e-01, v16;
	v9 =	vadd.f32 v31, v54;
	v27 =	vmul.f32 v2, v14  }
0x218: {  	(xrf2) =	vadd.scan.msk.f32 $0xffff, v13;
	v33 =	vld [tilespmem:s15+$0xEE86];
	v34 =	vmul.f32 v30, v30;
	v3 =	vmul.f32 $5.000000000e-01, v3;
	v4 =	vadd.f32 v20, v4  }
0x219: {  	(xrf2) =	vadd.scan.msk.f32 $0xffff, v12;
	v35 =	vmul.f32 v2, v59;
	v5 =	vadd.f32 v32, v61;
	v36 =	vld [tilespmem:s15+$0xEE90];
	v7 =	vadd.f32 v15, v27  }
0x21a: {  	(xrf2) =	vadd.scan.msk.f32 $0xffff, v11;
	v6 =	vmul.f32 v2, v63;
	v3 =	vadd.f32 v3, v28;
	v4 =	vsub.f32 v34, v4  }
0x21b: {  	v37, _, _ =	vpop (xrf2);
	(xrf2) =	vadd.scan.msk.f32 $0xffff, v10;
	v9 =	vadd.f32 v9, v35  }
0x21c: {  	v38, _, _ =	vpop (xrf2);
	v5 =	vadd.f32 v5, v6;
	(xrf2) =	vadd.scan.msk.f32 $0xffff, v7;
	v3 =	vadd.f32 v3, v8;
	v4 =	vmul.f32 $5.000000000e-01, v4  }
0x21d: {  	v39, _, _ =	vpop (xrf2);
	v40 =	vbroadcast v37, $0xF;
	v41 =	vbroadcast v38, $0xF;
	(xrf2) =	vadd.scan.msk.f32 $0xffff, v9  }
0x21e: {  	v42, _, _ =	vpop (xrf2);
	v43 =	vbroadcast v39, $0xF;
	v44 =	vmul.f32 v2, v36;
	(xrf2) =	vadd.scan.msk.f32 $0xffff, v5;
	v4 =	vadd.f32 v4, v33  }
0x21f: {  	v45, _, _ =	vpop (xrf2);
	v7 =	vsel vm0, v40, v41;
	v8 =	vbroadcast v42, $0xF;
	(xrf2) =	vadd.scan.msk.f32 $0xffff, v3  }
0x220: {  	v46 =	vbroadcast v45, $0xF;
	v5 =	vsel vm1, v7, v43;
	v3, _, _ =	vpop (xrf2);
	v4 =	vadd.f32 v4, v44  }
0x221: {  	v5 =	vsel vm2, v5, v8;
	v47, _, _ =	vpop (xrf2);
	v3 =	vbroadcast v3, $0xF  }
0x222: {  	v5 =	vsel vm3, v5, v46;
	v6 =	vbroadcast v47, $0xF;
	v48, _, _ =	vpop (xrf2);
	(xrf2) =	vadd.scan.msk.f32 $0xffff, v4  }
0x223: {  	v49, _, _ =	vpop (xrf2);
	v3 =	vsel vm4, v5, v3;
	v50 =	vbroadcast v48, $0xF  }
0x224: {  	v51, _, _ =	vpop (xrf2);
	v3 =	vsel vm5, v3, v6;
	v4 =	vbroadcast v49, $0xF  }
0x225: {  	v52, _, _ =	vpop (xrf2);
	v3 =	vsel vm6, v3, v50;
	v53 =	vbroadcast v51, $0xF  }
0x226: {  	v54, _, _ =	vpop (xrf2);
	v55 =	vbroadcast v52, $0xF;
	v3 =	vsel vm7, v3, v4  }
0x227: {  	v56, _, _ =	vpop (xrf2);
	v57 =	vbroadcast v54, $0xF;
	v3 =	vsel vm8, v3, v53  }
0x228: {  	v58, _, _ =	vpop (xrf2);
	v59 =	vbroadcast v56, $0xF;
	v3 =	vsel vm9, v3, v55  }
0x229: {  	p0 =	sne.s32 s14, $0x7;
	v60, _, _ =	vpop (xrf2);
	v61 =	vbroadcast v58, $0xF;
	v3 =	vsel vm10, v3, v57  }
.Ltmp3:
0x22a: {  	v62 =	vbroadcast v60, $0xF;
	v3 =	vsel vm11, v3, v59;
	(pc) =	sbr.rel @p0 .LBB2_6-.Ltmp3, $4  }
0x22b: {  	v3 =	vsel vm12, v3, v61  }
0x22c: {  	s31 =	sshll.u32 s14, $0x4;
	v3 =	vsel vm13, v3, v62;
	v63, _, _ =	vpop (xrf2)  }
0x22d: {  	s15 =	sand.u32 $0x3FFFFFF0, s31;
	v3 =	vsel vm14, v3, v63  }
0x22e: {  	s14 =	sadd.s32 $0x1, s14;
	[tilespmem:s15+$0xFA00] =	vst v3  }
0x22f: {  	s13 =	sadd.s32 $0x1, s13  }
0x230: {  	p0 =	sne.s32 s13, s7  }
.Ltmp4:
0x231: {  	_ = 	snop;
	(pc) =	sbr.rel @p0 .LBB2_1-.Ltmp4, $4  }
0x232: {  	[hbm4b:s6+s2] =	stream.linear.scatter [tilespmem:s12], [sflag:$0x3], $0x80, $0x38;
	[tilespmem:$0xFA80] =	vst v63  }
0x233: {  	_ =	swait.ge [sflag:s8], $0x80  }
0x234: {  	[sflag:s8] =	ssyncset.done $0x0  }
0x235: {  	[sflag:s8] =	ssyncadd.s32 $0xFFFFFF80  }
0x236: {  	_ =	sfence.sel $0x180000  }
0x237: {  	[bflag:$0x0] =	sbarrier.arrive $0xFFFF  }
0x238: {  	p0 =	sne.s32 s1, $0x0;
	_ =	strace $0x90000047  }
0x239: {  	s0 =	sadd.s32 @!p0 $0x100000, s0;
	[bflag:$0x2] =	sbarrier.arrive $0xFFFF  }
0x23a: {  	[sflag:s0] =	ssyncadd.tile.s32 @!p0 $0x1;
	_ =	shalt  }
.Lfunc_end2:
_tile_overlayer_lowered:
.L_overlay_start_2:
0x23b: {  	(tag) =	ssettag $0x2  }
0x23c: {  	s0 =	rddreg [dreg:$0x0];
	s2 =	stileid.u32  }
0x23d: {  	s1 =	rddreg [dreg:$0x1];
	p0 =	sne.s32 s2, $0x0  }
0x23e: {  	s3 =	rddreg [dreg:$0x2];
	[bflag:$0x3] =	sbarrier.arrive $0xFFFF;
	s2 =	simm.s32 @!p0 $0x1C03  }
0x23f: {  	[timem:s3], [sflag:s2] =	dma.local @!p0 [hbm:s0], s1  }
0x240: {  	s0 =	simm.s32 @!p0 $0x3  }
0x241: {  	_ =	swait.ge @!p0 [sflag:s0], s1  }
0x242: {  	s1 =	ssub.s32 @!p0 $0x0, s1;
	[sflag:s0] =	ssyncset.done @!p0 $0x0  }
0x243: {  	[sflag:s0] =	ssyncadd.s32 @!p0 s1  }
0x244: {  	[bflag:$0x3] =	sbarrier.arrive $0xFFFF  }
0x245: {  	_ =	shalt  }

</sc_bundles>
